<compile_context>
chip_gen: v7x
topology: tpu7x:2x2x1
jax: 0.10.2.dev20260603
libtpu: 0.0.44.dev20260713+nightly
codegen_flags: <defaults>
</compile_context>

<pallas_src>
import jax
import jax.numpy as jnp
from jax import lax
from jax.experimental import pallas as pl
from jax.experimental.pallas import tpu as pltpu
from jax.experimental.pallas import tpu_sc as plsc

NC = 2
NS = 16
LANES = 16
CHUNK = 128
IB = 16


def _sc_mesh():
    return plsc.VectorSubcoreMesh(core_axis_name="c", subcore_axis_name="s")


def _worker(NS_):
    c = lax.axis_index("c")
    s = lax.axis_index("s")
    return c, s, c * NS_ + s


def _zero_shared(sh, zsrc, s, NPAD):
    CZ = -(-NPAD // CHUNK)
    for k in range(-(-CZ // NS)):
        off = jnp.minimum((k * NS + s) * CHUNK, NPAD - CHUNK)
        pltpu.sync_copy(zsrc, sh.at[pl.ds(off, CHUNK)])


def _writeout(sh, out, c, s, N, NS_):
    rpt8 = (N // NS_) // 8 * 8
    wrem = N - rpt8 * NS_
    obase = pl.multiple_of(s * rpt8, 8)
    pltpu.sync_copy(sh.at[pl.ds(obase, rpt8)], out.at[c, pl.ds(obase, rpt8)])
    if wrem:
        @pl.when(s == NS_ - 1)
        def _tail():
            tb = NS_ * rpt8
            pltpu.sync_copy(sh.at[pl.ds(tb, wrem)], out.at[c, pl.ds(tb, wrem)])


def _make_sc_agg(N, D, RT):
    NPAD = N + LANES
    DH = D // 2
    assert N % 8 == 0 and DH % LANES == 0 and RT % IB == 0

    out_type = jax.ShapeDtypeStruct((NC, N, DH), jnp.float32)
    scratch = [
        pltpu.VMEM_SHARED((N, DH), jnp.float32),
        pltpu.VMEM_SHARED((NPAD, DH), jnp.float32),
        pltpu.VMEM((IB, CHUNK), jnp.int32),
        pltpu.VMEM((IB, CHUNK), jnp.int32),
        pltpu.VMEM((CHUNK, DH), jnp.float32),
        pltpu.VMEM((CHUNK, DH), jnp.float32),
        pltpu.SemaphoreType.DMA,
        pltpu.SemaphoreType.DMA,
    ]

    def body(x_hbm, src_hbm, dst_hbm, agg_out,
             xsh, agg_sh, srcv, dstv, rows0, rows1, sem0, sem1):
        c, s, w = _worker(NS)
        rows = (rows0, rows1)
        sems = (sem0, sem1)

        z16 = jnp.zeros((LANES,), jnp.float32)

        def zrow_body(i, carry):
            for j in range(DH // LANES):
                rows0[i, pl.ds(j * LANES, LANES)] = z16
            return carry

        lax.fori_loop(0, CHUNK, zrow_body, 0)
        _zero_shared(agg_sh, rows0, s, NPAD)

        rpt8 = (N // NS) // 8 * 8
        wrem = N - rpt8 * NS
        obase = pl.multiple_of(s * rpt8, 8)
        pltpu.sync_copy(x_hbm.at[c, pl.ds(obase, rpt8)],
                        xsh.at[pl.ds(obase, rpt8)])
        if wrem:
            @pl.when(s == NS - 1)
            def _tail_stage():
                tb = NS * rpt8
                pltpu.sync_copy(x_hbm.at[c, pl.ds(tb, wrem)],
                                xsh.at[pl.ds(tb, wrem)])
        plsc.subcore_barrier()

        def block_body(b, carry):
            boff = pl.multiple_of(s * RT + b * IB, IB)
            pltpu.sync_copy(src_hbm.at[pl.ds(boff, IB)], srcv)
            pltpu.sync_copy(dst_hbm.at[pl.ds(boff, IB)], dstv)
            pend = pltpu.async_copy(xsh.at[srcv.at[0]], rows[0], sems[0])
            for jj in range(IB):
                pend.wait()
                if jj + 1 < IB:
                    pend = pltpu.async_copy(
                        xsh.at[srcv.at[jj + 1]],
                        rows[(jj + 1) % 2], sems[(jj + 1) % 2])
                pltpu.sync_copy(rows[jj % 2], agg_sh.at[dstv.at[jj]],
                                add=True)
            return carry

        lax.fori_loop(0, RT // IB, block_body, 0)
        plsc.subcore_barrier()
        _writeout(agg_sh, agg_out, c, s, N, NS)

    return pl.kernel(body, out_type=out_type, mesh=_sc_mesh(),
                     scratch_types=scratch)


def _make_sc_count(N, DC, RC):
    NPAD = N + LANES
    NB = RC // IB
    assert RC % IB == 0

    out_type = jax.ShapeDtypeStruct((NC, N, DC), jnp.float32)
    scratch = [
        pltpu.VMEM_SHARED((NPAD, DC), jnp.float32),
        pltpu.VMEM((IB, CHUNK), jnp.int32),
        pltpu.VMEM((CHUNK, DC), jnp.float32),
    ]

    def body(dst_hbm, cnt_out, cnt_sh, dstv, ones):
        c, s, w = _worker(NS)

        def fill_body(val):
            v16 = jnp.full((LANES,), val, jnp.float32)

            def fb(i, carry):
                for j in range(DC // LANES):
                    ones[i, pl.ds(j * LANES, LANES)] = v16
                return carry

            return fb

        lax.fori_loop(0, CHUNK, fill_body(0.0), 0)
        _zero_shared(cnt_sh, ones, s, NPAD)
        lax.fori_loop(0, CHUNK, fill_body(1.0), 0)
        plsc.subcore_barrier()

        def block_body(b, carry):
            boff = pl.multiple_of(w * RC + b * IB, IB)
            pltpu.sync_copy(dst_hbm.at[pl.ds(boff, IB)], dstv)
            for jj in range(IB):
                pltpu.sync_copy(ones, cnt_sh.at[dstv.at[jj]], add=True)
            return carry

        lax.fori_loop(0, NB, block_body, 0)
        plsc.subcore_barrier()
        _writeout(cnt_sh, cnt_out, c, s, N, NS)

    return pl.kernel(body, out_type=out_type, mesh=_sc_mesh(),
                     scratch_types=scratch)


def _make_tc_layer(N, D, DC, B, relu, out_stacked):
    assert N % B == 0
    DH = D // 2

    def body(agg_ref, cnt_ref, x_ref, wlt_ref, bl_ref, wrt_ref, o_ref):
        a = jnp.concatenate([agg_ref[0], agg_ref[1]], axis=1)
        xf = jnp.concatenate([x_ref[0], x_ref[1]], axis=1)
        cn = cnt_ref[0, :, 0:1] + cnt_ref[1, :, 0:1]
        mean = a / jnp.maximum(cn, 1.0)
        t = jnp.dot(mean, wlt_ref[...], preferred_element_type=jnp.float32)
        t = t + bl_ref[...] + jnp.dot(xf, wrt_ref[...],
                                      preferred_element_type=jnp.float32)
        t = jnp.maximum(t, 0.0) if relu else t
        if out_stacked:
            o_ref[0] = t[:, :DH]
            o_ref[1] = t[:, DH:]
        else:
            o_ref[...] = t

    if out_stacked:
        out_spec = pl.BlockSpec((NC, B, DH), lambda i: (0, i, 0))
        out_shape = jax.ShapeDtypeStruct((NC, N, DH), jnp.float32)
    else:
        out_spec = pl.BlockSpec((B, D), lambda i: (i, 0))
        out_shape = jax.ShapeDtypeStruct((N, D), jnp.float32)

    return pl.pallas_call(
        body,
        grid=(N // B,),
        in_specs=[
            pl.BlockSpec((NC, B, DH), lambda i: (0, i, 0)),
            pl.BlockSpec((NC, B, DC), lambda i: (0, i, 0)),
            pl.BlockSpec((NC, B, DH), lambda i: (0, i, 0)),
            pl.BlockSpec((D, D), lambda i: (0, 0)),
            pl.BlockSpec((1, D), lambda i: (0, 0)),
            pl.BlockSpec((D, D), lambda i: (0, 0)),
        ],
        out_specs=out_spec,
        out_shape=out_shape,
    )


def kernel(x, edge_index, W1l, b1l, W1r, W2l, b2l, W2r):
    N, D = x.shape
    E = edge_index.shape[1]
    NW = NC * NS
    R = -(-E // (NW * CHUNK))
    R = -(-R // IB) * IB
    TCH = NW * R
    EP = TCH * CHUNK
    pad = EP - E

    RT = TCH // NS

    src = edge_index[0]
    dst = edge_index[1]
    if pad:
        src = jnp.concatenate([src, jnp.zeros((pad,), jnp.int32)])
        dst = jnp.concatenate([dst, jnp.full((pad,), N, jnp.int32)])
    src2 = src.reshape(TCH, CHUNK)
    dst2 = dst.reshape(TCH, CHUNK)

    B = min(N, 2000)
    DH = D // 2
    xs = jnp.stack([x[:, :DH], x[:, DH:]])
    DC = 32
    cnt = _make_sc_count(N, DC, R)(dst2)
    agg1 = _make_sc_agg(N, D, RT)(xs, src2, dst2)
    hs = _make_tc_layer(N, D, DC, B, True, True)(
        agg1, cnt, xs, W1l.T, b1l.reshape(1, D), W1r.T)
    agg2 = _make_sc_agg(N, D, RT)(hs, src2, dst2)
    out = _make_tc_layer(N, D, DC, B, False, False)(
        agg2, cnt, hs, W2l.T, b2l.reshape(1, D), W2r.T)
    return out

# --- scband reference (transcript-rebuilt; emitter-appended) ---
"""Pipeline reference for scband-gs-16243566314085 (READ-ONLY COPY).

The authoritative reference and input builder live on the scoring server;
editing this copy changes nothing except your own understanding.
"""

import jax, jax.numpy as jnp
import numpy as np

N = 10000
E = 320000
D = 128


def setup_inputs(seed: int = 0) -> dict:
    key = jax.random.key(seed)
    ks = jax.random.split(key, 9)
    x = jax.random.normal(ks[0], (N, D), dtype=jnp.float32)
    edge_index = jax.random.randint(ks[1], (2, E), 0, N, dtype=jnp.int32)
    s = 1.0 / np.sqrt(D)
    W1l = jax.random.normal(ks[2], (D, D), dtype=jnp.float32) * s
    b1l = jnp.zeros((D,), dtype=jnp.float32)
    W1r = jax.random.normal(ks[3], (D, D), dtype=jnp.float32) * s
    W2l = jax.random.normal(ks[4], (D, D), dtype=jnp.float32) * s
    b2l = jnp.zeros((D,), dtype=jnp.float32)
    W2r = jax.random.normal(ks[5], (D, D), dtype=jnp.float32) * s
    return {"x": x, "edge_index": edge_index, "W1l": W1l, "b1l": b1l, "W1r": W1r, "W2l": W2l, "b2l": b2l, "W2r": W2r}


def _sage_conv(x, edge_index, Wl, bl, Wr):
    # PyG SAGEConv: out = lin_l(mean_{j in N(i)} x_j) + lin_r(x_i)
    src = edge_index[0]
    dst = edge_index[1]
    msgs = jnp.take(x, src, axis=0)
    agg = jnp.zeros_like(x).at[dst].add(msgs)
    cnt = jnp.zeros((x.shape[0],), dtype=x.dtype).at[dst].add(1.0)
    mean = agg / jnp.clip(cnt, 1.0, None)[:, None]
    return mean @ Wl.T + bl + x @ Wr.T


def reference(x, edge_index, W1l, b1l, W1r, W2l, b2l, W2r):
    h = _sage_conv(x, edge_index, W1l, b1l, W1r)
    h = jax.nn.relu(h)
    out = _sage_conv(h, edge_index, W2l, b2l, W2r)
    return out

if __name__ == "__main__":
    import jax
    _d = setup_inputs()
    print(jax.jit(kernel)(*tuple(_d.values())))

</pallas_src>

<mosaic_0001>
#map = affine_map<(d0, d1) -> (0, 0)>
#map1 = affine_map<(d0, d1) -> (0, 0, 0)>
module attributes {stable_mosaic.version = 14 : i64} {
  func.func @body(%arg0: i32, %arg1: i32, %arg2: memref<2560x128xi32, #tpu.memory_space<hbm>>, %arg3: memref<2x10000x32xf32, #tpu.memory_space<hbm>>, %arg4: memref<10016x32xf32, #tpu.memory_space<vmem_shared>>, %arg5: memref<16x128xi32, #tpu.memory_space<vmem>>, %arg6: memref<128x32xf32, #tpu.memory_space<vmem>>) attributes {dimension_semantics = [#tpu.dimension_semantics<core_parallel>, #tpu.dimension_semantics<subcore_parallel>], iteration_bounds = array<i64: 2, 16>, scalar_prefetch = 0 : i64, scratch_operands = 3 : i64, tpu.core_type = #tpu.core_type<sc_vector_subcore>, window_params = [{transform_indices = #map}, {transform_indices = #map1}]} {
    %mul3A = arith.constant 16 : i32
    %mul3A_0 = arith.muli %arg0, %mul3A : i32
    %add3A = arith.addi %mul3A_0, %arg1 : i32
    %broadcast_in_dim3A = arith.constant 0.000000e+00 : f32
    %broadcast_in_dim3A_1 = vector.broadcast %broadcast_in_dim3A : f32 to vector<16xf32>
    %scan3A = arith.constant 0 : i32
    %scan3A_2 = arith.constant 0 : i32
    %scan3A_3 = arith.constant 128 : i32
    %scan3A_4 = arith.addi %scan3A_2, %scan3A_3 : i32
    %scan3A_5 = arith.constant 1 : i32
    scf.for %scan3A_55 = %scan3A_2 to %scan3A_4 step %scan3A_5  : i32 {
      %swap3A = arith.index_cast %scan3A_55 : i32 to index
      %swap3A_56 = arith.constant 0 : index
      %swap3A_57 = tpu.vector_load %arg6[%swap3A, %swap3A_56] {strides = array<i32>} : memref<128x32xf32, #tpu.memory_space<vmem>>, vector<1x16xf32>,
      %swap3A_58 = vector.shape_cast %swap3A_57 : vector<1x16xf32> to vector<16xf32>
      %swap3A_59 = vector.shape_cast %broadcast_in_dim3A_1 : vector<16xf32> to vector<1x16xf32>
      tpu.vector_store %arg6[%swap3A, %swap3A_56], %swap3A_59 {strides = array<i32>} : memref<128x32xf32, #tpu.memory_space<vmem>>, vector<1x16xf32>,
      %swap3A_60 = arith.index_cast %scan3A_55 : i32 to index
      %swap3A_61 = arith.constant 16 : index
      %swap3A_62 = tpu.vector_load %arg6[%swap3A_60, %swap3A_61] {strides = array<i32>} : memref<128x32xf32, #tpu.memory_space<vmem>>, vector<1x16xf32>,
      %swap3A_63 = vector.shape_cast %swap3A_62 : vector<1x16xf32> to vector<16xf32>
      %swap3A_64 = vector.shape_cast %broadcast_in_dim3A_1 : vector<16xf32> to vector<1x16xf32>
      tpu.vector_store %arg6[%swap3A_60, %swap3A_61], %swap3A_64 {strides = array<i32>} : memref<128x32xf32, #tpu.memory_space<vmem>>, vector<1x16xf32>,
    }
    %scan3A_6 = arith.constant 128 : i32
    %add3A_7 = arith.constant 0 : i32
    %add3A_8 = arith.addi %add3A_7, %arg1 : i32
    %mul3A_9 = arith.constant 128 : i32
    %mul3A_10 = arith.muli %add3A_8, %mul3A_9 : i32
    %min3A = arith.constant 9888 : i32
    %min3A_11 = arith.minsi %mul3A_10, %min3A : i32
    "tpu.region"() ({
      %run_scoped3A = tpu.sem_alloc : memref<!tpu.dma_semaphore, #tpu.memory_space<semaphore_mem>>
      %dma_start3A = arith.constant 0 : i32
      %dma_start3A_55 = tpu.memref_slice %arg4[%min3A_11, %dma_start3A] : memref<10016x32xf32, #tpu.memory_space<vmem_shared>> -> memref<128x32xf32, #tpu.memory_space<vmem_shared>>
      %dma_start3A_56 = arith.constant 0 : i32
      %dma_start3A_57 = tpu.memref_slice %arg4[%min3A_11, %dma_start3A_56] : memref<10016x32xf32, #tpu.memory_space<vmem_shared>> -> memref<128x32xf32, #tpu.memory_space<vmem_shared>>
      tpu.enqueue_dma source(%arg6 : memref<128x32xf32, #tpu.memory_space<vmem>>) target(%dma_start3A_57 : memref<128x32xf32, #tpu.memory_space<vmem_shared>>) target_semaphore(%run_scoped3A : memref<!tpu.dma_semaphore, #tpu.memory_space<semaphore_mem>>)
      %dma_wait3A = arith.constant 0 : i32
      %dma_wait3A_58 = tpu.memref_slice %arg4[%min3A_11, %dma_wait3A] : memref<10016x32xf32, #tpu.memory_space<vmem_shared>> -> memref<128x32xf32, #tpu.memory_space<vmem_shared>>
      %dma_wait3A_59 = arith.constant 0 : i32
      %dma_wait3A_60 = tpu.memref_slice %arg4[%min3A_11, %dma_wait3A_59] : memref<10016x32xf32, #tpu.memory_space<vmem_shared>> -> memref<128x32xf32, #tpu.memory_space<vmem_shared>>
      tpu.wait_dma2 semaphore(%run_scoped3A : memref<!tpu.dma_semaphore, #tpu.memory_space<semaphore_mem>>) src(%arg6 : memref<128x32xf32, #tpu.memory_space<vmem>>) dst(%dma_wait3A_60 : memref<128x32xf32, #tpu.memory_space<vmem_shared>>)
      tpu.yield
    }) : () -> ()
    %add3A_12 = arith.constant 16 : i32
    %add3A_13 = arith.addi %add3A_12, %arg1 : i32
    %mul3A_14 = arith.constant 128 : i32
    %mul3A_15 = arith.muli %add3A_13, %mul3A_14 : i32
    %min3A_16 = arith.constant 9888 : i32
    %min3A_17 = arith.minsi %mul3A_15, %min3A_16 : i32
    "tpu.region"() ({
      %run_scoped3A = tpu.sem_alloc : memref<!tpu.dma_semaphore, #tpu.memory_space<semaphore_mem>>
      %dma_start3A = arith.constant 0 : i32
      %dma_start3A_55 = tpu.memref_slice %arg4[%min3A_17, %dma_start3A] : memref<10016x32xf32, #tpu.memory_space<vmem_shared>> -> memref<128x32xf32, #tpu.memory_space<vmem_shared>>
      %dma_start3A_56 = arith.constant 0 : i32
      %dma_start3A_57 = tpu.memref_slice %arg4[%min3A_17, %dma_start3A_56] : memref<10016x32xf32, #tpu.memory_space<vmem_shared>> -> memref<128x32xf32, #tpu.memory_space<vmem_shared>>
      tpu.enqueue_dma source(%arg6 : memref<128x32xf32, #tpu.memory_space<vmem>>) target(%dma_start3A_57 : memref<128x32xf32, #tpu.memory_space<vmem_shared>>) target_semaphore(%run_scoped3A : memref<!tpu.dma_semaphore, #tpu.memory_space<semaphore_mem>>)
      %dma_wait3A = arith.constant 0 : i32
      %dma_wait3A_58 = tpu.memref_slice %arg4[%min3A_17, %dma_wait3A] : memref<10016x32xf32, #tpu.memory_space<vmem_shared>> -> memref<128x32xf32, #tpu.memory_space<vmem_shared>>
      %dma_wait3A_59 = arith.constant 0 : i32
      %dma_wait3A_60 = tpu.memref_slice %arg4[%min3A_17, %dma_wait3A_59] : memref<10016x32xf32, #tpu.memory_space<vmem_shared>> -> memref<128x32xf32, #tpu.memory_space<vmem_shared>>
      tpu.wait_dma2 semaphore(%run_scoped3A : memref<!tpu.dma_semaphore, #tpu.memory_space<semaphore_mem>>) src(%arg6 : memref<128x32xf32, #tpu.memory_space<vmem>>) dst(%dma_wait3A_60 : memref<128x32xf32, #tpu.memory_space<vmem_shared>>)
      tpu.yield
    }) : () -> ()
    %add3A_18 = arith.constant 32 : i32
    %add3A_19 = arith.addi %add3A_18, %arg1 : i32
    %mul3A_20 = arith.constant 128 : i32
    %mul3A_21 = arith.muli %add3A_19, %mul3A_20 : i32
    %min3A_22 = arith.constant 9888 : i32
    %min3A_23 = arith.minsi %mul3A_21, %min3A_22 : i32
    "tpu.region"() ({
      %run_scoped3A = tpu.sem_alloc : memref<!tpu.dma_semaphore, #tpu.memory_space<semaphore_mem>>
      %dma_start3A = arith.constant 0 : i32
      %dma_start3A_55 = tpu.memref_slice %arg4[%min3A_23, %dma_start3A] : memref<10016x32xf32, #tpu.memory_space<vmem_shared>> -> memref<128x32xf32, #tpu.memory_space<vmem_shared>>
      %dma_start3A_56 = arith.constant 0 : i32
      %dma_start3A_57 = tpu.memref_slice %arg4[%min3A_23, %dma_start3A_56] : memref<10016x32xf32, #tpu.memory_space<vmem_shared>> -> memref<128x32xf32, #tpu.memory_space<vmem_shared>>
      tpu.enqueue_dma source(%arg6 : memref<128x32xf32, #tpu.memory_space<vmem>>) target(%dma_start3A_57 : memref<128x32xf32, #tpu.memory_space<vmem_shared>>) target_semaphore(%run_scoped3A : memref<!tpu.dma_semaphore, #tpu.memory_space<semaphore_mem>>)
      %dma_wait3A = arith.constant 0 : i32
      %dma_wait3A_58 = tpu.memref_slice %arg4[%min3A_23, %dma_wait3A] : memref<10016x32xf32, #tpu.memory_space<vmem_shared>> -> memref<128x32xf32, #tpu.memory_space<vmem_shared>>
      %dma_wait3A_59 = arith.constant 0 : i32
      %dma_wait3A_60 = tpu.memref_slice %arg4[%min3A_23, %dma_wait3A_59] : memref<10016x32xf32, #tpu.memory_space<vmem_shared>> -> memref<128x32xf32, #tpu.memory_space<vmem_shared>>
      tpu.wait_dma2 semaphore(%run_scoped3A : memref<!tpu.dma_semaphore, #tpu.memory_space<semaphore_mem>>) src(%arg6 : memref<128x32xf32, #tpu.memory_space<vmem>>) dst(%dma_wait3A_60 : memref<128x32xf32, #tpu.memory_space<vmem_shared>>)
      tpu.yield
    }) : () -> ()
    %add3A_24 = arith.constant 48 : i32
    %add3A_25 = arith.addi %add3A_24, %arg1 : i32
    %mul3A_26 = arith.constant 128 : i32
    %mul3A_27 = arith.muli %add3A_25, %mul3A_26 : i32
    %min3A_28 = arith.constant 9888 : i32
    %min3A_29 = arith.minsi %mul3A_27, %min3A_28 : i32
    "tpu.region"() ({
      %run_scoped3A = tpu.sem_alloc : memref<!tpu.dma_semaphore, #tpu.memory_space<semaphore_mem>>
      %dma_start3A = arith.constant 0 : i32
      %dma_start3A_55 = tpu.memref_slice %arg4[%min3A_29, %dma_start3A] : memref<10016x32xf32, #tpu.memory_space<vmem_shared>> -> memref<128x32xf32, #tpu.memory_space<vmem_shared>>
      %dma_start3A_56 = arith.constant 0 : i32
      %dma_start3A_57 = tpu.memref_slice %arg4[%min3A_29, %dma_start3A_56] : memref<10016x32xf32, #tpu.memory_space<vmem_shared>> -> memref<128x32xf32, #tpu.memory_space<vmem_shared>>
      tpu.enqueue_dma source(%arg6 : memref<128x32xf32, #tpu.memory_space<vmem>>) target(%dma_start3A_57 : memref<128x32xf32, #tpu.memory_space<vmem_shared>>) target_semaphore(%run_scoped3A : memref<!tpu.dma_semaphore, #tpu.memory_space<semaphore_mem>>)
      %dma_wait3A = arith.constant 0 : i32
      %dma_wait3A_58 = tpu.memref_slice %arg4[%min3A_29, %dma_wait3A] : memref<10016x32xf32, #tpu.memory_space<vmem_shared>> -> memref<128x32xf32, #tpu.memory_space<vmem_shared>>
      %dma_wait3A_59 = arith.constant 0 : i32
      %dma_wait3A_60 = tpu.memref_slice %arg4[%min3A_29, %dma_wait3A_59] : memref<10016x32xf32, #tpu.memory_space<vmem_shared>> -> memref<128x32xf32, #tpu.memory_space<vmem_shared>>
      tpu.wait_dma2 semaphore(%run_scoped3A : memref<!tpu.dma_semaphore, #tpu.memory_space<semaphore_mem>>) src(%arg6 : memref<128x32xf32, #tpu.memory_space<vmem>>) dst(%dma_wait3A_60 : memref<128x32xf32, #tpu.memory_space<vmem_shared>>)
      tpu.yield
    }) : () -> ()
    %add3A_30 = arith.constant 64 : i32
    %add3A_31 = arith.addi %add3A_30, %arg1 : i32
    %mul3A_32 = arith.constant 128 : i32
    %mul3A_33 = arith.muli %add3A_31, %mul3A_32 : i32
    %min3A_34 = arith.constant 9888 : i32
    %min3A_35 = arith.minsi %mul3A_33, %min3A_34 : i32
    "tpu.region"() ({
      %run_scoped3A = tpu.sem_alloc : memref<!tpu.dma_semaphore, #tpu.memory_space<semaphore_mem>>
      %dma_start3A = arith.constant 0 : i32
      %dma_start3A_55 = tpu.memref_slice %arg4[%min3A_35, %dma_start3A] : memref<10016x32xf32, #tpu.memory_space<vmem_shared>> -> memref<128x32xf32, #tpu.memory_space<vmem_shared>>
      %dma_start3A_56 = arith.constant 0 : i32
      %dma_start3A_57 = tpu.memref_slice %arg4[%min3A_35, %dma_start3A_56] : memref<10016x32xf32, #tpu.memory_space<vmem_shared>> -> memref<128x32xf32, #tpu.memory_space<vmem_shared>>
      tpu.enqueue_dma source(%arg6 : memref<128x32xf32, #tpu.memory_space<vmem>>) target(%dma_start3A_57 : memref<128x32xf32, #tpu.memory_space<vmem_shared>>) target_semaphore(%run_scoped3A : memref<!tpu.dma_semaphore, #tpu.memory_space<semaphore_mem>>)
      %dma_wait3A = arith.constant 0 : i32
      %dma_wait3A_58 = tpu.memref_slice %arg4[%min3A_35, %dma_wait3A] : memref<10016x32xf32, #tpu.memory_space<vmem_shared>> -> memref<128x32xf32, #tpu.memory_space<vmem_shared>>
      %dma_wait3A_59 = arith.constant 0 : i32
      %dma_wait3A_60 = tpu.memref_slice %arg4[%min3A_35, %dma_wait3A_59] : memref<10016x32xf32, #tpu.memory_space<vmem_shared>> -> memref<128x32xf32, #tpu.memory_space<vmem_shared>>
      tpu.wait_dma2 semaphore(%run_scoped3A : memref<!tpu.dma_semaphore, #tpu.memory_space<semaphore_mem>>) src(%arg6 : memref<128x32xf32, #tpu.memory_space<vmem>>) dst(%dma_wait3A_60 : memref<128x32xf32, #tpu.memory_space<vmem_shared>>)
      tpu.yield
    }) : () -> ()
    %broadcast_in_dim3A_36 = arith.constant 1.000000e+00 : f32
    %broadcast_in_dim3A_37 = vector.broadcast %broadcast_in_dim3A_36 : f32 to vector<16xf32>
    %scan3A_38 = arith.constant 0 : i32
    %scan3A_39 = arith.constant 0 : i32
    %scan3A_40 = arith.constant 128 : i32
    %scan3A_41 = arith.addi %scan3A_39, %scan3A_40 : i32
    %scan3A_42 = arith.constant 1 : i32
    scf.for %scan3A_55 = %scan3A_39 to %scan3A_41 step %scan3A_42  : i32 {
      %swap3A = arith.index_cast %scan3A_55 : i32 to index
      %swap3A_56 = arith.constant 0 : index
      %swap3A_57 = tpu.vector_load %arg6[%swap3A, %swap3A_56] {strides = array<i32>} : memref<128x32xf32, #tpu.memory_space<vmem>>, vector<1x16xf32>,
      %swap3A_58 = vector.shape_cast %swap3A_57 : vector<1x16xf32> to vector<16xf32>
      %swap3A_59 = vector.shape_cast %broadcast_in_dim3A_37 : vector<16xf32> to vector<1x16xf32>
      tpu.vector_store %arg6[%swap3A, %swap3A_56], %swap3A_59 {strides = array<i32>} : memref<128x32xf32, #tpu.memory_space<vmem>>, vector<1x16xf32>,
      %swap3A_60 = arith.index_cast %scan3A_55 : i32 to index
      %swap3A_61 = arith.constant 16 : index
      %swap3A_62 = tpu.vector_load %arg6[%swap3A_60, %swap3A_61] {strides = array<i32>} : memref<128x32xf32, #tpu.memory_space<vmem>>, vector<1x16xf32>,
      %swap3A_63 = vector.shape_cast %swap3A_62 : vector<1x16xf32> to vector<16xf32>
      %swap3A_64 = vector.shape_cast %broadcast_in_dim3A_37 : vector<16xf32> to vector<1x16xf32>
      tpu.vector_store %arg6[%swap3A_60, %swap3A_61], %swap3A_64 {strides = array<i32>} : memref<128x32xf32, #tpu.memory_space<vmem>>, vector<1x16xf32>,
    }
    %scan3A_43 = arith.constant 128 : i32
    %barrier3A = arith.constant 0 : index
    tpu.barrier barrier_id(%barrier3A)
    %scan3A_44 = arith.constant 0 : i32
    %scan3A_45 = arith.constant 0 : i32
    %scan3A_46 = arith.constant 5 : i32
    %scan3A_47 = arith.addi %scan3A_45, %scan3A_46 : i32
    %scan3A_48 = arith.constant 1 : i32
    scf.for %scan3A_55 = %scan3A_45 to %scan3A_47 step %scan3A_48  : i32 {
      %mul3A_56 = arith.constant 80 : i32
      %mul3A_57 = arith.muli %add3A, %mul3A_56 : i32
      %mul3A_58 = arith.constant 16 : i32
      %mul3A_59 = arith.muli %scan3A_55, %mul3A_58 : i32
      %add3A_60 = arith.addi %mul3A_57, %mul3A_59 : i32
      %multiple_of3A_61 = tpu.assume_multiple %add3A_60, 16 : i32
      "tpu.region"() ({
        %run_scoped3A_77 = tpu.sem_alloc : memref<!tpu.dma_semaphore, #tpu.memory_space<semaphore_mem>>
        %dma_start3A = arith.constant 0 : i32
        %dma_start3A_78 = tpu.memref_slice %arg2[%multiple_of3A_61, %dma_start3A] : memref<2560x128xi32, #tpu.memory_space<hbm>> -> memref<16x128xi32, #tpu.memory_space<hbm>>
        %dma_start3A_79 = arith.constant 0 : i32
        %dma_start3A_80 = tpu.memref_slice %arg2[%multiple_of3A_61, %dma_start3A_79] : memref<2560x128xi32, #tpu.memory_space<hbm>> -> memref<16x128xi32, #tpu.memory_space<hbm>>
        tpu.enqueue_dma source(%dma_start3A_80 : memref<16x128xi32, #tpu.memory_space<hbm>>) target(%arg5 : memref<16x128xi32, #tpu.memory_space<vmem>>) target_semaphore(%run_scoped3A_77 : memref<!tpu.dma_semaphore, #tpu.memory_space<semaphore_mem>>)
        %dma_wait3A = arith.constant 0 : i32
        %dma_wait3A_81 = tpu.memref_slice %arg2[%multiple_of3A_61, %dma_wait3A] : memref<2560x128xi32, #tpu.memory_space<hbm>> -> memref<16x128xi32, #tpu.memory_space<hbm>>
        %dma_wait3A_82 = arith.constant 0 : i32
        %dma_wait3A_83 = tpu.memref_slice %arg2[%multiple_of3A_61, %dma_wait3A_82] : memref<2560x128xi32, #tpu.memory_space<hbm>> -> memref<16x128xi32, #tpu.memory_space<hbm>>
        tpu.wait_dma2 semaphore(%run_scoped3A_77 : memref<!tpu.dma_semaphore, #tpu.memory_space<semaphore_mem>>) src(%dma_wait3A_83 : memref<16x128xi32, #tpu.memory_space<hbm>>) dst(%arg5 : memref<16x128xi32, #tpu.memory_space<vmem>>)
        tpu.yield
      }) : () -> ()
      %run_scoped3A = arith.constant 0 : i32
      "tpu.region"() ({
        %run_scoped3A_77 = tpu.sem_alloc : memref<!tpu.dma_semaphore, #tpu.memory_space<semaphore_mem>>
        %dma_start3A = arith.constant 0 : i32
        %dma_start3A_78 = tpu.memref_slice %arg5[%run_scoped3A, %dma_start3A] : memref<16x128xi32, #tpu.memory_space<vmem>> -> memref<1x128xi32, #tpu.memory_space<vmem>>
        %dma_start3A_79 = tpu.memref_squeeze %dma_start3A_78 : memref<1x128xi32, #tpu.memory_space<vmem>> -> memref<128xi32, #tpu.memory_space<vmem>>
        %dma_start3A_80 = arith.constant 0 : i32
        %dma_start3A_81 = arith.constant 0 : i32
        %dma_start3A_82 = tpu.memref_slice %arg4[%dma_start3A_80, %dma_start3A_81] : memref<10016x32xf32, #tpu.memory_space<vmem_shared>> -> memref<10016x32xf32, #tpu.memory_space<vmem_shared>>
        tpu.enqueue_indirect_dma source(%arg6 : memref<128x32xf32, #tpu.memory_space<vmem>>) target(%dma_start3A_82 : memref<10016x32xf32, #tpu.memory_space<vmem_shared>>) offsets(%dma_start3A_79 : memref<128xi32, #tpu.memory_space<vmem>>) semaphore(%run_scoped3A_77 : memref<!tpu.dma_semaphore, #tpu.memory_space<semaphore_mem>>) {add = true}
        %dma_wait3A = arith.constant 0 : i32
        %dma_wait3A_83 = tpu.memref_slice %arg5[%run_scoped3A, %dma_wait3A] : memref<16x128xi32, #tpu.memory_space<vmem>> -> memref<1x128xi32, #tpu.memory_space<vmem>>
        %dma_wait3A_84 = tpu.memref_squeeze %dma_wait3A_83 : memref<1x128xi32, #tpu.memory_space<vmem>> -> memref<128xi32, #tpu.memory_space<vmem>>
        %dma_wait3A_85 = arith.constant 0 : i32
        %dma_wait3A_86 = arith.constant 0 : i32
        %dma_wait3A_87 = tpu.memref_slice %arg4[%dma_wait3A_85, %dma_wait3A_86] : memref<10016x32xf32, #tpu.memory_space<vmem_shared>> -> memref<10016x32xf32, #tpu.memory_space<vmem_shared>>
        tpu.wait_indirect_dma semaphore(%run_scoped3A_77 : memref<!tpu.dma_semaphore, #tpu.memory_space<semaphore_mem>>) src(%arg6 : memref<128x32xf32, #tpu.memory_space<vmem>>) dst(%dma_wait3A_87 : memref<10016x32xf32, #tpu.memory_space<vmem_shared>>)
        tpu.yield
      }) : () -> ()
      %run_scoped3A_62 = arith.constant 1 : i32
      "tpu.region"() ({
        %run_scoped3A_77 = tpu.sem_alloc : memref<!tpu.dma_semaphore, #tpu.memory_space<semaphore_mem>>
        %dma_start3A = arith.constant 0 : i32
        %dma_start3A_78 = tpu.memref_slice %arg5[%run_scoped3A_62, %dma_start3A] : memref<16x128xi32, #tpu.memory_space<vmem>> -> memref<1x128xi32, #tpu.memory_space<vmem>>
        %dma_start3A_79 = tpu.memref_squeeze %dma_start3A_78 : memref<1x128xi32, #tpu.memory_space<vmem>> -> memref<128xi32, #tpu.memory_space<vmem>>
        %dma_start3A_80 = arith.constant 0 : i32
        %dma_start3A_81 = arith.constant 0 : i32
        %dma_start3A_82 = tpu.memref_slice %arg4[%dma_start3A_80, %dma_start3A_81] : memref<10016x32xf32, #tpu.memory_space<vmem_shared>> -> memref<10016x32xf32, #tpu.memory_space<vmem_shared>>
        tpu.enqueue_indirect_dma source(%arg6 : memref<128x32xf32, #tpu.memory_space<vmem>>) target(%dma_start3A_82 : memref<10016x32xf32, #tpu.memory_space<vmem_shared>>) offsets(%dma_start3A_79 : memref<128xi32, #tpu.memory_space<vmem>>) semaphore(%run_scoped3A_77 : memref<!tpu.dma_semaphore, #tpu.memory_space<semaphore_mem>>) {add = true}
        %dma_wait3A = arith.constant 0 : i32
        %dma_wait3A_83 = tpu.memref_slice %arg5[%run_scoped3A_62, %dma_wait3A] : memref<16x128xi32, #tpu.memory_space<vmem>> -> memref<1x128xi32, #tpu.memory_space<vmem>>
        %dma_wait3A_84 = tpu.memref_squeeze %dma_wait3A_83 : memref<1x128xi32, #tpu.memory_space<vmem>> -> memref<128xi32, #tpu.memory_space<vmem>>
        %dma_wait3A_85 = arith.constant 0 : i32
        %dma_wait3A_86 = arith.constant 0 : i32
        %dma_wait3A_87 = tpu.memref_slice %arg4[%dma_wait3A_85, %dma_wait3A_86] : memref<10016x32xf32, #tpu.memory_space<vmem_shared>> -> memref<10016x32xf32, #tpu.memory_space<vmem_shared>>
        tpu.wait_indirect_dma semaphore(%run_scoped3A_77 : memref<!tpu.dma_semaphore, #tpu.memory_space<semaphore_mem>>) src(%arg6 : memref<128x32xf32, #tpu.memory_space<vmem>>) dst(%dma_wait3A_87 : memref<10016x32xf32, #tpu.memory_space<vmem_shared>>)
        tpu.yield
      }) : () -> ()
      %run_scoped3A_63 = arith.constant 2 : i32
      "tpu.region"() ({
        %run_scoped3A_77 = tpu.sem_alloc : memref<!tpu.dma_semaphore, #tpu.memory_space<semaphore_mem>>
        %dma_start3A = arith.constant 0 : i32
        %dma_start3A_78 = tpu.memref_slice %arg5[%run_scoped3A_63, %dma_start3A] : memref<16x128xi32, #tpu.memory_space<vmem>> -> memref<1x128xi32, #tpu.memory_space<vmem>>
        %dma_start3A_79 = tpu.memref_squeeze %dma_start3A_78 : memref<1x128xi32, #tpu.memory_space<vmem>> -> memref<128xi32, #tpu.memory_space<vmem>>
        %dma_start3A_80 = arith.constant 0 : i32
        %dma_start3A_81 = arith.constant 0 : i32
        %dma_start3A_82 = tpu.memref_slice %arg4[%dma_start3A_80, %dma_start3A_81] : memref<10016x32xf32, #tpu.memory_space<vmem_shared>> -> memref<10016x32xf32, #tpu.memory_space<vmem_shared>>
        tpu.enqueue_indirect_dma source(%arg6 : memref<128x32xf32, #tpu.memory_space<vmem>>) target(%dma_start3A_82 : memref<10016x32xf32, #tpu.memory_space<vmem_shared>>) offsets(%dma_start3A_79 : memref<128xi32, #tpu.memory_space<vmem>>) semaphore(%run_scoped3A_77 : memref<!tpu.dma_semaphore, #tpu.memory_space<semaphore_mem>>) {add = true}
        %dma_wait3A = arith.constant 0 : i32
        %dma_wait3A_83 = tpu.memref_slice %arg5[%run_scoped3A_63, %dma_wait3A] : memref<16x128xi32, #tpu.memory_space<vmem>> -> memref<1x128xi32, #tpu.memory_space<vmem>>
        %dma_wait3A_84 = tpu.memref_squeeze %dma_wait3A_83 : memref<1x128xi32, #tpu.memory_space<vmem>> -> memref<128xi32, #tpu.memory_space<vmem>>
        %dma_wait3A_85 = arith.constant 0 : i32
        %dma_wait3A_86 = arith.constant 0 : i32
        %dma_wait3A_87 = tpu.memref_slice %arg4[%dma_wait3A_85, %dma_wait3A_86] : memref<10016x32xf32, #tpu.memory_space<vmem_shared>> -> memref<10016x32xf32, #tpu.memory_space<vmem_shared>>
        tpu.wait_indirect_dma semaphore(%run_scoped3A_77 : memref<!tpu.dma_semaphore, #tpu.memory_space<semaphore_mem>>) src(%arg6 : memref<128x32xf32, #tpu.memory_space<vmem>>) dst(%dma_wait3A_87 : memref<10016x32xf32, #tpu.memory_space<vmem_shared>>)
        tpu.yield
      }) : () -> ()
      %run_scoped3A_64 = arith.constant 3 : i32
      "tpu.region"() ({
        %run_scoped3A_77 = tpu.sem_alloc : memref<!tpu.dma_semaphore, #tpu.memory_space<semaphore_mem>>
        %dma_start3A = arith.constant 0 : i32
        %dma_start3A_78 = tpu.memref_slice %arg5[%run_scoped3A_64, %dma_start3A] : memref<16x128xi32, #tpu.memory_space<vmem>> -> memref<1x128xi32, #tpu.memory_space<vmem>>
        %dma_start3A_79 = tpu.memref_squeeze %dma_start3A_78 : memref<1x128xi32, #tpu.memory_space<vmem>> -> memref<128xi32, #tpu.memory_space<vmem>>
        %dma_start3A_80 = arith.constant 0 : i32
        %dma_start3A_81 = arith.constant 0 : i32
        %dma_start3A_82 = tpu.memref_slice %arg4[%dma_start3A_80, %dma_start3A_81] : memref<10016x32xf32, #tpu.memory_space<vmem_shared>> -> memref<10016x32xf32, #tpu.memory_space<vmem_shared>>
        tpu.enqueue_indirect_dma source(%arg6 : memref<128x32xf32, #tpu.memory_space<vmem>>) target(%dma_start3A_82 : memref<10016x32xf32, #tpu.memory_space<vmem_shared>>) offsets(%dma_start3A_79 : memref<128xi32, #tpu.memory_space<vmem>>) semaphore(%run_scoped3A_77 : memref<!tpu.dma_semaphore, #tpu.memory_space<semaphore_mem>>) {add = true}
        %dma_wait3A = arith.constant 0 : i32
        %dma_wait3A_83 = tpu.memref_slice %arg5[%run_scoped3A_64, %dma_wait3A] : memref<16x128xi32, #tpu.memory_space<vmem>> -> memref<1x128xi32, #tpu.memory_space<vmem>>
        %dma_wait3A_84 = tpu.memref_squeeze %dma_wait3A_83 : memref<1x128xi32, #tpu.memory_space<vmem>> -> memref<128xi32, #tpu.memory_space<vmem>>
        %dma_wait3A_85 = arith.constant 0 : i32
        %dma_wait3A_86 = arith.constant 0 : i32
        %dma_wait3A_87 = tpu.memref_slice %arg4[%dma_wait3A_85, %dma_wait3A_86] : memref<10016x32xf32, #tpu.memory_space<vmem_shared>> -> memref<10016x32xf32, #tpu.memory_space<vmem_shared>>
        tpu.wait_indirect_dma semaphore(%run_scoped3A_77 : memref<!tpu.dma_semaphore, #tpu.memory_space<semaphore_mem>>) src(%arg6 : memref<128x32xf32, #tpu.memory_space<vmem>>) dst(%dma_wait3A_87 : memref<10016x32xf32, #tpu.memory_space<vmem_shared>>)
        tpu.yield
      }) : () -> ()
      %run_scoped3A_65 = arith.constant 4 : i32
      "tpu.region"() ({
        %run_scoped3A_77 = tpu.sem_alloc : memref<!tpu.dma_semaphore, #tpu.memory_space<semaphore_mem>>
        %dma_start3A = arith.constant 0 : i32
        %dma_start3A_78 = tpu.memref_slice %arg5[%run_scoped3A_65, %dma_start3A] : memref<16x128xi32, #tpu.memory_space<vmem>> -> memref<1x128xi32, #tpu.memory_space<vmem>>
        %dma_start3A_79 = tpu.memref_squeeze %dma_start3A_78 : memref<1x128xi32, #tpu.memory_space<vmem>> -> memref<128xi32, #tpu.memory_space<vmem>>
        %dma_start3A_80 = arith.constant 0 : i32
        %dma_start3A_81 = arith.constant 0 : i32
        %dma_start3A_82 = tpu.memref_slice %arg4[%dma_start3A_80, %dma_start3A_81] : memref<10016x32xf32, #tpu.memory_space<vmem_shared>> -> memref<10016x32xf32, #tpu.memory_space<vmem_shared>>
        tpu.enqueue_indirect_dma source(%arg6 : memref<128x32xf32, #tpu.memory_space<vmem>>) target(%dma_start3A_82 : memref<10016x32xf32, #tpu.memory_space<vmem_shared>>) offsets(%dma_start3A_79 : memref<128xi32, #tpu.memory_space<vmem>>) semaphore(%run_scoped3A_77 : memref<!tpu.dma_semaphore, #tpu.memory_space<semaphore_mem>>) {add = true}
        %dma_wait3A = arith.constant 0 : i32
        %dma_wait3A_83 = tpu.memref_slice %arg5[%run_scoped3A_65, %dma_wait3A] : memref<16x128xi32, #tpu.memory_space<vmem>> -> memref<1x128xi32, #tpu.memory_space<vmem>>
        %dma_wait3A_84 = tpu.memref_squeeze %dma_wait3A_83 : memref<1x128xi32, #tpu.memory_space<vmem>> -> memref<128xi32, #tpu.memory_space<vmem>>
        %dma_wait3A_85 = arith.constant 0 : i32
        %dma_wait3A_86 = arith.constant 0 : i32
        %dma_wait3A_87 = tpu.memref_slice %arg4[%dma_wait3A_85, %dma_wait3A_86] : memref<10016x32xf32, #tpu.memory_space<vmem_shared>> -> memref<10016x32xf32, #tpu.memory_space<vmem_shared>>
        tpu.wait_indirect_dma semaphore(%run_scoped3A_77 : memref<!tpu.dma_semaphore, #tpu.memory_space<semaphore_mem>>) src(%arg6 : memref<128x32xf32, #tpu.memory_space<vmem>>) dst(%dma_wait3A_87 : memref<10016x32xf32, #tpu.memory_space<vmem_shared>>)
        tpu.yield
      }) : () -> ()
      %run_scoped3A_66 = arith.constant 5 : i32
      "tpu.region"() ({
        %run_scoped3A_77 = tpu.sem_alloc : memref<!tpu.dma_semaphore, #tpu.memory_space<semaphore_mem>>
        %dma_start3A = arith.constant 0 : i32
        %dma_start3A_78 = tpu.memref_slice %arg5[%run_scoped3A_66, %dma_start3A] : memref<16x128xi32, #tpu.memory_space<vmem>> -> memref<1x128xi32, #tpu.memory_space<vmem>>
        %dma_start3A_79 = tpu.memref_squeeze %dma_start3A_78 : memref<1x128xi32, #tpu.memory_space<vmem>> -> memref<128xi32, #tpu.memory_space<vmem>>
        %dma_start3A_80 = arith.constant 0 : i32
        %dma_start3A_81 = arith.constant 0 : i32
        %dma_start3A_82 = tpu.memref_slice %arg4[%dma_start3A_80, %dma_start3A_81] : memref<10016x32xf32, #tpu.memory_space<vmem_shared>> -> memref<10016x32xf32, #tpu.memory_space<vmem_shared>>
        tpu.enqueue_indirect_dma source(%arg6 : memref<128x32xf32, #tpu.memory_space<vmem>>) target(%dma_start3A_82 : memref<10016x32xf32, #tpu.memory_space<vmem_shared>>) offsets(%dma_start3A_79 : memref<128xi32, #tpu.memory_space<vmem>>) semaphore(%run_scoped3A_77 : memref<!tpu.dma_semaphore, #tpu.memory_space<semaphore_mem>>) {add = true}
        %dma_wait3A = arith.constant 0 : i32
        %dma_wait3A_83 = tpu.memref_slice %arg5[%run_scoped3A_66, %dma_wait3A] : memref<16x128xi32, #tpu.memory_space<vmem>> -> memref<1x128xi32, #tpu.memory_space<vmem>>
        %dma_wait3A_84 = tpu.memref_squeeze %dma_wait3A_83 : memref<1x128xi32, #tpu.memory_space<vmem>> -> memref<128xi32, #tpu.memory_space<vmem>>
        %dma_wait3A_85 = arith.constant 0 : i32
        %dma_wait3A_86 = arith.constant 0 : i32
        %dma_wait3A_87 = tpu.memref_slice %arg4[%dma_wait3A_85, %dma_wait3A_86] : memref<10016x32xf32, #tpu.memory_space<vmem_shared>> -> memref<10016x32xf32, #tpu.memory_space<vmem_shared>>
        tpu.wait_indirect_dma semaphore(%run_scoped3A_77 : memref<!tpu.dma_semaphore, #tpu.memory_space<semaphore_mem>>) src(%arg6 : memref<128x32xf32, #tpu.memory_space<vmem>>) dst(%dma_wait3A_87 : memref<10016x32xf32, #tpu.memory_space<vmem_shared>>)
        tpu.yield
      }) : () -> ()
      %run_scoped3A_67 = arith.constant 6 : i32
      "tpu.region"() ({
        %run_scoped3A_77 = tpu.sem_alloc : memref<!tpu.dma_semaphore, #tpu.memory_space<semaphore_mem>>
        %dma_start3A = arith.constant 0 : i32
        %dma_start3A_78 = tpu.memref_slice %arg5[%run_scoped3A_67, %dma_start3A] : memref<16x128xi32, #tpu.memory_space<vmem>> -> memref<1x128xi32, #tpu.memory_space<vmem>>
        %dma_start3A_79 = tpu.memref_squeeze %dma_start3A_78 : memref<1x128xi32, #tpu.memory_space<vmem>> -> memref<128xi32, #tpu.memory_space<vmem>>
        %dma_start3A_80 = arith.constant 0 : i32
        %dma_start3A_81 = arith.constant 0 : i32
        %dma_start3A_82 = tpu.memref_slice %arg4[%dma_start3A_80, %dma_start3A_81] : memref<10016x32xf32, #tpu.memory_space<vmem_shared>> -> memref<10016x32xf32, #tpu.memory_space<vmem_shared>>
        tpu.enqueue_indirect_dma source(%arg6 : memref<128x32xf32, #tpu.memory_space<vmem>>) target(%dma_start3A_82 : memref<10016x32xf32, #tpu.memory_space<vmem_shared>>) offsets(%dma_start3A_79 : memref<128xi32, #tpu.memory_space<vmem>>) semaphore(%run_scoped3A_77 : memref<!tpu.dma_semaphore, #tpu.memory_space<semaphore_mem>>) {add = true}
        %dma_wait3A = arith.constant 0 : i32
        %dma_wait3A_83 = tpu.memref_slice %arg5[%run_scoped3A_67, %dma_wait3A] : memref<16x128xi32, #tpu.memory_space<vmem>> -> memref<1x128xi32, #tpu.memory_space<vmem>>
        %dma_wait3A_84 = tpu.memref_squeeze %dma_wait3A_83 : memref<1x128xi32, #tpu.memory_space<vmem>> -> memref<128xi32, #tpu.memory_space<vmem>>
        %dma_wait3A_85 = arith.constant 0 : i32
        %dma_wait3A_86 = arith.constant 0 : i32
        %dma_wait3A_87 = tpu.memref_slice %arg4[%dma_wait3A_85, %dma_wait3A_86] : memref<10016x32xf32, #tpu.memory_space<vmem_shared>> -> memref<10016x32xf32, #tpu.memory_space<vmem_shared>>
        tpu.wait_indirect_dma semaphore(%run_scoped3A_77 : memref<!tpu.dma_semaphore, #tpu.memory_space<semaphore_mem>>) src(%arg6 : memref<128x32xf32, #tpu.memory_space<vmem>>) dst(%dma_wait3A_87 : memref<10016x32xf32, #tpu.memory_space<vmem_shared>>)
        tpu.yield
      }) : () -> ()
      %run_scoped3A_68 = arith.constant 7 : i32
      "tpu.region"() ({
        %run_scoped3A_77 = tpu.sem_alloc : memref<!tpu.dma_semaphore, #tpu.memory_space<semaphore_mem>>
        %dma_start3A = arith.constant 0 : i32
        %dma_start3A_78 = tpu.memref_slice %arg5[%run_scoped3A_68, %dma_start3A] : memref<16x128xi32, #tpu.memory_space<vmem>> -> memref<1x128xi32, #tpu.memory_space<vmem>>
        %dma_start3A_79 = tpu.memref_squeeze %dma_start3A_78 : memref<1x128xi32, #tpu.memory_space<vmem>> -> memref<128xi32, #tpu.memory_space<vmem>>
        %dma_start3A_80 = arith.constant 0 : i32
        %dma_start3A_81 = arith.constant 0 : i32
        %dma_start3A_82 = tpu.memref_slice %arg4[%dma_start3A_80, %dma_start3A_81] : memref<10016x32xf32, #tpu.memory_space<vmem_shared>> -> memref<10016x32xf32, #tpu.memory_space<vmem_shared>>
        tpu.enqueue_indirect_dma source(%arg6 : memref<128x32xf32, #tpu.memory_space<vmem>>) target(%dma_start3A_82 : memref<10016x32xf32, #tpu.memory_space<vmem_shared>>) offsets(%dma_start3A_79 : memref<128xi32, #tpu.memory_space<vmem>>) semaphore(%run_scoped3A_77 : memref<!tpu.dma_semaphore, #tpu.memory_space<semaphore_mem>>) {add = true}
        %dma_wait3A = arith.constant 0 : i32
        %dma_wait3A_83 = tpu.memref_slice %arg5[%run_scoped3A_68, %dma_wait3A] : memref<16x128xi32, #tpu.memory_space<vmem>> -> memref<1x128xi32, #tpu.memory_space<vmem>>
        %dma_wait3A_84 = tpu.memref_squeeze %dma_wait3A_83 : memref<1x128xi32, #tpu.memory_space<vmem>> -> memref<128xi32, #tpu.memory_space<vmem>>
        %dma_wait3A_85 = arith.constant 0 : i32
        %dma_wait3A_86 = arith.constant 0 : i32
        %dma_wait3A_87 = tpu.memref_slice %arg4[%dma_wait3A_85, %dma_wait3A_86] : memref<10016x32xf32, #tpu.memory_space<vmem_shared>> -> memref<10016x32xf32, #tpu.memory_space<vmem_shared>>
        tpu.wait_indirect_dma semaphore(%run_scoped3A_77 : memref<!tpu.dma_semaphore, #tpu.memory_space<semaphore_mem>>) src(%arg6 : memref<128x32xf32, #tpu.memory_space<vmem>>) dst(%dma_wait3A_87 : memref<10016x32xf32, #tpu.memory_space<vmem_shared>>)
        tpu.yield
      }) : () -> ()
      %run_scoped3A_69 = arith.constant 8 : i32
      "tpu.region"() ({
        %run_scoped3A_77 = tpu.sem_alloc : memref<!tpu.dma_semaphore, #tpu.memory_space<semaphore_mem>>
        %dma_start3A = arith.constant 0 : i32
        %dma_start3A_78 = tpu.memref_slice %arg5[%run_scoped3A_69, %dma_start3A] : memref<16x128xi32, #tpu.memory_space<vmem>> -> memref<1x128xi32, #tpu.memory_space<vmem>>
        %dma_start3A_79 = tpu.memref_squeeze %dma_start3A_78 : memref<1x128xi32, #tpu.memory_space<vmem>> -> memref<128xi32, #tpu.memory_space<vmem>>
        %dma_start3A_80 = arith.constant 0 : i32
        %dma_start3A_81 = arith.constant 0 : i32
        %dma_start3A_82 = tpu.memref_slice %arg4[%dma_start3A_80, %dma_start3A_81] : memref<10016x32xf32, #tpu.memory_space<vmem_shared>> -> memref<10016x32xf32, #tpu.memory_space<vmem_shared>>
        tpu.enqueue_indirect_dma source(%arg6 : memref<128x32xf32, #tpu.memory_space<vmem>>) target(%dma_start3A_82 : memref<10016x32xf32, #tpu.memory_space<vmem_shared>>) offsets(%dma_start3A_79 : memref<128xi32, #tpu.memory_space<vmem>>) semaphore(%run_scoped3A_77 : memref<!tpu.dma_semaphore, #tpu.memory_space<semaphore_mem>>) {add = true}
        %dma_wait3A = arith.constant 0 : i32
        %dma_wait3A_83 = tpu.memref_slice %arg5[%run_scoped3A_69, %dma_wait3A] : memref<16x128xi32, #tpu.memory_space<vmem>> -> memref<1x128xi32, #tpu.memory_space<vmem>>
        %dma_wait3A_84 = tpu.memref_squeeze %dma_wait3A_83 : memref<1x128xi32, #tpu.memory_space<vmem>> -> memref<128xi32, #tpu.memory_space<vmem>>
        %dma_wait3A_85 = arith.constant 0 : i32
        %dma_wait3A_86 = arith.constant 0 : i32
        %dma_wait3A_87 = tpu.memref_slice %arg4[%dma_wait3A_85, %dma_wait3A_86] : memref<10016x32xf32, #tpu.memory_space<vmem_shared>> -> memref<10016x32xf32, #tpu.memory_space<vmem_shared>>
        tpu.wait_indirect_dma semaphore(%run_scoped3A_77 : memref<!tpu.dma_semaphore, #tpu.memory_space<semaphore_mem>>) src(%arg6 : memref<128x32xf32, #tpu.memory_space<vmem>>) dst(%dma_wait3A_87 : memref<10016x32xf32, #tpu.memory_space<vmem_shared>>)
        tpu.yield
      }) : () -> ()
      %run_scoped3A_70 = arith.constant 9 : i32
      "tpu.region"() ({
        %run_scoped3A_77 = tpu.sem_alloc : memref<!tpu.dma_semaphore, #tpu.memory_space<semaphore_mem>>
        %dma_start3A = arith.constant 0 : i32
        %dma_start3A_78 = tpu.memref_slice %arg5[%run_scoped3A_70, %dma_start3A] : memref<16x128xi32, #tpu.memory_space<vmem>> -> memref<1x128xi32, #tpu.memory_space<vmem>>
        %dma_start3A_79 = tpu.memref_squeeze %dma_start3A_78 : memref<1x128xi32, #tpu.memory_space<vmem>> -> memref<128xi32, #tpu.memory_space<vmem>>
        %dma_start3A_80 = arith.constant 0 : i32
        %dma_start3A_81 = arith.constant 0 : i32
        %dma_start3A_82 = tpu.memref_slice %arg4[%dma_start3A_80, %dma_start3A_81] : memref<10016x32xf32, #tpu.memory_space<vmem_shared>> -> memref<10016x32xf32, #tpu.memory_space<vmem_shared>>
        tpu.enqueue_indirect_dma source(%arg6 : memref<128x32xf32, #tpu.memory_space<vmem>>) target(%dma_start3A_82 : memref<10016x32xf32, #tpu.memory_space<vmem_shared>>) offsets(%dma_start3A_79 : memref<128xi32, #tpu.memory_space<vmem>>) semaphore(%run_scoped3A_77 : memref<!tpu.dma_semaphore, #tpu.memory_space<semaphore_mem>>) {add = true}
        %dma_wait3A = arith.constant 0 : i32
        %dma_wait3A_83 = tpu.memref_slice %arg5[%run_scoped3A_70, %dma_wait3A] : memref<16x128xi32, #tpu.memory_space<vmem>> -> memref<1x128xi32, #tpu.memory_space<vmem>>
        %dma_wait3A_84 = tpu.memref_squeeze %dma_wait3A_83 : memref<1x128xi32, #tpu.memory_space<vmem>> -> memref<128xi32, #tpu.memory_space<vmem>>
        %dma_wait3A_85 = arith.constant 0 : i32
        %dma_wait3A_86 = arith.constant 0 : i32
        %dma_wait3A_87 = tpu.memref_slice %arg4[%dma_wait3A_85, %dma_wait3A_86] : memref<10016x32xf32, #tpu.memory_space<vmem_shared>> -> memref<10016x32xf32, #tpu.memory_space<vmem_shared>>
        tpu.wait_indirect_dma semaphore(%run_scoped3A_77 : memref<!tpu.dma_semaphore, #tpu.memory_space<semaphore_mem>>) src(%arg6 : memref<128x32xf32, #tpu.memory_space<vmem>>) dst(%dma_wait3A_87 : memref<10016x32xf32, #tpu.memory_space<vmem_shared>>)
        tpu.yield
      }) : () -> ()
      %run_scoped3A_71 = arith.constant 10 : i32
      "tpu.region"() ({
        %run_scoped3A_77 = tpu.sem_alloc : memref<!tpu.dma_semaphore, #tpu.memory_space<semaphore_mem>>
        %dma_start3A = arith.constant 0 : i32
        %dma_start3A_78 = tpu.memref_slice %arg5[%run_scoped3A_71, %dma_start3A] : memref<16x128xi32, #tpu.memory_space<vmem>> -> memref<1x128xi32, #tpu.memory_space<vmem>>
        %dma_start3A_79 = tpu.memref_squeeze %dma_start3A_78 : memref<1x128xi32, #tpu.memory_space<vmem>> -> memref<128xi32, #tpu.memory_space<vmem>>
        %dma_start3A_80 = arith.constant 0 : i32
        %dma_start3A_81 = arith.constant 0 : i32
        %dma_start3A_82 = tpu.memref_slice %arg4[%dma_start3A_80, %dma_start3A_81] : memref<10016x32xf32, #tpu.memory_space<vmem_shared>> -> memref<10016x32xf32, #tpu.memory_space<vmem_shared>>
        tpu.enqueue_indirect_dma source(%arg6 : memref<128x32xf32, #tpu.memory_space<vmem>>) target(%dma_start3A_82 : memref<10016x32xf32, #tpu.memory_space<vmem_shared>>) offsets(%dma_start3A_79 : memref<128xi32, #tpu.memory_space<vmem>>) semaphore(%run_scoped3A_77 : memref<!tpu.dma_semaphore, #tpu.memory_space<semaphore_mem>>) {add = true}
        %dma_wait3A = arith.constant 0 : i32
        %dma_wait3A_83 = tpu.memref_slice %arg5[%run_scoped3A_71, %dma_wait3A] : memref<16x128xi32, #tpu.memory_space<vmem>> -> memref<1x128xi32, #tpu.memory_space<vmem>>
        %dma_wait3A_84 = tpu.memref_squeeze %dma_wait3A_83 : memref<1x128xi32, #tpu.memory_space<vmem>> -> memref<128xi32, #tpu.memory_space<vmem>>
        %dma_wait3A_85 = arith.constant 0 : i32
        %dma_wait3A_86 = arith.constant 0 : i32
        %dma_wait3A_87 = tpu.memref_slice %arg4[%dma_wait3A_85, %dma_wait3A_86] : memref<10016x32xf32, #tpu.memory_space<vmem_shared>> -> memref<10016x32xf32, #tpu.memory_space<vmem_shared>>
        tpu.wait_indirect_dma semaphore(%run_scoped3A_77 : memref<!tpu.dma_semaphore, #tpu.memory_space<semaphore_mem>>) src(%arg6 : memref<128x32xf32, #tpu.memory_space<vmem>>) dst(%dma_wait3A_87 : memref<10016x32xf32, #tpu.memory_space<vmem_shared>>)
        tpu.yield
      }) : () -> ()
      %run_scoped3A_72 = arith.constant 11 : i32
      "tpu.region"() ({
        %run_scoped3A_77 = tpu.sem_alloc : memref<!tpu.dma_semaphore, #tpu.memory_space<semaphore_mem>>
        %dma_start3A = arith.constant 0 : i32
        %dma_start3A_78 = tpu.memref_slice %arg5[%run_scoped3A_72, %dma_start3A] : memref<16x128xi32, #tpu.memory_space<vmem>> -> memref<1x128xi32, #tpu.memory_space<vmem>>
        %dma_start3A_79 = tpu.memref_squeeze %dma_start3A_78 : memref<1x128xi32, #tpu.memory_space<vmem>> -> memref<128xi32, #tpu.memory_space<vmem>>
        %dma_start3A_80 = arith.constant 0 : i32
        %dma_start3A_81 = arith.constant 0 : i32
        %dma_start3A_82 = tpu.memref_slice %arg4[%dma_start3A_80, %dma_start3A_81] : memref<10016x32xf32, #tpu.memory_space<vmem_shared>> -> memref<10016x32xf32, #tpu.memory_space<vmem_shared>>
        tpu.enqueue_indirect_dma source(%arg6 : memref<128x32xf32, #tpu.memory_space<vmem>>) target(%dma_start3A_82 : memref<10016x32xf32, #tpu.memory_space<vmem_shared>>) offsets(%dma_start3A_79 : memref<128xi32, #tpu.memory_space<vmem>>) semaphore(%run_scoped3A_77 : memref<!tpu.dma_semaphore, #tpu.memory_space<semaphore_mem>>) {add = true}
        %dma_wait3A = arith.constant 0 : i32
        %dma_wait3A_83 = tpu.memref_slice %arg5[%run_scoped3A_72, %dma_wait3A] : memref<16x128xi32, #tpu.memory_space<vmem>> -> memref<1x128xi32, #tpu.memory_space<vmem>>
        %dma_wait3A_84 = tpu.memref_squeeze %dma_wait3A_83 : memref<1x128xi32, #tpu.memory_space<vmem>> -> memref<128xi32, #tpu.memory_space<vmem>>
        %dma_wait3A_85 = arith.constant 0 : i32
        %dma_wait3A_86 = arith.constant 0 : i32
        %dma_wait3A_87 = tpu.memref_slice %arg4[%dma_wait3A_85, %dma_wait3A_86] : memref<10016x32xf32, #tpu.memory_space<vmem_shared>> -> memref<10016x32xf32, #tpu.memory_space<vmem_shared>>
        tpu.wait_indirect_dma semaphore(%run_scoped3A_77 : memref<!tpu.dma_semaphore, #tpu.memory_space<semaphore_mem>>) src(%arg6 : memref<128x32xf32, #tpu.memory_space<vmem>>) dst(%dma_wait3A_87 : memref<10016x32xf32, #tpu.memory_space<vmem_shared>>)
        tpu.yield
      }) : () -> ()
      %run_scoped3A_73 = arith.constant 12 : i32
      "tpu.region"() ({
        %run_scoped3A_77 = tpu.sem_alloc : memref<!tpu.dma_semaphore, #tpu.memory_space<semaphore_mem>>
        %dma_start3A = arith.constant 0 : i32
        %dma_start3A_78 = tpu.memref_slice %arg5[%run_scoped3A_73, %dma_start3A] : memref<16x128xi32, #tpu.memory_space<vmem>> -> memref<1x128xi32, #tpu.memory_space<vmem>>
        %dma_start3A_79 = tpu.memref_squeeze %dma_start3A_78 : memref<1x128xi32, #tpu.memory_space<vmem>> -> memref<128xi32, #tpu.memory_space<vmem>>
        %dma_start3A_80 = arith.constant 0 : i32
        %dma_start3A_81 = arith.constant 0 : i32
        %dma_start3A_82 = tpu.memref_slice %arg4[%dma_start3A_80, %dma_start3A_81] : memref<10016x32xf32, #tpu.memory_space<vmem_shared>> -> memref<10016x32xf32, #tpu.memory_space<vmem_shared>>
        tpu.enqueue_indirect_dma source(%arg6 : memref<128x32xf32, #tpu.memory_space<vmem>>) target(%dma_start3A_82 : memref<10016x32xf32, #tpu.memory_space<vmem_shared>>) offsets(%dma_start3A_79 : memref<128xi32, #tpu.memory_space<vmem>>) semaphore(%run_scoped3A_77 : memref<!tpu.dma_semaphore, #tpu.memory_space<semaphore_mem>>) {add = true}
        %dma_wait3A = arith.constant 0 : i32
        %dma_wait3A_83 = tpu.memref_slice %arg5[%run_scoped3A_73, %dma_wait3A] : memref<16x128xi32, #tpu.memory_space<vmem>> -> memref<1x128xi32, #tpu.memory_space<vmem>>
        %dma_wait3A_84 = tpu.memref_squeeze %dma_wait3A_83 : memref<1x128xi32, #tpu.memory_space<vmem>> -> memref<128xi32, #tpu.memory_space<vmem>>
        %dma_wait3A_85 = arith.constant 0 : i32
        %dma_wait3A_86 = arith.constant 0 : i32
        %dma_wait3A_87 = tpu.memref_slice %arg4[%dma_wait3A_85, %dma_wait3A_86] : memref<10016x32xf32, #tpu.memory_space<vmem_shared>> -> memref<10016x32xf32, #tpu.memory_space<vmem_shared>>
        tpu.wait_indirect_dma semaphore(%run_scoped3A_77 : memref<!tpu.dma_semaphore, #tpu.memory_space<semaphore_mem>>) src(%arg6 : memref<128x32xf32, #tpu.memory_space<vmem>>) dst(%dma_wait3A_87 : memref<10016x32xf32, #tpu.memory_space<vmem_shared>>)
        tpu.yield
      }) : () -> ()
      %run_scoped3A_74 = arith.constant 13 : i32
      "tpu.region"() ({
        %run_scoped3A_77 = tpu.sem_alloc : memref<!tpu.dma_semaphore, #tpu.memory_space<semaphore_mem>>
        %dma_start3A = arith.constant 0 : i32
        %dma_start3A_78 = tpu.memref_slice %arg5[%run_scoped3A_74, %dma_start3A] : memref<16x128xi32, #tpu.memory_space<vmem>> -> memref<1x128xi32, #tpu.memory_space<vmem>>
        %dma_start3A_79 = tpu.memref_squeeze %dma_start3A_78 : memref<1x128xi32, #tpu.memory_space<vmem>> -> memref<128xi32, #tpu.memory_space<vmem>>
        %dma_start3A_80 = arith.constant 0 : i32
        %dma_start3A_81 = arith.constant 0 : i32
        %dma_start3A_82 = tpu.memref_slice %arg4[%dma_start3A_80, %dma_start3A_81] : memref<10016x32xf32, #tpu.memory_space<vmem_shared>> -> memref<10016x32xf32, #tpu.memory_space<vmem_shared>>
        tpu.enqueue_indirect_dma source(%arg6 : memref<128x32xf32, #tpu.memory_space<vmem>>) target(%dma_start3A_82 : memref<10016x32xf32, #tpu.memory_space<vmem_shared>>) offsets(%dma_start3A_79 : memref<128xi32, #tpu.memory_space<vmem>>) semaphore(%run_scoped3A_77 : memref<!tpu.dma_semaphore, #tpu.memory_space<semaphore_mem>>) {add = true}
        %dma_wait3A = arith.constant 0 : i32
        %dma_wait3A_83 = tpu.memref_slice %arg5[%run_scoped3A_74, %dma_wait3A] : memref<16x128xi32, #tpu.memory_space<vmem>> -> memref<1x128xi32, #tpu.memory_space<vmem>>
        %dma_wait3A_84 = tpu.memref_squeeze %dma_wait3A_83 : memref<1x128xi32, #tpu.memory_space<vmem>> -> memref<128xi32, #tpu.memory_space<vmem>>
        %dma_wait3A_85 = arith.constant 0 : i32
        %dma_wait3A_86 = arith.constant 0 : i32
        %dma_wait3A_87 = tpu.memref_slice %arg4[%dma_wait3A_85, %dma_wait3A_86] : memref<10016x32xf32, #tpu.memory_space<vmem_shared>> -> memref<10016x32xf32, #tpu.memory_space<vmem_shared>>
        tpu.wait_indirect_dma semaphore(%run_scoped3A_77 : memref<!tpu.dma_semaphore, #tpu.memory_space<semaphore_mem>>) src(%arg6 : memref<128x32xf32, #tpu.memory_space<vmem>>) dst(%dma_wait3A_87 : memref<10016x32xf32, #tpu.memory_space<vmem_shared>>)
        tpu.yield
      }) : () -> ()
      %run_scoped3A_75 = arith.constant 14 : i32
      "tpu.region"() ({
        %run_scoped3A_77 = tpu.sem_alloc : memref<!tpu.dma_semaphore, #tpu.memory_space<semaphore_mem>>
        %dma_start3A = arith.constant 0 : i32
        %dma_start3A_78 = tpu.memref_slice %arg5[%run_scoped3A_75, %dma_start3A] : memref<16x128xi32, #tpu.memory_space<vmem>> -> memref<1x128xi32, #tpu.memory_space<vmem>>
        %dma_start3A_79 = tpu.memref_squeeze %dma_start3A_78 : memref<1x128xi32, #tpu.memory_space<vmem>> -> memref<128xi32, #tpu.memory_space<vmem>>
        %dma_start3A_80 = arith.constant 0 : i32
        %dma_start3A_81 = arith.constant 0 : i32
        %dma_start3A_82 = tpu.memref_slice %arg4[%dma_start3A_80, %dma_start3A_81] : memref<10016x32xf32, #tpu.memory_space<vmem_shared>> -> memref<10016x32xf32, #tpu.memory_space<vmem_shared>>
        tpu.enqueue_indirect_dma source(%arg6 : memref<128x32xf32, #tpu.memory_space<vmem>>) target(%dma_start3A_82 : memref<10016x32xf32, #tpu.memory_space<vmem_shared>>) offsets(%dma_start3A_79 : memref<128xi32, #tpu.memory_space<vmem>>) semaphore(%run_scoped3A_77 : memref<!tpu.dma_semaphore, #tpu.memory_space<semaphore_mem>>) {add = true}
        %dma_wait3A = arith.constant 0 : i32
        %dma_wait3A_83 = tpu.memref_slice %arg5[%run_scoped3A_75, %dma_wait3A] : memref<16x128xi32, #tpu.memory_space<vmem>> -> memref<1x128xi32, #tpu.memory_space<vmem>>
        %dma_wait3A_84 = tpu.memref_squeeze %dma_wait3A_83 : memref<1x128xi32, #tpu.memory_space<vmem>> -> memref<128xi32, #tpu.memory_space<vmem>>
        %dma_wait3A_85 = arith.constant 0 : i32
        %dma_wait3A_86 = arith.constant 0 : i32
        %dma_wait3A_87 = tpu.memref_slice %arg4[%dma_wait3A_85, %dma_wait3A_86] : memref<10016x32xf32, #tpu.memory_space<vmem_shared>> -> memref<10016x32xf32, #tpu.memory_space<vmem_shared>>
        tpu.wait_indirect_dma semaphore(%run_scoped3A_77 : memref<!tpu.dma_semaphore, #tpu.memory_space<semaphore_mem>>) src(%arg6 : memref<128x32xf32, #tpu.memory_space<vmem>>) dst(%dma_wait3A_87 : memref<10016x32xf32, #tpu.memory_space<vmem_shared>>)
        tpu.yield
      }) : () -> ()
      %run_scoped3A_76 = arith.constant 15 : i32
      "tpu.region"() ({
        %run_scoped3A_77 = tpu.sem_alloc : memref<!tpu.dma_semaphore, #tpu.memory_space<semaphore_mem>>
        %dma_start3A = arith.constant 0 : i32
        %dma_start3A_78 = tpu.memref_slice %arg5[%run_scoped3A_76, %dma_start3A] : memref<16x128xi32, #tpu.memory_space<vmem>> -> memref<1x128xi32, #tpu.memory_space<vmem>>
        %dma_start3A_79 = tpu.memref_squeeze %dma_start3A_78 : memref<1x128xi32, #tpu.memory_space<vmem>> -> memref<128xi32, #tpu.memory_space<vmem>>
        %dma_start3A_80 = arith.constant 0 : i32
        %dma_start3A_81 = arith.constant 0 : i32
        %dma_start3A_82 = tpu.memref_slice %arg4[%dma_start3A_80, %dma_start3A_81] : memref<10016x32xf32, #tpu.memory_space<vmem_shared>> -> memref<10016x32xf32, #tpu.memory_space<vmem_shared>>
        tpu.enqueue_indirect_dma source(%arg6 : memref<128x32xf32, #tpu.memory_space<vmem>>) target(%dma_start3A_82 : memref<10016x32xf32, #tpu.memory_space<vmem_shared>>) offsets(%dma_start3A_79 : memref<128xi32, #tpu.memory_space<vmem>>) semaphore(%run_scoped3A_77 : memref<!tpu.dma_semaphore, #tpu.memory_space<semaphore_mem>>) {add = true}
        %dma_wait3A = arith.constant 0 : i32
        %dma_wait3A_83 = tpu.memref_slice %arg5[%run_scoped3A_76, %dma_wait3A] : memref<16x128xi32, #tpu.memory_space<vmem>> -> memref<1x128xi32, #tpu.memory_space<vmem>>
        %dma_wait3A_84 = tpu.memref_squeeze %dma_wait3A_83 : memref<1x128xi32, #tpu.memory_space<vmem>> -> memref<128xi32, #tpu.memory_space<vmem>>
        %dma_wait3A_85 = arith.constant 0 : i32
        %dma_wait3A_86 = arith.constant 0 : i32
        %dma_wait3A_87 = tpu.memref_slice %arg4[%dma_wait3A_85, %dma_wait3A_86] : memref<10016x32xf32, #tpu.memory_space<vmem_shared>> -> memref<10016x32xf32, #tpu.memory_space<vmem_shared>>
        tpu.wait_indirect_dma semaphore(%run_scoped3A_77 : memref<!tpu.dma_semaphore, #tpu.memory_space<semaphore_mem>>) src(%arg6 : memref<128x32xf32, #tpu.memory_space<vmem>>) dst(%dma_wait3A_87 : memref<10016x32xf32, #tpu.memory_space<vmem_shared>>)
        tpu.yield
      }) : () -> ()
    }
    %scan3A_49 = arith.constant 5 : i32
    %barrier3A_50 = arith.constant 0 : index
    tpu.barrier barrier_id(%barrier3A_50)
    %mul3A_51 = arith.constant 624 : i32
    %mul3A_52 = arith.muli %arg1, %mul3A_51 : i32
    %multiple_of3A = tpu.assume_multiple %mul3A_52, 8 : i32
    "tpu.region"() ({
      %run_scoped3A = tpu.sem_alloc : memref<!tpu.dma_semaphore, #tpu.memory_space<semaphore_mem>>
      %dma_start3A = arith.constant 0 : i32
      %dma_start3A_55 = tpu.memref_slice %arg3[%arg0, %multiple_of3A, %dma_start3A] : memref<2x10000x32xf32, #tpu.memory_space<hbm>> -> memref<1x624x32xf32, #tpu.memory_space<hbm>>
      %dma_start3A_56 = tpu.memref_squeeze %dma_start3A_55 : memref<1x624x32xf32, #tpu.memory_space<hbm>> -> memref<624x32xf32, #tpu.memory_space<hbm>>
      %dma_start3A_57 = arith.constant 0 : i32
      %dma_start3A_58 = tpu.memref_slice %arg4[%multiple_of3A, %dma_start3A_57] : memref<10016x32xf32, #tpu.memory_space<vmem_shared>> -> memref<624x32xf32, #tpu.memory_space<vmem_shared>>
      tpu.enqueue_dma source(%dma_start3A_58 : memref<624x32xf32, #tpu.memory_space<vmem_shared>>) target(%dma_start3A_56 : memref<624x32xf32, #tpu.memory_space<hbm>>) target_semaphore(%run_scoped3A : memref<!tpu.dma_semaphore, #tpu.memory_space<semaphore_mem>>)
      %dma_wait3A = arith.constant 0 : i32
      %dma_wait3A_59 = tpu.memref_slice %arg3[%arg0, %multiple_of3A, %dma_wait3A] : memref<2x10000x32xf32, #tpu.memory_space<hbm>> -> memref<1x624x32xf32, #tpu.memory_space<hbm>>
      %dma_wait3A_60 = tpu.memref_squeeze %dma_wait3A_59 : memref<1x624x32xf32, #tpu.memory_space<hbm>> -> memref<624x32xf32, #tpu.memory_space<hbm>>
      %dma_wait3A_61 = arith.constant 0 : i32
      %dma_wait3A_62 = tpu.memref_slice %arg4[%multiple_of3A, %dma_wait3A_61] : memref<10016x32xf32, #tpu.memory_space<vmem_shared>> -> memref<624x32xf32, #tpu.memory_space<vmem_shared>>
      tpu.wait_dma2 semaphore(%run_scoped3A : memref<!tpu.dma_semaphore, #tpu.memory_space<semaphore_mem>>) src(%dma_wait3A_62 : memref<624x32xf32, #tpu.memory_space<vmem_shared>>) dst(%dma_wait3A_60 : memref<624x32xf32, #tpu.memory_space<hbm>>)
      tpu.yield
    }) : () -> ()
    %eq3A = arith.constant 15 : i32
    %eq3A_53 = arith.cmpi eq, %arg1, %eq3A : i32
    %convert_element_type3A = arith.extui %eq3A_53 : i1 to i32
    %cond3A = arith.constant 0 : i32
    %cond3A_54 = arith.cmpi ne, %convert_element_type3A, %cond3A : i32
    scf.if %cond3A_54 {
      "tpu.region"() ({
        %run_scoped3A = tpu.sem_alloc : memref<!tpu.dma_semaphore, #tpu.memory_space<semaphore_mem>>
        %dma_start3A = arith.constant 9984 : i32
        %dma_start3A_55 = arith.constant 0 : i32
        %dma_start3A_56 = tpu.memref_slice %arg3[%arg0, %dma_start3A, %dma_start3A_55] : memref<2x10000x32xf32, #tpu.memory_space<hbm>> -> memref<1x16x32xf32, #tpu.memory_space<hbm>>
        %dma_start3A_57 = tpu.memref_squeeze %dma_start3A_56 : memref<1x16x32xf32, #tpu.memory_space<hbm>> -> memref<16x32xf32, #tpu.memory_space<hbm>>
        %dma_start3A_58 = arith.constant 9984 : i32
        %dma_start3A_59 = arith.constant 0 : i32
        %dma_start3A_60 = tpu.memref_slice %arg4[%dma_start3A_58, %dma_start3A_59] : memref<10016x32xf32, #tpu.memory_space<vmem_shared>> -> memref<16x32xf32, #tpu.memory_space<vmem_shared>>
        tpu.enqueue_dma source(%dma_start3A_60 : memref<16x32xf32, #tpu.memory_space<vmem_shared>>) target(%dma_start3A_57 : memref<16x32xf32, #tpu.memory_space<hbm>>) target_semaphore(%run_scoped3A : memref<!tpu.dma_semaphore, #tpu.memory_space<semaphore_mem>>)
        %dma_wait3A = arith.constant 9984 : i32
        %dma_wait3A_61 = arith.constant 0 : i32
        %dma_wait3A_62 = tpu.memref_slice %arg3[%arg0, %dma_wait3A, %dma_wait3A_61] : memref<2x10000x32xf32, #tpu.memory_space<hbm>> -> memref<1x16x32xf32, #tpu.memory_space<hbm>>
        %dma_wait3A_63 = tpu.memref_squeeze %dma_wait3A_62 : memref<1x16x32xf32, #tpu.memory_space<hbm>> -> memref<16x32xf32, #tpu.memory_space<hbm>>
        %dma_wait3A_64 = arith.constant 9984 : i32
        %dma_wait3A_65 = arith.constant 0 : i32
        %dma_wait3A_66 = tpu.memref_slice %arg4[%dma_wait3A_64, %dma_wait3A_65] : memref<10016x32xf32, #tpu.memory_space<vmem_shared>> -> memref<16x32xf32, #tpu.memory_space<vmem_shared>>
        tpu.wait_dma2 semaphore(%run_scoped3A : memref<!tpu.dma_semaphore, #tpu.memory_space<semaphore_mem>>) src(%dma_wait3A_66 : memref<16x32xf32, #tpu.memory_space<vmem_shared>>) dst(%dma_wait3A_63 : memref<16x32xf32, #tpu.memory_space<hbm>>)
        tpu.yield
      }) : () -> ()
    } else {
    }
    return
  }
}

#map = affine_map<(d0, d1) -> (0, 0, 0)>
#map1 = affine_map<(d0, d1) -> (0, 0)>
module attributes {stable_mosaic.version = 14 : i64} {
  func.func @body(%arg0: i32, %arg1: i32, %arg2: memref<2x10000x64xf32, #tpu.memory_space<hbm>>, %arg3: memref<2560x128xi32, #tpu.memory_space<hbm>>, %arg4: memref<2560x128xi32, #tpu.memory_space<hbm>>, %arg5: memref<2x10000x64xf32, #tpu.memory_space<hbm>>, %arg6: memref<10000x64xf32, #tpu.memory_space<vmem_shared>>, %arg7: memref<10016x64xf32, #tpu.memory_space<vmem_shared>>, %arg8: memref<16x128xi32, #tpu.memory_space<vmem>>, %arg9: memref<16x128xi32, #tpu.memory_space<vmem>>, %arg10: memref<128x64xf32, #tpu.memory_space<vmem>>, %arg11: memref<128x64xf32, #tpu.memory_space<vmem>>, %arg12: memref<!tpu.dma_semaphore, #tpu.memory_space<semaphore_mem>>, %arg13: memref<!tpu.dma_semaphore, #tpu.memory_space<semaphore_mem>>) attributes {dimension_semantics = [#tpu.dimension_semantics<core_parallel>, #tpu.dimension_semantics<subcore_parallel>], iteration_bounds = array<i64: 2, 16>, scalar_prefetch = 0 : i64, scratch_operands = 8 : i64, tpu.core_type = #tpu.core_type<sc_vector_subcore>, window_params = [{transform_indices = #map}, {transform_indices = #map1}, {transform_indices = #map1}, {transform_indices = #map}]} {
    %mul3A = arith.constant 16 : i32
    %mul3A_0 = arith.muli %arg0, %mul3A : i32
    %add3A = arith.addi %mul3A_0, %arg1 : i32
    %broadcast_in_dim3A = arith.constant 0.000000e+00 : f32
    %broadcast_in_dim3A_1 = vector.broadcast %broadcast_in_dim3A : f32 to vector<16xf32>
    %scan3A = arith.constant 0 : i32
    %scan3A_2 = arith.constant 0 : i32
    %scan3A_3 = arith.constant 128 : i32
    %scan3A_4 = arith.addi %scan3A_2, %scan3A_3 : i32
    %scan3A_5 = arith.constant 1 : i32
    scf.for %scan3A_55 = %scan3A_2 to %scan3A_4 step %scan3A_5  : i32 {
      %swap3A = arith.index_cast %scan3A_55 : i32 to index
      %swap3A_56 = arith.constant 0 : index
      %swap3A_57 = tpu.vector_load %arg10[%swap3A, %swap3A_56] {strides = array<i32>} : memref<128x64xf32, #tpu.memory_space<vmem>>, vector<1x16xf32>,
      %swap3A_58 = vector.shape_cast %swap3A_57 : vector<1x16xf32> to vector<16xf32>
      %swap3A_59 = vector.shape_cast %broadcast_in_dim3A_1 : vector<16xf32> to vector<1x16xf32>
      tpu.vector_store %arg10[%swap3A, %swap3A_56], %swap3A_59 {strides = array<i32>} : memref<128x64xf32, #tpu.memory_space<vmem>>, vector<1x16xf32>,
      %swap3A_60 = arith.index_cast %scan3A_55 : i32 to index
      %swap3A_61 = arith.constant 16 : index
      %swap3A_62 = tpu.vector_load %arg10[%swap3A_60, %swap3A_61] {strides = array<i32>} : memref<128x64xf32, #tpu.memory_space<vmem>>, vector<1x16xf32>,
      %swap3A_63 = vector.shape_cast %swap3A_62 : vector<1x16xf32> to vector<16xf32>
      %swap3A_64 = vector.shape_cast %broadcast_in_dim3A_1 : vector<16xf32> to vector<1x16xf32>
      tpu.vector_store %arg10[%swap3A_60, %swap3A_61], %swap3A_64 {strides = array<i32>} : memref<128x64xf32, #tpu.memory_space<vmem>>, vector<1x16xf32>,
      %swap3A_65 = arith.index_cast %scan3A_55 : i32 to index
      %swap3A_66 = arith.constant 32 : index
      %swap3A_67 = tpu.vector_load %arg10[%swap3A_65, %swap3A_66] {strides = array<i32>} : memref<128x64xf32, #tpu.memory_space<vmem>>, vector<1x16xf32>,
      %swap3A_68 = vector.shape_cast %swap3A_67 : vector<1x16xf32> to vector<16xf32>
      %swap3A_69 = vector.shape_cast %broadcast_in_dim3A_1 : vector<16xf32> to vector<1x16xf32>
      tpu.vector_store %arg10[%swap3A_65, %swap3A_66], %swap3A_69 {strides = array<i32>} : memref<128x64xf32, #tpu.memory_space<vmem>>, vector<1x16xf32>,
      %swap3A_70 = arith.index_cast %scan3A_55 : i32 to index
      %swap3A_71 = arith.constant 48 : index
      %swap3A_72 = tpu.vector_load %arg10[%swap3A_70, %swap3A_71] {strides = array<i32>} : memref<128x64xf32, #tpu.memory_space<vmem>>, vector<1x16xf32>,
      %swap3A_73 = vector.shape_cast %swap3A_72 : vector<1x16xf32> to vector<16xf32>
      %swap3A_74 = vector.shape_cast %broadcast_in_dim3A_1 : vector<16xf32> to vector<1x16xf32>
      tpu.vector_store %arg10[%swap3A_70, %swap3A_71], %swap3A_74 {strides = array<i32>} : memref<128x64xf32, #tpu.memory_space<vmem>>, vector<1x16xf32>,
    }
    %scan3A_6 = arith.constant 128 : i32
    %add3A_7 = arith.constant 0 : i32
    %add3A_8 = arith.addi %add3A_7, %arg1 : i32
    %mul3A_9 = arith.constant 128 : i32
    %mul3A_10 = arith.muli %add3A_8, %mul3A_9 : i32
    %min3A = arith.constant 9888 : i32
    %min3A_11 = arith.minsi %mul3A_10, %min3A : i32
    "tpu.region"() ({
      %run_scoped3A = tpu.sem_alloc : memref<!tpu.dma_semaphore, #tpu.memory_space<semaphore_mem>>
      %dma_start3A = arith.constant 0 : i32
      %dma_start3A_55 = tpu.memref_slice %arg7[%min3A_11, %dma_start3A] : memref<10016x64xf32, #tpu.memory_space<vmem_shared>> -> memref<128x64xf32, #tpu.memory_space<vmem_shared>>
      %dma_start3A_56 = arith.constant 0 : i32
      %dma_start3A_57 = tpu.memref_slice %arg7[%min3A_11, %dma_start3A_56] : memref<10016x64xf32, #tpu.memory_space<vmem_shared>> -> memref<128x64xf32, #tpu.memory_space<vmem_shared>>
      tpu.enqueue_dma source(%arg10 : memref<128x64xf32, #tpu.memory_space<vmem>>) target(%dma_start3A_57 : memref<128x64xf32, #tpu.memory_space<vmem_shared>>) target_semaphore(%run_scoped3A : memref<!tpu.dma_semaphore, #tpu.memory_space<semaphore_mem>>)
      %dma_wait3A = arith.constant 0 : i32
      %dma_wait3A_58 = tpu.memref_slice %arg7[%min3A_11, %dma_wait3A] : memref<10016x64xf32, #tpu.memory_space<vmem_shared>> -> memref<128x64xf32, #tpu.memory_space<vmem_shared>>
      %dma_wait3A_59 = arith.constant 0 : i32
      %dma_wait3A_60 = tpu.memref_slice %arg7[%min3A_11, %dma_wait3A_59] : memref<10016x64xf32, #tpu.memory_space<vmem_shared>> -> memref<128x64xf32, #tpu.memory_space<vmem_shared>>
      tpu.wait_dma2 semaphore(%run_scoped3A : memref<!tpu.dma_semaphore, #tpu.memory_space<semaphore_mem>>) src(%arg10 : memref<128x64xf32, #tpu.memory_space<vmem>>) dst(%dma_wait3A_60 : memref<128x64xf32, #tpu.memory_space<vmem_shared>>)
      tpu.yield
    }) : () -> ()
    %add3A_12 = arith.constant 16 : i32
    %add3A_13 = arith.addi %add3A_12, %arg1 : i32
    %mul3A_14 = arith.constant 128 : i32
    %mul3A_15 = arith.muli %add3A_13, %mul3A_14 : i32
    %min3A_16 = arith.constant 9888 : i32
    %min3A_17 = arith.minsi %mul3A_15, %min3A_16 : i32
    "tpu.region"() ({
      %run_scoped3A = tpu.sem_alloc : memref<!tpu.dma_semaphore, #tpu.memory_space<semaphore_mem>>
      %dma_start3A = arith.constant 0 : i32
      %dma_start3A_55 = tpu.memref_slice %arg7[%min3A_17, %dma_start3A] : memref<10016x64xf32, #tpu.memory_space<vmem_shared>> -> memref<128x64xf32, #tpu.memory_space<vmem_shared>>
      %dma_start3A_56 = arith.constant 0 : i32
      %dma_start3A_57 = tpu.memref_slice %arg7[%min3A_17, %dma_start3A_56] : memref<10016x64xf32, #tpu.memory_space<vmem_shared>> -> memref<128x64xf32, #tpu.memory_space<vmem_shared>>
      tpu.enqueue_dma source(%arg10 : memref<128x64xf32, #tpu.memory_space<vmem>>) target(%dma_start3A_57 : memref<128x64xf32, #tpu.memory_space<vmem_shared>>) target_semaphore(%run_scoped3A : memref<!tpu.dma_semaphore, #tpu.memory_space<semaphore_mem>>)
      %dma_wait3A = arith.constant 0 : i32
      %dma_wait3A_58 = tpu.memref_slice %arg7[%min3A_17, %dma_wait3A] : memref<10016x64xf32, #tpu.memory_space<vmem_shared>> -> memref<128x64xf32, #tpu.memory_space<vmem_shared>>
      %dma_wait3A_59 = arith.constant 0 : i32
      %dma_wait3A_60 = tpu.memref_slice %arg7[%min3A_17, %dma_wait3A_59] : memref<10016x64xf32, #tpu.memory_space<vmem_shared>> -> memref<128x64xf32, #tpu.memory_space<vmem_shared>>
      tpu.wait_dma2 semaphore(%run_scoped3A : memref<!tpu.dma_semaphore, #tpu.memory_space<semaphore_mem>>) src(%arg10 : memref<128x64xf32, #tpu.memory_space<vmem>>) dst(%dma_wait3A_60 : memref<128x64xf32, #tpu.memory_space<vmem_shared>>)
      tpu.yield
    }) : () -> ()
    %add3A_18 = arith.constant 32 : i32
    %add3A_19 = arith.addi %add3A_18, %arg1 : i32
    %mul3A_20 = arith.constant 128 : i32
    %mul3A_21 = arith.muli %add3A_19, %mul3A_20 : i32
    %min3A_22 = arith.constant 9888 : i32
    %min3A_23 = arith.minsi %mul3A_21, %min3A_22 : i32
    "tpu.region"() ({
      %run_scoped3A = tpu.sem_alloc : memref<!tpu.dma_semaphore, #tpu.memory_space<semaphore_mem>>
      %dma_start3A = arith.constant 0 : i32
      %dma_start3A_55 = tpu.memref_slice %arg7[%min3A_23, %dma_start3A] : memref<10016x64xf32, #tpu.memory_space<vmem_shared>> -> memref<128x64xf32, #tpu.memory_space<vmem_shared>>
      %dma_start3A_56 = arith.constant 0 : i32
      %dma_start3A_57 = tpu.memref_slice %arg7[%min3A_23, %dma_start3A_56] : memref<10016x64xf32, #tpu.memory_space<vmem_shared>> -> memref<128x64xf32, #tpu.memory_space<vmem_shared>>
      tpu.enqueue_dma source(%arg10 : memref<128x64xf32, #tpu.memory_space<vmem>>) target(%dma_start3A_57 : memref<128x64xf32, #tpu.memory_space<vmem_shared>>) target_semaphore(%run_scoped3A : memref<!tpu.dma_semaphore, #tpu.memory_space<semaphore_mem>>)
      %dma_wait3A = arith.constant 0 : i32
      %dma_wait3A_58 = tpu.memref_slice %arg7[%min3A_23, %dma_wait3A] : memref<10016x64xf32, #tpu.memory_space<vmem_shared>> -> memref<128x64xf32, #tpu.memory_space<vmem_shared>>
      %dma_wait3A_59 = arith.constant 0 : i32
      %dma_wait3A_60 = tpu.memref_slice %arg7[%min3A_23, %dma_wait3A_59] : memref<10016x64xf32, #tpu.memory_space<vmem_shared>> -> memref<128x64xf32, #tpu.memory_space<vmem_shared>>
      tpu.wait_dma2 semaphore(%run_scoped3A : memref<!tpu.dma_semaphore, #tpu.memory_space<semaphore_mem>>) src(%arg10 : memref<128x64xf32, #tpu.memory_space<vmem>>) dst(%dma_wait3A_60 : memref<128x64xf32, #tpu.memory_space<vmem_shared>>)
      tpu.yield
    }) : () -> ()
    %add3A_24 = arith.constant 48 : i32
    %add3A_25 = arith.addi %add3A_24, %arg1 : i32
    %mul3A_26 = arith.constant 128 : i32
    %mul3A_27 = arith.muli %add3A_25, %mul3A_26 : i32
    %min3A_28 = arith.constant 9888 : i32
    %min3A_29 = arith.minsi %mul3A_27, %min3A_28 : i32
    "tpu.region"() ({
      %run_scoped3A = tpu.sem_alloc : memref<!tpu.dma_semaphore, #tpu.memory_space<semaphore_mem>>
      %dma_start3A = arith.constant 0 : i32
      %dma_start3A_55 = tpu.memref_slice %arg7[%min3A_29, %dma_start3A] : memref<10016x64xf32, #tpu.memory_space<vmem_shared>> -> memref<128x64xf32, #tpu.memory_space<vmem_shared>>
      %dma_start3A_56 = arith.constant 0 : i32
      %dma_start3A_57 = tpu.memref_slice %arg7[%min3A_29, %dma_start3A_56] : memref<10016x64xf32, #tpu.memory_space<vmem_shared>> -> memref<128x64xf32, #tpu.memory_space<vmem_shared>>
      tpu.enqueue_dma source(%arg10 : memref<128x64xf32, #tpu.memory_space<vmem>>) target(%dma_start3A_57 : memref<128x64xf32, #tpu.memory_space<vmem_shared>>) target_semaphore(%run_scoped3A : memref<!tpu.dma_semaphore, #tpu.memory_space<semaphore_mem>>)
      %dma_wait3A = arith.constant 0 : i32
      %dma_wait3A_58 = tpu.memref_slice %arg7[%min3A_29, %dma_wait3A] : memref<10016x64xf32, #tpu.memory_space<vmem_shared>> -> memref<128x64xf32, #tpu.memory_space<vmem_shared>>
      %dma_wait3A_59 = arith.constant 0 : i32
      %dma_wait3A_60 = tpu.memref_slice %arg7[%min3A_29, %dma_wait3A_59] : memref<10016x64xf32, #tpu.memory_space<vmem_shared>> -> memref<128x64xf32, #tpu.memory_space<vmem_shared>>
      tpu.wait_dma2 semaphore(%run_scoped3A : memref<!tpu.dma_semaphore, #tpu.memory_space<semaphore_mem>>) src(%arg10 : memref<128x64xf32, #tpu.memory_space<vmem>>) dst(%dma_wait3A_60 : memref<128x64xf32, #tpu.memory_space<vmem_shared>>)
      tpu.yield
    }) : () -> ()
    %add3A_30 = arith.constant 64 : i32
    %add3A_31 = arith.addi %add3A_30, %arg1 : i32
    %mul3A_32 = arith.constant 128 : i32
    %mul3A_33 = arith.muli %add3A_31, %mul3A_32 : i32
    %min3A_34 = arith.constant 9888 : i32
    %min3A_35 = arith.minsi %mul3A_33, %min3A_34 : i32
    "tpu.region"() ({
      %run_scoped3A = tpu.sem_alloc : memref<!tpu.dma_semaphore, #tpu.memory_space<semaphore_mem>>
      %dma_start3A = arith.constant 0 : i32
      %dma_start3A_55 = tpu.memref_slice %arg7[%min3A_35, %dma_start3A] : memref<10016x64xf32, #tpu.memory_space<vmem_shared>> -> memref<128x64xf32, #tpu.memory_space<vmem_shared>>
      %dma_start3A_56 = arith.constant 0 : i32
      %dma_start3A_57 = tpu.memref_slice %arg7[%min3A_35, %dma_start3A_56] : memref<10016x64xf32, #tpu.memory_space<vmem_shared>> -> memref<128x64xf32, #tpu.memory_space<vmem_shared>>
      tpu.enqueue_dma source(%arg10 : memref<128x64xf32, #tpu.memory_space<vmem>>) target(%dma_start3A_57 : memref<128x64xf32, #tpu.memory_space<vmem_shared>>) target_semaphore(%run_scoped3A : memref<!tpu.dma_semaphore, #tpu.memory_space<semaphore_mem>>)
      %dma_wait3A = arith.constant 0 : i32
      %dma_wait3A_58 = tpu.memref_slice %arg7[%min3A_35, %dma_wait3A] : memref<10016x64xf32, #tpu.memory_space<vmem_shared>> -> memref<128x64xf32, #tpu.memory_space<vmem_shared>>
      %dma_wait3A_59 = arith.constant 0 : i32
      %dma_wait3A_60 = tpu.memref_slice %arg7[%min3A_35, %dma_wait3A_59] : memref<10016x64xf32, #tpu.memory_space<vmem_shared>> -> memref<128x64xf32, #tpu.memory_space<vmem_shared>>
      tpu.wait_dma2 semaphore(%run_scoped3A : memref<!tpu.dma_semaphore, #tpu.memory_space<semaphore_mem>>) src(%arg10 : memref<128x64xf32, #tpu.memory_space<vmem>>) dst(%dma_wait3A_60 : memref<128x64xf32, #tpu.memory_space<vmem_shared>>)
      tpu.yield
    }) : () -> ()
    %mul3A_36 = arith.constant 624 : i32
    %mul3A_37 = arith.muli %arg1, %mul3A_36 : i32
    %multiple_of3A = tpu.assume_multiple %mul3A_37, 8 : i32
    "tpu.region"() ({
      %run_scoped3A = tpu.sem_alloc : memref<!tpu.dma_semaphore, #tpu.memory_space<semaphore_mem>>
      %dma_start3A = arith.constant 0 : i32
      %dma_start3A_55 = tpu.memref_slice %arg6[%multiple_of3A, %dma_start3A] : memref<10000x64xf32, #tpu.memory_space<vmem_shared>> -> memref<624x64xf32, #tpu.memory_space<vmem_shared>>
      %dma_start3A_56 = arith.constant 0 : i32
      %dma_start3A_57 = tpu.memref_slice %arg2[%arg0, %multiple_of3A, %dma_start3A_56] : memref<2x10000x64xf32, #tpu.memory_space<hbm>> -> memref<1x624x64xf32, #tpu.memory_space<hbm>>
      %dma_start3A_58 = tpu.memref_squeeze %dma_start3A_57 : memref<1x624x64xf32, #tpu.memory_space<hbm>> -> memref<624x64xf32, #tpu.memory_space<hbm>>
      tpu.enqueue_dma source(%dma_start3A_58 : memref<624x64xf32, #tpu.memory_space<hbm>>) target(%dma_start3A_55 : memref<624x64xf32, #tpu.memory_space<vmem_shared>>) target_semaphore(%run_scoped3A : memref<!tpu.dma_semaphore, #tpu.memory_space<semaphore_mem>>)
      %dma_wait3A = arith.constant 0 : i32
      %dma_wait3A_59 = tpu.memref_slice %arg6[%multiple_of3A, %dma_wait3A] : memref<10000x64xf32, #tpu.memory_space<vmem_shared>> -> memref<624x64xf32, #tpu.memory_space<vmem_shared>>
      %dma_wait3A_60 = arith.constant 0 : i32
      %dma_wait3A_61 = tpu.memref_slice %arg2[%arg0, %multiple_of3A, %dma_wait3A_60] : memref<2x10000x64xf32, #tpu.memory_space<hbm>> -> memref<1x624x64xf32, #tpu.memory_space<hbm>>
      %dma_wait3A_62 = tpu.memref_squeeze %dma_wait3A_61 : memref<1x624x64xf32, #tpu.memory_space<hbm>> -> memref<624x64xf32, #tpu.memory_space<hbm>>
      tpu.wait_dma2 semaphore(%run_scoped3A : memref<!tpu.dma_semaphore, #tpu.memory_space<semaphore_mem>>) src(%dma_wait3A_62 : memref<624x64xf32, #tpu.memory_space<hbm>>) dst(%dma_wait3A_59 : memref<624x64xf32, #tpu.memory_space<vmem_shared>>)
      tpu.yield
    }) : () -> ()
    %eq3A = arith.constant 15 : i32
    %eq3A_38 = arith.cmpi eq, %arg1, %eq3A : i32
    %convert_element_type3A = arith.extui %eq3A_38 : i1 to i32
    %cond3A = arith.constant 0 : i32
    %cond3A_39 = arith.cmpi ne, %convert_element_type3A, %cond3A : i32
    scf.if %cond3A_39 {
      "tpu.region"() ({
        %run_scoped3A = tpu.sem_alloc : memref<!tpu.dma_semaphore, #tpu.memory_space<semaphore_mem>>
        %dma_start3A = arith.constant 9984 : i32
        %dma_start3A_55 = arith.constant 0 : i32
        %dma_start3A_56 = tpu.memref_slice %arg6[%dma_start3A, %dma_start3A_55] : memref<10000x64xf32, #tpu.memory_space<vmem_shared>> -> memref<16x64xf32, #tpu.memory_space<vmem_shared>>
        %dma_start3A_57 = arith.constant 9984 : i32
        %dma_start3A_58 = arith.constant 0 : i32
        %dma_start3A_59 = tpu.memref_slice %arg2[%arg0, %dma_start3A_57, %dma_start3A_58] : memref<2x10000x64xf32, #tpu.memory_space<hbm>> -> memref<1x16x64xf32, #tpu.memory_space<hbm>>
        %dma_start3A_60 = tpu.memref_squeeze %dma_start3A_59 : memref<1x16x64xf32, #tpu.memory_space<hbm>> -> memref<16x64xf32, #tpu.memory_space<hbm>>
        tpu.enqueue_dma source(%dma_start3A_60 : memref<16x64xf32, #tpu.memory_space<hbm>>) target(%dma_start3A_56 : memref<16x64xf32, #tpu.memory_space<vmem_shared>>) target_semaphore(%run_scoped3A : memref<!tpu.dma_semaphore, #tpu.memory_space<semaphore_mem>>)
        %dma_wait3A = arith.constant 9984 : i32
        %dma_wait3A_61 = arith.constant 0 : i32
        %dma_wait3A_62 = tpu.memref_slice %arg6[%dma_wait3A, %dma_wait3A_61] : memref<10000x64xf32, #tpu.memory_space<vmem_shared>> -> memref<16x64xf32, #tpu.memory_space<vmem_shared>>
        %dma_wait3A_63 = arith.constant 9984 : i32
        %dma_wait3A_64 = arith.constant 0 : i32
        %dma_wait3A_65 = tpu.memref_slice %arg2[%arg0, %dma_wait3A_63, %dma_wait3A_64] : memref<2x10000x64xf32, #tpu.memory_space<hbm>> -> memref<1x16x64xf32, #tpu.memory_space<hbm>>
        %dma_wait3A_66 = tpu.memref_squeeze %dma_wait3A_65 : memref<1x16x64xf32, #tpu.memory_space<hbm>> -> memref<16x64xf32, #tpu.memory_space<hbm>>
        tpu.wait_dma2 semaphore(%run_scoped3A : memref<!tpu.dma_semaphore, #tpu.memory_space<semaphore_mem>>) src(%dma_wait3A_66 : memref<16x64xf32, #tpu.memory_space<hbm>>) dst(%dma_wait3A_62 : memref<16x64xf32, #tpu.memory_space<vmem_shared>>)
        tpu.yield
      }) : () -> ()
    } else {
    }
    %barrier3A = arith.constant 0 : index
    tpu.barrier barrier_id(%barrier3A)
    %scan3A_40 = arith.constant 0 : i32
    %scan3A_41 = arith.constant 0 : i32
    %scan3A_42 = arith.constant 10 : i32
    %scan3A_43 = arith.addi %scan3A_41, %scan3A_42 : i32
    %scan3A_44 = arith.constant 1 : i32
    scf.for %scan3A_55 = %scan3A_41 to %scan3A_43 step %scan3A_44  : i32 {
      %mul3A_56 = arith.constant 160 : i32
      %mul3A_57 = arith.muli %arg1, %mul3A_56 : i32
      %mul3A_58 = arith.constant 16 : i32
      %mul3A_59 = arith.muli %scan3A_55, %mul3A_58 : i32
      %add3A_60 = arith.addi %mul3A_57, %mul3A_59 : i32
      %multiple_of3A_61 = tpu.assume_multiple %add3A_60, 16 : i32
      "tpu.region"() ({
        %run_scoped3A_299 = tpu.sem_alloc : memref<!tpu.dma_semaphore, #tpu.memory_space<semaphore_mem>>
        %dma_start3A_300 = arith.constant 0 : i32
        %dma_start3A_301 = tpu.memref_slice %arg3[%multiple_of3A_61, %dma_start3A_300] : memref<2560x128xi32, #tpu.memory_space<hbm>> -> memref<16x128xi32, #tpu.memory_space<hbm>>
        %dma_start3A_302 = arith.constant 0 : i32
        %dma_start3A_303 = tpu.memref_slice %arg3[%multiple_of3A_61, %dma_start3A_302] : memref<2560x128xi32, #tpu.memory_space<hbm>> -> memref<16x128xi32, #tpu.memory_space<hbm>>
        tpu.enqueue_dma source(%dma_start3A_303 : memref<16x128xi32, #tpu.memory_space<hbm>>) target(%arg8 : memref<16x128xi32, #tpu.memory_space<vmem>>) target_semaphore(%run_scoped3A_299 : memref<!tpu.dma_semaphore, #tpu.memory_space<semaphore_mem>>)
        %dma_wait3A_304 = arith.constant 0 : i32
        %dma_wait3A_305 = tpu.memref_slice %arg3[%multiple_of3A_61, %dma_wait3A_304] : memref<2560x128xi32, #tpu.memory_space<hbm>> -> memref<16x128xi32, #tpu.memory_space<hbm>>
        %dma_wait3A_306 = arith.constant 0 : i32
        %dma_wait3A_307 = tpu.memref_slice %arg3[%multiple_of3A_61, %dma_wait3A_306] : memref<2560x128xi32, #tpu.memory_space<hbm>> -> memref<16x128xi32, #tpu.memory_space<hbm>>
        tpu.wait_dma2 semaphore(%run_scoped3A_299 : memref<!tpu.dma_semaphore, #tpu.memory_space<semaphore_mem>>) src(%dma_wait3A_307 : memref<16x128xi32, #tpu.memory_space<hbm>>) dst(%arg8 : memref<16x128xi32, #tpu.memory_space<vmem>>)
        tpu.yield
      }) : () -> ()
      "tpu.region"() ({
        %run_scoped3A_299 = tpu.sem_alloc : memref<!tpu.dma_semaphore, #tpu.memory_space<semaphore_mem>>
        %dma_start3A_300 = arith.constant 0 : i32
        %dma_start3A_301 = tpu.memref_slice %arg4[%multiple_of3A_61, %dma_start3A_300] : memref<2560x128xi32, #tpu.memory_space<hbm>> -> memref<16x128xi32, #tpu.memory_space<hbm>>
        %dma_start3A_302 = arith.constant 0 : i32
        %dma_start3A_303 = tpu.memref_slice %arg4[%multiple_of3A_61, %dma_start3A_302] : memref<2560x128xi32, #tpu.memory_space<hbm>> -> memref<16x128xi32, #tpu.memory_space<hbm>>
        tpu.enqueue_dma source(%dma_start3A_303 : memref<16x128xi32, #tpu.memory_space<hbm>>) target(%arg9 : memref<16x128xi32, #tpu.memory_space<vmem>>) target_semaphore(%run_scoped3A_299 : memref<!tpu.dma_semaphore, #tpu.memory_space<semaphore_mem>>)
        %dma_wait3A_304 = arith.constant 0 : i32
        %dma_wait3A_305 = tpu.memref_slice %arg4[%multiple_of3A_61, %dma_wait3A_304] : memref<2560x128xi32, #tpu.memory_space<hbm>> -> memref<16x128xi32, #tpu.memory_space<hbm>>
        %dma_wait3A_306 = arith.constant 0 : i32
        %dma_wait3A_307 = tpu.memref_slice %arg4[%multiple_of3A_61, %dma_wait3A_306] : memref<2560x128xi32, #tpu.memory_space<hbm>> -> memref<16x128xi32, #tpu.memory_space<hbm>>
        tpu.wait_dma2 semaphore(%run_scoped3A_299 : memref<!tpu.dma_semaphore, #tpu.memory_space<semaphore_mem>>) src(%dma_wait3A_307 : memref<16x128xi32, #tpu.memory_space<hbm>>) dst(%arg9 : memref<16x128xi32, #tpu.memory_space<vmem>>)
        tpu.yield
      }) : () -> ()
      %dma_start3A = arith.constant 0 : i32
      %dma_start3A_62 = arith.constant 0 : i32
      %dma_start3A_63 = tpu.memref_slice %arg8[%dma_start3A, %dma_start3A_62] : memref<16x128xi32, #tpu.memory_space<vmem>> -> memref<1x128xi32, #tpu.memory_space<vmem>>
      %dma_start3A_64 = tpu.memref_squeeze %dma_start3A_63 : memref<1x128xi32, #tpu.memory_space<vmem>> -> memref<128xi32, #tpu.memory_space<vmem>>
      %dma_start3A_65 = arith.constant 0 : i32
      %dma_start3A_66 = arith.constant 0 : i32
      %dma_start3A_67 = tpu.memref_slice %arg6[%dma_start3A_65, %dma_start3A_66] : memref<10000x64xf32, #tpu.memory_space<vmem_shared>> -> memref<10000x64xf32, #tpu.memory_space<vmem_shared>>
      tpu.enqueue_indirect_dma source(%dma_start3A_67 : memref<10000x64xf32, #tpu.memory_space<vmem_shared>>) target(%arg10 : memref<128x64xf32, #tpu.memory_space<vmem>>) offsets(%dma_start3A_64 : memref<128xi32, #tpu.memory_space<vmem>>) semaphore(%arg12 : memref<!tpu.dma_semaphore, #tpu.memory_space<semaphore_mem>>)
      %dma_wait3A = arith.constant 0 : i32
      %dma_wait3A_68 = arith.constant 0 : i32
      %dma_wait3A_69 = tpu.memref_slice %arg8[%dma_wait3A, %dma_wait3A_68] : memref<16x128xi32, #tpu.memory_space<vmem>> -> memref<1x128xi32, #tpu.memory_space<vmem>>
      %dma_wait3A_70 = tpu.memref_squeeze %dma_wait3A_69 : memref<1x128xi32, #tpu.memory_space<vmem>> -> memref<128xi32, #tpu.memory_space<vmem>>
      %dma_wait3A_71 = arith.constant 0 : i32
      %dma_wait3A_72 = arith.constant 0 : i32
      %dma_wait3A_73 = tpu.memref_slice %arg6[%dma_wait3A_71, %dma_wait3A_72] : memref<10000x64xf32, #tpu.memory_space<vmem_shared>> -> memref<10000x64xf32, #tpu.memory_space<vmem_shared>>
      tpu.wait_indirect_dma semaphore(%arg12 : memref<!tpu.dma_semaphore, #tpu.memory_space<semaphore_mem>>) src(%dma_wait3A_73 : memref<10000x64xf32, #tpu.memory_space<vmem_shared>>) dst(%arg10 : memref<128x64xf32, #tpu.memory_space<vmem>>)
      %dma_start3A_74 = arith.constant 1 : i32
      %dma_start3A_75 = arith.constant 0 : i32
      %dma_start3A_76 = tpu.memref_slice %arg8[%dma_start3A_74, %dma_start3A_75] : memref<16x128xi32, #tpu.memory_space<vmem>> -> memref<1x128xi32, #tpu.memory_space<vmem>>
      %dma_start3A_77 = tpu.memref_squeeze %dma_start3A_76 : memref<1x128xi32, #tpu.memory_space<vmem>> -> memref<128xi32, #tpu.memory_space<vmem>>
      %dma_start3A_78 = arith.constant 0 : i32
      %dma_start3A_79 = arith.constant 0 : i32
      %dma_start3A_80 = tpu.memref_slice %arg6[%dma_start3A_78, %dma_start3A_79] : memref<10000x64xf32, #tpu.memory_space<vmem_shared>> -> memref<10000x64xf32, #tpu.memory_space<vmem_shared>>
      tpu.enqueue_indirect_dma source(%dma_start3A_80 : memref<10000x64xf32, #tpu.memory_space<vmem_shared>>) target(%arg11 : memref<128x64xf32, #tpu.memory_space<vmem>>) offsets(%dma_start3A_77 : memref<128xi32, #tpu.memory_space<vmem>>) semaphore(%arg13 : memref<!tpu.dma_semaphore, #tpu.memory_space<semaphore_mem>>)
      %run_scoped3A = arith.constant 0 : i32
      "tpu.region"() ({
        %run_scoped3A_299 = tpu.sem_alloc : memref<!tpu.dma_semaphore, #tpu.memory_space<semaphore_mem>>
        %dma_start3A_300 = arith.constant 0 : i32
        %dma_start3A_301 = tpu.memref_slice %arg9[%run_scoped3A, %dma_start3A_300] : memref<16x128xi32, #tpu.memory_space<vmem>> -> memref<1x128xi32, #tpu.memory_space<vmem>>
        %dma_start3A_302 = tpu.memref_squeeze %dma_start3A_301 : memref<1x128xi32, #tpu.memory_space<vmem>> -> memref<128xi32, #tpu.memory_space<vmem>>
        %dma_start3A_303 = arith.constant 0 : i32
        %dma_start3A_304 = arith.constant 0 : i32
        %dma_start3A_305 = tpu.memref_slice %arg7[%dma_start3A_303, %dma_start3A_304] : memref<10016x64xf32, #tpu.memory_space<vmem_shared>> -> memref<10016x64xf32, #tpu.memory_space<vmem_shared>>
        tpu.enqueue_indirect_dma source(%arg10 : memref<128x64xf32, #tpu.memory_space<vmem>>) target(%dma_start3A_305 : memref<10016x64xf32, #tpu.memory_space<vmem_shared>>) offsets(%dma_start3A_302 : memref<128xi32, #tpu.memory_space<vmem>>) semaphore(%run_scoped3A_299 : memref<!tpu.dma_semaphore, #tpu.memory_space<semaphore_mem>>) {add = true}
        %dma_wait3A_306 = arith.constant 0 : i32
        %dma_wait3A_307 = tpu.memref_slice %arg9[%run_scoped3A, %dma_wait3A_306] : memref<16x128xi32, #tpu.memory_space<vmem>> -> memref<1x128xi32, #tpu.memory_space<vmem>>
        %dma_wait3A_308 = tpu.memref_squeeze %dma_wait3A_307 : memref<1x128xi32, #tpu.memory_space<vmem>> -> memref<128xi32, #tpu.memory_space<vmem>>
        %dma_wait3A_309 = arith.constant 0 : i32
        %dma_wait3A_310 = arith.constant 0 : i32
        %dma_wait3A_311 = tpu.memref_slice %arg7[%dma_wait3A_309, %dma_wait3A_310] : memref<10016x64xf32, #tpu.memory_space<vmem_shared>> -> memref<10016x64xf32, #tpu.memory_space<vmem_shared>>
        tpu.wait_indirect_dma semaphore(%run_scoped3A_299 : memref<!tpu.dma_semaphore, #tpu.memory_space<semaphore_mem>>) src(%arg10 : memref<128x64xf32, #tpu.memory_space<vmem>>) dst(%dma_wait3A_311 : memref<10016x64xf32, #tpu.memory_space<vmem_shared>>)
        tpu.yield
      }) : () -> ()
      %dma_wait3A_81 = arith.constant 1 : i32
      %dma_wait3A_82 = arith.constant 0 : i32
      %dma_wait3A_83 = tpu.memref_slice %arg8[%dma_wait3A_81, %dma_wait3A_82] : memref<16x128xi32, #tpu.memory_space<vmem>> -> memref<1x128xi32, #tpu.memory_space<vmem>>
      %dma_wait3A_84 = tpu.memref_squeeze %dma_wait3A_83 : memref<1x128xi32, #tpu.memory_space<vmem>> -> memref<128xi32, #tpu.memory_space<vmem>>
      %dma_wait3A_85 = arith.constant 0 : i32
      %dma_wait3A_86 = arith.constant 0 : i32
      %dma_wait3A_87 = tpu.memref_slice %arg6[%dma_wait3A_85, %dma_wait3A_86] : memref<10000x64xf32, #tpu.memory_space<vmem_shared>> -> memref<10000x64xf32, #tpu.memory_space<vmem_shared>>
      tpu.wait_indirect_dma semaphore(%arg13 : memref<!tpu.dma_semaphore, #tpu.memory_space<semaphore_mem>>) src(%dma_wait3A_87 : memref<10000x64xf32, #tpu.memory_space<vmem_shared>>) dst(%arg11 : memref<128x64xf32, #tpu.memory_space<vmem>>)
      %dma_start3A_88 = arith.constant 2 : i32
      %dma_start3A_89 = arith.constant 0 : i32
      %dma_start3A_90 = tpu.memref_slice %arg8[%dma_start3A_88, %dma_start3A_89] : memref<16x128xi32, #tpu.memory_space<vmem>> -> memref<1x128xi32, #tpu.memory_space<vmem>>
      %dma_start3A_91 = tpu.memref_squeeze %dma_start3A_90 : memref<1x128xi32, #tpu.memory_space<vmem>> -> memref<128xi32, #tpu.memory_space<vmem>>
      %dma_start3A_92 = arith.constant 0 : i32
      %dma_start3A_93 = arith.constant 0 : i32
      %dma_start3A_94 = tpu.memref_slice %arg6[%dma_start3A_92, %dma_start3A_93] : memref<10000x64xf32, #tpu.memory_space<vmem_shared>> -> memref<10000x64xf32, #tpu.memory_space<vmem_shared>>
      tpu.enqueue_indirect_dma source(%dma_start3A_94 : memref<10000x64xf32, #tpu.memory_space<vmem_shared>>) target(%arg10 : memref<128x64xf32, #tpu.memory_space<vmem>>) offsets(%dma_start3A_91 : memref<128xi32, #tpu.memory_space<vmem>>) semaphore(%arg12 : memref<!tpu.dma_semaphore, #tpu.memory_space<semaphore_mem>>)
      %run_scoped3A_95 = arith.constant 1 : i32
      "tpu.region"() ({
        %run_scoped3A_299 = tpu.sem_alloc : memref<!tpu.dma_semaphore, #tpu.memory_space<semaphore_mem>>
        %dma_start3A_300 = arith.constant 0 : i32
        %dma_start3A_301 = tpu.memref_slice %arg9[%run_scoped3A_95, %dma_start3A_300] : memref<16x128xi32, #tpu.memory_space<vmem>> -> memref<1x128xi32, #tpu.memory_space<vmem>>
        %dma_start3A_302 = tpu.memref_squeeze %dma_start3A_301 : memref<1x128xi32, #tpu.memory_space<vmem>> -> memref<128xi32, #tpu.memory_space<vmem>>
        %dma_start3A_303 = arith.constant 0 : i32
        %dma_start3A_304 = arith.constant 0 : i32
        %dma_start3A_305 = tpu.memref_slice %arg7[%dma_start3A_303, %dma_start3A_304] : memref<10016x64xf32, #tpu.memory_space<vmem_shared>> -> memref<10016x64xf32, #tpu.memory_space<vmem_shared>>
        tpu.enqueue_indirect_dma source(%arg11 : memref<128x64xf32, #tpu.memory_space<vmem>>) target(%dma_start3A_305 : memref<10016x64xf32, #tpu.memory_space<vmem_shared>>) offsets(%dma_start3A_302 : memref<128xi32, #tpu.memory_space<vmem>>) semaphore(%run_scoped3A_299 : memref<!tpu.dma_semaphore, #tpu.memory_space<semaphore_mem>>) {add = true}
        %dma_wait3A_306 = arith.constant 0 : i32
        %dma_wait3A_307 = tpu.memref_slice %arg9[%run_scoped3A_95, %dma_wait3A_306] : memref<16x128xi32, #tpu.memory_space<vmem>> -> memref<1x128xi32, #tpu.memory_space<vmem>>
        %dma_wait3A_308 = tpu.memref_squeeze %dma_wait3A_307 : memref<1x128xi32, #tpu.memory_space<vmem>> -> memref<128xi32, #tpu.memory_space<vmem>>
        %dma_wait3A_309 = arith.constant 0 : i32
        %dma_wait3A_310 = arith.constant 0 : i32
        %dma_wait3A_311 = tpu.memref_slice %arg7[%dma_wait3A_309, %dma_wait3A_310] : memref<10016x64xf32, #tpu.memory_space<vmem_shared>> -> memref<10016x64xf32, #tpu.memory_space<vmem_shared>>
        tpu.wait_indirect_dma semaphore(%run_scoped3A_299 : memref<!tpu.dma_semaphore, #tpu.memory_space<semaphore_mem>>) src(%arg11 : memref<128x64xf32, #tpu.memory_space<vmem>>) dst(%dma_wait3A_311 : memref<10016x64xf32, #tpu.memory_space<vmem_shared>>)
        tpu.yield
      }) : () -> ()
      %dma_wait3A_96 = arith.constant 2 : i32
      %dma_wait3A_97 = arith.constant 0 : i32
      %dma_wait3A_98 = tpu.memref_slice %arg8[%dma_wait3A_96, %dma_wait3A_97] : memref<16x128xi32, #tpu.memory_space<vmem>> -> memref<1x128xi32, #tpu.memory_space<vmem>>
      %dma_wait3A_99 = tpu.memref_squeeze %dma_wait3A_98 : memref<1x128xi32, #tpu.memory_space<vmem>> -> memref<128xi32, #tpu.memory_space<vmem>>
      %dma_wait3A_100 = arith.constant 0 : i32
      %dma_wait3A_101 = arith.constant 0 : i32
      %dma_wait3A_102 = tpu.memref_slice %arg6[%dma_wait3A_100, %dma_wait3A_101] : memref<10000x64xf32, #tpu.memory_space<vmem_shared>> -> memref<10000x64xf32, #tpu.memory_space<vmem_shared>>
      tpu.wait_indirect_dma semaphore(%arg12 : memref<!tpu.dma_semaphore, #tpu.memory_space<semaphore_mem>>) src(%dma_wait3A_102 : memref<10000x64xf32, #tpu.memory_space<vmem_shared>>) dst(%arg10 : memref<128x64xf32, #tpu.memory_space<vmem>>)
      %dma_start3A_103 = arith.constant 3 : i32
      %dma_start3A_104 = arith.constant 0 : i32
      %dma_start3A_105 = tpu.memref_slice %arg8[%dma_start3A_103, %dma_start3A_104] : memref<16x128xi32, #tpu.memory_space<vmem>> -> memref<1x128xi32, #tpu.memory_space<vmem>>
      %dma_start3A_106 = tpu.memref_squeeze %dma_start3A_105 : memref<1x128xi32, #tpu.memory_space<vmem>> -> memref<128xi32, #tpu.memory_space<vmem>>
      %dma_start3A_107 = arith.constant 0 : i32
      %dma_start3A_108 = arith.constant 0 : i32
      %dma_start3A_109 = tpu.memref_slice %arg6[%dma_start3A_107, %dma_start3A_108] : memref<10000x64xf32, #tpu.memory_space<vmem_shared>> -> memref<10000x64xf32, #tpu.memory_space<vmem_shared>>
      tpu.enqueue_indirect_dma source(%dma_start3A_109 : memref<10000x64xf32, #tpu.memory_space<vmem_shared>>) target(%arg11 : memref<128x64xf32, #tpu.memory_space<vmem>>) offsets(%dma_start3A_106 : memref<128xi32, #tpu.memory_space<vmem>>) semaphore(%arg13 : memref<!tpu.dma_semaphore, #tpu.memory_space<semaphore_mem>>)
      %run_scoped3A_110 = arith.constant 2 : i32
      "tpu.region"() ({
        %run_scoped3A_299 = tpu.sem_alloc : memref<!tpu.dma_semaphore, #tpu.memory_space<semaphore_mem>>
        %dma_start3A_300 = arith.constant 0 : i32
        %dma_start3A_301 = tpu.memref_slice %arg9[%run_scoped3A_110, %dma_start3A_300] : memref<16x128xi32, #tpu.memory_space<vmem>> -> memref<1x128xi32, #tpu.memory_space<vmem>>
        %dma_start3A_302 = tpu.memref_squeeze %dma_start3A_301 : memref<1x128xi32, #tpu.memory_space<vmem>> -> memref<128xi32, #tpu.memory_space<vmem>>
        %dma_start3A_303 = arith.constant 0 : i32
        %dma_start3A_304 = arith.constant 0 : i32
        %dma_start3A_305 = tpu.memref_slice %arg7[%dma_start3A_303, %dma_start3A_304] : memref<10016x64xf32, #tpu.memory_space<vmem_shared>> -> memref<10016x64xf32, #tpu.memory_space<vmem_shared>>
        tpu.enqueue_indirect_dma source(%arg10 : memref<128x64xf32, #tpu.memory_space<vmem>>) target(%dma_start3A_305 : memref<10016x64xf32, #tpu.memory_space<vmem_shared>>) offsets(%dma_start3A_302 : memref<128xi32, #tpu.memory_space<vmem>>) semaphore(%run_scoped3A_299 : memref<!tpu.dma_semaphore, #tpu.memory_space<semaphore_mem>>) {add = true}
        %dma_wait3A_306 = arith.constant 0 : i32
        %dma_wait3A_307 = tpu.memref_slice %arg9[%run_scoped3A_110, %dma_wait3A_306] : memref<16x128xi32, #tpu.memory_space<vmem>> -> memref<1x128xi32, #tpu.memory_space<vmem>>
        %dma_wait3A_308 = tpu.memref_squeeze %dma_wait3A_307 : memref<1x128xi32, #tpu.memory_space<vmem>> -> memref<128xi32, #tpu.memory_space<vmem>>
        %dma_wait3A_309 = arith.constant 0 : i32
        %dma_wait3A_310 = arith.constant 0 : i32
        %dma_wait3A_311 = tpu.memref_slice %arg7[%dma_wait3A_309, %dma_wait3A_310] : memref<10016x64xf32, #tpu.memory_space<vmem_shared>> -> memref<10016x64xf32, #tpu.memory_space<vmem_shared>>
        tpu.wait_indirect_dma semaphore(%run_scoped3A_299 : memref<!tpu.dma_semaphore, #tpu.memory_space<semaphore_mem>>) src(%arg10 : memref<128x64xf32, #tpu.memory_space<vmem>>) dst(%dma_wait3A_311 : memref<10016x64xf32, #tpu.memory_space<vmem_shared>>)
        tpu.yield
      }) : () -> ()
      %dma_wait3A_111 = arith.constant 3 : i32
      %dma_wait3A_112 = arith.constant 0 : i32
      %dma_wait3A_113 = tpu.memref_slice %arg8[%dma_wait3A_111, %dma_wait3A_112] : memref<16x128xi32, #tpu.memory_space<vmem>> -> memref<1x128xi32, #tpu.memory_space<vmem>>
      %dma_wait3A_114 = tpu.memref_squeeze %dma_wait3A_113 : memref<1x128xi32, #tpu.memory_space<vmem>> -> memref<128xi32, #tpu.memory_space<vmem>>
      %dma_wait3A_115 = arith.constant 0 : i32
      %dma_wait3A_116 = arith.constant 0 : i32
      %dma_wait3A_117 = tpu.memref_slice %arg6[%dma_wait3A_115, %dma_wait3A_116] : memref<10000x64xf32, #tpu.memory_space<vmem_shared>> -> memref<10000x64xf32, #tpu.memory_space<vmem_shared>>
      tpu.wait_indirect_dma semaphore(%arg13 : memref<!tpu.dma_semaphore, #tpu.memory_space<semaphore_mem>>) src(%dma_wait3A_117 : memref<10000x64xf32, #tpu.memory_space<vmem_shared>>) dst(%arg11 : memref<128x64xf32, #tpu.memory_space<vmem>>)
      %dma_start3A_118 = arith.constant 4 : i32
      %dma_start3A_119 = arith.constant 0 : i32
      %dma_start3A_120 = tpu.memref_slice %arg8[%dma_start3A_118, %dma_start3A_119] : memref<16x128xi32, #tpu.memory_space<vmem>> -> memref<1x128xi32, #tpu.memory_space<vmem>>
      %dma_start3A_121 = tpu.memref_squeeze %dma_start3A_120 : memref<1x128xi32, #tpu.memory_space<vmem>> -> memref<128xi32, #tpu.memory_space<vmem>>
      %dma_start3A_122 = arith.constant 0 : i32
      %dma_start3A_123 = arith.constant 0 : i32
      %dma_start3A_124 = tpu.memref_slice %arg6[%dma_start3A_122, %dma_start3A_123] : memref<10000x64xf32, #tpu.memory_space<vmem_shared>> -> memref<10000x64xf32, #tpu.memory_space<vmem_shared>>
      tpu.enqueue_indirect_dma source(%dma_start3A_124 : memref<10000x64xf32, #tpu.memory_space<vmem_shared>>) target(%arg10 : memref<128x64xf32, #tpu.memory_space<vmem>>) offsets(%dma_start3A_121 : memref<128xi32, #tpu.memory_space<vmem>>) semaphore(%arg12 : memref<!tpu.dma_semaphore, #tpu.memory_space<semaphore_mem>>)
      %run_scoped3A_125 = arith.constant 3 : i32
      "tpu.region"() ({
        %run_scoped3A_299 = tpu.sem_alloc : memref<!tpu.dma_semaphore, #tpu.memory_space<semaphore_mem>>
        %dma_start3A_300 = arith.constant 0 : i32
        %dma_start3A_301 = tpu.memref_slice %arg9[%run_scoped3A_125, %dma_start3A_300] : memref<16x128xi32, #tpu.memory_space<vmem>> -> memref<1x128xi32, #tpu.memory_space<vmem>>
        %dma_start3A_302 = tpu.memref_squeeze %dma_start3A_301 : memref<1x128xi32, #tpu.memory_space<vmem>> -> memref<128xi32, #tpu.memory_space<vmem>>
        %dma_start3A_303 = arith.constant 0 : i32
        %dma_start3A_304 = arith.constant 0 : i32
        %dma_start3A_305 = tpu.memref_slice %arg7[%dma_start3A_303, %dma_start3A_304] : memref<10016x64xf32, #tpu.memory_space<vmem_shared>> -> memref<10016x64xf32, #tpu.memory_space<vmem_shared>>
        tpu.enqueue_indirect_dma source(%arg11 : memref<128x64xf32, #tpu.memory_space<vmem>>) target(%dma_start3A_305 : memref<10016x64xf32, #tpu.memory_space<vmem_shared>>) offsets(%dma_start3A_302 : memref<128xi32, #tpu.memory_space<vmem>>) semaphore(%run_scoped3A_299 : memref<!tpu.dma_semaphore, #tpu.memory_space<semaphore_mem>>) {add = true}
        %dma_wait3A_306 = arith.constant 0 : i32
        %dma_wait3A_307 = tpu.memref_slice %arg9[%run_scoped3A_125, %dma_wait3A_306] : memref<16x128xi32, #tpu.memory_space<vmem>> -> memref<1x128xi32, #tpu.memory_space<vmem>>
        %dma_wait3A_308 = tpu.memref_squeeze %dma_wait3A_307 : memref<1x128xi32, #tpu.memory_space<vmem>> -> memref<128xi32, #tpu.memory_space<vmem>>
        %dma_wait3A_309 = arith.constant 0 : i32
        %dma_wait3A_310 = arith.constant 0 : i32
        %dma_wait3A_311 = tpu.memref_slice %arg7[%dma_wait3A_309, %dma_wait3A_310] : memref<10016x64xf32, #tpu.memory_space<vmem_shared>> -> memref<10016x64xf32, #tpu.memory_space<vmem_shared>>
        tpu.wait_indirect_dma semaphore(%run_scoped3A_299 : memref<!tpu.dma_semaphore, #tpu.memory_space<semaphore_mem>>) src(%arg11 : memref<128x64xf32, #tpu.memory_space<vmem>>) dst(%dma_wait3A_311 : memref<10016x64xf32, #tpu.memory_space<vmem_shared>>)
        tpu.yield
      }) : () -> ()
      %dma_wait3A_126 = arith.constant 4 : i32
      %dma_wait3A_127 = arith.constant 0 : i32
      %dma_wait3A_128 = tpu.memref_slice %arg8[%dma_wait3A_126, %dma_wait3A_127] : memref<16x128xi32, #tpu.memory_space<vmem>> -> memref<1x128xi32, #tpu.memory_space<vmem>>
      %dma_wait3A_129 = tpu.memref_squeeze %dma_wait3A_128 : memref<1x128xi32, #tpu.memory_space<vmem>> -> memref<128xi32, #tpu.memory_space<vmem>>
      %dma_wait3A_130 = arith.constant 0 : i32
      %dma_wait3A_131 = arith.constant 0 : i32
      %dma_wait3A_132 = tpu.memref_slice %arg6[%dma_wait3A_130, %dma_wait3A_131] : memref<10000x64xf32, #tpu.memory_space<vmem_shared>> -> memref<10000x64xf32, #tpu.memory_space<vmem_shared>>
      tpu.wait_indirect_dma semaphore(%arg12 : memref<!tpu.dma_semaphore, #tpu.memory_space<semaphore_mem>>) src(%dma_wait3A_132 : memref<10000x64xf32, #tpu.memory_space<vmem_shared>>) dst(%arg10 : memref<128x64xf32, #tpu.memory_space<vmem>>)
      %dma_start3A_133 = arith.constant 5 : i32
      %dma_start3A_134 = arith.constant 0 : i32
      %dma_start3A_135 = tpu.memref_slice %arg8[%dma_start3A_133, %dma_start3A_134] : memref<16x128xi32, #tpu.memory_space<vmem>> -> memref<1x128xi32, #tpu.memory_space<vmem>>
      %dma_start3A_136 = tpu.memref_squeeze %dma_start3A_135 : memref<1x128xi32, #tpu.memory_space<vmem>> -> memref<128xi32, #tpu.memory_space<vmem>>
      %dma_start3A_137 = arith.constant 0 : i32
      %dma_start3A_138 = arith.constant 0 : i32
      %dma_start3A_139 = tpu.memref_slice %arg6[%dma_start3A_137, %dma_start3A_138] : memref<10000x64xf32, #tpu.memory_space<vmem_shared>> -> memref<10000x64xf32, #tpu.memory_space<vmem_shared>>
      tpu.enqueue_indirect_dma source(%dma_start3A_139 : memref<10000x64xf32, #tpu.memory_space<vmem_shared>>) target(%arg11 : memref<128x64xf32, #tpu.memory_space<vmem>>) offsets(%dma_start3A_136 : memref<128xi32, #tpu.memory_space<vmem>>) semaphore(%arg13 : memref<!tpu.dma_semaphore, #tpu.memory_space<semaphore_mem>>)
      %run_scoped3A_140 = arith.constant 4 : i32
      "tpu.region"() ({
        %run_scoped3A_299 = tpu.sem_alloc : memref<!tpu.dma_semaphore, #tpu.memory_space<semaphore_mem>>
        %dma_start3A_300 = arith.constant 0 : i32
        %dma_start3A_301 = tpu.memref_slice %arg9[%run_scoped3A_140, %dma_start3A_300] : memref<16x128xi32, #tpu.memory_space<vmem>> -> memref<1x128xi32, #tpu.memory_space<vmem>>
        %dma_start3A_302 = tpu.memref_squeeze %dma_start3A_301 : memref<1x128xi32, #tpu.memory_space<vmem>> -> memref<128xi32, #tpu.memory_space<vmem>>
        %dma_start3A_303 = arith.constant 0 : i32
        %dma_start3A_304 = arith.constant 0 : i32
        %dma_start3A_305 = tpu.memref_slice %arg7[%dma_start3A_303, %dma_start3A_304] : memref<10016x64xf32, #tpu.memory_space<vmem_shared>> -> memref<10016x64xf32, #tpu.memory_space<vmem_shared>>
        tpu.enqueue_indirect_dma source(%arg10 : memref<128x64xf32, #tpu.memory_space<vmem>>) target(%dma_start3A_305 : memref<10016x64xf32, #tpu.memory_space<vmem_shared>>) offsets(%dma_start3A_302 : memref<128xi32, #tpu.memory_space<vmem>>) semaphore(%run_scoped3A_299 : memref<!tpu.dma_semaphore, #tpu.memory_space<semaphore_mem>>) {add = true}
        %dma_wait3A_306 = arith.constant 0 : i32
        %dma_wait3A_307 = tpu.memref_slice %arg9[%run_scoped3A_140, %dma_wait3A_306] : memref<16x128xi32, #tpu.memory_space<vmem>> -> memref<1x128xi32, #tpu.memory_space<vmem>>
        %dma_wait3A_308 = tpu.memref_squeeze %dma_wait3A_307 : memref<1x128xi32, #tpu.memory_space<vmem>> -> memref<128xi32, #tpu.memory_space<vmem>>
        %dma_wait3A_309 = arith.constant 0 : i32
        %dma_wait3A_310 = arith.constant 0 : i32
        %dma_wait3A_311 = tpu.memref_slice %arg7[%dma_wait3A_309, %dma_wait3A_310] : memref<10016x64xf32, #tpu.memory_space<vmem_shared>> -> memref<10016x64xf32, #tpu.memory_space<vmem_shared>>
        tpu.wait_indirect_dma semaphore(%run_scoped3A_299 : memref<!tpu.dma_semaphore, #tpu.memory_space<semaphore_mem>>) src(%arg10 : memref<128x64xf32, #tpu.memory_space<vmem>>) dst(%dma_wait3A_311 : memref<10016x64xf32, #tpu.memory_space<vmem_shared>>)
        tpu.yield
      }) : () -> ()
      %dma_wait3A_141 = arith.constant 5 : i32
      %dma_wait3A_142 = arith.constant 0 : i32
      %dma_wait3A_143 = tpu.memref_slice %arg8[%dma_wait3A_141, %dma_wait3A_142] : memref<16x128xi32, #tpu.memory_space<vmem>> -> memref<1x128xi32, #tpu.memory_space<vmem>>
      %dma_wait3A_144 = tpu.memref_squeeze %dma_wait3A_143 : memref<1x128xi32, #tpu.memory_space<vmem>> -> memref<128xi32, #tpu.memory_space<vmem>>
      %dma_wait3A_145 = arith.constant 0 : i32
      %dma_wait3A_146 = arith.constant 0 : i32
      %dma_wait3A_147 = tpu.memref_slice %arg6[%dma_wait3A_145, %dma_wait3A_146] : memref<10000x64xf32, #tpu.memory_space<vmem_shared>> -> memref<10000x64xf32, #tpu.memory_space<vmem_shared>>
      tpu.wait_indirect_dma semaphore(%arg13 : memref<!tpu.dma_semaphore, #tpu.memory_space<semaphore_mem>>) src(%dma_wait3A_147 : memref<10000x64xf32, #tpu.memory_space<vmem_shared>>) dst(%arg11 : memref<128x64xf32, #tpu.memory_space<vmem>>)
      %dma_start3A_148 = arith.constant 6 : i32
      %dma_start3A_149 = arith.constant 0 : i32
      %dma_start3A_150 = tpu.memref_slice %arg8[%dma_start3A_148, %dma_start3A_149] : memref<16x128xi32, #tpu.memory_space<vmem>> -> memref<1x128xi32, #tpu.memory_space<vmem>>
      %dma_start3A_151 = tpu.memref_squeeze %dma_start3A_150 : memref<1x128xi32, #tpu.memory_space<vmem>> -> memref<128xi32, #tpu.memory_space<vmem>>
      %dma_start3A_152 = arith.constant 0 : i32
      %dma_start3A_153 = arith.constant 0 : i32
      %dma_start3A_154 = tpu.memref_slice %arg6[%dma_start3A_152, %dma_start3A_153] : memref<10000x64xf32, #tpu.memory_space<vmem_shared>> -> memref<10000x64xf32, #tpu.memory_space<vmem_shared>>
      tpu.enqueue_indirect_dma source(%dma_start3A_154 : memref<10000x64xf32, #tpu.memory_space<vmem_shared>>) target(%arg10 : memref<128x64xf32, #tpu.memory_space<vmem>>) offsets(%dma_start3A_151 : memref<128xi32, #tpu.memory_space<vmem>>) semaphore(%arg12 : memref<!tpu.dma_semaphore, #tpu.memory_space<semaphore_mem>>)
      %run_scoped3A_155 = arith.constant 5 : i32
      "tpu.region"() ({
        %run_scoped3A_299 = tpu.sem_alloc : memref<!tpu.dma_semaphore, #tpu.memory_space<semaphore_mem>>
        %dma_start3A_300 = arith.constant 0 : i32
        %dma_start3A_301 = tpu.memref_slice %arg9[%run_scoped3A_155, %dma_start3A_300] : memref<16x128xi32, #tpu.memory_space<vmem>> -> memref<1x128xi32, #tpu.memory_space<vmem>>
        %dma_start3A_302 = tpu.memref_squeeze %dma_start3A_301 : memref<1x128xi32, #tpu.memory_space<vmem>> -> memref<128xi32, #tpu.memory_space<vmem>>
        %dma_start3A_303 = arith.constant 0 : i32
        %dma_start3A_304 = arith.constant 0 : i32
        %dma_start3A_305 = tpu.memref_slice %arg7[%dma_start3A_303, %dma_start3A_304] : memref<10016x64xf32, #tpu.memory_space<vmem_shared>> -> memref<10016x64xf32, #tpu.memory_space<vmem_shared>>
        tpu.enqueue_indirect_dma source(%arg11 : memref<128x64xf32, #tpu.memory_space<vmem>>) target(%dma_start3A_305 : memref<10016x64xf32, #tpu.memory_space<vmem_shared>>) offsets(%dma_start3A_302 : memref<128xi32, #tpu.memory_space<vmem>>) semaphore(%run_scoped3A_299 : memref<!tpu.dma_semaphore, #tpu.memory_space<semaphore_mem>>) {add = true}
        %dma_wait3A_306 = arith.constant 0 : i32
        %dma_wait3A_307 = tpu.memref_slice %arg9[%run_scoped3A_155, %dma_wait3A_306] : memref<16x128xi32, #tpu.memory_space<vmem>> -> memref<1x128xi32, #tpu.memory_space<vmem>>
        %dma_wait3A_308 = tpu.memref_squeeze %dma_wait3A_307 : memref<1x128xi32, #tpu.memory_space<vmem>> -> memref<128xi32, #tpu.memory_space<vmem>>
        %dma_wait3A_309 = arith.constant 0 : i32
        %dma_wait3A_310 = arith.constant 0 : i32
        %dma_wait3A_311 = tpu.memref_slice %arg7[%dma_wait3A_309, %dma_wait3A_310] : memref<10016x64xf32, #tpu.memory_space<vmem_shared>> -> memref<10016x64xf32, #tpu.memory_space<vmem_shared>>
        tpu.wait_indirect_dma semaphore(%run_scoped3A_299 : memref<!tpu.dma_semaphore, #tpu.memory_space<semaphore_mem>>) src(%arg11 : memref<128x64xf32, #tpu.memory_space<vmem>>) dst(%dma_wait3A_311 : memref<10016x64xf32, #tpu.memory_space<vmem_shared>>)
        tpu.yield
      }) : () -> ()
      %dma_wait3A_156 = arith.constant 6 : i32
      %dma_wait3A_157 = arith.constant 0 : i32
      %dma_wait3A_158 = tpu.memref_slice %arg8[%dma_wait3A_156, %dma_wait3A_157] : memref<16x128xi32, #tpu.memory_space<vmem>> -> memref<1x128xi32, #tpu.memory_space<vmem>>
      %dma_wait3A_159 = tpu.memref_squeeze %dma_wait3A_158 : memref<1x128xi32, #tpu.memory_space<vmem>> -> memref<128xi32, #tpu.memory_space<vmem>>
      %dma_wait3A_160 = arith.constant 0 : i32
      %dma_wait3A_161 = arith.constant 0 : i32
      %dma_wait3A_162 = tpu.memref_slice %arg6[%dma_wait3A_160, %dma_wait3A_161] : memref<10000x64xf32, #tpu.memory_space<vmem_shared>> -> memref<10000x64xf32, #tpu.memory_space<vmem_shared>>
      tpu.wait_indirect_dma semaphore(%arg12 : memref<!tpu.dma_semaphore, #tpu.memory_space<semaphore_mem>>) src(%dma_wait3A_162 : memref<10000x64xf32, #tpu.memory_space<vmem_shared>>) dst(%arg10 : memref<128x64xf32, #tpu.memory_space<vmem>>)
      %dma_start3A_163 = arith.constant 7 : i32
      %dma_start3A_164 = arith.constant 0 : i32
      %dma_start3A_165 = tpu.memref_slice %arg8[%dma_start3A_163, %dma_start3A_164] : memref<16x128xi32, #tpu.memory_space<vmem>> -> memref<1x128xi32, #tpu.memory_space<vmem>>
      %dma_start3A_166 = tpu.memref_squeeze %dma_start3A_165 : memref<1x128xi32, #tpu.memory_space<vmem>> -> memref<128xi32, #tpu.memory_space<vmem>>
      %dma_start3A_167 = arith.constant 0 : i32
      %dma_start3A_168 = arith.constant 0 : i32
      %dma_start3A_169 = tpu.memref_slice %arg6[%dma_start3A_167, %dma_start3A_168] : memref<10000x64xf32, #tpu.memory_space<vmem_shared>> -> memref<10000x64xf32, #tpu.memory_space<vmem_shared>>
      tpu.enqueue_indirect_dma source(%dma_start3A_169 : memref<10000x64xf32, #tpu.memory_space<vmem_shared>>) target(%arg11 : memref<128x64xf32, #tpu.memory_space<vmem>>) offsets(%dma_start3A_166 : memref<128xi32, #tpu.memory_space<vmem>>) semaphore(%arg13 : memref<!tpu.dma_semaphore, #tpu.memory_space<semaphore_mem>>)
      %run_scoped3A_170 = arith.constant 6 : i32
      "tpu.region"() ({
        %run_scoped3A_299 = tpu.sem_alloc : memref<!tpu.dma_semaphore, #tpu.memory_space<semaphore_mem>>
        %dma_start3A_300 = arith.constant 0 : i32
        %dma_start3A_301 = tpu.memref_slice %arg9[%run_scoped3A_170, %dma_start3A_300] : memref<16x128xi32, #tpu.memory_space<vmem>> -> memref<1x128xi32, #tpu.memory_space<vmem>>
        %dma_start3A_302 = tpu.memref_squeeze %dma_start3A_301 : memref<1x128xi32, #tpu.memory_space<vmem>> -> memref<128xi32, #tpu.memory_space<vmem>>
        %dma_start3A_303 = arith.constant 0 : i32
        %dma_start3A_304 = arith.constant 0 : i32
        %dma_start3A_305 = tpu.memref_slice %arg7[%dma_start3A_303, %dma_start3A_304] : memref<10016x64xf32, #tpu.memory_space<vmem_shared>> -> memref<10016x64xf32, #tpu.memory_space<vmem_shared>>
        tpu.enqueue_indirect_dma source(%arg10 : memref<128x64xf32, #tpu.memory_space<vmem>>) target(%dma_start3A_305 : memref<10016x64xf32, #tpu.memory_space<vmem_shared>>) offsets(%dma_start3A_302 : memref<128xi32, #tpu.memory_space<vmem>>) semaphore(%run_scoped3A_299 : memref<!tpu.dma_semaphore, #tpu.memory_space<semaphore_mem>>) {add = true}
        %dma_wait3A_306 = arith.constant 0 : i32
        %dma_wait3A_307 = tpu.memref_slice %arg9[%run_scoped3A_170, %dma_wait3A_306] : memref<16x128xi32, #tpu.memory_space<vmem>> -> memref<1x128xi32, #tpu.memory_space<vmem>>
        %dma_wait3A_308 = tpu.memref_squeeze %dma_wait3A_307 : memref<1x128xi32, #tpu.memory_space<vmem>> -> memref<128xi32, #tpu.memory_space<vmem>>
        %dma_wait3A_309 = arith.constant 0 : i32
        %dma_wait3A_310 = arith.constant 0 : i32
        %dma_wait3A_311 = tpu.memref_slice %arg7[%dma_wait3A_309, %dma_wait3A_310] : memref<10016x64xf32, #tpu.memory_space<vmem_shared>> -> memref<10016x64xf32, #tpu.memory_space<vmem_shared>>
        tpu.wait_indirect_dma semaphore(%run_scoped3A_299 : memref<!tpu.dma_semaphore, #tpu.memory_space<semaphore_mem>>) src(%arg10 : memref<128x64xf32, #tpu.memory_space<vmem>>) dst(%dma_wait3A_311 : memref<10016x64xf32, #tpu.memory_space<vmem_shared>>)
        tpu.yield
      }) : () -> ()
      %dma_wait3A_171 = arith.constant 7 : i32
      %dma_wait3A_172 = arith.constant 0 : i32
      %dma_wait3A_173 = tpu.memref_slice %arg8[%dma_wait3A_171, %dma_wait3A_172] : memref<16x128xi32, #tpu.memory_space<vmem>> -> memref<1x128xi32, #tpu.memory_space<vmem>>
      %dma_wait3A_174 = tpu.memref_squeeze %dma_wait3A_173 : memref<1x128xi32, #tpu.memory_space<vmem>> -> memref<128xi32, #tpu.memory_space<vmem>>
      %dma_wait3A_175 = arith.constant 0 : i32
      %dma_wait3A_176 = arith.constant 0 : i32
      %dma_wait3A_177 = tpu.memref_slice %arg6[%dma_wait3A_175, %dma_wait3A_176] : memref<10000x64xf32, #tpu.memory_space<vmem_shared>> -> memref<10000x64xf32, #tpu.memory_space<vmem_shared>>
      tpu.wait_indirect_dma semaphore(%arg13 : memref<!tpu.dma_semaphore, #tpu.memory_space<semaphore_mem>>) src(%dma_wait3A_177 : memref<10000x64xf32, #tpu.memory_space<vmem_shared>>) dst(%arg11 : memref<128x64xf32, #tpu.memory_space<vmem>>)
      %dma_start3A_178 = arith.constant 8 : i32
      %dma_start3A_179 = arith.constant 0 : i32
      %dma_start3A_180 = tpu.memref_slice %arg8[%dma_start3A_178, %dma_start3A_179] : memref<16x128xi32, #tpu.memory_space<vmem>> -> memref<1x128xi32, #tpu.memory_space<vmem>>
      %dma_start3A_181 = tpu.memref_squeeze %dma_start3A_180 : memref<1x128xi32, #tpu.memory_space<vmem>> -> memref<128xi32, #tpu.memory_space<vmem>>
      %dma_start3A_182 = arith.constant 0 : i32
      %dma_start3A_183 = arith.constant 0 : i32
      %dma_start3A_184 = tpu.memref_slice %arg6[%dma_start3A_182, %dma_start3A_183] : memref<10000x64xf32, #tpu.memory_space<vmem_shared>> -> memref<10000x64xf32, #tpu.memory_space<vmem_shared>>
      tpu.enqueue_indirect_dma source(%dma_start3A_184 : memref<10000x64xf32, #tpu.memory_space<vmem_shared>>) target(%arg10 : memref<128x64xf32, #tpu.memory_space<vmem>>) offsets(%dma_start3A_181 : memref<128xi32, #tpu.memory_space<vmem>>) semaphore(%arg12 : memref<!tpu.dma_semaphore, #tpu.memory_space<semaphore_mem>>)
      %run_scoped3A_185 = arith.constant 7 : i32
      "tpu.region"() ({
        %run_scoped3A_299 = tpu.sem_alloc : memref<!tpu.dma_semaphore, #tpu.memory_space<semaphore_mem>>
        %dma_start3A_300 = arith.constant 0 : i32
        %dma_start3A_301 = tpu.memref_slice %arg9[%run_scoped3A_185, %dma_start3A_300] : memref<16x128xi32, #tpu.memory_space<vmem>> -> memref<1x128xi32, #tpu.memory_space<vmem>>
        %dma_start3A_302 = tpu.memref_squeeze %dma_start3A_301 : memref<1x128xi32, #tpu.memory_space<vmem>> -> memref<128xi32, #tpu.memory_space<vmem>>
        %dma_start3A_303 = arith.constant 0 : i32
        %dma_start3A_304 = arith.constant 0 : i32
        %dma_start3A_305 = tpu.memref_slice %arg7[%dma_start3A_303, %dma_start3A_304] : memref<10016x64xf32, #tpu.memory_space<vmem_shared>> -> memref<10016x64xf32, #tpu.memory_space<vmem_shared>>
        tpu.enqueue_indirect_dma source(%arg11 : memref<128x64xf32, #tpu.memory_space<vmem>>) target(%dma_start3A_305 : memref<10016x64xf32, #tpu.memory_space<vmem_shared>>) offsets(%dma_start3A_302 : memref<128xi32, #tpu.memory_space<vmem>>) semaphore(%run_scoped3A_299 : memref<!tpu.dma_semaphore, #tpu.memory_space<semaphore_mem>>) {add = true}
        %dma_wait3A_306 = arith.constant 0 : i32
        %dma_wait3A_307 = tpu.memref_slice %arg9[%run_scoped3A_185, %dma_wait3A_306] : memref<16x128xi32, #tpu.memory_space<vmem>> -> memref<1x128xi32, #tpu.memory_space<vmem>>
        %dma_wait3A_308 = tpu.memref_squeeze %dma_wait3A_307 : memref<1x128xi32, #tpu.memory_space<vmem>> -> memref<128xi32, #tpu.memory_space<vmem>>
        %dma_wait3A_309 = arith.constant 0 : i32
        %dma_wait3A_310 = arith.constant 0 : i32
        %dma_wait3A_311 = tpu.memref_slice %arg7[%dma_wait3A_309, %dma_wait3A_310] : memref<10016x64xf32, #tpu.memory_space<vmem_shared>> -> memref<10016x64xf32, #tpu.memory_space<vmem_shared>>
        tpu.wait_indirect_dma semaphore(%run_scoped3A_299 : memref<!tpu.dma_semaphore, #tpu.memory_space<semaphore_mem>>) src(%arg11 : memref<128x64xf32, #tpu.memory_space<vmem>>) dst(%dma_wait3A_311 : memref<10016x64xf32, #tpu.memory_space<vmem_shared>>)
        tpu.yield
      }) : () -> ()
      %dma_wait3A_186 = arith.constant 8 : i32
      %dma_wait3A_187 = arith.constant 0 : i32
      %dma_wait3A_188 = tpu.memref_slice %arg8[%dma_wait3A_186, %dma_wait3A_187] : memref<16x128xi32, #tpu.memory_space<vmem>> -> memref<1x128xi32, #tpu.memory_space<vmem>>
      %dma_wait3A_189 = tpu.memref_squeeze %dma_wait3A_188 : memref<1x128xi32, #tpu.memory_space<vmem>> -> memref<128xi32, #tpu.memory_space<vmem>>
      %dma_wait3A_190 = arith.constant 0 : i32
      %dma_wait3A_191 = arith.constant 0 : i32
      %dma_wait3A_192 = tpu.memref_slice %arg6[%dma_wait3A_190, %dma_wait3A_191] : memref<10000x64xf32, #tpu.memory_space<vmem_shared>> -> memref<10000x64xf32, #tpu.memory_space<vmem_shared>>
      tpu.wait_indirect_dma semaphore(%arg12 : memref<!tpu.dma_semaphore, #tpu.memory_space<semaphore_mem>>) src(%dma_wait3A_192 : memref<10000x64xf32, #tpu.memory_space<vmem_shared>>) dst(%arg10 : memref<128x64xf32, #tpu.memory_space<vmem>>)
      %dma_start3A_193 = arith.constant 9 : i32
      %dma_start3A_194 = arith.constant 0 : i32
      %dma_start3A_195 = tpu.memref_slice %arg8[%dma_start3A_193, %dma_start3A_194] : memref<16x128xi32, #tpu.memory_space<vmem>> -> memref<1x128xi32, #tpu.memory_space<vmem>>
      %dma_start3A_196 = tpu.memref_squeeze %dma_start3A_195 : memref<1x128xi32, #tpu.memory_space<vmem>> -> memref<128xi32, #tpu.memory_space<vmem>>
      %dma_start3A_197 = arith.constant 0 : i32
      %dma_start3A_198 = arith.constant 0 : i32
      %dma_start3A_199 = tpu.memref_slice %arg6[%dma_start3A_197, %dma_start3A_198] : memref<10000x64xf32, #tpu.memory_space<vmem_shared>> -> memref<10000x64xf32, #tpu.memory_space<vmem_shared>>
      tpu.enqueue_indirect_dma source(%dma_start3A_199 : memref<10000x64xf32, #tpu.memory_space<vmem_shared>>) target(%arg11 : memref<128x64xf32, #tpu.memory_space<vmem>>) offsets(%dma_start3A_196 : memref<128xi32, #tpu.memory_space<vmem>>) semaphore(%arg13 : memref<!tpu.dma_semaphore, #tpu.memory_space<semaphore_mem>>)
      %run_scoped3A_200 = arith.constant 8 : i32
      "tpu.region"() ({
        %run_scoped3A_299 = tpu.sem_alloc : memref<!tpu.dma_semaphore, #tpu.memory_space<semaphore_mem>>
        %dma_start3A_300 = arith.constant 0 : i32
        %dma_start3A_301 = tpu.memref_slice %arg9[%run_scoped3A_200, %dma_start3A_300] : memref<16x128xi32, #tpu.memory_space<vmem>> -> memref<1x128xi32, #tpu.memory_space<vmem>>
        %dma_start3A_302 = tpu.memref_squeeze %dma_start3A_301 : memref<1x128xi32, #tpu.memory_space<vmem>> -> memref<128xi32, #tpu.memory_space<vmem>>
        %dma_start3A_303 = arith.constant 0 : i32
        %dma_start3A_304 = arith.constant 0 : i32
        %dma_start3A_305 = tpu.memref_slice %arg7[%dma_start3A_303, %dma_start3A_304] : memref<10016x64xf32, #tpu.memory_space<vmem_shared>> -> memref<10016x64xf32, #tpu.memory_space<vmem_shared>>
        tpu.enqueue_indirect_dma source(%arg10 : memref<128x64xf32, #tpu.memory_space<vmem>>) target(%dma_start3A_305 : memref<10016x64xf32, #tpu.memory_space<vmem_shared>>) offsets(%dma_start3A_302 : memref<128xi32, #tpu.memory_space<vmem>>) semaphore(%run_scoped3A_299 : memref<!tpu.dma_semaphore, #tpu.memory_space<semaphore_mem>>) {add = true}
        %dma_wait3A_306 = arith.constant 0 : i32
        %dma_wait3A_307 = tpu.memref_slice %arg9[%run_scoped3A_200, %dma_wait3A_306] : memref<16x128xi32, #tpu.memory_space<vmem>> -> memref<1x128xi32, #tpu.memory_space<vmem>>
        %dma_wait3A_308 = tpu.memref_squeeze %dma_wait3A_307 : memref<1x128xi32, #tpu.memory_space<vmem>> -> memref<128xi32, #tpu.memory_space<vmem>>
        %dma_wait3A_309 = arith.constant 0 : i32
        %dma_wait3A_310 = arith.constant 0 : i32
        %dma_wait3A_311 = tpu.memref_slice %arg7[%dma_wait3A_309, %dma_wait3A_310] : memref<10016x64xf32, #tpu.memory_space<vmem_shared>> -> memref<10016x64xf32, #tpu.memory_space<vmem_shared>>
        tpu.wait_indirect_dma semaphore(%run_scoped3A_299 : memref<!tpu.dma_semaphore, #tpu.memory_space<semaphore_mem>>) src(%arg10 : memref<128x64xf32, #tpu.memory_space<vmem>>) dst(%dma_wait3A_311 : memref<10016x64xf32, #tpu.memory_space<vmem_shared>>)
        tpu.yield
      }) : () -> ()
      %dma_wait3A_201 = arith.constant 9 : i32
      %dma_wait3A_202 = arith.constant 0 : i32
      %dma_wait3A_203 = tpu.memref_slice %arg8[%dma_wait3A_201, %dma_wait3A_202] : memref<16x128xi32, #tpu.memory_space<vmem>> -> memref<1x128xi32, #tpu.memory_space<vmem>>
      %dma_wait3A_204 = tpu.memref_squeeze %dma_wait3A_203 : memref<1x128xi32, #tpu.memory_space<vmem>> -> memref<128xi32, #tpu.memory_space<vmem>>
      %dma_wait3A_205 = arith.constant 0 : i32
      %dma_wait3A_206 = arith.constant 0 : i32
      %dma_wait3A_207 = tpu.memref_slice %arg6[%dma_wait3A_205, %dma_wait3A_206] : memref<10000x64xf32, #tpu.memory_space<vmem_shared>> -> memref<10000x64xf32, #tpu.memory_space<vmem_shared>>
      tpu.wait_indirect_dma semaphore(%arg13 : memref<!tpu.dma_semaphore, #tpu.memory_space<semaphore_mem>>) src(%dma_wait3A_207 : memref<10000x64xf32, #tpu.memory_space<vmem_shared>>) dst(%arg11 : memref<128x64xf32, #tpu.memory_space<vmem>>)
      %dma_start3A_208 = arith.constant 10 : i32
      %dma_start3A_209 = arith.constant 0 : i32
      %dma_start3A_210 = tpu.memref_slice %arg8[%dma_start3A_208, %dma_start3A_209] : memref<16x128xi32, #tpu.memory_space<vmem>> -> memref<1x128xi32, #tpu.memory_space<vmem>>
      %dma_start3A_211 = tpu.memref_squeeze %dma_start3A_210 : memref<1x128xi32, #tpu.memory_space<vmem>> -> memref<128xi32, #tpu.memory_space<vmem>>
      %dma_start3A_212 = arith.constant 0 : i32
      %dma_start3A_213 = arith.constant 0 : i32
      %dma_start3A_214 = tpu.memref_slice %arg6[%dma_start3A_212, %dma_start3A_213] : memref<10000x64xf32, #tpu.memory_space<vmem_shared>> -> memref<10000x64xf32, #tpu.memory_space<vmem_shared>>
      tpu.enqueue_indirect_dma source(%dma_start3A_214 : memref<10000x64xf32, #tpu.memory_space<vmem_shared>>) target(%arg10 : memref<128x64xf32, #tpu.memory_space<vmem>>) offsets(%dma_start3A_211 : memref<128xi32, #tpu.memory_space<vmem>>) semaphore(%arg12 : memref<!tpu.dma_semaphore, #tpu.memory_space<semaphore_mem>>)
      %run_scoped3A_215 = arith.constant 9 : i32
      "tpu.region"() ({
        %run_scoped3A_299 = tpu.sem_alloc : memref<!tpu.dma_semaphore, #tpu.memory_space<semaphore_mem>>
        %dma_start3A_300 = arith.constant 0 : i32
        %dma_start3A_301 = tpu.memref_slice %arg9[%run_scoped3A_215, %dma_start3A_300] : memref<16x128xi32, #tpu.memory_space<vmem>> -> memref<1x128xi32, #tpu.memory_space<vmem>>
        %dma_start3A_302 = tpu.memref_squeeze %dma_start3A_301 : memref<1x128xi32, #tpu.memory_space<vmem>> -> memref<128xi32, #tpu.memory_space<vmem>>
        %dma_start3A_303 = arith.constant 0 : i32
        %dma_start3A_304 = arith.constant 0 : i32
        %dma_start3A_305 = tpu.memref_slice %arg7[%dma_start3A_303, %dma_start3A_304] : memref<10016x64xf32, #tpu.memory_space<vmem_shared>> -> memref<10016x64xf32, #tpu.memory_space<vmem_shared>>
        tpu.enqueue_indirect_dma source(%arg11 : memref<128x64xf32, #tpu.memory_space<vmem>>) target(%dma_start3A_305 : memref<10016x64xf32, #tpu.memory_space<vmem_shared>>) offsets(%dma_start3A_302 : memref<128xi32, #tpu.memory_space<vmem>>) semaphore(%run_scoped3A_299 : memref<!tpu.dma_semaphore, #tpu.memory_space<semaphore_mem>>) {add = true}
        %dma_wait3A_306 = arith.constant 0 : i32
        %dma_wait3A_307 = tpu.memref_slice %arg9[%run_scoped3A_215, %dma_wait3A_306] : memref<16x128xi32, #tpu.memory_space<vmem>> -> memref<1x128xi32, #tpu.memory_space<vmem>>
        %dma_wait3A_308 = tpu.memref_squeeze %dma_wait3A_307 : memref<1x128xi32, #tpu.memory_space<vmem>> -> memref<128xi32, #tpu.memory_space<vmem>>
        %dma_wait3A_309 = arith.constant 0 : i32
        %dma_wait3A_310 = arith.constant 0 : i32
        %dma_wait3A_311 = tpu.memref_slice %arg7[%dma_wait3A_309, %dma_wait3A_310] : memref<10016x64xf32, #tpu.memory_space<vmem_shared>> -> memref<10016x64xf32, #tpu.memory_space<vmem_shared>>
        tpu.wait_indirect_dma semaphore(%run_scoped3A_299 : memref<!tpu.dma_semaphore, #tpu.memory_space<semaphore_mem>>) src(%arg11 : memref<128x64xf32, #tpu.memory_space<vmem>>) dst(%dma_wait3A_311 : memref<10016x64xf32, #tpu.memory_space<vmem_shared>>)
        tpu.yield
      }) : () -> ()
      %dma_wait3A_216 = arith.constant 10 : i32
      %dma_wait3A_217 = arith.constant 0 : i32
      %dma_wait3A_218 = tpu.memref_slice %arg8[%dma_wait3A_216, %dma_wait3A_217] : memref<16x128xi32, #tpu.memory_space<vmem>> -> memref<1x128xi32, #tpu.memory_space<vmem>>
      %dma_wait3A_219 = tpu.memref_squeeze %dma_wait3A_218 : memref<1x128xi32, #tpu.memory_space<vmem>> -> memref<128xi32, #tpu.memory_space<vmem>>
      %dma_wait3A_220 = arith.constant 0 : i32
      %dma_wait3A_221 = arith.constant 0 : i32
      %dma_wait3A_222 = tpu.memref_slice %arg6[%dma_wait3A_220, %dma_wait3A_221] : memref<10000x64xf32, #tpu.memory_space<vmem_shared>> -> memref<10000x64xf32, #tpu.memory_space<vmem_shared>>
      tpu.wait_indirect_dma semaphore(%arg12 : memref<!tpu.dma_semaphore, #tpu.memory_space<semaphore_mem>>) src(%dma_wait3A_222 : memref<10000x64xf32, #tpu.memory_space<vmem_shared>>) dst(%arg10 : memref<128x64xf32, #tpu.memory_space<vmem>>)
      %dma_start3A_223 = arith.constant 11 : i32
      %dma_start3A_224 = arith.constant 0 : i32
      %dma_start3A_225 = tpu.memref_slice %arg8[%dma_start3A_223, %dma_start3A_224] : memref<16x128xi32, #tpu.memory_space<vmem>> -> memref<1x128xi32, #tpu.memory_space<vmem>>
      %dma_start3A_226 = tpu.memref_squeeze %dma_start3A_225 : memref<1x128xi32, #tpu.memory_space<vmem>> -> memref<128xi32, #tpu.memory_space<vmem>>
      %dma_start3A_227 = arith.constant 0 : i32
      %dma_start3A_228 = arith.constant 0 : i32
      %dma_start3A_229 = tpu.memref_slice %arg6[%dma_start3A_227, %dma_start3A_228] : memref<10000x64xf32, #tpu.memory_space<vmem_shared>> -> memref<10000x64xf32, #tpu.memory_space<vmem_shared>>
      tpu.enqueue_indirect_dma source(%dma_start3A_229 : memref<10000x64xf32, #tpu.memory_space<vmem_shared>>) target(%arg11 : memref<128x64xf32, #tpu.memory_space<vmem>>) offsets(%dma_start3A_226 : memref<128xi32, #tpu.memory_space<vmem>>) semaphore(%arg13 : memref<!tpu.dma_semaphore, #tpu.memory_space<semaphore_mem>>)
      %run_scoped3A_230 = arith.constant 10 : i32
      "tpu.region"() ({
        %run_scoped3A_299 = tpu.sem_alloc : memref<!tpu.dma_semaphore, #tpu.memory_space<semaphore_mem>>
        %dma_start3A_300 = arith.constant 0 : i32
        %dma_start3A_301 = tpu.memref_slice %arg9[%run_scoped3A_230, %dma_start3A_300] : memref<16x128xi32, #tpu.memory_space<vmem>> -> memref<1x128xi32, #tpu.memory_space<vmem>>
        %dma_start3A_302 = tpu.memref_squeeze %dma_start3A_301 : memref<1x128xi32, #tpu.memory_space<vmem>> -> memref<128xi32, #tpu.memory_space<vmem>>
        %dma_start3A_303 = arith.constant 0 : i32
        %dma_start3A_304 = arith.constant 0 : i32
        %dma_start3A_305 = tpu.memref_slice %arg7[%dma_start3A_303, %dma_start3A_304] : memref<10016x64xf32, #tpu.memory_space<vmem_shared>> -> memref<10016x64xf32, #tpu.memory_space<vmem_shared>>
        tpu.enqueue_indirect_dma source(%arg10 : memref<128x64xf32, #tpu.memory_space<vmem>>) target(%dma_start3A_305 : memref<10016x64xf32, #tpu.memory_space<vmem_shared>>) offsets(%dma_start3A_302 : memref<128xi32, #tpu.memory_space<vmem>>) semaphore(%run_scoped3A_299 : memref<!tpu.dma_semaphore, #tpu.memory_space<semaphore_mem>>) {add = true}
        %dma_wait3A_306 = arith.constant 0 : i32
        %dma_wait3A_307 = tpu.memref_slice %arg9[%run_scoped3A_230, %dma_wait3A_306] : memref<16x128xi32, #tpu.memory_space<vmem>> -> memref<1x128xi32, #tpu.memory_space<vmem>>
        %dma_wait3A_308 = tpu.memref_squeeze %dma_wait3A_307 : memref<1x128xi32, #tpu.memory_space<vmem>> -> memref<128xi32, #tpu.memory_space<vmem>>
        %dma_wait3A_309 = arith.constant 0 : i32
        %dma_wait3A_310 = arith.constant 0 : i32
        %dma_wait3A_311 = tpu.memref_slice %arg7[%dma_wait3A_309, %dma_wait3A_310] : memref<10016x64xf32, #tpu.memory_space<vmem_shared>> -> memref<10016x64xf32, #tpu.memory_space<vmem_shared>>
        tpu.wait_indirect_dma semaphore(%run_scoped3A_299 : memref<!tpu.dma_semaphore, #tpu.memory_space<semaphore_mem>>) src(%arg10 : memref<128x64xf32, #tpu.memory_space<vmem>>) dst(%dma_wait3A_311 : memref<10016x64xf32, #tpu.memory_space<vmem_shared>>)
        tpu.yield
      }) : () -> ()
      %dma_wait3A_231 = arith.constant 11 : i32
      %dma_wait3A_232 = arith.constant 0 : i32
      %dma_wait3A_233 = tpu.memref_slice %arg8[%dma_wait3A_231, %dma_wait3A_232] : memref<16x128xi32, #tpu.memory_space<vmem>> -> memref<1x128xi32, #tpu.memory_space<vmem>>
      %dma_wait3A_234 = tpu.memref_squeeze %dma_wait3A_233 : memref<1x128xi32, #tpu.memory_space<vmem>> -> memref<128xi32, #tpu.memory_space<vmem>>
      %dma_wait3A_235 = arith.constant 0 : i32
      %dma_wait3A_236 = arith.constant 0 : i32
      %dma_wait3A_237 = tpu.memref_slice %arg6[%dma_wait3A_235, %dma_wait3A_236] : memref<10000x64xf32, #tpu.memory_space<vmem_shared>> -> memref<10000x64xf32, #tpu.memory_space<vmem_shared>>
      tpu.wait_indirect_dma semaphore(%arg13 : memref<!tpu.dma_semaphore, #tpu.memory_space<semaphore_mem>>) src(%dma_wait3A_237 : memref<10000x64xf32, #tpu.memory_space<vmem_shared>>) dst(%arg11 : memref<128x64xf32, #tpu.memory_space<vmem>>)
      %dma_start3A_238 = arith.constant 12 : i32
      %dma_start3A_239 = arith.constant 0 : i32
      %dma_start3A_240 = tpu.memref_slice %arg8[%dma_start3A_238, %dma_start3A_239] : memref<16x128xi32, #tpu.memory_space<vmem>> -> memref<1x128xi32, #tpu.memory_space<vmem>>
      %dma_start3A_241 = tpu.memref_squeeze %dma_start3A_240 : memref<1x128xi32, #tpu.memory_space<vmem>> -> memref<128xi32, #tpu.memory_space<vmem>>
      %dma_start3A_242 = arith.constant 0 : i32
      %dma_start3A_243 = arith.constant 0 : i32
      %dma_start3A_244 = tpu.memref_slice %arg6[%dma_start3A_242, %dma_start3A_243] : memref<10000x64xf32, #tpu.memory_space<vmem_shared>> -> memref<10000x64xf32, #tpu.memory_space<vmem_shared>>
      tpu.enqueue_indirect_dma source(%dma_start3A_244 : memref<10000x64xf32, #tpu.memory_space<vmem_shared>>) target(%arg10 : memref<128x64xf32, #tpu.memory_space<vmem>>) offsets(%dma_start3A_241 : memref<128xi32, #tpu.memory_space<vmem>>) semaphore(%arg12 : memref<!tpu.dma_semaphore, #tpu.memory_space<semaphore_mem>>)
      %run_scoped3A_245 = arith.constant 11 : i32
      "tpu.region"() ({
        %run_scoped3A_299 = tpu.sem_alloc : memref<!tpu.dma_semaphore, #tpu.memory_space<semaphore_mem>>
        %dma_start3A_300 = arith.constant 0 : i32
        %dma_start3A_301 = tpu.memref_slice %arg9[%run_scoped3A_245, %dma_start3A_300] : memref<16x128xi32, #tpu.memory_space<vmem>> -> memref<1x128xi32, #tpu.memory_space<vmem>>
        %dma_start3A_302 = tpu.memref_squeeze %dma_start3A_301 : memref<1x128xi32, #tpu.memory_space<vmem>> -> memref<128xi32, #tpu.memory_space<vmem>>
        %dma_start3A_303 = arith.constant 0 : i32
        %dma_start3A_304 = arith.constant 0 : i32
        %dma_start3A_305 = tpu.memref_slice %arg7[%dma_start3A_303, %dma_start3A_304] : memref<10016x64xf32, #tpu.memory_space<vmem_shared>> -> memref<10016x64xf32, #tpu.memory_space<vmem_shared>>
        tpu.enqueue_indirect_dma source(%arg11 : memref<128x64xf32, #tpu.memory_space<vmem>>) target(%dma_start3A_305 : memref<10016x64xf32, #tpu.memory_space<vmem_shared>>) offsets(%dma_start3A_302 : memref<128xi32, #tpu.memory_space<vmem>>) semaphore(%run_scoped3A_299 : memref<!tpu.dma_semaphore, #tpu.memory_space<semaphore_mem>>) {add = true}
        %dma_wait3A_306 = arith.constant 0 : i32
        %dma_wait3A_307 = tpu.memref_slice %arg9[%run_scoped3A_245, %dma_wait3A_306] : memref<16x128xi32, #tpu.memory_space<vmem>> -> memref<1x128xi32, #tpu.memory_space<vmem>>
        %dma_wait3A_308 = tpu.memref_squeeze %dma_wait3A_307 : memref<1x128xi32, #tpu.memory_space<vmem>> -> memref<128xi32, #tpu.memory_space<vmem>>
        %dma_wait3A_309 = arith.constant 0 : i32
        %dma_wait3A_310 = arith.constant 0 : i32
        %dma_wait3A_311 = tpu.memref_slice %arg7[%dma_wait3A_309, %dma_wait3A_310] : memref<10016x64xf32, #tpu.memory_space<vmem_shared>> -> memref<10016x64xf32, #tpu.memory_space<vmem_shared>>
        tpu.wait_indirect_dma semaphore(%run_scoped3A_299 : memref<!tpu.dma_semaphore, #tpu.memory_space<semaphore_mem>>) src(%arg11 : memref<128x64xf32, #tpu.memory_space<vmem>>) dst(%dma_wait3A_311 : memref<10016x64xf32, #tpu.memory_space<vmem_shared>>)
        tpu.yield
      }) : () -> ()
      %dma_wait3A_246 = arith.constant 12 : i32
      %dma_wait3A_247 = arith.constant 0 : i32
      %dma_wait3A_248 = tpu.memref_slice %arg8[%dma_wait3A_246, %dma_wait3A_247] : memref<16x128xi32, #tpu.memory_space<vmem>> -> memref<1x128xi32, #tpu.memory_space<vmem>>
      %dma_wait3A_249 = tpu.memref_squeeze %dma_wait3A_248 : memref<1x128xi32, #tpu.memory_space<vmem>> -> memref<128xi32, #tpu.memory_space<vmem>>
      %dma_wait3A_250 = arith.constant 0 : i32
      %dma_wait3A_251 = arith.constant 0 : i32
      %dma_wait3A_252 = tpu.memref_slice %arg6[%dma_wait3A_250, %dma_wait3A_251] : memref<10000x64xf32, #tpu.memory_space<vmem_shared>> -> memref<10000x64xf32, #tpu.memory_space<vmem_shared>>
      tpu.wait_indirect_dma semaphore(%arg12 : memref<!tpu.dma_semaphore, #tpu.memory_space<semaphore_mem>>) src(%dma_wait3A_252 : memref<10000x64xf32, #tpu.memory_space<vmem_shared>>) dst(%arg10 : memref<128x64xf32, #tpu.memory_space<vmem>>)
      %dma_start3A_253 = arith.constant 13 : i32
      %dma_start3A_254 = arith.constant 0 : i32
      %dma_start3A_255 = tpu.memref_slice %arg8[%dma_start3A_253, %dma_start3A_254] : memref<16x128xi32, #tpu.memory_space<vmem>> -> memref<1x128xi32, #tpu.memory_space<vmem>>
      %dma_start3A_256 = tpu.memref_squeeze %dma_start3A_255 : memref<1x128xi32, #tpu.memory_space<vmem>> -> memref<128xi32, #tpu.memory_space<vmem>>
      %dma_start3A_257 = arith.constant 0 : i32
      %dma_start3A_258 = arith.constant 0 : i32
      %dma_start3A_259 = tpu.memref_slice %arg6[%dma_start3A_257, %dma_start3A_258] : memref<10000x64xf32, #tpu.memory_space<vmem_shared>> -> memref<10000x64xf32, #tpu.memory_space<vmem_shared>>
      tpu.enqueue_indirect_dma source(%dma_start3A_259 : memref<10000x64xf32, #tpu.memory_space<vmem_shared>>) target(%arg11 : memref<128x64xf32, #tpu.memory_space<vmem>>) offsets(%dma_start3A_256 : memref<128xi32, #tpu.memory_space<vmem>>) semaphore(%arg13 : memref<!tpu.dma_semaphore, #tpu.memory_space<semaphore_mem>>)
      %run_scoped3A_260 = arith.constant 12 : i32
      "tpu.region"() ({
        %run_scoped3A_299 = tpu.sem_alloc : memref<!tpu.dma_semaphore, #tpu.memory_space<semaphore_mem>>
        %dma_start3A_300 = arith.constant 0 : i32
        %dma_start3A_301 = tpu.memref_slice %arg9[%run_scoped3A_260, %dma_start3A_300] : memref<16x128xi32, #tpu.memory_space<vmem>> -> memref<1x128xi32, #tpu.memory_space<vmem>>
        %dma_start3A_302 = tpu.memref_squeeze %dma_start3A_301 : memref<1x128xi32, #tpu.memory_space<vmem>> -> memref<128xi32, #tpu.memory_space<vmem>>
        %dma_start3A_303 = arith.constant 0 : i32
        %dma_start3A_304 = arith.constant 0 : i32
        %dma_start3A_305 = tpu.memref_slice %arg7[%dma_start3A_303, %dma_start3A_304] : memref<10016x64xf32, #tpu.memory_space<vmem_shared>> -> memref<10016x64xf32, #tpu.memory_space<vmem_shared>>
        tpu.enqueue_indirect_dma source(%arg10 : memref<128x64xf32, #tpu.memory_space<vmem>>) target(%dma_start3A_305 : memref<10016x64xf32, #tpu.memory_space<vmem_shared>>) offsets(%dma_start3A_302 : memref<128xi32, #tpu.memory_space<vmem>>) semaphore(%run_scoped3A_299 : memref<!tpu.dma_semaphore, #tpu.memory_space<semaphore_mem>>) {add = true}
        %dma_wait3A_306 = arith.constant 0 : i32
        %dma_wait3A_307 = tpu.memref_slice %arg9[%run_scoped3A_260, %dma_wait3A_306] : memref<16x128xi32, #tpu.memory_space<vmem>> -> memref<1x128xi32, #tpu.memory_space<vmem>>
        %dma_wait3A_308 = tpu.memref_squeeze %dma_wait3A_307 : memref<1x128xi32, #tpu.memory_space<vmem>> -> memref<128xi32, #tpu.memory_space<vmem>>
        %dma_wait3A_309 = arith.constant 0 : i32
        %dma_wait3A_310 = arith.constant 0 : i32
        %dma_wait3A_311 = tpu.memref_slice %arg7[%dma_wait3A_309, %dma_wait3A_310] : memref<10016x64xf32, #tpu.memory_space<vmem_shared>> -> memref<10016x64xf32, #tpu.memory_space<vmem_shared>>
        tpu.wait_indirect_dma semaphore(%run_scoped3A_299 : memref<!tpu.dma_semaphore, #tpu.memory_space<semaphore_mem>>) src(%arg10 : memref<128x64xf32, #tpu.memory_space<vmem>>) dst(%dma_wait3A_311 : memref<10016x64xf32, #tpu.memory_space<vmem_shared>>)
        tpu.yield
      }) : () -> ()
      %dma_wait3A_261 = arith.constant 13 : i32
      %dma_wait3A_262 = arith.constant 0 : i32
      %dma_wait3A_263 = tpu.memref_slice %arg8[%dma_wait3A_261, %dma_wait3A_262] : memref<16x128xi32, #tpu.memory_space<vmem>> -> memref<1x128xi32, #tpu.memory_space<vmem>>
      %dma_wait3A_264 = tpu.memref_squeeze %dma_wait3A_263 : memref<1x128xi32, #tpu.memory_space<vmem>> -> memref<128xi32, #tpu.memory_space<vmem>>
      %dma_wait3A_265 = arith.constant 0 : i32
      %dma_wait3A_266 = arith.constant 0 : i32
      %dma_wait3A_267 = tpu.memref_slice %arg6[%dma_wait3A_265, %dma_wait3A_266] : memref<10000x64xf32, #tpu.memory_space<vmem_shared>> -> memref<10000x64xf32, #tpu.memory_space<vmem_shared>>
      tpu.wait_indirect_dma semaphore(%arg13 : memref<!tpu.dma_semaphore, #tpu.memory_space<semaphore_mem>>) src(%dma_wait3A_267 : memref<10000x64xf32, #tpu.memory_space<vmem_shared>>) dst(%arg11 : memref<128x64xf32, #tpu.memory_space<vmem>>)
      %dma_start3A_268 = arith.constant 14 : i32
      %dma_start3A_269 = arith.constant 0 : i32
      %dma_start3A_270 = tpu.memref_slice %arg8[%dma_start3A_268, %dma_start3A_269] : memref<16x128xi32, #tpu.memory_space<vmem>> -> memref<1x128xi32, #tpu.memory_space<vmem>>
      %dma_start3A_271 = tpu.memref_squeeze %dma_start3A_270 : memref<1x128xi32, #tpu.memory_space<vmem>> -> memref<128xi32, #tpu.memory_space<vmem>>
      %dma_start3A_272 = arith.constant 0 : i32
      %dma_start3A_273 = arith.constant 0 : i32
      %dma_start3A_274 = tpu.memref_slice %arg6[%dma_start3A_272, %dma_start3A_273] : memref<10000x64xf32, #tpu.memory_space<vmem_shared>> -> memref<10000x64xf32, #tpu.memory_space<vmem_shared>>
      tpu.enqueue_indirect_dma source(%dma_start3A_274 : memref<10000x64xf32, #tpu.memory_space<vmem_shared>>) target(%arg10 : memref<128x64xf32, #tpu.memory_space<vmem>>) offsets(%dma_start3A_271 : memref<128xi32, #tpu.memory_space<vmem>>) semaphore(%arg12 : memref<!tpu.dma_semaphore, #tpu.memory_space<semaphore_mem>>)
      %run_scoped3A_275 = arith.constant 13 : i32
      "tpu.region"() ({
        %run_scoped3A_299 = tpu.sem_alloc : memref<!tpu.dma_semaphore, #tpu.memory_space<semaphore_mem>>
        %dma_start3A_300 = arith.constant 0 : i32
        %dma_start3A_301 = tpu.memref_slice %arg9[%run_scoped3A_275, %dma_start3A_300] : memref<16x128xi32, #tpu.memory_space<vmem>> -> memref<1x128xi32, #tpu.memory_space<vmem>>
        %dma_start3A_302 = tpu.memref_squeeze %dma_start3A_301 : memref<1x128xi32, #tpu.memory_space<vmem>> -> memref<128xi32, #tpu.memory_space<vmem>>
        %dma_start3A_303 = arith.constant 0 : i32
        %dma_start3A_304 = arith.constant 0 : i32
        %dma_start3A_305 = tpu.memref_slice %arg7[%dma_start3A_303, %dma_start3A_304] : memref<10016x64xf32, #tpu.memory_space<vmem_shared>> -> memref<10016x64xf32, #tpu.memory_space<vmem_shared>>
        tpu.enqueue_indirect_dma source(%arg11 : memref<128x64xf32, #tpu.memory_space<vmem>>) target(%dma_start3A_305 : memref<10016x64xf32, #tpu.memory_space<vmem_shared>>) offsets(%dma_start3A_302 : memref<128xi32, #tpu.memory_space<vmem>>) semaphore(%run_scoped3A_299 : memref<!tpu.dma_semaphore, #tpu.memory_space<semaphore_mem>>) {add = true}
        %dma_wait3A_306 = arith.constant 0 : i32
        %dma_wait3A_307 = tpu.memref_slice %arg9[%run_scoped3A_275, %dma_wait3A_306] : memref<16x128xi32, #tpu.memory_space<vmem>> -> memref<1x128xi32, #tpu.memory_space<vmem>>
        %dma_wait3A_308 = tpu.memref_squeeze %dma_wait3A_307 : memref<1x128xi32, #tpu.memory_space<vmem>> -> memref<128xi32, #tpu.memory_space<vmem>>
        %dma_wait3A_309 = arith.constant 0 : i32
        %dma_wait3A_310 = arith.constant 0 : i32
        %dma_wait3A_311 = tpu.memref_slice %arg7[%dma_wait3A_309, %dma_wait3A_310] : memref<10016x64xf32, #tpu.memory_space<vmem_shared>> -> memref<10016x64xf32, #tpu.memory_space<vmem_shared>>
        tpu.wait_indirect_dma semaphore(%run_scoped3A_299 : memref<!tpu.dma_semaphore, #tpu.memory_space<semaphore_mem>>) src(%arg11 : memref<128x64xf32, #tpu.memory_space<vmem>>) dst(%dma_wait3A_311 : memref<10016x64xf32, #tpu.memory_space<vmem_shared>>)
        tpu.yield
      }) : () -> ()
      %dma_wait3A_276 = arith.constant 14 : i32
      %dma_wait3A_277 = arith.constant 0 : i32
      %dma_wait3A_278 = tpu.memref_slice %arg8[%dma_wait3A_276, %dma_wait3A_277] : memref<16x128xi32, #tpu.memory_space<vmem>> -> memref<1x128xi32, #tpu.memory_space<vmem>>
      %dma_wait3A_279 = tpu.memref_squeeze %dma_wait3A_278 : memref<1x128xi32, #tpu.memory_space<vmem>> -> memref<128xi32, #tpu.memory_space<vmem>>
      %dma_wait3A_280 = arith.constant 0 : i32
      %dma_wait3A_281 = arith.constant 0 : i32
      %dma_wait3A_282 = tpu.memref_slice %arg6[%dma_wait3A_280, %dma_wait3A_281] : memref<10000x64xf32, #tpu.memory_space<vmem_shared>> -> memref<10000x64xf32, #tpu.memory_space<vmem_shared>>
      tpu.wait_indirect_dma semaphore(%arg12 : memref<!tpu.dma_semaphore, #tpu.memory_space<semaphore_mem>>) src(%dma_wait3A_282 : memref<10000x64xf32, #tpu.memory_space<vmem_shared>>) dst(%arg10 : memref<128x64xf32, #tpu.memory_space<vmem>>)
      %dma_start3A_283 = arith.constant 15 : i32
      %dma_start3A_284 = arith.constant 0 : i32
      %dma_start3A_285 = tpu.memref_slice %arg8[%dma_start3A_283, %dma_start3A_284] : memref<16x128xi32, #tpu.memory_space<vmem>> -> memref<1x128xi32, #tpu.memory_space<vmem>>
      %dma_start3A_286 = tpu.memref_squeeze %dma_start3A_285 : memref<1x128xi32, #tpu.memory_space<vmem>> -> memref<128xi32, #tpu.memory_space<vmem>>
      %dma_start3A_287 = arith.constant 0 : i32
      %dma_start3A_288 = arith.constant 0 : i32
      %dma_start3A_289 = tpu.memref_slice %arg6[%dma_start3A_287, %dma_start3A_288] : memref<10000x64xf32, #tpu.memory_space<vmem_shared>> -> memref<10000x64xf32, #tpu.memory_space<vmem_shared>>
      tpu.enqueue_indirect_dma source(%dma_start3A_289 : memref<10000x64xf32, #tpu.memory_space<vmem_shared>>) target(%arg11 : memref<128x64xf32, #tpu.memory_space<vmem>>) offsets(%dma_start3A_286 : memref<128xi32, #tpu.memory_space<vmem>>) semaphore(%arg13 : memref<!tpu.dma_semaphore, #tpu.memory_space<semaphore_mem>>)
      %run_scoped3A_290 = arith.constant 14 : i32
      "tpu.region"() ({
        %run_scoped3A_299 = tpu.sem_alloc : memref<!tpu.dma_semaphore, #tpu.memory_space<semaphore_mem>>
        %dma_start3A_300 = arith.constant 0 : i32
        %dma_start3A_301 = tpu.memref_slice %arg9[%run_scoped3A_290, %dma_start3A_300] : memref<16x128xi32, #tpu.memory_space<vmem>> -> memref<1x128xi32, #tpu.memory_space<vmem>>
        %dma_start3A_302 = tpu.memref_squeeze %dma_start3A_301 : memref<1x128xi32, #tpu.memory_space<vmem>> -> memref<128xi32, #tpu.memory_space<vmem>>
        %dma_start3A_303 = arith.constant 0 : i32
        %dma_start3A_304 = arith.constant 0 : i32
        %dma_start3A_305 = tpu.memref_slice %arg7[%dma_start3A_303, %dma_start3A_304] : memref<10016x64xf32, #tpu.memory_space<vmem_shared>> -> memref<10016x64xf32, #tpu.memory_space<vmem_shared>>
        tpu.enqueue_indirect_dma source(%arg10 : memref<128x64xf32, #tpu.memory_space<vmem>>) target(%dma_start3A_305 : memref<10016x64xf32, #tpu.memory_space<vmem_shared>>) offsets(%dma_start3A_302 : memref<128xi32, #tpu.memory_space<vmem>>) semaphore(%run_scoped3A_299 : memref<!tpu.dma_semaphore, #tpu.memory_space<semaphore_mem>>) {add = true}
        %dma_wait3A_306 = arith.constant 0 : i32
        %dma_wait3A_307 = tpu.memref_slice %arg9[%run_scoped3A_290, %dma_wait3A_306] : memref<16x128xi32, #tpu.memory_space<vmem>> -> memref<1x128xi32, #tpu.memory_space<vmem>>
        %dma_wait3A_308 = tpu.memref_squeeze %dma_wait3A_307 : memref<1x128xi32, #tpu.memory_space<vmem>> -> memref<128xi32, #tpu.memory_space<vmem>>
        %dma_wait3A_309 = arith.constant 0 : i32
        %dma_wait3A_310 = arith.constant 0 : i32
        %dma_wait3A_311 = tpu.memref_slice %arg7[%dma_wait3A_309, %dma_wait3A_310] : memref<10016x64xf32, #tpu.memory_space<vmem_shared>> -> memref<10016x64xf32, #tpu.memory_space<vmem_shared>>
        tpu.wait_indirect_dma semaphore(%run_scoped3A_299 : memref<!tpu.dma_semaphore, #tpu.memory_space<semaphore_mem>>) src(%arg10 : memref<128x64xf32, #tpu.memory_space<vmem>>) dst(%dma_wait3A_311 : memref<10016x64xf32, #tpu.memory_space<vmem_shared>>)
        tpu.yield
      }) : () -> ()
      %dma_wait3A_291 = arith.constant 15 : i32
      %dma_wait3A_292 = arith.constant 0 : i32
      %dma_wait3A_293 = tpu.memref_slice %arg8[%dma_wait3A_291, %dma_wait3A_292] : memref<16x128xi32, #tpu.memory_space<vmem>> -> memref<1x128xi32, #tpu.memory_space<vmem>>
      %dma_wait3A_294 = tpu.memref_squeeze %dma_wait3A_293 : memref<1x128xi32, #tpu.memory_space<vmem>> -> memref<128xi32, #tpu.memory_space<vmem>>
      %dma_wait3A_295 = arith.constant 0 : i32
      %dma_wait3A_296 = arith.constant 0 : i32
      %dma_wait3A_297 = tpu.memref_slice %arg6[%dma_wait3A_295, %dma_wait3A_296] : memref<10000x64xf32, #tpu.memory_space<vmem_shared>> -> memref<10000x64xf32, #tpu.memory_space<vmem_shared>>
      tpu.wait_indirect_dma semaphore(%arg13 : memref<!tpu.dma_semaphore, #tpu.memory_space<semaphore_mem>>) src(%dma_wait3A_297 : memref<10000x64xf32, #tpu.memory_space<vmem_shared>>) dst(%arg11 : memref<128x64xf32, #tpu.memory_space<vmem>>)
      %run_scoped3A_298 = arith.constant 15 : i32
      "tpu.region"() ({
        %run_scoped3A_299 = tpu.sem_alloc : memref<!tpu.dma_semaphore, #tpu.memory_space<semaphore_mem>>
        %dma_start3A_300 = arith.constant 0 : i32
        %dma_start3A_301 = tpu.memref_slice %arg9[%run_scoped3A_298, %dma_start3A_300] : memref<16x128xi32, #tpu.memory_space<vmem>> -> memref<1x128xi32, #tpu.memory_space<vmem>>
        %dma_start3A_302 = tpu.memref_squeeze %dma_start3A_301 : memref<1x128xi32, #tpu.memory_space<vmem>> -> memref<128xi32, #tpu.memory_space<vmem>>
        %dma_start3A_303 = arith.constant 0 : i32
        %dma_start3A_304 = arith.constant 0 : i32
        %dma_start3A_305 = tpu.memref_slice %arg7[%dma_start3A_303, %dma_start3A_304] : memref<10016x64xf32, #tpu.memory_space<vmem_shared>> -> memref<10016x64xf32, #tpu.memory_space<vmem_shared>>
        tpu.enqueue_indirect_dma source(%arg11 : memref<128x64xf32, #tpu.memory_space<vmem>>) target(%dma_start3A_305 : memref<10016x64xf32, #tpu.memory_space<vmem_shared>>) offsets(%dma_start3A_302 : memref<128xi32, #tpu.memory_space<vmem>>) semaphore(%run_scoped3A_299 : memref<!tpu.dma_semaphore, #tpu.memory_space<semaphore_mem>>) {add = true}
        %dma_wait3A_306 = arith.constant 0 : i32
        %dma_wait3A_307 = tpu.memref_slice %arg9[%run_scoped3A_298, %dma_wait3A_306] : memref<16x128xi32, #tpu.memory_space<vmem>> -> memref<1x128xi32, #tpu.memory_space<vmem>>
        %dma_wait3A_308 = tpu.memref_squeeze %dma_wait3A_307 : memref<1x128xi32, #tpu.memory_space<vmem>> -> memref<128xi32, #tpu.memory_space<vmem>>
        %dma_wait3A_309 = arith.constant 0 : i32
        %dma_wait3A_310 = arith.constant 0 : i32
        %dma_wait3A_311 = tpu.memref_slice %arg7[%dma_wait3A_309, %dma_wait3A_310] : memref<10016x64xf32, #tpu.memory_space<vmem_shared>> -> memref<10016x64xf32, #tpu.memory_space<vmem_shared>>
        tpu.wait_indirect_dma semaphore(%run_scoped3A_299 : memref<!tpu.dma_semaphore, #tpu.memory_space<semaphore_mem>>) src(%arg11 : memref<128x64xf32, #tpu.memory_space<vmem>>) dst(%dma_wait3A_311 : memref<10016x64xf32, #tpu.memory_space<vmem_shared>>)
        tpu.yield
      }) : () -> ()
    }
    %scan3A_45 = arith.constant 10 : i32
    %barrier3A_46 = arith.constant 0 : index
    tpu.barrier barrier_id(%barrier3A_46)
    %mul3A_47 = arith.constant 624 : i32
    %mul3A_48 = arith.muli %arg1, %mul3A_47 : i32
    %multiple_of3A_49 = tpu.assume_multiple %mul3A_48, 8 : i32
    "tpu.region"() ({
      %run_scoped3A = tpu.sem_alloc : memref<!tpu.dma_semaphore, #tpu.memory_space<semaphore_mem>>
      %dma_start3A = arith.constant 0 : i32
      %dma_start3A_55 = tpu.memref_slice %arg5[%arg0, %multiple_of3A_49, %dma_start3A] : memref<2x10000x64xf32, #tpu.memory_space<hbm>> -> memref<1x624x64xf32, #tpu.memory_space<hbm>>
      %dma_start3A_56 = tpu.memref_squeeze %dma_start3A_55 : memref<1x624x64xf32, #tpu.memory_space<hbm>> -> memref<624x64xf32, #tpu.memory_space<hbm>>
      %dma_start3A_57 = arith.constant 0 : i32
      %dma_start3A_58 = tpu.memref_slice %arg7[%multiple_of3A_49, %dma_start3A_57] : memref<10016x64xf32, #tpu.memory_space<vmem_shared>> -> memref<624x64xf32, #tpu.memory_space<vmem_shared>>
      tpu.enqueue_dma source(%dma_start3A_58 : memref<624x64xf32, #tpu.memory_space<vmem_shared>>) target(%dma_start3A_56 : memref<624x64xf32, #tpu.memory_space<hbm>>) target_semaphore(%run_scoped3A : memref<!tpu.dma_semaphore, #tpu.memory_space<semaphore_mem>>)
      %dma_wait3A = arith.constant 0 : i32
      %dma_wait3A_59 = tpu.memref_slice %arg5[%arg0, %multiple_of3A_49, %dma_wait3A] : memref<2x10000x64xf32, #tpu.memory_space<hbm>> -> memref<1x624x64xf32, #tpu.memory_space<hbm>>
      %dma_wait3A_60 = tpu.memref_squeeze %dma_wait3A_59 : memref<1x624x64xf32, #tpu.memory_space<hbm>> -> memref<624x64xf32, #tpu.memory_space<hbm>>
      %dma_wait3A_61 = arith.constant 0 : i32
      %dma_wait3A_62 = tpu.memref_slice %arg7[%multiple_of3A_49, %dma_wait3A_61] : memref<10016x64xf32, #tpu.memory_space<vmem_shared>> -> memref<624x64xf32, #tpu.memory_space<vmem_shared>>
      tpu.wait_dma2 semaphore(%run_scoped3A : memref<!tpu.dma_semaphore, #tpu.memory_space<semaphore_mem>>) src(%dma_wait3A_62 : memref<624x64xf32, #tpu.memory_space<vmem_shared>>) dst(%dma_wait3A_60 : memref<624x64xf32, #tpu.memory_space<hbm>>)
      tpu.yield
    }) : () -> ()
    %eq3A_50 = arith.constant 15 : i32
    %eq3A_51 = arith.cmpi eq, %arg1, %eq3A_50 : i32
    %convert_element_type3A_52 = arith.extui %eq3A_51 : i1 to i32
    %cond3A_53 = arith.constant 0 : i32
    %cond3A_54 = arith.cmpi ne, %convert_element_type3A_52, %cond3A_53 : i32
    scf.if %cond3A_54 {
      "tpu.region"() ({
        %run_scoped3A = tpu.sem_alloc : memref<!tpu.dma_semaphore, #tpu.memory_space<semaphore_mem>>
        %dma_start3A = arith.constant 9984 : i32
        %dma_start3A_55 = arith.constant 0 : i32
        %dma_start3A_56 = tpu.memref_slice %arg5[%arg0, %dma_start3A, %dma_start3A_55] : memref<2x10000x64xf32, #tpu.memory_space<hbm>> -> memref<1x16x64xf32, #tpu.memory_space<hbm>>
        %dma_start3A_57 = tpu.memref_squeeze %dma_start3A_56 : memref<1x16x64xf32, #tpu.memory_space<hbm>> -> memref<16x64xf32, #tpu.memory_space<hbm>>
        %dma_start3A_58 = arith.constant 9984 : i32
        %dma_start3A_59 = arith.constant 0 : i32
        %dma_start3A_60 = tpu.memref_slice %arg7[%dma_start3A_58, %dma_start3A_59] : memref<10016x64xf32, #tpu.memory_space<vmem_shared>> -> memref<16x64xf32, #tpu.memory_space<vmem_shared>>
        tpu.enqueue_dma source(%dma_start3A_60 : memref<16x64xf32, #tpu.memory_space<vmem_shared>>) target(%dma_start3A_57 : memref<16x64xf32, #tpu.memory_space<hbm>>) target_semaphore(%run_scoped3A : memref<!tpu.dma_semaphore, #tpu.memory_space<semaphore_mem>>)
        %dma_wait3A = arith.constant 9984 : i32
        %dma_wait3A_61 = arith.constant 0 : i32
        %dma_wait3A_62 = tpu.memref_slice %arg5[%arg0, %dma_wait3A, %dma_wait3A_61] : memref<2x10000x64xf32, #tpu.memory_space<hbm>> -> memref<1x16x64xf32, #tpu.memory_space<hbm>>
        %dma_wait3A_63 = tpu.memref_squeeze %dma_wait3A_62 : memref<1x16x64xf32, #tpu.memory_space<hbm>> -> memref<16x64xf32, #tpu.memory_space<hbm>>
        %dma_wait3A_64 = arith.constant 9984 : i32
        %dma_wait3A_65 = arith.constant 0 : i32
        %dma_wait3A_66 = tpu.memref_slice %arg7[%dma_wait3A_64, %dma_wait3A_65] : memref<10016x64xf32, #tpu.memory_space<vmem_shared>> -> memref<16x64xf32, #tpu.memory_space<vmem_shared>>
        tpu.wait_dma2 semaphore(%run_scoped3A : memref<!tpu.dma_semaphore, #tpu.memory_space<semaphore_mem>>) src(%dma_wait3A_66 : memref<16x64xf32, #tpu.memory_space<vmem_shared>>) dst(%dma_wait3A_63 : memref<16x64xf32, #tpu.memory_space<hbm>>)
        tpu.yield
      }) : () -> ()
    } else {
    }
    return
  }
}

#map = affine_map<(d0, d1) -> (0, 0, 0)>
#map1 = affine_map<(d0, d1) -> (0, 0)>
module attributes {stable_mosaic.version = 14 : i64} {
  func.func @body(%arg0: i32, %arg1: i32, %arg2: memref<2x10000x64xf32, #tpu.memory_space<hbm>>, %arg3: memref<2560x128xi32, #tpu.memory_space<hbm>>, %arg4: memref<2560x128xi32, #tpu.memory_space<hbm>>, %arg5: memref<2x10000x64xf32, #tpu.memory_space<hbm>>, %arg6: memref<10000x64xf32, #tpu.memory_space<vmem_shared>>, %arg7: memref<10016x64xf32, #tpu.memory_space<vmem_shared>>, %arg8: memref<16x128xi32, #tpu.memory_space<vmem>>, %arg9: memref<16x128xi32, #tpu.memory_space<vmem>>, %arg10: memref<128x64xf32, #tpu.memory_space<vmem>>, %arg11: memref<128x64xf32, #tpu.memory_space<vmem>>, %arg12: memref<!tpu.dma_semaphore, #tpu.memory_space<semaphore_mem>>, %arg13: memref<!tpu.dma_semaphore, #tpu.memory_space<semaphore_mem>>) attributes {dimension_semantics = [#tpu.dimension_semantics<core_parallel>, #tpu.dimension_semantics<subcore_parallel>], iteration_bounds = array<i64: 2, 16>, scalar_prefetch = 0 : i64, scratch_operands = 8 : i64, tpu.core_type = #tpu.core_type<sc_vector_subcore>, window_params = [{transform_indices = #map}, {transform_indices = #map1}, {transform_indices = #map1}, {transform_indices = #map}]} {
    %mul3A = arith.constant 16 : i32
    %mul3A_0 = arith.muli %arg0, %mul3A : i32
    %add3A = arith.addi %mul3A_0, %arg1 : i32
    %broadcast_in_dim3A = arith.constant 0.000000e+00 : f32
    %broadcast_in_dim3A_1 = vector.broadcast %broadcast_in_dim3A : f32 to vector<16xf32>
    %scan3A = arith.constant 0 : i32
    %scan3A_2 = arith.constant 0 : i32
    %scan3A_3 = arith.constant 128 : i32
    %scan3A_4 = arith.addi %scan3A_2, %scan3A_3 : i32
    %scan3A_5 = arith.constant 1 : i32
    scf.for %scan3A_55 = %scan3A_2 to %scan3A_4 step %scan3A_5  : i32 {
      %swap3A = arith.index_cast %scan3A_55 : i32 to index
      %swap3A_56 = arith.constant 0 : index
      %swap3A_57 = tpu.vector_load %arg10[%swap3A, %swap3A_56] {strides = array<i32>} : memref<128x64xf32, #tpu.memory_space<vmem>>, vector<1x16xf32>,
      %swap3A_58 = vector.shape_cast %swap3A_57 : vector<1x16xf32> to vector<16xf32>
      %swap3A_59 = vector.shape_cast %broadcast_in_dim3A_1 : vector<16xf32> to vector<1x16xf32>
      tpu.vector_store %arg10[%swap3A, %swap3A_56], %swap3A_59 {strides = array<i32>} : memref<128x64xf32, #tpu.memory_space<vmem>>, vector<1x16xf32>,
      %swap3A_60 = arith.index_cast %scan3A_55 : i32 to index
      %swap3A_61 = arith.constant 16 : index
      %swap3A_62 = tpu.vector_load %arg10[%swap3A_60, %swap3A_61] {strides = array<i32>} : memref<128x64xf32, #tpu.memory_space<vmem>>, vector<1x16xf32>,
      %swap3A_63 = vector.shape_cast %swap3A_62 : vector<1x16xf32> to vector<16xf32>
      %swap3A_64 = vector.shape_cast %broadcast_in_dim3A_1 : vector<16xf32> to vector<1x16xf32>
      tpu.vector_store %arg10[%swap3A_60, %swap3A_61], %swap3A_64 {strides = array<i32>} : memref<128x64xf32, #tpu.memory_space<vmem>>, vector<1x16xf32>,
      %swap3A_65 = arith.index_cast %scan3A_55 : i32 to index
      %swap3A_66 = arith.constant 32 : index
      %swap3A_67 = tpu.vector_load %arg10[%swap3A_65, %swap3A_66] {strides = array<i32>} : memref<128x64xf32, #tpu.memory_space<vmem>>, vector<1x16xf32>,
      %swap3A_68 = vector.shape_cast %swap3A_67 : vector<1x16xf32> to vector<16xf32>
      %swap3A_69 = vector.shape_cast %broadcast_in_dim3A_1 : vector<16xf32> to vector<1x16xf32>
      tpu.vector_store %arg10[%swap3A_65, %swap3A_66], %swap3A_69 {strides = array<i32>} : memref<128x64xf32, #tpu.memory_space<vmem>>, vector<1x16xf32>,
      %swap3A_70 = arith.index_cast %scan3A_55 : i32 to index
      %swap3A_71 = arith.constant 48 : index
      %swap3A_72 = tpu.vector_load %arg10[%swap3A_70, %swap3A_71] {strides = array<i32>} : memref<128x64xf32, #tpu.memory_space<vmem>>, vector<1x16xf32>,
      %swap3A_73 = vector.shape_cast %swap3A_72 : vector<1x16xf32> to vector<16xf32>
      %swap3A_74 = vector.shape_cast %broadcast_in_dim3A_1 : vector<16xf32> to vector<1x16xf32>
      tpu.vector_store %arg10[%swap3A_70, %swap3A_71], %swap3A_74 {strides = array<i32>} : memref<128x64xf32, #tpu.memory_space<vmem>>, vector<1x16xf32>,
    }
    %scan3A_6 = arith.constant 128 : i32
    %add3A_7 = arith.constant 0 : i32
    %add3A_8 = arith.addi %add3A_7, %arg1 : i32
    %mul3A_9 = arith.constant 128 : i32
    %mul3A_10 = arith.muli %add3A_8, %mul3A_9 : i32
    %min3A = arith.constant 9888 : i32
    %min3A_11 = arith.minsi %mul3A_10, %min3A : i32
    "tpu.region"() ({
      %run_scoped3A = tpu.sem_alloc : memref<!tpu.dma_semaphore, #tpu.memory_space<semaphore_mem>>
      %dma_start3A = arith.constant 0 : i32
      %dma_start3A_55 = tpu.memref_slice %arg7[%min3A_11, %dma_start3A] : memref<10016x64xf32, #tpu.memory_space<vmem_shared>> -> memref<128x64xf32, #tpu.memory_space<vmem_shared>>
      %dma_start3A_56 = arith.constant 0 : i32
      %dma_start3A_57 = tpu.memref_slice %arg7[%min3A_11, %dma_start3A_56] : memref<10016x64xf32, #tpu.memory_space<vmem_shared>> -> memref<128x64xf32, #tpu.memory_space<vmem_shared>>
      tpu.enqueue_dma source(%arg10 : memref<128x64xf32, #tpu.memory_space<vmem>>) target(%dma_start3A_57 : memref<128x64xf32, #tpu.memory_space<vmem_shared>>) target_semaphore(%run_scoped3A : memref<!tpu.dma_semaphore, #tpu.memory_space<semaphore_mem>>)
      %dma_wait3A = arith.constant 0 : i32
      %dma_wait3A_58 = tpu.memref_slice %arg7[%min3A_11, %dma_wait3A] : memref<10016x64xf32, #tpu.memory_space<vmem_shared>> -> memref<128x64xf32, #tpu.memory_space<vmem_shared>>
      %dma_wait3A_59 = arith.constant 0 : i32
      %dma_wait3A_60 = tpu.memref_slice %arg7[%min3A_11, %dma_wait3A_59] : memref<10016x64xf32, #tpu.memory_space<vmem_shared>> -> memref<128x64xf32, #tpu.memory_space<vmem_shared>>
      tpu.wait_dma2 semaphore(%run_scoped3A : memref<!tpu.dma_semaphore, #tpu.memory_space<semaphore_mem>>) src(%arg10 : memref<128x64xf32, #tpu.memory_space<vmem>>) dst(%dma_wait3A_60 : memref<128x64xf32, #tpu.memory_space<vmem_shared>>)
      tpu.yield
    }) : () -> ()
    %add3A_12 = arith.constant 16 : i32
    %add3A_13 = arith.addi %add3A_12, %arg1 : i32
    %mul3A_14 = arith.constant 128 : i32
    %mul3A_15 = arith.muli %add3A_13, %mul3A_14 : i32
    %min3A_16 = arith.constant 9888 : i32
    %min3A_17 = arith.minsi %mul3A_15, %min3A_16 : i32
    "tpu.region"() ({
      %run_scoped3A = tpu.sem_alloc : memref<!tpu.dma_semaphore, #tpu.memory_space<semaphore_mem>>
      %dma_start3A = arith.constant 0 : i32
      %dma_start3A_55 = tpu.memref_slice %arg7[%min3A_17, %dma_start3A] : memref<10016x64xf32, #tpu.memory_space<vmem_shared>> -> memref<128x64xf32, #tpu.memory_space<vmem_shared>>
      %dma_start3A_56 = arith.constant 0 : i32
      %dma_start3A_57 = tpu.memref_slice %arg7[%min3A_17, %dma_start3A_56] : memref<10016x64xf32, #tpu.memory_space<vmem_shared>> -> memref<128x64xf32, #tpu.memory_space<vmem_shared>>
      tpu.enqueue_dma source(%arg10 : memref<128x64xf32, #tpu.memory_space<vmem>>) target(%dma_start3A_57 : memref<128x64xf32, #tpu.memory_space<vmem_shared>>) target_semaphore(%run_scoped3A : memref<!tpu.dma_semaphore, #tpu.memory_space<semaphore_mem>>)
      %dma_wait3A = arith.constant 0 : i32
      %dma_wait3A_58 = tpu.memref_slice %arg7[%min3A_17, %dma_wait3A] : memref<10016x64xf32, #tpu.memory_space<vmem_shared>> -> memref<128x64xf32, #tpu.memory_space<vmem_shared>>
      %dma_wait3A_59 = arith.constant 0 : i32
      %dma_wait3A_60 = tpu.memref_slice %arg7[%min3A_17, %dma_wait3A_59] : memref<10016x64xf32, #tpu.memory_space<vmem_shared>> -> memref<128x64xf32, #tpu.memory_space<vmem_shared>>
      tpu.wait_dma2 semaphore(%run_scoped3A : memref<!tpu.dma_semaphore, #tpu.memory_space<semaphore_mem>>) src(%arg10 : memref<128x64xf32, #tpu.memory_space<vmem>>) dst(%dma_wait3A_60 : memref<128x64xf32, #tpu.memory_space<vmem_shared>>)
      tpu.yield
    }) : () -> ()
    %add3A_18 = arith.constant 32 : i32
    %add3A_19 = arith.addi %add3A_18, %arg1 : i32
    %mul3A_20 = arith.constant 128 : i32
    %mul3A_21 = arith.muli %add3A_19, %mul3A_20 : i32
    %min3A_22 = arith.constant 9888 : i32
    %min3A_23 = arith.minsi %mul3A_21, %min3A_22 : i32
    "tpu.region"() ({
      %run_scoped3A = tpu.sem_alloc : memref<!tpu.dma_semaphore, #tpu.memory_space<semaphore_mem>>
      %dma_start3A = arith.constant 0 : i32
      %dma_start3A_55 = tpu.memref_slice %arg7[%min3A_23, %dma_start3A] : memref<10016x64xf32, #tpu.memory_space<vmem_shared>> -> memref<128x64xf32, #tpu.memory_space<vmem_shared>>
      %dma_start3A_56 = arith.constant 0 : i32
      %dma_start3A_57 = tpu.memref_slice %arg7[%min3A_23, %dma_start3A_56] : memref<10016x64xf32, #tpu.memory_space<vmem_shared>> -> memref<128x64xf32, #tpu.memory_space<vmem_shared>>
      tpu.enqueue_dma source(%arg10 : memref<128x64xf32, #tpu.memory_space<vmem>>) target(%dma_start3A_57 : memref<128x64xf32, #tpu.memory_space<vmem_shared>>) target_semaphore(%run_scoped3A : memref<!tpu.dma_semaphore, #tpu.memory_space<semaphore_mem>>)
      %dma_wait3A = arith.constant 0 : i32
      %dma_wait3A_58 = tpu.memref_slice %arg7[%min3A_23, %dma_wait3A] : memref<10016x64xf32, #tpu.memory_space<vmem_shared>> -> memref<128x64xf32, #tpu.memory_space<vmem_shared>>
      %dma_wait3A_59 = arith.constant 0 : i32
      %dma_wait3A_60 = tpu.memref_slice %arg7[%min3A_23, %dma_wait3A_59] : memref<10016x64xf32, #tpu.memory_space<vmem_shared>> -> memref<128x64xf32, #tpu.memory_space<vmem_shared>>
      tpu.wait_dma2 semaphore(%run_scoped3A : memref<!tpu.dma_semaphore, #tpu.memory_space<semaphore_mem>>) src(%arg10 : memref<128x64xf32, #tpu.memory_space<vmem>>) dst(%dma_wait3A_60 : memref<128x64xf32, #tpu.memory_space<vmem_shared>>)
      tpu.yield
    }) : () -> ()
    %add3A_24 = arith.constant 48 : i32
    %add3A_25 = arith.addi %add3A_24, %arg1 : i32
    %mul3A_26 = arith.constant 128 : i32
    %mul3A_27 = arith.muli %add3A_25, %mul3A_26 : i32
    %min3A_28 = arith.constant 9888 : i32
    %min3A_29 = arith.minsi %mul3A_27, %min3A_28 : i32
    "tpu.region"() ({
      %run_scoped3A = tpu.sem_alloc : memref<!tpu.dma_semaphore, #tpu.memory_space<semaphore_mem>>
      %dma_start3A = arith.constant 0 : i32
      %dma_start3A_55 = tpu.memref_slice %arg7[%min3A_29, %dma_start3A] : memref<10016x64xf32, #tpu.memory_space<vmem_shared>> -> memref<128x64xf32, #tpu.memory_space<vmem_shared>>
      %dma_start3A_56 = arith.constant 0 : i32
      %dma_start3A_57 = tpu.memref_slice %arg7[%min3A_29, %dma_start3A_56] : memref<10016x64xf32, #tpu.memory_space<vmem_shared>> -> memref<128x64xf32, #tpu.memory_space<vmem_shared>>
      tpu.enqueue_dma source(%arg10 : memref<128x64xf32, #tpu.memory_space<vmem>>) target(%dma_start3A_57 : memref<128x64xf32, #tpu.memory_space<vmem_shared>>) target_semaphore(%run_scoped3A : memref<!tpu.dma_semaphore, #tpu.memory_space<semaphore_mem>>)
      %dma_wait3A = arith.constant 0 : i32
      %dma_wait3A_58 = tpu.memref_slice %arg7[%min3A_29, %dma_wait3A] : memref<10016x64xf32, #tpu.memory_space<vmem_shared>> -> memref<128x64xf32, #tpu.memory_space<vmem_shared>>
      %dma_wait3A_59 = arith.constant 0 : i32
      %dma_wait3A_60 = tpu.memref_slice %arg7[%min3A_29, %dma_wait3A_59] : memref<10016x64xf32, #tpu.memory_space<vmem_shared>> -> memref<128x64xf32, #tpu.memory_space<vmem_shared>>
      tpu.wait_dma2 semaphore(%run_scoped3A : memref<!tpu.dma_semaphore, #tpu.memory_space<semaphore_mem>>) src(%arg10 : memref<128x64xf32, #tpu.memory_space<vmem>>) dst(%dma_wait3A_60 : memref<128x64xf32, #tpu.memory_space<vmem_shared>>)
      tpu.yield
    }) : () -> ()
    %add3A_30 = arith.constant 64 : i32
    %add3A_31 = arith.addi %add3A_30, %arg1 : i32
    %mul3A_32 = arith.constant 128 : i32
    %mul3A_33 = arith.muli %add3A_31, %mul3A_32 : i32
    %min3A_34 = arith.constant 9888 : i32
    %min3A_35 = arith.minsi %mul3A_33, %min3A_34 : i32
    "tpu.region"() ({
      %run_scoped3A = tpu.sem_alloc : memref<!tpu.dma_semaphore, #tpu.memory_space<semaphore_mem>>
      %dma_start3A = arith.constant 0 : i32
      %dma_start3A_55 = tpu.memref_slice %arg7[%min3A_35, %dma_start3A] : memref<10016x64xf32, #tpu.memory_space<vmem_shared>> -> memref<128x64xf32, #tpu.memory_space<vmem_shared>>
      %dma_start3A_56 = arith.constant 0 : i32
      %dma_start3A_57 = tpu.memref_slice %arg7[%min3A_35, %dma_start3A_56] : memref<10016x64xf32, #tpu.memory_space<vmem_shared>> -> memref<128x64xf32, #tpu.memory_space<vmem_shared>>
      tpu.enqueue_dma source(%arg10 : memref<128x64xf32, #tpu.memory_space<vmem>>) target(%dma_start3A_57 : memref<128x64xf32, #tpu.memory_space<vmem_shared>>) target_semaphore(%run_scoped3A : memref<!tpu.dma_semaphore, #tpu.memory_space<semaphore_mem>>)
      %dma_wait3A = arith.constant 0 : i32
      %dma_wait3A_58 = tpu.memref_slice %arg7[%min3A_35, %dma_wait3A] : memref<10016x64xf32, #tpu.memory_space<vmem_shared>> -> memref<128x64xf32, #tpu.memory_space<vmem_shared>>
      %dma_wait3A_59 = arith.constant 0 : i32
      %dma_wait3A_60 = tpu.memref_slice %arg7[%min3A_35, %dma_wait3A_59] : memref<10016x64xf32, #tpu.memory_space<vmem_shared>> -> memref<128x64xf32, #tpu.memory_space<vmem_shared>>
      tpu.wait_dma2 semaphore(%run_scoped3A : memref<!tpu.dma_semaphore, #tpu.memory_space<semaphore_mem>>) src(%arg10 : memref<128x64xf32, #tpu.memory_space<vmem>>) dst(%dma_wait3A_60 : memref<128x64xf32, #tpu.memory_space<vmem_shared>>)
      tpu.yield
    }) : () -> ()
    %mul3A_36 = arith.constant 624 : i32
    %mul3A_37 = arith.muli %arg1, %mul3A_36 : i32
    %multiple_of3A = tpu.assume_multiple %mul3A_37, 8 : i32
    "tpu.region"() ({
      %run_scoped3A = tpu.sem_alloc : memref<!tpu.dma_semaphore, #tpu.memory_space<semaphore_mem>>
      %dma_start3A = arith.constant 0 : i32
      %dma_start3A_55 = tpu.memref_slice %arg6[%multiple_of3A, %dma_start3A] : memref<10000x64xf32, #tpu.memory_space<vmem_shared>> -> memref<624x64xf32, #tpu.memory_space<vmem_shared>>
      %dma_start3A_56 = arith.constant 0 : i32
      %dma_start3A_57 = tpu.memref_slice %arg2[%arg0, %multiple_of3A, %dma_start3A_56] : memref<2x10000x64xf32, #tpu.memory_space<hbm>> -> memref<1x624x64xf32, #tpu.memory_space<hbm>>
      %dma_start3A_58 = tpu.memref_squeeze %dma_start3A_57 : memref<1x624x64xf32, #tpu.memory_space<hbm>> -> memref<624x64xf32, #tpu.memory_space<hbm>>
      tpu.enqueue_dma source(%dma_start3A_58 : memref<624x64xf32, #tpu.memory_space<hbm>>) target(%dma_start3A_55 : memref<624x64xf32, #tpu.memory_space<vmem_shared>>) target_semaphore(%run_scoped3A : memref<!tpu.dma_semaphore, #tpu.memory_space<semaphore_mem>>)
      %dma_wait3A = arith.constant 0 : i32
      %dma_wait3A_59 = tpu.memref_slice %arg6[%multiple_of3A, %dma_wait3A] : memref<10000x64xf32, #tpu.memory_space<vmem_shared>> -> memref<624x64xf32, #tpu.memory_space<vmem_shared>>
      %dma_wait3A_60 = arith.constant 0 : i32
      %dma_wait3A_61 = tpu.memref_slice %arg2[%arg0, %multiple_of3A, %dma_wait3A_60] : memref<2x10000x64xf32, #tpu.memory_space<hbm>> -> memref<1x624x64xf32, #tpu.memory_space<hbm>>
      %dma_wait3A_62 = tpu.memref_squeeze %dma_wait3A_61 : memref<1x624x64xf32, #tpu.memory_space<hbm>> -> memref<624x64xf32, #tpu.memory_space<hbm>>
      tpu.wait_dma2 semaphore(%run_scoped3A : memref<!tpu.dma_semaphore, #tpu.memory_space<semaphore_mem>>) src(%dma_wait3A_62 : memref<624x64xf32, #tpu.memory_space<hbm>>) dst(%dma_wait3A_59 : memref<624x64xf32, #tpu.memory_space<vmem_shared>>)
      tpu.yield
    }) : () -> ()
    %eq3A = arith.constant 15 : i32
    %eq3A_38 = arith.cmpi eq, %arg1, %eq3A : i32
    %convert_element_type3A = arith.extui %eq3A_38 : i1 to i32
    %cond3A = arith.constant 0 : i32
    %cond3A_39 = arith.cmpi ne, %convert_element_type3A, %cond3A : i32
    scf.if %cond3A_39 {
      "tpu.region"() ({
        %run_scoped3A = tpu.sem_alloc : memref<!tpu.dma_semaphore, #tpu.memory_space<semaphore_mem>>
        %dma_start3A = arith.constant 9984 : i32
        %dma_start3A_55 = arith.constant 0 : i32
        %dma_start3A_56 = tpu.memref_slice %arg6[%dma_start3A, %dma_start3A_55] : memref<10000x64xf32, #tpu.memory_space<vmem_shared>> -> memref<16x64xf32, #tpu.memory_space<vmem_shared>>
        %dma_start3A_57 = arith.constant 9984 : i32
        %dma_start3A_58 = arith.constant 0 : i32
        %dma_start3A_59 = tpu.memref_slice %arg2[%arg0, %dma_start3A_57, %dma_start3A_58] : memref<2x10000x64xf32, #tpu.memory_space<hbm>> -> memref<1x16x64xf32, #tpu.memory_space<hbm>>
        %dma_start3A_60 = tpu.memref_squeeze %dma_start3A_59 : memref<1x16x64xf32, #tpu.memory_space<hbm>> -> memref<16x64xf32, #tpu.memory_space<hbm>>
        tpu.enqueue_dma source(%dma_start3A_60 : memref<16x64xf32, #tpu.memory_space<hbm>>) target(%dma_start3A_56 : memref<16x64xf32, #tpu.memory_space<vmem_shared>>) target_semaphore(%run_scoped3A : memref<!tpu.dma_semaphore, #tpu.memory_space<semaphore_mem>>)
        %dma_wait3A = arith.constant 9984 : i32
        %dma_wait3A_61 = arith.constant 0 : i32
        %dma_wait3A_62 = tpu.memref_slice %arg6[%dma_wait3A, %dma_wait3A_61] : memref<10000x64xf32, #tpu.memory_space<vmem_shared>> -> memref<16x64xf32, #tpu.memory_space<vmem_shared>>
        %dma_wait3A_63 = arith.constant 9984 : i32
        %dma_wait3A_64 = arith.constant 0 : i32
        %dma_wait3A_65 = tpu.memref_slice %arg2[%arg0, %dma_wait3A_63, %dma_wait3A_64] : memref<2x10000x64xf32, #tpu.memory_space<hbm>> -> memref<1x16x64xf32, #tpu.memory_space<hbm>>
        %dma_wait3A_66 = tpu.memref_squeeze %dma_wait3A_65 : memref<1x16x64xf32, #tpu.memory_space<hbm>> -> memref<16x64xf32, #tpu.memory_space<hbm>>
        tpu.wait_dma2 semaphore(%run_scoped3A : memref<!tpu.dma_semaphore, #tpu.memory_space<semaphore_mem>>) src(%dma_wait3A_66 : memref<16x64xf32, #tpu.memory_space<hbm>>) dst(%dma_wait3A_62 : memref<16x64xf32, #tpu.memory_space<vmem_shared>>)
        tpu.yield
      }) : () -> ()
    } else {
    }
    %barrier3A = arith.constant 0 : index
    tpu.barrier barrier_id(%barrier3A)
    %scan3A_40 = arith.constant 0 : i32
    %scan3A_41 = arith.constant 0 : i32
    %scan3A_42 = arith.constant 10 : i32
    %scan3A_43 = arith.addi %scan3A_41, %scan3A_42 : i32
    %scan3A_44 = arith.constant 1 : i32
    scf.for %scan3A_55 = %scan3A_41 to %scan3A_43 step %scan3A_44  : i32 {
      %mul3A_56 = arith.constant 160 : i32
      %mul3A_57 = arith.muli %arg1, %mul3A_56 : i32
      %mul3A_58 = arith.constant 16 : i32
      %mul3A_59 = arith.muli %scan3A_55, %mul3A_58 : i32
      %add3A_60 = arith.addi %mul3A_57, %mul3A_59 : i32
      %multiple_of3A_61 = tpu.assume_multiple %add3A_60, 16 : i32
      "tpu.region"() ({
        %run_scoped3A_299 = tpu.sem_alloc : memref<!tpu.dma_semaphore, #tpu.memory_space<semaphore_mem>>
        %dma_start3A_300 = arith.constant 0 : i32
        %dma_start3A_301 = tpu.memref_slice %arg3[%multiple_of3A_61, %dma_start3A_300] : memref<2560x128xi32, #tpu.memory_space<hbm>> -> memref<16x128xi32, #tpu.memory_space<hbm>>
        %dma_start3A_302 = arith.constant 0 : i32
        %dma_start3A_303 = tpu.memref_slice %arg3[%multiple_of3A_61, %dma_start3A_302] : memref<2560x128xi32, #tpu.memory_space<hbm>> -> memref<16x128xi32, #tpu.memory_space<hbm>>
        tpu.enqueue_dma source(%dma_start3A_303 : memref<16x128xi32, #tpu.memory_space<hbm>>) target(%arg8 : memref<16x128xi32, #tpu.memory_space<vmem>>) target_semaphore(%run_scoped3A_299 : memref<!tpu.dma_semaphore, #tpu.memory_space<semaphore_mem>>)
        %dma_wait3A_304 = arith.constant 0 : i32
        %dma_wait3A_305 = tpu.memref_slice %arg3[%multiple_of3A_61, %dma_wait3A_304] : memref<2560x128xi32, #tpu.memory_space<hbm>> -> memref<16x128xi32, #tpu.memory_space<hbm>>
        %dma_wait3A_306 = arith.constant 0 : i32
        %dma_wait3A_307 = tpu.memref_slice %arg3[%multiple_of3A_61, %dma_wait3A_306] : memref<2560x128xi32, #tpu.memory_space<hbm>> -> memref<16x128xi32, #tpu.memory_space<hbm>>
        tpu.wait_dma2 semaphore(%run_scoped3A_299 : memref<!tpu.dma_semaphore, #tpu.memory_space<semaphore_mem>>) src(%dma_wait3A_307 : memref<16x128xi32, #tpu.memory_space<hbm>>) dst(%arg8 : memref<16x128xi32, #tpu.memory_space<vmem>>)
        tpu.yield
      }) : () -> ()
      "tpu.region"() ({
        %run_scoped3A_299 = tpu.sem_alloc : memref<!tpu.dma_semaphore, #tpu.memory_space<semaphore_mem>>
        %dma_start3A_300 = arith.constant 0 : i32
        %dma_start3A_301 = tpu.memref_slice %arg4[%multiple_of3A_61, %dma_start3A_300] : memref<2560x128xi32, #tpu.memory_space<hbm>> -> memref<16x128xi32, #tpu.memory_space<hbm>>
        %dma_start3A_302 = arith.constant 0 : i32
        %dma_start3A_303 = tpu.memref_slice %arg4[%multiple_of3A_61, %dma_start3A_302] : memref<2560x128xi32, #tpu.memory_space<hbm>> -> memref<16x128xi32, #tpu.memory_space<hbm>>
        tpu.enqueue_dma source(%dma_start3A_303 : memref<16x128xi32, #tpu.memory_space<hbm>>) target(%arg9 : memref<16x128xi32, #tpu.memory_space<vmem>>) target_semaphore(%run_scoped3A_299 : memref<!tpu.dma_semaphore, #tpu.memory_space<semaphore_mem>>)
        %dma_wait3A_304 = arith.constant 0 : i32
        %dma_wait3A_305 = tpu.memref_slice %arg4[%multiple_of3A_61, %dma_wait3A_304] : memref<2560x128xi32, #tpu.memory_space<hbm>> -> memref<16x128xi32, #tpu.memory_space<hbm>>
        %dma_wait3A_306 = arith.constant 0 : i32
        %dma_wait3A_307 = tpu.memref_slice %arg4[%multiple_of3A_61, %dma_wait3A_306] : memref<2560x128xi32, #tpu.memory_space<hbm>> -> memref<16x128xi32, #tpu.memory_space<hbm>>
        tpu.wait_dma2 semaphore(%run_scoped3A_299 : memref<!tpu.dma_semaphore, #tpu.memory_space<semaphore_mem>>) src(%dma_wait3A_307 : memref<16x128xi32, #tpu.memory_space<hbm>>) dst(%arg9 : memref<16x128xi32, #tpu.memory_space<vmem>>)
        tpu.yield
      }) : () -> ()
      %dma_start3A = arith.constant 0 : i32
      %dma_start3A_62 = arith.constant 0 : i32
      %dma_start3A_63 = tpu.memref_slice %arg8[%dma_start3A, %dma_start3A_62] : memref<16x128xi32, #tpu.memory_space<vmem>> -> memref<1x128xi32, #tpu.memory_space<vmem>>
      %dma_start3A_64 = tpu.memref_squeeze %dma_start3A_63 : memref<1x128xi32, #tpu.memory_space<vmem>> -> memref<128xi32, #tpu.memory_space<vmem>>
      %dma_start3A_65 = arith.constant 0 : i32
      %dma_start3A_66 = arith.constant 0 : i32
      %dma_start3A_67 = tpu.memref_slice %arg6[%dma_start3A_65, %dma_start3A_66] : memref<10000x64xf32, #tpu.memory_space<vmem_shared>> -> memref<10000x64xf32, #tpu.memory_space<vmem_shared>>
      tpu.enqueue_indirect_dma source(%dma_start3A_67 : memref<10000x64xf32, #tpu.memory_space<vmem_shared>>) target(%arg10 : memref<128x64xf32, #tpu.memory_space<vmem>>) offsets(%dma_start3A_64 : memref<128xi32, #tpu.memory_space<vmem>>) semaphore(%arg12 : memref<!tpu.dma_semaphore, #tpu.memory_space<semaphore_mem>>)
      %dma_wait3A = arith.constant 0 : i32
      %dma_wait3A_68 = arith.constant 0 : i32
      %dma_wait3A_69 = tpu.memref_slice %arg8[%dma_wait3A, %dma_wait3A_68] : memref<16x128xi32, #tpu.memory_space<vmem>> -> memref<1x128xi32, #tpu.memory_space<vmem>>
      %dma_wait3A_70 = tpu.memref_squeeze %dma_wait3A_69 : memref<1x128xi32, #tpu.memory_space<vmem>> -> memref<128xi32, #tpu.memory_space<vmem>>
      %dma_wait3A_71 = arith.constant 0 : i32
      %dma_wait3A_72 = arith.constant 0 : i32
      %dma_wait3A_73 = tpu.memref_slice %arg6[%dma_wait3A_71, %dma_wait3A_72] : memref<10000x64xf32, #tpu.memory_space<vmem_shared>> -> memref<10000x64xf32, #tpu.memory_space<vmem_shared>>
      tpu.wait_indirect_dma semaphore(%arg12 : memref<!tpu.dma_semaphore, #tpu.memory_space<semaphore_mem>>) src(%dma_wait3A_73 : memref<10000x64xf32, #tpu.memory_space<vmem_shared>>) dst(%arg10 : memref<128x64xf32, #tpu.memory_space<vmem>>)
      %dma_start3A_74 = arith.constant 1 : i32
      %dma_start3A_75 = arith.constant 0 : i32
      %dma_start3A_76 = tpu.memref_slice %arg8[%dma_start3A_74, %dma_start3A_75] : memref<16x128xi32, #tpu.memory_space<vmem>> -> memref<1x128xi32, #tpu.memory_space<vmem>>
      %dma_start3A_77 = tpu.memref_squeeze %dma_start3A_76 : memref<1x128xi32, #tpu.memory_space<vmem>> -> memref<128xi32, #tpu.memory_space<vmem>>
      %dma_start3A_78 = arith.constant 0 : i32
      %dma_start3A_79 = arith.constant 0 : i32
      %dma_start3A_80 = tpu.memref_slice %arg6[%dma_start3A_78, %dma_start3A_79] : memref<10000x64xf32, #tpu.memory_space<vmem_shared>> -> memref<10000x64xf32, #tpu.memory_space<vmem_shared>>
      tpu.enqueue_indirect_dma source(%dma_start3A_80 : memref<10000x64xf32, #tpu.memory_space<vmem_shared>>) target(%arg11 : memref<128x64xf32, #tpu.memory_space<vmem>>) offsets(%dma_start3A_77 : memref<128xi32, #tpu.memory_space<vmem>>) semaphore(%arg13 : memref<!tpu.dma_semaphore, #tpu.memory_space<semaphore_mem>>)
      %run_scoped3A = arith.constant 0 : i32
      "tpu.region"() ({
        %run_scoped3A_299 = tpu.sem_alloc : memref<!tpu.dma_semaphore, #tpu.memory_space<semaphore_mem>>
        %dma_start3A_300 = arith.constant 0 : i32
        %dma_start3A_301 = tpu.memref_slice %arg9[%run_scoped3A, %dma_start3A_300] : memref<16x128xi32, #tpu.memory_space<vmem>> -> memref<1x128xi32, #tpu.memory_space<vmem>>
        %dma_start3A_302 = tpu.memref_squeeze %dma_start3A_301 : memref<1x128xi32, #tpu.memory_space<vmem>> -> memref<128xi32, #tpu.memory_space<vmem>>
        %dma_start3A_303 = arith.constant 0 : i32
        %dma_start3A_304 = arith.constant 0 : i32
        %dma_start3A_305 = tpu.memref_slice %arg7[%dma_start3A_303, %dma_start3A_304] : memref<10016x64xf32, #tpu.memory_space<vmem_shared>> -> memref<10016x64xf32, #tpu.memory_space<vmem_shared>>
        tpu.enqueue_indirect_dma source(%arg10 : memref<128x64xf32, #tpu.memory_space<vmem>>) target(%dma_start3A_305 : memref<10016x64xf32, #tpu.memory_space<vmem_shared>>) offsets(%dma_start3A_302 : memref<128xi32, #tpu.memory_space<vmem>>) semaphore(%run_scoped3A_299 : memref<!tpu.dma_semaphore, #tpu.memory_space<semaphore_mem>>) {add = true}
        %dma_wait3A_306 = arith.constant 0 : i32
        %dma_wait3A_307 = tpu.memref_slice %arg9[%run_scoped3A, %dma_wait3A_306] : memref<16x128xi32, #tpu.memory_space<vmem>> -> memref<1x128xi32, #tpu.memory_space<vmem>>
        %dma_wait3A_308 = tpu.memref_squeeze %dma_wait3A_307 : memref<1x128xi32, #tpu.memory_space<vmem>> -> memref<128xi32, #tpu.memory_space<vmem>>
        %dma_wait3A_309 = arith.constant 0 : i32
        %dma_wait3A_310 = arith.constant 0 : i32
        %dma_wait3A_311 = tpu.memref_slice %arg7[%dma_wait3A_309, %dma_wait3A_310] : memref<10016x64xf32, #tpu.memory_space<vmem_shared>> -> memref<10016x64xf32, #tpu.memory_space<vmem_shared>>
        tpu.wait_indirect_dma semaphore(%run_scoped3A_299 : memref<!tpu.dma_semaphore, #tpu.memory_space<semaphore_mem>>) src(%arg10 : memref<128x64xf32, #tpu.memory_space<vmem>>) dst(%dma_wait3A_311 : memref<10016x64xf32, #tpu.memory_space<vmem_shared>>)
        tpu.yield
      }) : () -> ()
      %dma_wait3A_81 = arith.constant 1 : i32
      %dma_wait3A_82 = arith.constant 0 : i32
      %dma_wait3A_83 = tpu.memref_slice %arg8[%dma_wait3A_81, %dma_wait3A_82] : memref<16x128xi32, #tpu.memory_space<vmem>> -> memref<1x128xi32, #tpu.memory_space<vmem>>
      %dma_wait3A_84 = tpu.memref_squeeze %dma_wait3A_83 : memref<1x128xi32, #tpu.memory_space<vmem>> -> memref<128xi32, #tpu.memory_space<vmem>>
      %dma_wait3A_85 = arith.constant 0 : i32
      %dma_wait3A_86 = arith.constant 0 : i32
      %dma_wait3A_87 = tpu.memref_slice %arg6[%dma_wait3A_85, %dma_wait3A_86] : memref<10000x64xf32, #tpu.memory_space<vmem_shared>> -> memref<10000x64xf32, #tpu.memory_space<vmem_shared>>
      tpu.wait_indirect_dma semaphore(%arg13 : memref<!tpu.dma_semaphore, #tpu.memory_space<semaphore_mem>>) src(%dma_wait3A_87 : memref<10000x64xf32, #tpu.memory_space<vmem_shared>>) dst(%arg11 : memref<128x64xf32, #tpu.memory_space<vmem>>)
      %dma_start3A_88 = arith.constant 2 : i32
      %dma_start3A_89 = arith.constant 0 : i32
      %dma_start3A_90 = tpu.memref_slice %arg8[%dma_start3A_88, %dma_start3A_89] : memref<16x128xi32, #tpu.memory_space<vmem>> -> memref<1x128xi32, #tpu.memory_space<vmem>>
      %dma_start3A_91 = tpu.memref_squeeze %dma_start3A_90 : memref<1x128xi32, #tpu.memory_space<vmem>> -> memref<128xi32, #tpu.memory_space<vmem>>
      %dma_start3A_92 = arith.constant 0 : i32
      %dma_start3A_93 = arith.constant 0 : i32
      %dma_start3A_94 = tpu.memref_slice %arg6[%dma_start3A_92, %dma_start3A_93] : memref<10000x64xf32, #tpu.memory_space<vmem_shared>> -> memref<10000x64xf32, #tpu.memory_space<vmem_shared>>
      tpu.enqueue_indirect_dma source(%dma_start3A_94 : memref<10000x64xf32, #tpu.memory_space<vmem_shared>>) target(%arg10 : memref<128x64xf32, #tpu.memory_space<vmem>>) offsets(%dma_start3A_91 : memref<128xi32, #tpu.memory_space<vmem>>) semaphore(%arg12 : memref<!tpu.dma_semaphore, #tpu.memory_space<semaphore_mem>>)
      %run_scoped3A_95 = arith.constant 1 : i32
      "tpu.region"() ({
        %run_scoped3A_299 = tpu.sem_alloc : memref<!tpu.dma_semaphore, #tpu.memory_space<semaphore_mem>>
        %dma_start3A_300 = arith.constant 0 : i32
        %dma_start3A_301 = tpu.memref_slice %arg9[%run_scoped3A_95, %dma_start3A_300] : memref<16x128xi32, #tpu.memory_space<vmem>> -> memref<1x128xi32, #tpu.memory_space<vmem>>
        %dma_start3A_302 = tpu.memref_squeeze %dma_start3A_301 : memref<1x128xi32, #tpu.memory_space<vmem>> -> memref<128xi32, #tpu.memory_space<vmem>>
        %dma_start3A_303 = arith.constant 0 : i32
        %dma_start3A_304 = arith.constant 0 : i32
        %dma_start3A_305 = tpu.memref_slice %arg7[%dma_start3A_303, %dma_start3A_304] : memref<10016x64xf32, #tpu.memory_space<vmem_shared>> -> memref<10016x64xf32, #tpu.memory_space<vmem_shared>>
        tpu.enqueue_indirect_dma source(%arg11 : memref<128x64xf32, #tpu.memory_space<vmem>>) target(%dma_start3A_305 : memref<10016x64xf32, #tpu.memory_space<vmem_shared>>) offsets(%dma_start3A_302 : memref<128xi32, #tpu.memory_space<vmem>>) semaphore(%run_scoped3A_299 : memref<!tpu.dma_semaphore, #tpu.memory_space<semaphore_mem>>) {add = true}
        %dma_wait3A_306 = arith.constant 0 : i32
        %dma_wait3A_307 = tpu.memref_slice %arg9[%run_scoped3A_95, %dma_wait3A_306] : memref<16x128xi32, #tpu.memory_space<vmem>> -> memref<1x128xi32, #tpu.memory_space<vmem>>
        %dma_wait3A_308 = tpu.memref_squeeze %dma_wait3A_307 : memref<1x128xi32, #tpu.memory_space<vmem>> -> memref<128xi32, #tpu.memory_space<vmem>>
        %dma_wait3A_309 = arith.constant 0 : i32
        %dma_wait3A_310 = arith.constant 0 : i32
        %dma_wait3A_311 = tpu.memref_slice %arg7[%dma_wait3A_309, %dma_wait3A_310] : memref<10016x64xf32, #tpu.memory_space<vmem_shared>> -> memref<10016x64xf32, #tpu.memory_space<vmem_shared>>
        tpu.wait_indirect_dma semaphore(%run_scoped3A_299 : memref<!tpu.dma_semaphore, #tpu.memory_space<semaphore_mem>>) src(%arg11 : memref<128x64xf32, #tpu.memory_space<vmem>>) dst(%dma_wait3A_311 : memref<10016x64xf32, #tpu.memory_space<vmem_shared>>)
        tpu.yield
      }) : () -> ()
      %dma_wait3A_96 = arith.constant 2 : i32
      %dma_wait3A_97 = arith.constant 0 : i32
      %dma_wait3A_98 = tpu.memref_slice %arg8[%dma_wait3A_96, %dma_wait3A_97] : memref<16x128xi32, #tpu.memory_space<vmem>> -> memref<1x128xi32, #tpu.memory_space<vmem>>
      %dma_wait3A_99 = tpu.memref_squeeze %dma_wait3A_98 : memref<1x128xi32, #tpu.memory_space<vmem>> -> memref<128xi32, #tpu.memory_space<vmem>>
      %dma_wait3A_100 = arith.constant 0 : i32
      %dma_wait3A_101 = arith.constant 0 : i32
      %dma_wait3A_102 = tpu.memref_slice %arg6[%dma_wait3A_100, %dma_wait3A_101] : memref<10000x64xf32, #tpu.memory_space<vmem_shared>> -> memref<10000x64xf32, #tpu.memory_space<vmem_shared>>
      tpu.wait_indirect_dma semaphore(%arg12 : memref<!tpu.dma_semaphore, #tpu.memory_space<semaphore_mem>>) src(%dma_wait3A_102 : memref<10000x64xf32, #tpu.memory_space<vmem_shared>>) dst(%arg10 : memref<128x64xf32, #tpu.memory_space<vmem>>)
      %dma_start3A_103 = arith.constant 3 : i32
      %dma_start3A_104 = arith.constant 0 : i32
      %dma_start3A_105 = tpu.memref_slice %arg8[%dma_start3A_103, %dma_start3A_104] : memref<16x128xi32, #tpu.memory_space<vmem>> -> memref<1x128xi32, #tpu.memory_space<vmem>>
      %dma_start3A_106 = tpu.memref_squeeze %dma_start3A_105 : memref<1x128xi32, #tpu.memory_space<vmem>> -> memref<128xi32, #tpu.memory_space<vmem>>
      %dma_start3A_107 = arith.constant 0 : i32
      %dma_start3A_108 = arith.constant 0 : i32
      %dma_start3A_109 = tpu.memref_slice %arg6[%dma_start3A_107, %dma_start3A_108] : memref<10000x64xf32, #tpu.memory_space<vmem_shared>> -> memref<10000x64xf32, #tpu.memory_space<vmem_shared>>
      tpu.enqueue_indirect_dma source(%dma_start3A_109 : memref<10000x64xf32, #tpu.memory_space<vmem_shared>>) target(%arg11 : memref<128x64xf32, #tpu.memory_space<vmem>>) offsets(%dma_start3A_106 : memref<128xi32, #tpu.memory_space<vmem>>) semaphore(%arg13 : memref<!tpu.dma_semaphore, #tpu.memory_space<semaphore_mem>>)
      %run_scoped3A_110 = arith.constant 2 : i32
      "tpu.region"() ({
        %run_scoped3A_299 = tpu.sem_alloc : memref<!tpu.dma_semaphore, #tpu.memory_space<semaphore_mem>>
        %dma_start3A_300 = arith.constant 0 : i32
        %dma_start3A_301 = tpu.memref_slice %arg9[%run_scoped3A_110, %dma_start3A_300] : memref<16x128xi32, #tpu.memory_space<vmem>> -> memref<1x128xi32, #tpu.memory_space<vmem>>
        %dma_start3A_302 = tpu.memref_squeeze %dma_start3A_301 : memref<1x128xi32, #tpu.memory_space<vmem>> -> memref<128xi32, #tpu.memory_space<vmem>>
        %dma_start3A_303 = arith.constant 0 : i32
        %dma_start3A_304 = arith.constant 0 : i32
        %dma_start3A_305 = tpu.memref_slice %arg7[%dma_start3A_303, %dma_start3A_304] : memref<10016x64xf32, #tpu.memory_space<vmem_shared>> -> memref<10016x64xf32, #tpu.memory_space<vmem_shared>>
        tpu.enqueue_indirect_dma source(%arg10 : memref<128x64xf32, #tpu.memory_space<vmem>>) target(%dma_start3A_305 : memref<10016x64xf32, #tpu.memory_space<vmem_shared>>) offsets(%dma_start3A_302 : memref<128xi32, #tpu.memory_space<vmem>>) semaphore(%run_scoped3A_299 : memref<!tpu.dma_semaphore, #tpu.memory_space<semaphore_mem>>) {add = true}
        %dma_wait3A_306 = arith.constant 0 : i32
        %dma_wait3A_307 = tpu.memref_slice %arg9[%run_scoped3A_110, %dma_wait3A_306] : memref<16x128xi32, #tpu.memory_space<vmem>> -> memref<1x128xi32, #tpu.memory_space<vmem>>
        %dma_wait3A_308 = tpu.memref_squeeze %dma_wait3A_307 : memref<1x128xi32, #tpu.memory_space<vmem>> -> memref<128xi32, #tpu.memory_space<vmem>>
        %dma_wait3A_309 = arith.constant 0 : i32
        %dma_wait3A_310 = arith.constant 0 : i32
        %dma_wait3A_311 = tpu.memref_slice %arg7[%dma_wait3A_309, %dma_wait3A_310] : memref<10016x64xf32, #tpu.memory_space<vmem_shared>> -> memref<10016x64xf32, #tpu.memory_space<vmem_shared>>
        tpu.wait_indirect_dma semaphore(%run_scoped3A_299 : memref<!tpu.dma_semaphore, #tpu.memory_space<semaphore_mem>>) src(%arg10 : memref<128x64xf32, #tpu.memory_space<vmem>>) dst(%dma_wait3A_311 : memref<10016x64xf32, #tpu.memory_space<vmem_shared>>)
        tpu.yield
      }) : () -> ()
      %dma_wait3A_111 = arith.constant 3 : i32
      %dma_wait3A_112 = arith.constant 0 : i32
      %dma_wait3A_113 = tpu.memref_slice %arg8[%dma_wait3A_111, %dma_wait3A_112] : memref<16x128xi32, #tpu.memory_space<vmem>> -> memref<1x128xi32, #tpu.memory_space<vmem>>
      %dma_wait3A_114 = tpu.memref_squeeze %dma_wait3A_113 : memref<1x128xi32, #tpu.memory_space<vmem>> -> memref<128xi32, #tpu.memory_space<vmem>>
      %dma_wait3A_115 = arith.constant 0 : i32
      %dma_wait3A_116 = arith.constant 0 : i32
      %dma_wait3A_117 = tpu.memref_slice %arg6[%dma_wait3A_115, %dma_wait3A_116] : memref<10000x64xf32, #tpu.memory_space<vmem_shared>> -> memref<10000x64xf32, #tpu.memory_space<vmem_shared>>
      tpu.wait_indirect_dma semaphore(%arg13 : memref<!tpu.dma_semaphore, #tpu.memory_space<semaphore_mem>>) src(%dma_wait3A_117 : memref<10000x64xf32, #tpu.memory_space<vmem_shared>>) dst(%arg11 : memref<128x64xf32, #tpu.memory_space<vmem>>)
      %dma_start3A_118 = arith.constant 4 : i32
      %dma_start3A_119 = arith.constant 0 : i32
      %dma_start3A_120 = tpu.memref_slice %arg8[%dma_start3A_118, %dma_start3A_119] : memref<16x128xi32, #tpu.memory_space<vmem>> -> memref<1x128xi32, #tpu.memory_space<vmem>>
      %dma_start3A_121 = tpu.memref_squeeze %dma_start3A_120 : memref<1x128xi32, #tpu.memory_space<vmem>> -> memref<128xi32, #tpu.memory_space<vmem>>
      %dma_start3A_122 = arith.constant 0 : i32
      %dma_start3A_123 = arith.constant 0 : i32
      %dma_start3A_124 = tpu.memref_slice %arg6[%dma_start3A_122, %dma_start3A_123] : memref<10000x64xf32, #tpu.memory_space<vmem_shared>> -> memref<10000x64xf32, #tpu.memory_space<vmem_shared>>
      tpu.enqueue_indirect_dma source(%dma_start3A_124 : memref<10000x64xf32, #tpu.memory_space<vmem_shared>>) target(%arg10 : memref<128x64xf32, #tpu.memory_space<vmem>>) offsets(%dma_start3A_121 : memref<128xi32, #tpu.memory_space<vmem>>) semaphore(%arg12 : memref<!tpu.dma_semaphore, #tpu.memory_space<semaphore_mem>>)
      %run_scoped3A_125 = arith.constant 3 : i32
      "tpu.region"() ({
        %run_scoped3A_299 = tpu.sem_alloc : memref<!tpu.dma_semaphore, #tpu.memory_space<semaphore_mem>>
        %dma_start3A_300 = arith.constant 0 : i32
        %dma_start3A_301 = tpu.memref_slice %arg9[%run_scoped3A_125, %dma_start3A_300] : memref<16x128xi32, #tpu.memory_space<vmem>> -> memref<1x128xi32, #tpu.memory_space<vmem>>
        %dma_start3A_302 = tpu.memref_squeeze %dma_start3A_301 : memref<1x128xi32, #tpu.memory_space<vmem>> -> memref<128xi32, #tpu.memory_space<vmem>>
        %dma_start3A_303 = arith.constant 0 : i32
        %dma_start3A_304 = arith.constant 0 : i32
        %dma_start3A_305 = tpu.memref_slice %arg7[%dma_start3A_303, %dma_start3A_304] : memref<10016x64xf32, #tpu.memory_space<vmem_shared>> -> memref<10016x64xf32, #tpu.memory_space<vmem_shared>>
        tpu.enqueue_indirect_dma source(%arg11 : memref<128x64xf32, #tpu.memory_space<vmem>>) target(%dma_start3A_305 : memref<10016x64xf32, #tpu.memory_space<vmem_shared>>) offsets(%dma_start3A_302 : memref<128xi32, #tpu.memory_space<vmem>>) semaphore(%run_scoped3A_299 : memref<!tpu.dma_semaphore, #tpu.memory_space<semaphore_mem>>) {add = true}
        %dma_wait3A_306 = arith.constant 0 : i32
        %dma_wait3A_307 = tpu.memref_slice %arg9[%run_scoped3A_125, %dma_wait3A_306] : memref<16x128xi32, #tpu.memory_space<vmem>> -> memref<1x128xi32, #tpu.memory_space<vmem>>
        %dma_wait3A_308 = tpu.memref_squeeze %dma_wait3A_307 : memref<1x128xi32, #tpu.memory_space<vmem>> -> memref<128xi32, #tpu.memory_space<vmem>>
        %dma_wait3A_309 = arith.constant 0 : i32
        %dma_wait3A_310 = arith.constant 0 : i32
        %dma_wait3A_311 = tpu.memref_slice %arg7[%dma_wait3A_309, %dma_wait3A_310] : memref<10016x64xf32, #tpu.memory_space<vmem_shared>> -> memref<10016x64xf32, #tpu.memory_space<vmem_shared>>
        tpu.wait_indirect_dma semaphore(%run_scoped3A_299 : memref<!tpu.dma_semaphore, #tpu.memory_space<semaphore_mem>>) src(%arg11 : memref<128x64xf32, #tpu.memory_space<vmem>>) dst(%dma_wait3A_311 : memref<10016x64xf32, #tpu.memory_space<vmem_shared>>)
        tpu.yield
      }) : () -> ()
      %dma_wait3A_126 = arith.constant 4 : i32
      %dma_wait3A_127 = arith.constant 0 : i32
      %dma_wait3A_128 = tpu.memref_slice %arg8[%dma_wait3A_126, %dma_wait3A_127] : memref<16x128xi32, #tpu.memory_space<vmem>> -> memref<1x128xi32, #tpu.memory_space<vmem>>
      %dma_wait3A_129 = tpu.memref_squeeze %dma_wait3A_128 : memref<1x128xi32, #tpu.memory_space<vmem>> -> memref<128xi32, #tpu.memory_space<vmem>>
      %dma_wait3A_130 = arith.constant 0 : i32
      %dma_wait3A_131 = arith.constant 0 : i32
      %dma_wait3A_132 = tpu.memref_slice %arg6[%dma_wait3A_130, %dma_wait3A_131] : memref<10000x64xf32, #tpu.memory_space<vmem_shared>> -> memref<10000x64xf32, #tpu.memory_space<vmem_shared>>
      tpu.wait_indirect_dma semaphore(%arg12 : memref<!tpu.dma_semaphore, #tpu.memory_space<semaphore_mem>>) src(%dma_wait3A_132 : memref<10000x64xf32, #tpu.memory_space<vmem_shared>>) dst(%arg10 : memref<128x64xf32, #tpu.memory_space<vmem>>)
      %dma_start3A_133 = arith.constant 5 : i32
      %dma_start3A_134 = arith.constant 0 : i32
      %dma_start3A_135 = tpu.memref_slice %arg8[%dma_start3A_133, %dma_start3A_134] : memref<16x128xi32, #tpu.memory_space<vmem>> -> memref<1x128xi32, #tpu.memory_space<vmem>>
      %dma_start3A_136 = tpu.memref_squeeze %dma_start3A_135 : memref<1x128xi32, #tpu.memory_space<vmem>> -> memref<128xi32, #tpu.memory_space<vmem>>
      %dma_start3A_137 = arith.constant 0 : i32
      %dma_start3A_138 = arith.constant 0 : i32
      %dma_start3A_139 = tpu.memref_slice %arg6[%dma_start3A_137, %dma_start3A_138] : memref<10000x64xf32, #tpu.memory_space<vmem_shared>> -> memref<10000x64xf32, #tpu.memory_space<vmem_shared>>
      tpu.enqueue_indirect_dma source(%dma_start3A_139 : memref<10000x64xf32, #tpu.memory_space<vmem_shared>>) target(%arg11 : memref<128x64xf32, #tpu.memory_space<vmem>>) offsets(%dma_start3A_136 : memref<128xi32, #tpu.memory_space<vmem>>) semaphore(%arg13 : memref<!tpu.dma_semaphore, #tpu.memory_space<semaphore_mem>>)
      %run_scoped3A_140 = arith.constant 4 : i32
      "tpu.region"() ({
        %run_scoped3A_299 = tpu.sem_alloc : memref<!tpu.dma_semaphore, #tpu.memory_space<semaphore_mem>>
        %dma_start3A_300 = arith.constant 0 : i32
        %dma_start3A_301 = tpu.memref_slice %arg9[%run_scoped3A_140, %dma_start3A_300] : memref<16x128xi32, #tpu.memory_space<vmem>> -> memref<1x128xi32, #tpu.memory_space<vmem>>
        %dma_start3A_302 = tpu.memref_squeeze %dma_start3A_301 : memref<1x128xi32, #tpu.memory_space<vmem>> -> memref<128xi32, #tpu.memory_space<vmem>>
        %dma_start3A_303 = arith.constant 0 : i32
        %dma_start3A_304 = arith.constant 0 : i32
        %dma_start3A_305 = tpu.memref_slice %arg7[%dma_start3A_303, %dma_start3A_304] : memref<10016x64xf32, #tpu.memory_space<vmem_shared>> -> memref<10016x64xf32, #tpu.memory_space<vmem_shared>>
        tpu.enqueue_indirect_dma source(%arg10 : memref<128x64xf32, #tpu.memory_space<vmem>>) target(%dma_start3A_305 : memref<10016x64xf32, #tpu.memory_space<vmem_shared>>) offsets(%dma_start3A_302 : memref<128xi32, #tpu.memory_space<vmem>>) semaphore(%run_scoped3A_299 : memref<!tpu.dma_semaphore, #tpu.memory_space<semaphore_mem>>) {add = true}
        %dma_wait3A_306 = arith.constant 0 : i32
        %dma_wait3A_307 = tpu.memref_slice %arg9[%run_scoped3A_140, %dma_wait3A_306] : memref<16x128xi32, #tpu.memory_space<vmem>> -> memref<1x128xi32, #tpu.memory_space<vmem>>
        %dma_wait3A_308 = tpu.memref_squeeze %dma_wait3A_307 : memref<1x128xi32, #tpu.memory_space<vmem>> -> memref<128xi32, #tpu.memory_space<vmem>>
        %dma_wait3A_309 = arith.constant 0 : i32
        %dma_wait3A_310 = arith.constant 0 : i32
        %dma_wait3A_311 = tpu.memref_slice %arg7[%dma_wait3A_309, %dma_wait3A_310] : memref<10016x64xf32, #tpu.memory_space<vmem_shared>> -> memref<10016x64xf32, #tpu.memory_space<vmem_shared>>
        tpu.wait_indirect_dma semaphore(%run_scoped3A_299 : memref<!tpu.dma_semaphore, #tpu.memory_space<semaphore_mem>>) src(%arg10 : memref<128x64xf32, #tpu.memory_space<vmem>>) dst(%dma_wait3A_311 : memref<10016x64xf32, #tpu.memory_space<vmem_shared>>)
        tpu.yield
      }) : () -> ()
      %dma_wait3A_141 = arith.constant 5 : i32
      %dma_wait3A_142 = arith.constant 0 : i32
      %dma_wait3A_143 = tpu.memref_slice %arg8[%dma_wait3A_141, %dma_wait3A_142] : memref<16x128xi32, #tpu.memory_space<vmem>> -> memref<1x128xi32, #tpu.memory_space<vmem>>
      %dma_wait3A_144 = tpu.memref_squeeze %dma_wait3A_143 : memref<1x128xi32, #tpu.memory_space<vmem>> -> memref<128xi32, #tpu.memory_space<vmem>>
      %dma_wait3A_145 = arith.constant 0 : i32
      %dma_wait3A_146 = arith.constant 0 : i32
      %dma_wait3A_147 = tpu.memref_slice %arg6[%dma_wait3A_145, %dma_wait3A_146] : memref<10000x64xf32, #tpu.memory_space<vmem_shared>> -> memref<10000x64xf32, #tpu.memory_space<vmem_shared>>
      tpu.wait_indirect_dma semaphore(%arg13 : memref<!tpu.dma_semaphore, #tpu.memory_space<semaphore_mem>>) src(%dma_wait3A_147 : memref<10000x64xf32, #tpu.memory_space<vmem_shared>>) dst(%arg11 : memref<128x64xf32, #tpu.memory_space<vmem>>)
      %dma_start3A_148 = arith.constant 6 : i32
      %dma_start3A_149 = arith.constant 0 : i32
      %dma_start3A_150 = tpu.memref_slice %arg8[%dma_start3A_148, %dma_start3A_149] : memref<16x128xi32, #tpu.memory_space<vmem>> -> memref<1x128xi32, #tpu.memory_space<vmem>>
      %dma_start3A_151 = tpu.memref_squeeze %dma_start3A_150 : memref<1x128xi32, #tpu.memory_space<vmem>> -> memref<128xi32, #tpu.memory_space<vmem>>
      %dma_start3A_152 = arith.constant 0 : i32
      %dma_start3A_153 = arith.constant 0 : i32
      %dma_start3A_154 = tpu.memref_slice %arg6[%dma_start3A_152, %dma_start3A_153] : memref<10000x64xf32, #tpu.memory_space<vmem_shared>> -> memref<10000x64xf32, #tpu.memory_space<vmem_shared>>
      tpu.enqueue_indirect_dma source(%dma_start3A_154 : memref<10000x64xf32, #tpu.memory_space<vmem_shared>>) target(%arg10 : memref<128x64xf32, #tpu.memory_space<vmem>>) offsets(%dma_start3A_151 : memref<128xi32, #tpu.memory_space<vmem>>) semaphore(%arg12 : memref<!tpu.dma_semaphore, #tpu.memory_space<semaphore_mem>>)
      %run_scoped3A_155 = arith.constant 5 : i32
      "tpu.region"() ({
        %run_scoped3A_299 = tpu.sem_alloc : memref<!tpu.dma_semaphore, #tpu.memory_space<semaphore_mem>>
        %dma_start3A_300 = arith.constant 0 : i32
        %dma_start3A_301 = tpu.memref_slice %arg9[%run_scoped3A_155, %dma_start3A_300] : memref<16x128xi32, #tpu.memory_space<vmem>> -> memref<1x128xi32, #tpu.memory_space<vmem>>
        %dma_start3A_302 = tpu.memref_squeeze %dma_start3A_301 : memref<1x128xi32, #tpu.memory_space<vmem>> -> memref<128xi32, #tpu.memory_space<vmem>>
        %dma_start3A_303 = arith.constant 0 : i32
        %dma_start3A_304 = arith.constant 0 : i32
        %dma_start3A_305 = tpu.memref_slice %arg7[%dma_start3A_303, %dma_start3A_304] : memref<10016x64xf32, #tpu.memory_space<vmem_shared>> -> memref<10016x64xf32, #tpu.memory_space<vmem_shared>>
        tpu.enqueue_indirect_dma source(%arg11 : memref<128x64xf32, #tpu.memory_space<vmem>>) target(%dma_start3A_305 : memref<10016x64xf32, #tpu.memory_space<vmem_shared>>) offsets(%dma_start3A_302 : memref<128xi32, #tpu.memory_space<vmem>>) semaphore(%run_scoped3A_299 : memref<!tpu.dma_semaphore, #tpu.memory_space<semaphore_mem>>) {add = true}
        %dma_wait3A_306 = arith.constant 0 : i32
        %dma_wait3A_307 = tpu.memref_slice %arg9[%run_scoped3A_155, %dma_wait3A_306] : memref<16x128xi32, #tpu.memory_space<vmem>> -> memref<1x128xi32, #tpu.memory_space<vmem>>
        %dma_wait3A_308 = tpu.memref_squeeze %dma_wait3A_307 : memref<1x128xi32, #tpu.memory_space<vmem>> -> memref<128xi32, #tpu.memory_space<vmem>>
        %dma_wait3A_309 = arith.constant 0 : i32
        %dma_wait3A_310 = arith.constant 0 : i32
        %dma_wait3A_311 = tpu.memref_slice %arg7[%dma_wait3A_309, %dma_wait3A_310] : memref<10016x64xf32, #tpu.memory_space<vmem_shared>> -> memref<10016x64xf32, #tpu.memory_space<vmem_shared>>
        tpu.wait_indirect_dma semaphore(%run_scoped3A_299 : memref<!tpu.dma_semaphore, #tpu.memory_space<semaphore_mem>>) src(%arg11 : memref<128x64xf32, #tpu.memory_space<vmem>>) dst(%dma_wait3A_311 : memref<10016x64xf32, #tpu.memory_space<vmem_shared>>)
        tpu.yield
      }) : () -> ()
      %dma_wait3A_156 = arith.constant 6 : i32
      %dma_wait3A_157 = arith.constant 0 : i32
      %dma_wait3A_158 = tpu.memref_slice %arg8[%dma_wait3A_156, %dma_wait3A_157] : memref<16x128xi32, #tpu.memory_space<vmem>> -> memref<1x128xi32, #tpu.memory_space<vmem>>
      %dma_wait3A_159 = tpu.memref_squeeze %dma_wait3A_158 : memref<1x128xi32, #tpu.memory_space<vmem>> -> memref<128xi32, #tpu.memory_space<vmem>>
      %dma_wait3A_160 = arith.constant 0 : i32
      %dma_wait3A_161 = arith.constant 0 : i32
      %dma_wait3A_162 = tpu.memref_slice %arg6[%dma_wait3A_160, %dma_wait3A_161] : memref<10000x64xf32, #tpu.memory_space<vmem_shared>> -> memref<10000x64xf32, #tpu.memory_space<vmem_shared>>
      tpu.wait_indirect_dma semaphore(%arg12 : memref<!tpu.dma_semaphore, #tpu.memory_space<semaphore_mem>>) src(%dma_wait3A_162 : memref<10000x64xf32, #tpu.memory_space<vmem_shared>>) dst(%arg10 : memref<128x64xf32, #tpu.memory_space<vmem>>)
      %dma_start3A_163 = arith.constant 7 : i32
      %dma_start3A_164 = arith.constant 0 : i32
      %dma_start3A_165 = tpu.memref_slice %arg8[%dma_start3A_163, %dma_start3A_164] : memref<16x128xi32, #tpu.memory_space<vmem>> -> memref<1x128xi32, #tpu.memory_space<vmem>>
      %dma_start3A_166 = tpu.memref_squeeze %dma_start3A_165 : memref<1x128xi32, #tpu.memory_space<vmem>> -> memref<128xi32, #tpu.memory_space<vmem>>
      %dma_start3A_167 = arith.constant 0 : i32
      %dma_start3A_168 = arith.constant 0 : i32
      %dma_start3A_169 = tpu.memref_slice %arg6[%dma_start3A_167, %dma_start3A_168] : memref<10000x64xf32, #tpu.memory_space<vmem_shared>> -> memref<10000x64xf32, #tpu.memory_space<vmem_shared>>
      tpu.enqueue_indirect_dma source(%dma_start3A_169 : memref<10000x64xf32, #tpu.memory_space<vmem_shared>>) target(%arg11 : memref<128x64xf32, #tpu.memory_space<vmem>>) offsets(%dma_start3A_166 : memref<128xi32, #tpu.memory_space<vmem>>) semaphore(%arg13 : memref<!tpu.dma_semaphore, #tpu.memory_space<semaphore_mem>>)
      %run_scoped3A_170 = arith.constant 6 : i32
      "tpu.region"() ({
        %run_scoped3A_299 = tpu.sem_alloc : memref<!tpu.dma_semaphore, #tpu.memory_space<semaphore_mem>>
        %dma_start3A_300 = arith.constant 0 : i32
        %dma_start3A_301 = tpu.memref_slice %arg9[%run_scoped3A_170, %dma_start3A_300] : memref<16x128xi32, #tpu.memory_space<vmem>> -> memref<1x128xi32, #tpu.memory_space<vmem>>
        %dma_start3A_302 = tpu.memref_squeeze %dma_start3A_301 : memref<1x128xi32, #tpu.memory_space<vmem>> -> memref<128xi32, #tpu.memory_space<vmem>>
        %dma_start3A_303 = arith.constant 0 : i32
        %dma_start3A_304 = arith.constant 0 : i32
        %dma_start3A_305 = tpu.memref_slice %arg7[%dma_start3A_303, %dma_start3A_304] : memref<10016x64xf32, #tpu.memory_space<vmem_shared>> -> memref<10016x64xf32, #tpu.memory_space<vmem_shared>>
        tpu.enqueue_indirect_dma source(%arg10 : memref<128x64xf32, #tpu.memory_space<vmem>>) target(%dma_start3A_305 : memref<10016x64xf32, #tpu.memory_space<vmem_shared>>) offsets(%dma_start3A_302 : memref<128xi32, #tpu.memory_space<vmem>>) semaphore(%run_scoped3A_299 : memref<!tpu.dma_semaphore, #tpu.memory_space<semaphore_mem>>) {add = true}
        %dma_wait3A_306 = arith.constant 0 : i32
        %dma_wait3A_307 = tpu.memref_slice %arg9[%run_scoped3A_170, %dma_wait3A_306] : memref<16x128xi32, #tpu.memory_space<vmem>> -> memref<1x128xi32, #tpu.memory_space<vmem>>
        %dma_wait3A_308 = tpu.memref_squeeze %dma_wait3A_307 : memref<1x128xi32, #tpu.memory_space<vmem>> -> memref<128xi32, #tpu.memory_space<vmem>>
        %dma_wait3A_309 = arith.constant 0 : i32
        %dma_wait3A_310 = arith.constant 0 : i32
        %dma_wait3A_311 = tpu.memref_slice %arg7[%dma_wait3A_309, %dma_wait3A_310] : memref<10016x64xf32, #tpu.memory_space<vmem_shared>> -> memref<10016x64xf32, #tpu.memory_space<vmem_shared>>
        tpu.wait_indirect_dma semaphore(%run_scoped3A_299 : memref<!tpu.dma_semaphore, #tpu.memory_space<semaphore_mem>>) src(%arg10 : memref<128x64xf32, #tpu.memory_space<vmem>>) dst(%dma_wait3A_311 : memref<10016x64xf32, #tpu.memory_space<vmem_shared>>)
        tpu.yield
      }) : () -> ()
      %dma_wait3A_171 = arith.constant 7 : i32
      %dma_wait3A_172 = arith.constant 0 : i32
      %dma_wait3A_173 = tpu.memref_slice %arg8[%dma_wait3A_171, %dma_wait3A_172] : memref<16x128xi32, #tpu.memory_space<vmem>> -> memref<1x128xi32, #tpu.memory_space<vmem>>
      %dma_wait3A_174 = tpu.memref_squeeze %dma_wait3A_173 : memref<1x128xi32, #tpu.memory_space<vmem>> -> memref<128xi32, #tpu.memory_space<vmem>>
      %dma_wait3A_175 = arith.constant 0 : i32
      %dma_wait3A_176 = arith.constant 0 : i32
      %dma_wait3A_177 = tpu.memref_slice %arg6[%dma_wait3A_175, %dma_wait3A_176] : memref<10000x64xf32, #tpu.memory_space<vmem_shared>> -> memref<10000x64xf32, #tpu.memory_space<vmem_shared>>
      tpu.wait_indirect_dma semaphore(%arg13 : memref<!tpu.dma_semaphore, #tpu.memory_space<semaphore_mem>>) src(%dma_wait3A_177 : memref<10000x64xf32, #tpu.memory_space<vmem_shared>>) dst(%arg11 : memref<128x64xf32, #tpu.memory_space<vmem>>)
      %dma_start3A_178 = arith.constant 8 : i32
      %dma_start3A_179 = arith.constant 0 : i32
      %dma_start3A_180 = tpu.memref_slice %arg8[%dma_start3A_178, %dma_start3A_179] : memref<16x128xi32, #tpu.memory_space<vmem>> -> memref<1x128xi32, #tpu.memory_space<vmem>>
      %dma_start3A_181 = tpu.memref_squeeze %dma_start3A_180 : memref<1x128xi32, #tpu.memory_space<vmem>> -> memref<128xi32, #tpu.memory_space<vmem>>
      %dma_start3A_182 = arith.constant 0 : i32
      %dma_start3A_183 = arith.constant 0 : i32
      %dma_start3A_184 = tpu.memref_slice %arg6[%dma_start3A_182, %dma_start3A_183] : memref<10000x64xf32, #tpu.memory_space<vmem_shared>> -> memref<10000x64xf32, #tpu.memory_space<vmem_shared>>
      tpu.enqueue_indirect_dma source(%dma_start3A_184 : memref<10000x64xf32, #tpu.memory_space<vmem_shared>>) target(%arg10 : memref<128x64xf32, #tpu.memory_space<vmem>>) offsets(%dma_start3A_181 : memref<128xi32, #tpu.memory_space<vmem>>) semaphore(%arg12 : memref<!tpu.dma_semaphore, #tpu.memory_space<semaphore_mem>>)
      %run_scoped3A_185 = arith.constant 7 : i32
      "tpu.region"() ({
        %run_scoped3A_299 = tpu.sem_alloc : memref<!tpu.dma_semaphore, #tpu.memory_space<semaphore_mem>>
        %dma_start3A_300 = arith.constant 0 : i32
        %dma_start3A_301 = tpu.memref_slice %arg9[%run_scoped3A_185, %dma_start3A_300] : memref<16x128xi32, #tpu.memory_space<vmem>> -> memref<1x128xi32, #tpu.memory_space<vmem>>
        %dma_start3A_302 = tpu.memref_squeeze %dma_start3A_301 : memref<1x128xi32, #tpu.memory_space<vmem>> -> memref<128xi32, #tpu.memory_space<vmem>>
        %dma_start3A_303 = arith.constant 0 : i32
        %dma_start3A_304 = arith.constant 0 : i32
        %dma_start3A_305 = tpu.memref_slice %arg7[%dma_start3A_303, %dma_start3A_304] : memref<10016x64xf32, #tpu.memory_space<vmem_shared>> -> memref<10016x64xf32, #tpu.memory_space<vmem_shared>>
        tpu.enqueue_indirect_dma source(%arg11 : memref<128x64xf32, #tpu.memory_space<vmem>>) target(%dma_start3A_305 : memref<10016x64xf32, #tpu.memory_space<vmem_shared>>) offsets(%dma_start3A_302 : memref<128xi32, #tpu.memory_space<vmem>>) semaphore(%run_scoped3A_299 : memref<!tpu.dma_semaphore, #tpu.memory_space<semaphore_mem>>) {add = true}
        %dma_wait3A_306 = arith.constant 0 : i32
        %dma_wait3A_307 = tpu.memref_slice %arg9[%run_scoped3A_185, %dma_wait3A_306] : memref<16x128xi32, #tpu.memory_space<vmem>> -> memref<1x128xi32, #tpu.memory_space<vmem>>
        %dma_wait3A_308 = tpu.memref_squeeze %dma_wait3A_307 : memref<1x128xi32, #tpu.memory_space<vmem>> -> memref<128xi32, #tpu.memory_space<vmem>>
        %dma_wait3A_309 = arith.constant 0 : i32
        %dma_wait3A_310 = arith.constant 0 : i32
        %dma_wait3A_311 = tpu.memref_slice %arg7[%dma_wait3A_309, %dma_wait3A_310] : memref<10016x64xf32, #tpu.memory_space<vmem_shared>> -> memref<10016x64xf32, #tpu.memory_space<vmem_shared>>
        tpu.wait_indirect_dma semaphore(%run_scoped3A_299 : memref<!tpu.dma_semaphore, #tpu.memory_space<semaphore_mem>>) src(%arg11 : memref<128x64xf32, #tpu.memory_space<vmem>>) dst(%dma_wait3A_311 : memref<10016x64xf32, #tpu.memory_space<vmem_shared>>)
        tpu.yield
      }) : () -> ()
      %dma_wait3A_186 = arith.constant 8 : i32
      %dma_wait3A_187 = arith.constant 0 : i32
      %dma_wait3A_188 = tpu.memref_slice %arg8[%dma_wait3A_186, %dma_wait3A_187] : memref<16x128xi32, #tpu.memory_space<vmem>> -> memref<1x128xi32, #tpu.memory_space<vmem>>
      %dma_wait3A_189 = tpu.memref_squeeze %dma_wait3A_188 : memref<1x128xi32, #tpu.memory_space<vmem>> -> memref<128xi32, #tpu.memory_space<vmem>>
      %dma_wait3A_190 = arith.constant 0 : i32
      %dma_wait3A_191 = arith.constant 0 : i32
      %dma_wait3A_192 = tpu.memref_slice %arg6[%dma_wait3A_190, %dma_wait3A_191] : memref<10000x64xf32, #tpu.memory_space<vmem_shared>> -> memref<10000x64xf32, #tpu.memory_space<vmem_shared>>
      tpu.wait_indirect_dma semaphore(%arg12 : memref<!tpu.dma_semaphore, #tpu.memory_space<semaphore_mem>>) src(%dma_wait3A_192 : memref<10000x64xf32, #tpu.memory_space<vmem_shared>>) dst(%arg10 : memref<128x64xf32, #tpu.memory_space<vmem>>)
      %dma_start3A_193 = arith.constant 9 : i32
      %dma_start3A_194 = arith.constant 0 : i32
      %dma_start3A_195 = tpu.memref_slice %arg8[%dma_start3A_193, %dma_start3A_194] : memref<16x128xi32, #tpu.memory_space<vmem>> -> memref<1x128xi32, #tpu.memory_space<vmem>>
      %dma_start3A_196 = tpu.memref_squeeze %dma_start3A_195 : memref<1x128xi32, #tpu.memory_space<vmem>> -> memref<128xi32, #tpu.memory_space<vmem>>
      %dma_start3A_197 = arith.constant 0 : i32
      %dma_start3A_198 = arith.constant 0 : i32
      %dma_start3A_199 = tpu.memref_slice %arg6[%dma_start3A_197, %dma_start3A_198] : memref<10000x64xf32, #tpu.memory_space<vmem_shared>> -> memref<10000x64xf32, #tpu.memory_space<vmem_shared>>
      tpu.enqueue_indirect_dma source(%dma_start3A_199 : memref<10000x64xf32, #tpu.memory_space<vmem_shared>>) target(%arg11 : memref<128x64xf32, #tpu.memory_space<vmem>>) offsets(%dma_start3A_196 : memref<128xi32, #tpu.memory_space<vmem>>) semaphore(%arg13 : memref<!tpu.dma_semaphore, #tpu.memory_space<semaphore_mem>>)
      %run_scoped3A_200 = arith.constant 8 : i32
      "tpu.region"() ({
        %run_scoped3A_299 = tpu.sem_alloc : memref<!tpu.dma_semaphore, #tpu.memory_space<semaphore_mem>>
        %dma_start3A_300 = arith.constant 0 : i32
        %dma_start3A_301 = tpu.memref_slice %arg9[%run_scoped3A_200, %dma_start3A_300] : memref<16x128xi32, #tpu.memory_space<vmem>> -> memref<1x128xi32, #tpu.memory_space<vmem>>
        %dma_start3A_302 = tpu.memref_squeeze %dma_start3A_301 : memref<1x128xi32, #tpu.memory_space<vmem>> -> memref<128xi32, #tpu.memory_space<vmem>>
        %dma_start3A_303 = arith.constant 0 : i32
        %dma_start3A_304 = arith.constant 0 : i32
        %dma_start3A_305 = tpu.memref_slice %arg7[%dma_start3A_303, %dma_start3A_304] : memref<10016x64xf32, #tpu.memory_space<vmem_shared>> -> memref<10016x64xf32, #tpu.memory_space<vmem_shared>>
        tpu.enqueue_indirect_dma source(%arg10 : memref<128x64xf32, #tpu.memory_space<vmem>>) target(%dma_start3A_305 : memref<10016x64xf32, #tpu.memory_space<vmem_shared>>) offsets(%dma_start3A_302 : memref<128xi32, #tpu.memory_space<vmem>>) semaphore(%run_scoped3A_299 : memref<!tpu.dma_semaphore, #tpu.memory_space<semaphore_mem>>) {add = true}
        %dma_wait3A_306 = arith.constant 0 : i32
        %dma_wait3A_307 = tpu.memref_slice %arg9[%run_scoped3A_200, %dma_wait3A_306] : memref<16x128xi32, #tpu.memory_space<vmem>> -> memref<1x128xi32, #tpu.memory_space<vmem>>
        %dma_wait3A_308 = tpu.memref_squeeze %dma_wait3A_307 : memref<1x128xi32, #tpu.memory_space<vmem>> -> memref<128xi32, #tpu.memory_space<vmem>>
        %dma_wait3A_309 = arith.constant 0 : i32
        %dma_wait3A_310 = arith.constant 0 : i32
        %dma_wait3A_311 = tpu.memref_slice %arg7[%dma_wait3A_309, %dma_wait3A_310] : memref<10016x64xf32, #tpu.memory_space<vmem_shared>> -> memref<10016x64xf32, #tpu.memory_space<vmem_shared>>
        tpu.wait_indirect_dma semaphore(%run_scoped3A_299 : memref<!tpu.dma_semaphore, #tpu.memory_space<semaphore_mem>>) src(%arg10 : memref<128x64xf32, #tpu.memory_space<vmem>>) dst(%dma_wait3A_311 : memref<10016x64xf32, #tpu.memory_space<vmem_shared>>)
        tpu.yield
      }) : () -> ()
      %dma_wait3A_201 = arith.constant 9 : i32
      %dma_wait3A_202 = arith.constant 0 : i32
      %dma_wait3A_203 = tpu.memref_slice %arg8[%dma_wait3A_201, %dma_wait3A_202] : memref<16x128xi32, #tpu.memory_space<vmem>> -> memref<1x128xi32, #tpu.memory_space<vmem>>
      %dma_wait3A_204 = tpu.memref_squeeze %dma_wait3A_203 : memref<1x128xi32, #tpu.memory_space<vmem>> -> memref<128xi32, #tpu.memory_space<vmem>>
      %dma_wait3A_205 = arith.constant 0 : i32
      %dma_wait3A_206 = arith.constant 0 : i32
      %dma_wait3A_207 = tpu.memref_slice %arg6[%dma_wait3A_205, %dma_wait3A_206] : memref<10000x64xf32, #tpu.memory_space<vmem_shared>> -> memref<10000x64xf32, #tpu.memory_space<vmem_shared>>
      tpu.wait_indirect_dma semaphore(%arg13 : memref<!tpu.dma_semaphore, #tpu.memory_space<semaphore_mem>>) src(%dma_wait3A_207 : memref<10000x64xf32, #tpu.memory_space<vmem_shared>>) dst(%arg11 : memref<128x64xf32, #tpu.memory_space<vmem>>)
      %dma_start3A_208 = arith.constant 10 : i32
      %dma_start3A_209 = arith.constant 0 : i32
      %dma_start3A_210 = tpu.memref_slice %arg8[%dma_start3A_208, %dma_start3A_209] : memref<16x128xi32, #tpu.memory_space<vmem>> -> memref<1x128xi32, #tpu.memory_space<vmem>>
      %dma_start3A_211 = tpu.memref_squeeze %dma_start3A_210 : memref<1x128xi32, #tpu.memory_space<vmem>> -> memref<128xi32, #tpu.memory_space<vmem>>
      %dma_start3A_212 = arith.constant 0 : i32
      %dma_start3A_213 = arith.constant 0 : i32
      %dma_start3A_214 = tpu.memref_slice %arg6[%dma_start3A_212, %dma_start3A_213] : memref<10000x64xf32, #tpu.memory_space<vmem_shared>> -> memref<10000x64xf32, #tpu.memory_space<vmem_shared>>
      tpu.enqueue_indirect_dma source(%dma_start3A_214 : memref<10000x64xf32, #tpu.memory_space<vmem_shared>>) target(%arg10 : memref<128x64xf32, #tpu.memory_space<vmem>>) offsets(%dma_start3A_211 : memref<128xi32, #tpu.memory_space<vmem>>) semaphore(%arg12 : memref<!tpu.dma_semaphore, #tpu.memory_space<semaphore_mem>>)
      %run_scoped3A_215 = arith.constant 9 : i32
      "tpu.region"() ({
        %run_scoped3A_299 = tpu.sem_alloc : memref<!tpu.dma_semaphore, #tpu.memory_space<semaphore_mem>>
        %dma_start3A_300 = arith.constant 0 : i32
        %dma_start3A_301 = tpu.memref_slice %arg9[%run_scoped3A_215, %dma_start3A_300] : memref<16x128xi32, #tpu.memory_space<vmem>> -> memref<1x128xi32, #tpu.memory_space<vmem>>
        %dma_start3A_302 = tpu.memref_squeeze %dma_start3A_301 : memref<1x128xi32, #tpu.memory_space<vmem>> -> memref<128xi32, #tpu.memory_space<vmem>>
        %dma_start3A_303 = arith.constant 0 : i32
        %dma_start3A_304 = arith.constant 0 : i32
        %dma_start3A_305 = tpu.memref_slice %arg7[%dma_start3A_303, %dma_start3A_304] : memref<10016x64xf32, #tpu.memory_space<vmem_shared>> -> memref<10016x64xf32, #tpu.memory_space<vmem_shared>>
        tpu.enqueue_indirect_dma source(%arg11 : memref<128x64xf32, #tpu.memory_space<vmem>>) target(%dma_start3A_305 : memref<10016x64xf32, #tpu.memory_space<vmem_shared>>) offsets(%dma_start3A_302 : memref<128xi32, #tpu.memory_space<vmem>>) semaphore(%run_scoped3A_299 : memref<!tpu.dma_semaphore, #tpu.memory_space<semaphore_mem>>) {add = true}
        %dma_wait3A_306 = arith.constant 0 : i32
        %dma_wait3A_307 = tpu.memref_slice %arg9[%run_scoped3A_215, %dma_wait3A_306] : memref<16x128xi32, #tpu.memory_space<vmem>> -> memref<1x128xi32, #tpu.memory_space<vmem>>
        %dma_wait3A_308 = tpu.memref_squeeze %dma_wait3A_307 : memref<1x128xi32, #tpu.memory_space<vmem>> -> memref<128xi32, #tpu.memory_space<vmem>>
        %dma_wait3A_309 = arith.constant 0 : i32
        %dma_wait3A_310 = arith.constant 0 : i32
        %dma_wait3A_311 = tpu.memref_slice %arg7[%dma_wait3A_309, %dma_wait3A_310] : memref<10016x64xf32, #tpu.memory_space<vmem_shared>> -> memref<10016x64xf32, #tpu.memory_space<vmem_shared>>
        tpu.wait_indirect_dma semaphore(%run_scoped3A_299 : memref<!tpu.dma_semaphore, #tpu.memory_space<semaphore_mem>>) src(%arg11 : memref<128x64xf32, #tpu.memory_space<vmem>>) dst(%dma_wait3A_311 : memref<10016x64xf32, #tpu.memory_space<vmem_shared>>)
        tpu.yield
      }) : () -> ()
      %dma_wait3A_216 = arith.constant 10 : i32
      %dma_wait3A_217 = arith.constant 0 : i32
      %dma_wait3A_218 = tpu.memref_slice %arg8[%dma_wait3A_216, %dma_wait3A_217] : memref<16x128xi32, #tpu.memory_space<vmem>> -> memref<1x128xi32, #tpu.memory_space<vmem>>
      %dma_wait3A_219 = tpu.memref_squeeze %dma_wait3A_218 : memref<1x128xi32, #tpu.memory_space<vmem>> -> memref<128xi32, #tpu.memory_space<vmem>>
      %dma_wait3A_220 = arith.constant 0 : i32
      %dma_wait3A_221 = arith.constant 0 : i32
      %dma_wait3A_222 = tpu.memref_slice %arg6[%dma_wait3A_220, %dma_wait3A_221] : memref<10000x64xf32, #tpu.memory_space<vmem_shared>> -> memref<10000x64xf32, #tpu.memory_space<vmem_shared>>
      tpu.wait_indirect_dma semaphore(%arg12 : memref<!tpu.dma_semaphore, #tpu.memory_space<semaphore_mem>>) src(%dma_wait3A_222 : memref<10000x64xf32, #tpu.memory_space<vmem_shared>>) dst(%arg10 : memref<128x64xf32, #tpu.memory_space<vmem>>)
      %dma_start3A_223 = arith.constant 11 : i32
      %dma_start3A_224 = arith.constant 0 : i32
      %dma_start3A_225 = tpu.memref_slice %arg8[%dma_start3A_223, %dma_start3A_224] : memref<16x128xi32, #tpu.memory_space<vmem>> -> memref<1x128xi32, #tpu.memory_space<vmem>>
      %dma_start3A_226 = tpu.memref_squeeze %dma_start3A_225 : memref<1x128xi32, #tpu.memory_space<vmem>> -> memref<128xi32, #tpu.memory_space<vmem>>
      %dma_start3A_227 = arith.constant 0 : i32
      %dma_start3A_228 = arith.constant 0 : i32
      %dma_start3A_229 = tpu.memref_slice %arg6[%dma_start3A_227, %dma_start3A_228] : memref<10000x64xf32, #tpu.memory_space<vmem_shared>> -> memref<10000x64xf32, #tpu.memory_space<vmem_shared>>
      tpu.enqueue_indirect_dma source(%dma_start3A_229 : memref<10000x64xf32, #tpu.memory_space<vmem_shared>>) target(%arg11 : memref<128x64xf32, #tpu.memory_space<vmem>>) offsets(%dma_start3A_226 : memref<128xi32, #tpu.memory_space<vmem>>) semaphore(%arg13 : memref<!tpu.dma_semaphore, #tpu.memory_space<semaphore_mem>>)
      %run_scoped3A_230 = arith.constant 10 : i32
      "tpu.region"() ({
        %run_scoped3A_299 = tpu.sem_alloc : memref<!tpu.dma_semaphore, #tpu.memory_space<semaphore_mem>>
        %dma_start3A_300 = arith.constant 0 : i32
        %dma_start3A_301 = tpu.memref_slice %arg9[%run_scoped3A_230, %dma_start3A_300] : memref<16x128xi32, #tpu.memory_space<vmem>> -> memref<1x128xi32, #tpu.memory_space<vmem>>
        %dma_start3A_302 = tpu.memref_squeeze %dma_start3A_301 : memref<1x128xi32, #tpu.memory_space<vmem>> -> memref<128xi32, #tpu.memory_space<vmem>>
        %dma_start3A_303 = arith.constant 0 : i32
        %dma_start3A_304 = arith.constant 0 : i32
        %dma_start3A_305 = tpu.memref_slice %arg7[%dma_start3A_303, %dma_start3A_304] : memref<10016x64xf32, #tpu.memory_space<vmem_shared>> -> memref<10016x64xf32, #tpu.memory_space<vmem_shared>>
        tpu.enqueue_indirect_dma source(%arg10 : memref<128x64xf32, #tpu.memory_space<vmem>>) target(%dma_start3A_305 : memref<10016x64xf32, #tpu.memory_space<vmem_shared>>) offsets(%dma_start3A_302 : memref<128xi32, #tpu.memory_space<vmem>>) semaphore(%run_scoped3A_299 : memref<!tpu.dma_semaphore, #tpu.memory_space<semaphore_mem>>) {add = true}
        %dma_wait3A_306 = arith.constant 0 : i32
        %dma_wait3A_307 = tpu.memref_slice %arg9[%run_scoped3A_230, %dma_wait3A_306] : memref<16x128xi32, #tpu.memory_space<vmem>> -> memref<1x128xi32, #tpu.memory_space<vmem>>
        %dma_wait3A_308 = tpu.memref_squeeze %dma_wait3A_307 : memref<1x128xi32, #tpu.memory_space<vmem>> -> memref<128xi32, #tpu.memory_space<vmem>>
        %dma_wait3A_309 = arith.constant 0 : i32
        %dma_wait3A_310 = arith.constant 0 : i32
        %dma_wait3A_311 = tpu.memref_slice %arg7[%dma_wait3A_309, %dma_wait3A_310] : memref<10016x64xf32, #tpu.memory_space<vmem_shared>> -> memref<10016x64xf32, #tpu.memory_space<vmem_shared>>
        tpu.wait_indirect_dma semaphore(%run_scoped3A_299 : memref<!tpu.dma_semaphore, #tpu.memory_space<semaphore_mem>>) src(%arg10 : memref<128x64xf32, #tpu.memory_space<vmem>>) dst(%dma_wait3A_311 : memref<10016x64xf32, #tpu.memory_space<vmem_shared>>)
        tpu.yield
      }) : () -> ()
      %dma_wait3A_231 = arith.constant 11 : i32
      %dma_wait3A_232 = arith.constant 0 : i32
      %dma_wait3A_233 = tpu.memref_slice %arg8[%dma_wait3A_231, %dma_wait3A_232] : memref<16x128xi32, #tpu.memory_space<vmem>> -> memref<1x128xi32, #tpu.memory_space<vmem>>
      %dma_wait3A_234 = tpu.memref_squeeze %dma_wait3A_233 : memref<1x128xi32, #tpu.memory_space<vmem>> -> memref<128xi32, #tpu.memory_space<vmem>>
      %dma_wait3A_235 = arith.constant 0 : i32
      %dma_wait3A_236 = arith.constant 0 : i32
      %dma_wait3A_237 = tpu.memref_slice %arg6[%dma_wait3A_235, %dma_wait3A_236] : memref<10000x64xf32, #tpu.memory_space<vmem_shared>> -> memref<10000x64xf32, #tpu.memory_space<vmem_shared>>
      tpu.wait_indirect_dma semaphore(%arg13 : memref<!tpu.dma_semaphore, #tpu.memory_space<semaphore_mem>>) src(%dma_wait3A_237 : memref<10000x64xf32, #tpu.memory_space<vmem_shared>>) dst(%arg11 : memref<128x64xf32, #tpu.memory_space<vmem>>)
      %dma_start3A_238 = arith.constant 12 : i32
      %dma_start3A_239 = arith.constant 0 : i32
      %dma_start3A_240 = tpu.memref_slice %arg8[%dma_start3A_238, %dma_start3A_239] : memref<16x128xi32, #tpu.memory_space<vmem>> -> memref<1x128xi32, #tpu.memory_space<vmem>>
      %dma_start3A_241 = tpu.memref_squeeze %dma_start3A_240 : memref<1x128xi32, #tpu.memory_space<vmem>> -> memref<128xi32, #tpu.memory_space<vmem>>
      %dma_start3A_242 = arith.constant 0 : i32
      %dma_start3A_243 = arith.constant 0 : i32
      %dma_start3A_244 = tpu.memref_slice %arg6[%dma_start3A_242, %dma_start3A_243] : memref<10000x64xf32, #tpu.memory_space<vmem_shared>> -> memref<10000x64xf32, #tpu.memory_space<vmem_shared>>
      tpu.enqueue_indirect_dma source(%dma_start3A_244 : memref<10000x64xf32, #tpu.memory_space<vmem_shared>>) target(%arg10 : memref<128x64xf32, #tpu.memory_space<vmem>>) offsets(%dma_start3A_241 : memref<128xi32, #tpu.memory_space<vmem>>) semaphore(%arg12 : memref<!tpu.dma_semaphore, #tpu.memory_space<semaphore_mem>>)
      %run_scoped3A_245 = arith.constant 11 : i32
      "tpu.region"() ({
        %run_scoped3A_299 = tpu.sem_alloc : memref<!tpu.dma_semaphore, #tpu.memory_space<semaphore_mem>>
        %dma_start3A_300 = arith.constant 0 : i32
        %dma_start3A_301 = tpu.memref_slice %arg9[%run_scoped3A_245, %dma_start3A_300] : memref<16x128xi32, #tpu.memory_space<vmem>> -> memref<1x128xi32, #tpu.memory_space<vmem>>
        %dma_start3A_302 = tpu.memref_squeeze %dma_start3A_301 : memref<1x128xi32, #tpu.memory_space<vmem>> -> memref<128xi32, #tpu.memory_space<vmem>>
        %dma_start3A_303 = arith.constant 0 : i32
        %dma_start3A_304 = arith.constant 0 : i32
        %dma_start3A_305 = tpu.memref_slice %arg7[%dma_start3A_303, %dma_start3A_304] : memref<10016x64xf32, #tpu.memory_space<vmem_shared>> -> memref<10016x64xf32, #tpu.memory_space<vmem_shared>>
        tpu.enqueue_indirect_dma source(%arg11 : memref<128x64xf32, #tpu.memory_space<vmem>>) target(%dma_start3A_305 : memref<10016x64xf32, #tpu.memory_space<vmem_shared>>) offsets(%dma_start3A_302 : memref<128xi32, #tpu.memory_space<vmem>>) semaphore(%run_scoped3A_299 : memref<!tpu.dma_semaphore, #tpu.memory_space<semaphore_mem>>) {add = true}
        %dma_wait3A_306 = arith.constant 0 : i32
        %dma_wait3A_307 = tpu.memref_slice %arg9[%run_scoped3A_245, %dma_wait3A_306] : memref<16x128xi32, #tpu.memory_space<vmem>> -> memref<1x128xi32, #tpu.memory_space<vmem>>
        %dma_wait3A_308 = tpu.memref_squeeze %dma_wait3A_307 : memref<1x128xi32, #tpu.memory_space<vmem>> -> memref<128xi32, #tpu.memory_space<vmem>>
        %dma_wait3A_309 = arith.constant 0 : i32
        %dma_wait3A_310 = arith.constant 0 : i32
        %dma_wait3A_311 = tpu.memref_slice %arg7[%dma_wait3A_309, %dma_wait3A_310] : memref<10016x64xf32, #tpu.memory_space<vmem_shared>> -> memref<10016x64xf32, #tpu.memory_space<vmem_shared>>
        tpu.wait_indirect_dma semaphore(%run_scoped3A_299 : memref<!tpu.dma_semaphore, #tpu.memory_space<semaphore_mem>>) src(%arg11 : memref<128x64xf32, #tpu.memory_space<vmem>>) dst(%dma_wait3A_311 : memref<10016x64xf32, #tpu.memory_space<vmem_shared>>)
        tpu.yield
      }) : () -> ()
      %dma_wait3A_246 = arith.constant 12 : i32
      %dma_wait3A_247 = arith.constant 0 : i32
      %dma_wait3A_248 = tpu.memref_slice %arg8[%dma_wait3A_246, %dma_wait3A_247] : memref<16x128xi32, #tpu.memory_space<vmem>> -> memref<1x128xi32, #tpu.memory_space<vmem>>
      %dma_wait3A_249 = tpu.memref_squeeze %dma_wait3A_248 : memref<1x128xi32, #tpu.memory_space<vmem>> -> memref<128xi32, #tpu.memory_space<vmem>>
      %dma_wait3A_250 = arith.constant 0 : i32
      %dma_wait3A_251 = arith.constant 0 : i32
      %dma_wait3A_252 = tpu.memref_slice %arg6[%dma_wait3A_250, %dma_wait3A_251] : memref<10000x64xf32, #tpu.memory_space<vmem_shared>> -> memref<10000x64xf32, #tpu.memory_space<vmem_shared>>
      tpu.wait_indirect_dma semaphore(%arg12 : memref<!tpu.dma_semaphore, #tpu.memory_space<semaphore_mem>>) src(%dma_wait3A_252 : memref<10000x64xf32, #tpu.memory_space<vmem_shared>>) dst(%arg10 : memref<128x64xf32, #tpu.memory_space<vmem>>)
      %dma_start3A_253 = arith.constant 13 : i32
      %dma_start3A_254 = arith.constant 0 : i32
      %dma_start3A_255 = tpu.memref_slice %arg8[%dma_start3A_253, %dma_start3A_254] : memref<16x128xi32, #tpu.memory_space<vmem>> -> memref<1x128xi32, #tpu.memory_space<vmem>>
      %dma_start3A_256 = tpu.memref_squeeze %dma_start3A_255 : memref<1x128xi32, #tpu.memory_space<vmem>> -> memref<128xi32, #tpu.memory_space<vmem>>
      %dma_start3A_257 = arith.constant 0 : i32
      %dma_start3A_258 = arith.constant 0 : i32
      %dma_start3A_259 = tpu.memref_slice %arg6[%dma_start3A_257, %dma_start3A_258] : memref<10000x64xf32, #tpu.memory_space<vmem_shared>> -> memref<10000x64xf32, #tpu.memory_space<vmem_shared>>
      tpu.enqueue_indirect_dma source(%dma_start3A_259 : memref<10000x64xf32, #tpu.memory_space<vmem_shared>>) target(%arg11 : memref<128x64xf32, #tpu.memory_space<vmem>>) offsets(%dma_start3A_256 : memref<128xi32, #tpu.memory_space<vmem>>) semaphore(%arg13 : memref<!tpu.dma_semaphore, #tpu.memory_space<semaphore_mem>>)
      %run_scoped3A_260 = arith.constant 12 : i32
      "tpu.region"() ({
        %run_scoped3A_299 = tpu.sem_alloc : memref<!tpu.dma_semaphore, #tpu.memory_space<semaphore_mem>>
        %dma_start3A_300 = arith.constant 0 : i32
        %dma_start3A_301 = tpu.memref_slice %arg9[%run_scoped3A_260, %dma_start3A_300] : memref<16x128xi32, #tpu.memory_space<vmem>> -> memref<1x128xi32, #tpu.memory_space<vmem>>
        %dma_start3A_302 = tpu.memref_squeeze %dma_start3A_301 : memref<1x128xi32, #tpu.memory_space<vmem>> -> memref<128xi32, #tpu.memory_space<vmem>>
        %dma_start3A_303 = arith.constant 0 : i32
        %dma_start3A_304 = arith.constant 0 : i32
        %dma_start3A_305 = tpu.memref_slice %arg7[%dma_start3A_303, %dma_start3A_304] : memref<10016x64xf32, #tpu.memory_space<vmem_shared>> -> memref<10016x64xf32, #tpu.memory_space<vmem_shared>>
        tpu.enqueue_indirect_dma source(%arg10 : memref<128x64xf32, #tpu.memory_space<vmem>>) target(%dma_start3A_305 : memref<10016x64xf32, #tpu.memory_space<vmem_shared>>) offsets(%dma_start3A_302 : memref<128xi32, #tpu.memory_space<vmem>>) semaphore(%run_scoped3A_299 : memref<!tpu.dma_semaphore, #tpu.memory_space<semaphore_mem>>) {add = true}
        %dma_wait3A_306 = arith.constant 0 : i32
        %dma_wait3A_307 = tpu.memref_slice %arg9[%run_scoped3A_260, %dma_wait3A_306] : memref<16x128xi32, #tpu.memory_space<vmem>> -> memref<1x128xi32, #tpu.memory_space<vmem>>
        %dma_wait3A_308 = tpu.memref_squeeze %dma_wait3A_307 : memref<1x128xi32, #tpu.memory_space<vmem>> -> memref<128xi32, #tpu.memory_space<vmem>>
        %dma_wait3A_309 = arith.constant 0 : i32
        %dma_wait3A_310 = arith.constant 0 : i32
        %dma_wait3A_311 = tpu.memref_slice %arg7[%dma_wait3A_309, %dma_wait3A_310] : memref<10016x64xf32, #tpu.memory_space<vmem_shared>> -> memref<10016x64xf32, #tpu.memory_space<vmem_shared>>
        tpu.wait_indirect_dma semaphore(%run_scoped3A_299 : memref<!tpu.dma_semaphore, #tpu.memory_space<semaphore_mem>>) src(%arg10 : memref<128x64xf32, #tpu.memory_space<vmem>>) dst(%dma_wait3A_311 : memref<10016x64xf32, #tpu.memory_space<vmem_shared>>)
        tpu.yield
      }) : () -> ()
      %dma_wait3A_261 = arith.constant 13 : i32
      %dma_wait3A_262 = arith.constant 0 : i32
      %dma_wait3A_263 = tpu.memref_slice %arg8[%dma_wait3A_261, %dma_wait3A_262] : memref<16x128xi32, #tpu.memory_space<vmem>> -> memref<1x128xi32, #tpu.memory_space<vmem>>
      %dma_wait3A_264 = tpu.memref_squeeze %dma_wait3A_263 : memref<1x128xi32, #tpu.memory_space<vmem>> -> memref<128xi32, #tpu.memory_space<vmem>>
      %dma_wait3A_265 = arith.constant 0 : i32
      %dma_wait3A_266 = arith.constant 0 : i32
      %dma_wait3A_267 = tpu.memref_slice %arg6[%dma_wait3A_265, %dma_wait3A_266] : memref<10000x64xf32, #tpu.memory_space<vmem_shared>> -> memref<10000x64xf32, #tpu.memory_space<vmem_shared>>
      tpu.wait_indirect_dma semaphore(%arg13 : memref<!tpu.dma_semaphore, #tpu.memory_space<semaphore_mem>>) src(%dma_wait3A_267 : memref<10000x64xf32, #tpu.memory_space<vmem_shared>>) dst(%arg11 : memref<128x64xf32, #tpu.memory_space<vmem>>)
      %dma_start3A_268 = arith.constant 14 : i32
      %dma_start3A_269 = arith.constant 0 : i32
      %dma_start3A_270 = tpu.memref_slice %arg8[%dma_start3A_268, %dma_start3A_269] : memref<16x128xi32, #tpu.memory_space<vmem>> -> memref<1x128xi32, #tpu.memory_space<vmem>>
      %dma_start3A_271 = tpu.memref_squeeze %dma_start3A_270 : memref<1x128xi32, #tpu.memory_space<vmem>> -> memref<128xi32, #tpu.memory_space<vmem>>
      %dma_start3A_272 = arith.constant 0 : i32
      %dma_start3A_273 = arith.constant 0 : i32
      %dma_start3A_274 = tpu.memref_slice %arg6[%dma_start3A_272, %dma_start3A_273] : memref<10000x64xf32, #tpu.memory_space<vmem_shared>> -> memref<10000x64xf32, #tpu.memory_space<vmem_shared>>
      tpu.enqueue_indirect_dma source(%dma_start3A_274 : memref<10000x64xf32, #tpu.memory_space<vmem_shared>>) target(%arg10 : memref<128x64xf32, #tpu.memory_space<vmem>>) offsets(%dma_start3A_271 : memref<128xi32, #tpu.memory_space<vmem>>) semaphore(%arg12 : memref<!tpu.dma_semaphore, #tpu.memory_space<semaphore_mem>>)
      %run_scoped3A_275 = arith.constant 13 : i32
      "tpu.region"() ({
        %run_scoped3A_299 = tpu.sem_alloc : memref<!tpu.dma_semaphore, #tpu.memory_space<semaphore_mem>>
        %dma_start3A_300 = arith.constant 0 : i32
        %dma_start3A_301 = tpu.memref_slice %arg9[%run_scoped3A_275, %dma_start3A_300] : memref<16x128xi32, #tpu.memory_space<vmem>> -> memref<1x128xi32, #tpu.memory_space<vmem>>
        %dma_start3A_302 = tpu.memref_squeeze %dma_start3A_301 : memref<1x128xi32, #tpu.memory_space<vmem>> -> memref<128xi32, #tpu.memory_space<vmem>>
        %dma_start3A_303 = arith.constant 0 : i32
        %dma_start3A_304 = arith.constant 0 : i32
        %dma_start3A_305 = tpu.memref_slice %arg7[%dma_start3A_303, %dma_start3A_304] : memref<10016x64xf32, #tpu.memory_space<vmem_shared>> -> memref<10016x64xf32, #tpu.memory_space<vmem_shared>>
        tpu.enqueue_indirect_dma source(%arg11 : memref<128x64xf32, #tpu.memory_space<vmem>>) target(%dma_start3A_305 : memref<10016x64xf32, #tpu.memory_space<vmem_shared>>) offsets(%dma_start3A_302 : memref<128xi32, #tpu.memory_space<vmem>>) semaphore(%run_scoped3A_299 : memref<!tpu.dma_semaphore, #tpu.memory_space<semaphore_mem>>) {add = true}
        %dma_wait3A_306 = arith.constant 0 : i32
        %dma_wait3A_307 = tpu.memref_slice %arg9[%run_scoped3A_275, %dma_wait3A_306] : memref<16x128xi32, #tpu.memory_space<vmem>> -> memref<1x128xi32, #tpu.memory_space<vmem>>
        %dma_wait3A_308 = tpu.memref_squeeze %dma_wait3A_307 : memref<1x128xi32, #tpu.memory_space<vmem>> -> memref<128xi32, #tpu.memory_space<vmem>>
        %dma_wait3A_309 = arith.constant 0 : i32
        %dma_wait3A_310 = arith.constant 0 : i32
        %dma_wait3A_311 = tpu.memref_slice %arg7[%dma_wait3A_309, %dma_wait3A_310] : memref<10016x64xf32, #tpu.memory_space<vmem_shared>> -> memref<10016x64xf32, #tpu.memory_space<vmem_shared>>
        tpu.wait_indirect_dma semaphore(%run_scoped3A_299 : memref<!tpu.dma_semaphore, #tpu.memory_space<semaphore_mem>>) src(%arg11 : memref<128x64xf32, #tpu.memory_space<vmem>>) dst(%dma_wait3A_311 : memref<10016x64xf32, #tpu.memory_space<vmem_shared>>)
        tpu.yield
      }) : () -> ()
      %dma_wait3A_276 = arith.constant 14 : i32
      %dma_wait3A_277 = arith.constant 0 : i32
      %dma_wait3A_278 = tpu.memref_slice %arg8[%dma_wait3A_276, %dma_wait3A_277] : memref<16x128xi32, #tpu.memory_space<vmem>> -> memref<1x128xi32, #tpu.memory_space<vmem>>
      %dma_wait3A_279 = tpu.memref_squeeze %dma_wait3A_278 : memref<1x128xi32, #tpu.memory_space<vmem>> -> memref<128xi32, #tpu.memory_space<vmem>>
      %dma_wait3A_280 = arith.constant 0 : i32
      %dma_wait3A_281 = arith.constant 0 : i32
      %dma_wait3A_282 = tpu.memref_slice %arg6[%dma_wait3A_280, %dma_wait3A_281] : memref<10000x64xf32, #tpu.memory_space<vmem_shared>> -> memref<10000x64xf32, #tpu.memory_space<vmem_shared>>
      tpu.wait_indirect_dma semaphore(%arg12 : memref<!tpu.dma_semaphore, #tpu.memory_space<semaphore_mem>>) src(%dma_wait3A_282 : memref<10000x64xf32, #tpu.memory_space<vmem_shared>>) dst(%arg10 : memref<128x64xf32, #tpu.memory_space<vmem>>)
      %dma_start3A_283 = arith.constant 15 : i32
      %dma_start3A_284 = arith.constant 0 : i32
      %dma_start3A_285 = tpu.memref_slice %arg8[%dma_start3A_283, %dma_start3A_284] : memref<16x128xi32, #tpu.memory_space<vmem>> -> memref<1x128xi32, #tpu.memory_space<vmem>>
      %dma_start3A_286 = tpu.memref_squeeze %dma_start3A_285 : memref<1x128xi32, #tpu.memory_space<vmem>> -> memref<128xi32, #tpu.memory_space<vmem>>
      %dma_start3A_287 = arith.constant 0 : i32
      %dma_start3A_288 = arith.constant 0 : i32
      %dma_start3A_289 = tpu.memref_slice %arg6[%dma_start3A_287, %dma_start3A_288] : memref<10000x64xf32, #tpu.memory_space<vmem_shared>> -> memref<10000x64xf32, #tpu.memory_space<vmem_shared>>
      tpu.enqueue_indirect_dma source(%dma_start3A_289 : memref<10000x64xf32, #tpu.memory_space<vmem_shared>>) target(%arg11 : memref<128x64xf32, #tpu.memory_space<vmem>>) offsets(%dma_start3A_286 : memref<128xi32, #tpu.memory_space<vmem>>) semaphore(%arg13 : memref<!tpu.dma_semaphore, #tpu.memory_space<semaphore_mem>>)
      %run_scoped3A_290 = arith.constant 14 : i32
      "tpu.region"() ({
        %run_scoped3A_299 = tpu.sem_alloc : memref<!tpu.dma_semaphore, #tpu.memory_space<semaphore_mem>>
        %dma_start3A_300 = arith.constant 0 : i32
        %dma_start3A_301 = tpu.memref_slice %arg9[%run_scoped3A_290, %dma_start3A_300] : memref<16x128xi32, #tpu.memory_space<vmem>> -> memref<1x128xi32, #tpu.memory_space<vmem>>
        %dma_start3A_302 = tpu.memref_squeeze %dma_start3A_301 : memref<1x128xi32, #tpu.memory_space<vmem>> -> memref<128xi32, #tpu.memory_space<vmem>>
        %dma_start3A_303 = arith.constant 0 : i32
        %dma_start3A_304 = arith.constant 0 : i32
        %dma_start3A_305 = tpu.memref_slice %arg7[%dma_start3A_303, %dma_start3A_304] : memref<10016x64xf32, #tpu.memory_space<vmem_shared>> -> memref<10016x64xf32, #tpu.memory_space<vmem_shared>>
        tpu.enqueue_indirect_dma source(%arg10 : memref<128x64xf32, #tpu.memory_space<vmem>>) target(%dma_start3A_305 : memref<10016x64xf32, #tpu.memory_space<vmem_shared>>) offsets(%dma_start3A_302 : memref<128xi32, #tpu.memory_space<vmem>>) semaphore(%run_scoped3A_299 : memref<!tpu.dma_semaphore, #tpu.memory_space<semaphore_mem>>) {add = true}
        %dma_wait3A_306 = arith.constant 0 : i32
        %dma_wait3A_307 = tpu.memref_slice %arg9[%run_scoped3A_290, %dma_wait3A_306] : memref<16x128xi32, #tpu.memory_space<vmem>> -> memref<1x128xi32, #tpu.memory_space<vmem>>
        %dma_wait3A_308 = tpu.memref_squeeze %dma_wait3A_307 : memref<1x128xi32, #tpu.memory_space<vmem>> -> memref<128xi32, #tpu.memory_space<vmem>>
        %dma_wait3A_309 = arith.constant 0 : i32
        %dma_wait3A_310 = arith.constant 0 : i32
        %dma_wait3A_311 = tpu.memref_slice %arg7[%dma_wait3A_309, %dma_wait3A_310] : memref<10016x64xf32, #tpu.memory_space<vmem_shared>> -> memref<10016x64xf32, #tpu.memory_space<vmem_shared>>
        tpu.wait_indirect_dma semaphore(%run_scoped3A_299 : memref<!tpu.dma_semaphore, #tpu.memory_space<semaphore_mem>>) src(%arg10 : memref<128x64xf32, #tpu.memory_space<vmem>>) dst(%dma_wait3A_311 : memref<10016x64xf32, #tpu.memory_space<vmem_shared>>)
        tpu.yield
      }) : () -> ()
      %dma_wait3A_291 = arith.constant 15 : i32
      %dma_wait3A_292 = arith.constant 0 : i32
      %dma_wait3A_293 = tpu.memref_slice %arg8[%dma_wait3A_291, %dma_wait3A_292] : memref<16x128xi32, #tpu.memory_space<vmem>> -> memref<1x128xi32, #tpu.memory_space<vmem>>
      %dma_wait3A_294 = tpu.memref_squeeze %dma_wait3A_293 : memref<1x128xi32, #tpu.memory_space<vmem>> -> memref<128xi32, #tpu.memory_space<vmem>>
      %dma_wait3A_295 = arith.constant 0 : i32
      %dma_wait3A_296 = arith.constant 0 : i32
      %dma_wait3A_297 = tpu.memref_slice %arg6[%dma_wait3A_295, %dma_wait3A_296] : memref<10000x64xf32, #tpu.memory_space<vmem_shared>> -> memref<10000x64xf32, #tpu.memory_space<vmem_shared>>
      tpu.wait_indirect_dma semaphore(%arg13 : memref<!tpu.dma_semaphore, #tpu.memory_space<semaphore_mem>>) src(%dma_wait3A_297 : memref<10000x64xf32, #tpu.memory_space<vmem_shared>>) dst(%arg11 : memref<128x64xf32, #tpu.memory_space<vmem>>)
      %run_scoped3A_298 = arith.constant 15 : i32
      "tpu.region"() ({
        %run_scoped3A_299 = tpu.sem_alloc : memref<!tpu.dma_semaphore, #tpu.memory_space<semaphore_mem>>
        %dma_start3A_300 = arith.constant 0 : i32
        %dma_start3A_301 = tpu.memref_slice %arg9[%run_scoped3A_298, %dma_start3A_300] : memref<16x128xi32, #tpu.memory_space<vmem>> -> memref<1x128xi32, #tpu.memory_space<vmem>>
        %dma_start3A_302 = tpu.memref_squeeze %dma_start3A_301 : memref<1x128xi32, #tpu.memory_space<vmem>> -> memref<128xi32, #tpu.memory_space<vmem>>
        %dma_start3A_303 = arith.constant 0 : i32
        %dma_start3A_304 = arith.constant 0 : i32
        %dma_start3A_305 = tpu.memref_slice %arg7[%dma_start3A_303, %dma_start3A_304] : memref<10016x64xf32, #tpu.memory_space<vmem_shared>> -> memref<10016x64xf32, #tpu.memory_space<vmem_shared>>
        tpu.enqueue_indirect_dma source(%arg11 : memref<128x64xf32, #tpu.memory_space<vmem>>) target(%dma_start3A_305 : memref<10016x64xf32, #tpu.memory_space<vmem_shared>>) offsets(%dma_start3A_302 : memref<128xi32, #tpu.memory_space<vmem>>) semaphore(%run_scoped3A_299 : memref<!tpu.dma_semaphore, #tpu.memory_space<semaphore_mem>>) {add = true}
        %dma_wait3A_306 = arith.constant 0 : i32
        %dma_wait3A_307 = tpu.memref_slice %arg9[%run_scoped3A_298, %dma_wait3A_306] : memref<16x128xi32, #tpu.memory_space<vmem>> -> memref<1x128xi32, #tpu.memory_space<vmem>>
        %dma_wait3A_308 = tpu.memref_squeeze %dma_wait3A_307 : memref<1x128xi32, #tpu.memory_space<vmem>> -> memref<128xi32, #tpu.memory_space<vmem>>
        %dma_wait3A_309 = arith.constant 0 : i32
        %dma_wait3A_310 = arith.constant 0 : i32
        %dma_wait3A_311 = tpu.memref_slice %arg7[%dma_wait3A_309, %dma_wait3A_310] : memref<10016x64xf32, #tpu.memory_space<vmem_shared>> -> memref<10016x64xf32, #tpu.memory_space<vmem_shared>>
        tpu.wait_indirect_dma semaphore(%run_scoped3A_299 : memref<!tpu.dma_semaphore, #tpu.memory_space<semaphore_mem>>) src(%arg11 : memref<128x64xf32, #tpu.memory_space<vmem>>) dst(%dma_wait3A_311 : memref<10016x64xf32, #tpu.memory_space<vmem_shared>>)
        tpu.yield
      }) : () -> ()
    }
    %scan3A_45 = arith.constant 10 : i32
    %barrier3A_46 = arith.constant 0 : index
    tpu.barrier barrier_id(%barrier3A_46)
    %mul3A_47 = arith.constant 624 : i32
    %mul3A_48 = arith.muli %arg1, %mul3A_47 : i32
    %multiple_of3A_49 = tpu.assume_multiple %mul3A_48, 8 : i32
    "tpu.region"() ({
      %run_scoped3A = tpu.sem_alloc : memref<!tpu.dma_semaphore, #tpu.memory_space<semaphore_mem>>
      %dma_start3A = arith.constant 0 : i32
      %dma_start3A_55 = tpu.memref_slice %arg5[%arg0, %multiple_of3A_49, %dma_start3A] : memref<2x10000x64xf32, #tpu.memory_space<hbm>> -> memref<1x624x64xf32, #tpu.memory_space<hbm>>
      %dma_start3A_56 = tpu.memref_squeeze %dma_start3A_55 : memref<1x624x64xf32, #tpu.memory_space<hbm>> -> memref<624x64xf32, #tpu.memory_space<hbm>>
      %dma_start3A_57 = arith.constant 0 : i32
      %dma_start3A_58 = tpu.memref_slice %arg7[%multiple_of3A_49, %dma_start3A_57] : memref<10016x64xf32, #tpu.memory_space<vmem_shared>> -> memref<624x64xf32, #tpu.memory_space<vmem_shared>>
      tpu.enqueue_dma source(%dma_start3A_58 : memref<624x64xf32, #tpu.memory_space<vmem_shared>>) target(%dma_start3A_56 : memref<624x64xf32, #tpu.memory_space<hbm>>) target_semaphore(%run_scoped3A : memref<!tpu.dma_semaphore, #tpu.memory_space<semaphore_mem>>)
      %dma_wait3A = arith.constant 0 : i32
      %dma_wait3A_59 = tpu.memref_slice %arg5[%arg0, %multiple_of3A_49, %dma_wait3A] : memref<2x10000x64xf32, #tpu.memory_space<hbm>> -> memref<1x624x64xf32, #tpu.memory_space<hbm>>
      %dma_wait3A_60 = tpu.memref_squeeze %dma_wait3A_59 : memref<1x624x64xf32, #tpu.memory_space<hbm>> -> memref<624x64xf32, #tpu.memory_space<hbm>>
      %dma_wait3A_61 = arith.constant 0 : i32
      %dma_wait3A_62 = tpu.memref_slice %arg7[%multiple_of3A_49, %dma_wait3A_61] : memref<10016x64xf32, #tpu.memory_space<vmem_shared>> -> memref<624x64xf32, #tpu.memory_space<vmem_shared>>
      tpu.wait_dma2 semaphore(%run_scoped3A : memref<!tpu.dma_semaphore, #tpu.memory_space<semaphore_mem>>) src(%dma_wait3A_62 : memref<624x64xf32, #tpu.memory_space<vmem_shared>>) dst(%dma_wait3A_60 : memref<624x64xf32, #tpu.memory_space<hbm>>)
      tpu.yield
    }) : () -> ()
    %eq3A_50 = arith.constant 15 : i32
    %eq3A_51 = arith.cmpi eq, %arg1, %eq3A_50 : i32
    %convert_element_type3A_52 = arith.extui %eq3A_51 : i1 to i32
    %cond3A_53 = arith.constant 0 : i32
    %cond3A_54 = arith.cmpi ne, %convert_element_type3A_52, %cond3A_53 : i32
    scf.if %cond3A_54 {
      "tpu.region"() ({
        %run_scoped3A = tpu.sem_alloc : memref<!tpu.dma_semaphore, #tpu.memory_space<semaphore_mem>>
        %dma_start3A = arith.constant 9984 : i32
        %dma_start3A_55 = arith.constant 0 : i32
        %dma_start3A_56 = tpu.memref_slice %arg5[%arg0, %dma_start3A, %dma_start3A_55] : memref<2x10000x64xf32, #tpu.memory_space<hbm>> -> memref<1x16x64xf32, #tpu.memory_space<hbm>>
        %dma_start3A_57 = tpu.memref_squeeze %dma_start3A_56 : memref<1x16x64xf32, #tpu.memory_space<hbm>> -> memref<16x64xf32, #tpu.memory_space<hbm>>
        %dma_start3A_58 = arith.constant 9984 : i32
        %dma_start3A_59 = arith.constant 0 : i32
        %dma_start3A_60 = tpu.memref_slice %arg7[%dma_start3A_58, %dma_start3A_59] : memref<10016x64xf32, #tpu.memory_space<vmem_shared>> -> memref<16x64xf32, #tpu.memory_space<vmem_shared>>
        tpu.enqueue_dma source(%dma_start3A_60 : memref<16x64xf32, #tpu.memory_space<vmem_shared>>) target(%dma_start3A_57 : memref<16x64xf32, #tpu.memory_space<hbm>>) target_semaphore(%run_scoped3A : memref<!tpu.dma_semaphore, #tpu.memory_space<semaphore_mem>>)
        %dma_wait3A = arith.constant 9984 : i32
        %dma_wait3A_61 = arith.constant 0 : i32
        %dma_wait3A_62 = tpu.memref_slice %arg5[%arg0, %dma_wait3A, %dma_wait3A_61] : memref<2x10000x64xf32, #tpu.memory_space<hbm>> -> memref<1x16x64xf32, #tpu.memory_space<hbm>>
        %dma_wait3A_63 = tpu.memref_squeeze %dma_wait3A_62 : memref<1x16x64xf32, #tpu.memory_space<hbm>> -> memref<16x64xf32, #tpu.memory_space<hbm>>
        %dma_wait3A_64 = arith.constant 9984 : i32
        %dma_wait3A_65 = arith.constant 0 : i32
        %dma_wait3A_66 = tpu.memref_slice %arg7[%dma_wait3A_64, %dma_wait3A_65] : memref<10016x64xf32, #tpu.memory_space<vmem_shared>> -> memref<16x64xf32, #tpu.memory_space<vmem_shared>>
        tpu.wait_dma2 semaphore(%run_scoped3A : memref<!tpu.dma_semaphore, #tpu.memory_space<semaphore_mem>>) src(%dma_wait3A_66 : memref<16x64xf32, #tpu.memory_space<vmem_shared>>) dst(%dma_wait3A_63 : memref<16x64xf32, #tpu.memory_space<hbm>>)
        tpu.yield
      }) : () -> ()
    } else {
    }
    return
  }
}

module attributes {stable_mosaic.version = 14 : i64} {
  func.func @body(%arg0: i32, %arg1: memref<2x2000x64xf32, #tpu.memory_space<vmem>>, %arg2: memref<2x2000x32xf32, #tpu.memory_space<vmem>>, %arg3: memref<2x2000x64xf32, #tpu.memory_space<vmem>>, %arg4: memref<128x128xf32, #tpu.memory_space<vmem>>, %arg5: memref<1x128xf32, #tpu.memory_space<vmem>>, %arg6: memref<128x128xf32, #tpu.memory_space<vmem>>, %arg7: memref<2x2000x64xf32, #tpu.memory_space<vmem>>) attributes {dimension_semantics = [#tpu.dimension_semantics<arbitrary>], iteration_bounds = array<i64: 5>, scalar_prefetch = 0 : i64, scratch_operands = 0 : i64, tpu.core_type = #tpu.core_type<tc>, window_params = [{transform_indices = @transform_0, window_bounds = array<i64: 2, 2000, 64>}, {transform_indices = @transform_1, window_bounds = array<i64: 2, 2000, 32>}, {transform_indices = @transform_2, window_bounds = array<i64: 2, 2000, 64>}, {pipeline_mode = #tpu.pipeline_mode<synchronous>, transform_indices = @transform_3, window_bounds = array<i64: 128, 128>}, {pipeline_mode = #tpu.pipeline_mode<synchronous>, transform_indices = @transform_4, window_bounds = array<i64: 1, 128>}, {pipeline_mode = #tpu.pipeline_mode<synchronous>, transform_indices = @transform_5, window_bounds = array<i64: 128, 128>}, {transform_indices = @transform_6, window_bounds = array<i64: 2, 2000, 64>}]} {
    %get3A = arith.constant 0 : index
    %get3A_0 = arith.constant 0 : index
    %get3A_1 = arith.constant 0 : index
    %get3A_2 = vector.load %arg1[%get3A, %get3A_0, %get3A_1] : memref<2x2000x64xf32, #tpu.memory_space<vmem>>, vector<1x2000x64xf32>
    %get3A_3 = vector.shape_cast %get3A_2 : vector<1x2000x64xf32> to vector<2000x64xf32>
    %get3A_4 = arith.constant 1 : index
    %get3A_5 = arith.constant 0 : index
    %get3A_6 = arith.constant 0 : index
    %get3A_7 = vector.load %arg1[%get3A_4, %get3A_5, %get3A_6] : memref<2x2000x64xf32, #tpu.memory_space<vmem>>, vector<1x2000x64xf32>
    %get3A_8 = vector.shape_cast %get3A_7 : vector<1x2000x64xf32> to vector<2000x64xf32>
    %concatenate3A = tpu.concatenate %get3A_3, %get3A_8 in 1 : vector<2000x64xf32>, vector<2000x64xf32> -> vector<2000x128xf32>
    %get3A_9 = arith.constant 0 : index
    %get3A_10 = arith.constant 0 : index
    %get3A_11 = arith.constant 0 : index
    %get3A_12 = vector.load %arg3[%get3A_9, %get3A_10, %get3A_11] : memref<2x2000x64xf32, #tpu.memory_space<vmem>>, vector<1x2000x64xf32>
    %get3A_13 = vector.shape_cast %get3A_12 : vector<1x2000x64xf32> to vector<2000x64xf32>
    %get3A_14 = arith.constant 1 : index
    %get3A_15 = arith.constant 0 : index
    %get3A_16 = arith.constant 0 : index
    %get3A_17 = vector.load %arg3[%get3A_14, %get3A_15, %get3A_16] : memref<2x2000x64xf32, #tpu.memory_space<vmem>>, vector<1x2000x64xf32>
    %get3A_18 = vector.shape_cast %get3A_17 : vector<1x2000x64xf32> to vector<2000x64xf32>
    %concatenate3A_19 = tpu.concatenate %get3A_13, %get3A_18 in 1 : vector<2000x64xf32>, vector<2000x64xf32> -> vector<2000x128xf32>
    %get3A_20 = arith.constant 0 : index
    %get3A_21 = arith.constant 0 : index
    %get3A_22 = arith.constant 0 : index
    %get3A_23 = vector.load %arg2[%get3A_20, %get3A_21, %get3A_22] : memref<2x2000x32xf32, #tpu.memory_space<vmem>>, vector<1x2000x1xf32>
    %get3A_24 = vector.shape_cast %get3A_23 : vector<1x2000x1xf32> to vector<2000x1xf32>
    %get3A_25 = arith.constant 1 : index
    %get3A_26 = arith.constant 0 : index
    %get3A_27 = arith.constant 0 : index
    %get3A_28 = vector.load %arg2[%get3A_25, %get3A_26, %get3A_27] : memref<2x2000x32xf32, #tpu.memory_space<vmem>>, vector<1x2000x1xf32>
    %get3A_29 = vector.shape_cast %get3A_28 : vector<1x2000x1xf32> to vector<2000x1xf32>
    %add3A = arith.addf %get3A_24, %get3A_29 : vector<2000x1xf32>
    %max3A = arith.constant 1.000000e+00 : f32
    %max3A_30 = vector.broadcast %max3A : f32 to vector<2000x1xf32>
    %max3A_31 = arith.maximumf %add3A, %max3A_30 : vector<2000x1xf32>
    %div3A = vector.broadcast %max3A_31 : vector<2000x1xf32> to vector<2000x128xf32>
    %div3A_32 = arith.divf %concatenate3A, %div3A : vector<2000x128xf32>
    %get3A_33 = arith.constant 0 : index
    %get3A_34 = arith.constant 0 : index
    %get3A_35 = vector.load %arg4[%get3A_33, %get3A_34] : memref<128x128xf32, #tpu.memory_space<vmem>>, vector<128x128xf32>
    %dot_general3A = arith.constant dense<0.000000e+00> : vector<2000x128xf32>
    %dot_general3A_36 = tpu.matmul %div3A_32, %get3A_35, %dot_general3A {dimension_numbers = #tpu.dot_dimension_numbers<[1], [0], [0], [1], [0, 0, 1, 1], [], []>, transpose_lhs_hint = false} : vector<2000x128xf32>, vector<128x128xf32>, vector<2000x128xf32> -> vector<2000x128xf32>
    %get3A_37 = arith.constant 0 : index
    %get3A_38 = arith.constant 0 : index
    %get3A_39 = vector.load %arg5[%get3A_37, %get3A_38] : memref<1x128xf32, #tpu.memory_space<vmem>>, vector<1x128xf32>
    %add3A_40 = vector.broadcast %get3A_39 : vector<1x128xf32> to vector<2000x128xf32>
    %add3A_41 = arith.addf %dot_general3A_36, %add3A_40 : vector<2000x128xf32>
    %get3A_42 = arith.constant 0 : index
    %get3A_43 = arith.constant 0 : index
    %get3A_44 = vector.load %arg6[%get3A_42, %get3A_43] : memref<128x128xf32, #tpu.memory_space<vmem>>, vector<128x128xf32>
    %dot_general3A_45 = arith.constant dense<0.000000e+00> : vector<2000x128xf32>
    %dot_general3A_46 = tpu.matmul %concatenate3A_19, %get3A_44, %dot_general3A_45 {dimension_numbers = #tpu.dot_dimension_numbers<[1], [0], [0], [1], [0, 0, 1, 1], [], []>, transpose_lhs_hint = false} : vector<2000x128xf32>, vector<128x128xf32>, vector<2000x128xf32> -> vector<2000x128xf32>
    %add3A_47 = arith.addf %add3A_41, %dot_general3A_46 : vector<2000x128xf32>
    %max3A_48 = arith.constant 0.000000e+00 : f32
    %max3A_49 = vector.broadcast %max3A_48 : f32 to vector<2000x128xf32>
    %max3A_50 = arith.maximumf %add3A_47, %max3A_49 : vector<2000x128xf32>
    %slice3A = vector.extract_strided_slice %max3A_50 {offsets = [0, 0], sizes = [2000, 64], strides = [1, 1]} : vector<2000x128xf32> to vector<2000x64xf32>
    %swap3A = arith.constant 0 : index
    %swap3A_51 = arith.constant 0 : index
    %swap3A_52 = arith.constant 0 : index
    %swap3A_53 = vector.load %arg7[%swap3A, %swap3A_51, %swap3A_52] : memref<2x2000x64xf32, #tpu.memory_space<vmem>>, vector<1x2000x64xf32>
    %swap3A_54 = vector.shape_cast %swap3A_53 : vector<1x2000x64xf32> to vector<2000x64xf32>
    %swap3A_55 = vector.shape_cast %slice3A : vector<2000x64xf32> to vector<1x2000x64xf32>
    tpu.vector_store %arg7[%swap3A, %swap3A_51, %swap3A_52], %swap3A_55 {strides = array<i32>} : memref<2x2000x64xf32, #tpu.memory_space<vmem>>, vector<1x2000x64xf32>,
    %slice3A_56 = vector.extract_strided_slice %max3A_50 {offsets = [0, 64], sizes = [2000, 64], strides = [1, 1]} : vector<2000x128xf32> to vector<2000x64xf32>
    %swap3A_57 = arith.constant 1 : index
    %swap3A_58 = arith.constant 0 : index
    %swap3A_59 = arith.constant 0 : index
    %swap3A_60 = vector.load %arg7[%swap3A_57, %swap3A_58, %swap3A_59] : memref<2x2000x64xf32, #tpu.memory_space<vmem>>, vector<1x2000x64xf32>
    %swap3A_61 = vector.shape_cast %swap3A_60 : vector<1x2000x64xf32> to vector<2000x64xf32>
    %swap3A_62 = vector.shape_cast %slice3A_56 : vector<2000x64xf32> to vector<1x2000x64xf32>
    tpu.vector_store %arg7[%swap3A_57, %swap3A_58, %swap3A_59], %swap3A_62 {strides = array<i32>} : memref<2x2000x64xf32, #tpu.memory_space<vmem>>, vector<1x2000x64xf32>,
    return
  }
  func.func @transform_0(%arg0: i32) -> (i32, i32, i32) {
    %c0_i32 = arith.constant 0 : i32
    %c0_i32_0 = arith.constant 0 : i32
    %c0_i32_1 = arith.constant 0 : i32
    return %c0_i32, %arg0, %c0_i32_0 : i32, i32, i32
  }
  func.func @transform_1(%arg0: i32) -> (i32, i32, i32) {
    %c0_i32 = arith.constant 0 : i32
    %c0_i32_0 = arith.constant 0 : i32
    %c0_i32_1 = arith.constant 0 : i32
    return %c0_i32, %arg0, %c0_i32_0 : i32, i32, i32
  }
  func.func @transform_2(%arg0: i32) -> (i32, i32, i32) {
    %c0_i32 = arith.constant 0 : i32
    %c0_i32_0 = arith.constant 0 : i32
    %c0_i32_1 = arith.constant 0 : i32
    return %c0_i32, %arg0, %c0_i32_0 : i32, i32, i32
  }
  func.func @transform_3(%arg0: i32) -> (i32, i32) {
    %c0_i32 = arith.constant 0 : i32
    %c0_i32_0 = arith.constant 0 : i32
    %c0_i32_1 = arith.constant 0 : i32
    return %c0_i32, %c0_i32_0 : i32, i32
  }
  func.func @transform_4(%arg0: i32) -> (i32, i32) {
    %c0_i32 = arith.constant 0 : i32
    %c0_i32_0 = arith.constant 0 : i32
    %c0_i32_1 = arith.constant 0 : i32
    return %c0_i32, %c0_i32_0 : i32, i32
  }
  func.func @transform_5(%arg0: i32) -> (i32, i32) {
    %c0_i32 = arith.constant 0 : i32
    %c0_i32_0 = arith.constant 0 : i32
    %c0_i32_1 = arith.constant 0 : i32
    return %c0_i32, %c0_i32_0 : i32, i32
  }
  func.func @transform_6(%arg0: i32) -> (i32, i32, i32) {
    %c0_i32 = arith.constant 0 : i32
    %c0_i32_0 = arith.constant 0 : i32
    %c0_i32_1 = arith.constant 0 : i32
    return %c0_i32, %arg0, %c0_i32_0 : i32, i32, i32
  }
}

module attributes {stable_mosaic.version = 14 : i64} {
  func.func @body(%arg0: i32, %arg1: memref<2x2000x64xf32, #tpu.memory_space<vmem>>, %arg2: memref<2x2000x32xf32, #tpu.memory_space<vmem>>, %arg3: memref<2x2000x64xf32, #tpu.memory_space<vmem>>, %arg4: memref<128x128xf32, #tpu.memory_space<vmem>>, %arg5: memref<1x128xf32, #tpu.memory_space<vmem>>, %arg6: memref<128x128xf32, #tpu.memory_space<vmem>>, %arg7: memref<2000x128xf32, #tpu.memory_space<vmem>>) attributes {dimension_semantics = [#tpu.dimension_semantics<arbitrary>], iteration_bounds = array<i64: 5>, scalar_prefetch = 0 : i64, scratch_operands = 0 : i64, tpu.core_type = #tpu.core_type<tc>, window_params = [{transform_indices = @transform_0, window_bounds = array<i64: 2, 2000, 64>}, {transform_indices = @transform_1, window_bounds = array<i64: 2, 2000, 32>}, {transform_indices = @transform_2, window_bounds = array<i64: 2, 2000, 64>}, {pipeline_mode = #tpu.pipeline_mode<synchronous>, transform_indices = @transform_3, window_bounds = array<i64: 128, 128>}, {pipeline_mode = #tpu.pipeline_mode<synchronous>, transform_indices = @transform_4, window_bounds = array<i64: 1, 128>}, {pipeline_mode = #tpu.pipeline_mode<synchronous>, transform_indices = @transform_5, window_bounds = array<i64: 128, 128>}, {transform_indices = @transform_6, window_bounds = array<i64: 2000, 128>}]} {
    %get3A = arith.constant 0 : index
    %get3A_0 = arith.constant 0 : index
    %get3A_1 = arith.constant 0 : index
    %get3A_2 = vector.load %arg1[%get3A, %get3A_0, %get3A_1] : memref<2x2000x64xf32, #tpu.memory_space<vmem>>, vector<1x2000x64xf32>
    %get3A_3 = vector.shape_cast %get3A_2 : vector<1x2000x64xf32> to vector<2000x64xf32>
    %get3A_4 = arith.constant 1 : index
    %get3A_5 = arith.constant 0 : index
    %get3A_6 = arith.constant 0 : index
    %get3A_7 = vector.load %arg1[%get3A_4, %get3A_5, %get3A_6] : memref<2x2000x64xf32, #tpu.memory_space<vmem>>, vector<1x2000x64xf32>
    %get3A_8 = vector.shape_cast %get3A_7 : vector<1x2000x64xf32> to vector<2000x64xf32>
    %concatenate3A = tpu.concatenate %get3A_3, %get3A_8 in 1 : vector<2000x64xf32>, vector<2000x64xf32> -> vector<2000x128xf32>
    %get3A_9 = arith.constant 0 : index
    %get3A_10 = arith.constant 0 : index
    %get3A_11 = arith.constant 0 : index
    %get3A_12 = vector.load %arg3[%get3A_9, %get3A_10, %get3A_11] : memref<2x2000x64xf32, #tpu.memory_space<vmem>>, vector<1x2000x64xf32>
    %get3A_13 = vector.shape_cast %get3A_12 : vector<1x2000x64xf32> to vector<2000x64xf32>
    %get3A_14 = arith.constant 1 : index
    %get3A_15 = arith.constant 0 : index
    %get3A_16 = arith.constant 0 : index
    %get3A_17 = vector.load %arg3[%get3A_14, %get3A_15, %get3A_16] : memref<2x2000x64xf32, #tpu.memory_space<vmem>>, vector<1x2000x64xf32>
    %get3A_18 = vector.shape_cast %get3A_17 : vector<1x2000x64xf32> to vector<2000x64xf32>
    %concatenate3A_19 = tpu.concatenate %get3A_13, %get3A_18 in 1 : vector<2000x64xf32>, vector<2000x64xf32> -> vector<2000x128xf32>
    %get3A_20 = arith.constant 0 : index
    %get3A_21 = arith.constant 0 : index
    %get3A_22 = arith.constant 0 : index
    %get3A_23 = vector.load %arg2[%get3A_20, %get3A_21, %get3A_22] : memref<2x2000x32xf32, #tpu.memory_space<vmem>>, vector<1x2000x1xf32>
    %get3A_24 = vector.shape_cast %get3A_23 : vector<1x2000x1xf32> to vector<2000x1xf32>
    %get3A_25 = arith.constant 1 : index
    %get3A_26 = arith.constant 0 : index
    %get3A_27 = arith.constant 0 : index
    %get3A_28 = vector.load %arg2[%get3A_25, %get3A_26, %get3A_27] : memref<2x2000x32xf32, #tpu.memory_space<vmem>>, vector<1x2000x1xf32>
    %get3A_29 = vector.shape_cast %get3A_28 : vector<1x2000x1xf32> to vector<2000x1xf32>
    %add3A = arith.addf %get3A_24, %get3A_29 : vector<2000x1xf32>
    %max3A = arith.constant 1.000000e+00 : f32
    %max3A_30 = vector.broadcast %max3A : f32 to vector<2000x1xf32>
    %max3A_31 = arith.maximumf %add3A, %max3A_30 : vector<2000x1xf32>
    %div3A = vector.broadcast %max3A_31 : vector<2000x1xf32> to vector<2000x128xf32>
    %div3A_32 = arith.divf %concatenate3A, %div3A : vector<2000x128xf32>
    %get3A_33 = arith.constant 0 : index
    %get3A_34 = arith.constant 0 : index
    %get3A_35 = vector.load %arg4[%get3A_33, %get3A_34] : memref<128x128xf32, #tpu.memory_space<vmem>>, vector<128x128xf32>
    %dot_general3A = arith.constant dense<0.000000e+00> : vector<2000x128xf32>
    %dot_general3A_36 = tpu.matmul %div3A_32, %get3A_35, %dot_general3A {dimension_numbers = #tpu.dot_dimension_numbers<[1], [0], [0], [1], [0, 0, 1, 1], [], []>, transpose_lhs_hint = false} : vector<2000x128xf32>, vector<128x128xf32>, vector<2000x128xf32> -> vector<2000x128xf32>
    %get3A_37 = arith.constant 0 : index
    %get3A_38 = arith.constant 0 : index
    %get3A_39 = vector.load %arg5[%get3A_37, %get3A_38] : memref<1x128xf32, #tpu.memory_space<vmem>>, vector<1x128xf32>
    %add3A_40 = vector.broadcast %get3A_39 : vector<1x128xf32> to vector<2000x128xf32>
    %add3A_41 = arith.addf %dot_general3A_36, %add3A_40 : vector<2000x128xf32>
    %get3A_42 = arith.constant 0 : index
    %get3A_43 = arith.constant 0 : index
    %get3A_44 = vector.load %arg6[%get3A_42, %get3A_43] : memref<128x128xf32, #tpu.memory_space<vmem>>, vector<128x128xf32>
    %dot_general3A_45 = arith.constant dense<0.000000e+00> : vector<2000x128xf32>
    %dot_general3A_46 = tpu.matmul %concatenate3A_19, %get3A_44, %dot_general3A_45 {dimension_numbers = #tpu.dot_dimension_numbers<[1], [0], [0], [1], [0, 0, 1, 1], [], []>, transpose_lhs_hint = false} : vector<2000x128xf32>, vector<128x128xf32>, vector<2000x128xf32> -> vector<2000x128xf32>
    %add3A_47 = arith.addf %add3A_41, %dot_general3A_46 : vector<2000x128xf32>
    %swap3A = arith.constant 0 : index
    %swap3A_48 = arith.constant 0 : index
    %swap3A_49 = vector.load %arg7[%swap3A, %swap3A_48] : memref<2000x128xf32, #tpu.memory_space<vmem>>, vector<2000x128xf32>
    tpu.vector_store %arg7[%swap3A, %swap3A_48], %add3A_47 {strides = array<i32>} : memref<2000x128xf32, #tpu.memory_space<vmem>>, vector<2000x128xf32>,
    return
  }
  func.func @transform_0(%arg0: i32) -> (i32, i32, i32) {
    %c0_i32 = arith.constant 0 : i32
    %c0_i32_0 = arith.constant 0 : i32
    %c0_i32_1 = arith.constant 0 : i32
    return %c0_i32, %arg0, %c0_i32_0 : i32, i32, i32
  }
  func.func @transform_1(%arg0: i32) -> (i32, i32, i32) {
    %c0_i32 = arith.constant 0 : i32
    %c0_i32_0 = arith.constant 0 : i32
    %c0_i32_1 = arith.constant 0 : i32
    return %c0_i32, %arg0, %c0_i32_0 : i32, i32, i32
  }
  func.func @transform_2(%arg0: i32) -> (i32, i32, i32) {
    %c0_i32 = arith.constant 0 : i32
    %c0_i32_0 = arith.constant 0 : i32
    %c0_i32_1 = arith.constant 0 : i32
    return %c0_i32, %arg0, %c0_i32_0 : i32, i32, i32
  }
  func.func @transform_3(%arg0: i32) -> (i32, i32) {
    %c0_i32 = arith.constant 0 : i32
    %c0_i32_0 = arith.constant 0 : i32
    %c0_i32_1 = arith.constant 0 : i32
    return %c0_i32, %c0_i32_0 : i32, i32
  }
  func.func @transform_4(%arg0: i32) -> (i32, i32) {
    %c0_i32 = arith.constant 0 : i32
    %c0_i32_0 = arith.constant 0 : i32
    %c0_i32_1 = arith.constant 0 : i32
    return %c0_i32, %c0_i32_0 : i32, i32
  }
  func.func @transform_5(%arg0: i32) -> (i32, i32) {
    %c0_i32 = arith.constant 0 : i32
    %c0_i32_0 = arith.constant 0 : i32
    %c0_i32_1 = arith.constant 0 : i32
    return %c0_i32, %c0_i32_0 : i32, i32
  }
  func.func @transform_6(%arg0: i32) -> (i32, i32) {
    %c0_i32 = arith.constant 0 : i32
    %c0_i32_0 = arith.constant 0 : i32
    return %arg0, %c0_i32 : i32, i32
  }
}

</mosaic_0001>

<sc_bundles>
// kernel: kernel.10.cloned.1.call-start
scs
__scs_entry_jumppad:
0x0: {  	(pc) =	sbr.rel $0x88, $3  }
0x1: {  	(tag) =	ssettag $0x0;
	lr =	simm.s32 $0x1  }
0x2: {  	[smem:$0x3F99] =	sst lr;
	_ =	strace $0xD0000000  }
0x3: {  	_ = 	snop  }
0x4: {  	_ = 	snop  }
0x5: {  	_ = 	snop  }
0x6: {  	_ = 	snop  }
0x7: {  	_ = 	snop  }
__scs_overlays_trampoline_lowered:
0x8: {  	[smem:$0x3FA8] =	sst s0  }
0x9: {  	[smem:$0x3FA9] =	sst s1  }
0xa: {  	[smem:$0x3FAA] =	sst s2  }
0xb: {  	[smem:$0x3FAB] =	sst s3  }
0xc: {  	[smem:$0x3FAC] =	sst s4  }
0xd: {  	[smem:$0x3FAD] =	sst s5  }
0xe: {  	[smem:$0x3FAE] =	sst s6  }
0xf: {  	[smem:$0x3FAF] =	sst s7  }
0x10: {  	[smem:$0x3FB0] =	sst s8  }
0x11: {  	[smem:$0x3FB1] =	sst s9;
	s0 =	simm.s32 @!p0 $0x0  }
0x12: {  	s1 =	sld [smem:$0x3F97];
	s0 =	simm.s32 @p0 $0x1  }
0x13: {  	[smem:$0x3FB2] =	sst s0;
	s0 =	simm.s32 @!p1 $0x0  }
0x14: {  	s2 =	sld [smem:$0x3F96];
	s0 =	simm.s32 @p1 $0x1  }
0x15: {  	[smem:$0x3FB3] =	sst s0;
	s0 =	simm.s32 @!p2 $0x0  }
0x16: {  	s3 =	sld [smem:$0x3FDB];
	s0 =	simm.s32 @p2 $0x1  }
0x17: {  	s4 =	simm.s32 $0x1BF5;
	[smem:$0x3FB5] =	sst s0  }
0x18: {  	s0 =	sld [smem:$0x3F98];
	_ =	swait.ge [sflag:s4], $0x0  }
0x19: {  	s7 =	sld [smem:$0x3F99]  }
0x1a: {  	s8 =	sadd.s32 $0xFFFFE003, lr  }
0x1b: {  	s9 =	sadd.s32 $0xFFFFFEF7, lr;
	s5 =	simm.s32 $0xFFFFFFFF;
	p2 =	slt.u32 s8, $0xFFFFF086  }
0x1c: {  	p1 =	slt.u32 s9, $0xF7A;
	s5 =	simm.s32 @!p2 $0x0  }
0x1d: {  	s5 =	simm.s32 @p1 $0x1;
	p0 =	seq.s32 s7, s2  }
0x1e: {  	s7 =	smul.u32 @!p0 $0xF7A, s2;
	p2 =	seq.s32 @!p0 s5, $0x0  }
0x1f: {  	s9 =	smul.u32 $0xF7A, s1;
	s8 =	simm.s32 @!p0 $0x1BF5;
	p2 =	por !p2, p0  }
0x20: {  	[sflag:s8] =	ssyncset.s32 @!p0 $0xFFFFF086;
	s6 =	sadd.s32 @!p0 s3, s7;
	s7 =	simm.s32 @!p0 $0x108  }
0x21: {  	s3 =	sadd.s32 s3, s9;
	s6 =	sadd.s32 @!p0 $0x88, s6;
	s7 =	simm.s32 @p2 $0x1082  }
0x22: {  	[simem:s7], [sflag:s8] =	dma.local @!p0 [hbm:s6], $0xF7A  }
0x23: {  	s9 =	sor.u32 $0xD0000000, s2;
	s6 =	simm.s32 $0x108;
	_ =	swait.ge @!p0 [sflag:s8], $0x0  }
0x24: {  	s3 =	sadd.s32 $0x88, s3;
	s6 =	simm.s32 @!p1 $0x1082;
	[sflag:s4] =	ssyncset.s32 $0xFFFFF086  }
0x25: {  	[simem:s6], [sflag:s4] =	dma.local [hbm:s3], $0xF7A  }
0x26: {  	[smem:$0x3F99] =	sst s1;
	(tag) =	ssettag s2;
	_ =	strace s9  }
0x27: {  	s1 =	sld [smem:$0x3FA9]  }
0x28: {  	s2 =	sld [smem:$0x3FAA]  }
0x29: {  	s4 =	sld [smem:$0x3FAC]  }
0x2a: {  	p0 =	seq.s32 s5, $0x0;
	s5 =	sld [smem:$0x3FAD]  }
0x2b: {  	s6 =	sld [smem:$0x3FAE]  }
0x2c: {  	s7 =	sld [smem:$0x3FAF]  }
0x2d: {  	s3 =	simm.s32 $0x108;
	s8 =	sld [smem:$0x3FB0]  }
0x2e: {  	s3 =	simm.s32 @!p0 $0x1082;
	s9 =	sld [smem:$0x3FB1]  }
0x2f: {  	lr =	sadd.s32 s0, s3;
	s0 =	sld [smem:$0x3FA8]  }
0x30: {  	s3 =	sld [smem:$0x3FAB]  }
0x31: {  	[smem:$0x3FB4] =	sst s10  }
0x32: {  	s10 =	sld [smem:$0x3FB2];
	_ =	sdelay $0x3  }
0x33: {  	p0 =	seq.s32 s10, $0x1;
	s10 =	sld [smem:$0x3FB4];
	_ =	sdelay $0x3  }
0x34: {  	[smem:$0x3FB4] =	sst s10  }
0x35: {  	s10 =	sld [smem:$0x3FB3];
	_ =	sdelay $0x3  }
0x36: {  	p1 =	seq.s32 s10, $0x1;
	s10 =	sld [smem:$0x3FB4];
	_ =	sdelay $0x3  }
0x37: {  	[smem:$0x3FB4] =	sst s10  }
0x38: {  	s10 =	sld [smem:$0x3FB5]  }
0x39: {  	_ = 	snop;
	(pc) =	sbr.ind lr, $3  }
0x3a: {  	_ = 	snop  }
0x3b: {  	_ = 	snop  }
0x3c: {  	p2 =	seq.s32 s10, $0x1;
	s10 =	sld [smem:$0x3FB4]  }
0x3d: {  	_ =	shalt  }
0x3e: {  	_ =	shalt  }
0x3f: {  	_ =	shalt  }
0x40: {  	_ =	shalt  }
0x41: {  	_ =	shalt  }
0x42: {  	_ =	shalt  }
0x43: {  	_ =	shalt  }
0x44: {  	_ =	shalt  }
0x45: {  	_ =	shalt  }
0x46: {  	_ =	shalt  }
0x47: {  	_ =	shalt  }
0x48: {  	_ =	shalt  }
0x49: {  	_ =	shalt  }
0x4a: {  	_ =	shalt  }
0x4b: {  	_ =	shalt  }
0x4c: {  	_ =	shalt  }
0x4d: {  	_ =	shalt  }
0x4e: {  	_ =	shalt  }
0x4f: {  	_ =	shalt  }
0x50: {  	_ =	shalt  }
0x51: {  	_ =	shalt  }
0x52: {  	_ =	shalt  }
0x53: {  	_ =	shalt  }
0x54: {  	_ =	shalt  }
0x55: {  	_ =	shalt  }
0x56: {  	_ =	shalt  }
0x57: {  	_ =	shalt  }
0x58: {  	_ =	shalt  }
0x59: {  	_ =	shalt  }
0x5a: {  	_ =	shalt  }
0x5b: {  	_ =	shalt  }
0x5c: {  	_ =	shalt  }
0x5d: {  	_ =	shalt  }
0x5e: {  	_ =	shalt  }
0x5f: {  	_ =	shalt  }
0x60: {  	_ =	shalt  }
0x61: {  	_ =	shalt  }
0x62: {  	_ =	shalt  }
0x63: {  	_ =	shalt  }
0x64: {  	_ =	shalt  }
0x65: {  	_ =	shalt  }
0x66: {  	_ =	shalt  }
0x67: {  	_ =	shalt  }
0x68: {  	_ =	shalt  }
0x69: {  	_ =	shalt  }
0x6a: {  	_ =	shalt  }
0x6b: {  	_ =	shalt  }
0x6c: {  	_ =	shalt  }
0x6d: {  	_ =	shalt  }
0x6e: {  	_ =	shalt  }
0x6f: {  	_ =	shalt  }
0x70: {  	_ =	shalt  }
0x71: {  	_ =	shalt  }
0x72: {  	_ =	shalt  }
0x73: {  	_ =	shalt  }
0x74: {  	_ =	shalt  }
0x75: {  	_ =	shalt  }
0x76: {  	_ =	shalt  }
0x77: {  	_ =	shalt  }
0x78: {  	_ =	shalt  }
0x79: {  	_ =	shalt  }
0x7a: {  	_ =	shalt  }
0x7b: {  	_ =	shalt  }
0x7c: {  	_ =	shalt  }
0x7d: {  	_ =	shalt  }
0x7e: {  	_ =	shalt  }
0x7f: {  	_ =	shalt  }
0x80: {  	_ =	shalt  }
0x81: {  	_ =	shalt  }
0x82: {  	_ =	shalt  }
0x83: {  	_ =	shalt  }
0x84: {  	_ =	shalt  }
0x85: {  	_ =	shalt  }
0x86: {  	_ =	shalt  }
0x87: {  	_ =	shalt  }
.Lfunc_end0:
.L_simem_size_0:
called_computation.1_lowered:
.L_overlay_start_0:
0x88: {  	s2 =	sld [smem:$0x3FD9]  }
0x89: {  	s3 =	sld [smem:$0x3FFE];
	_ =	sdelay $0x1  }
0x8a: {  	s1 =	srdreg.scid  }
0x8b: {  	s0 =	sand.u32 $0x1, s1  }
0x8c: {  	s17 =	sshll.u32 s0, $0xA;
	s2 =	sadd.s32 s3, s2  }
0x8d: {  	s2 =	sadd.s32 s2, s17  }
0x8e: {  	[smem:$0x3FC0] =	sst s2  }
0x8f: {  	_ = 	snop  }
0x90: {  	s2 =	sld [smem:$0x3FD0];
	(tm) =	ssettm $0x1  }
0x91: {  	s18 =	sld [smem:$0x3FFB];
	_ =	sdelay $0x3  }
0x92: {  	_ =	strace s18  }
0x93: {  	s3 =	sld [smem:$0x3FFC];
	_ =	sdelay $0x3  }
0x94: {  	_ =	strace s3  }
0x95: {  	s3 =	sld [smem:$0x3FFD];
	_ =	sdelay $0x3  }
0x96: {  	_ =	strace s3  }
0x97: {  	_ =	strace $0x8FFFFFFF  }
0x98: {  	s19 =	sld [smem:$0x3FDB];
	_ =	sdelay $0x1  }
0x99: {  	s4 =	simm.s32 $_scs_section_size  }
0x9a: {  	s5 =	simm.s32 $_size__tile_overlayer_lowered;
	s6 =	simm.s32 $_tile_overlayer_lowered  }
0x9b: {  	s22 =	simm.s32 $0x1BFF;
	s21 =	sshll.u32 s6, $0x1;
	s3 =	sadd.s32 s4, s19  }
0x9c: {  	s7 =	simm.s32 $0x0;
	s20 =	sshll.u32 s5, $0x1;
	s5 =	sadd.s32 s21, s3  }
0x9d: {  	[timem:s7], [sflag:s22] =	dma.local [hbm:s5], s20  }
0x9e: {  	_ =	swait.ge [sflag:s22], s20  }
0x9f: {  	s4 =	ssub.s32 $0x0, s20;
	[sflag:s22] =	ssyncset.done $0x0  }
0xa0: {  	[sflag:s22] =	ssyncadd.s32 s4;
	_ =	sdelay $0x1  }
0xa1: {  	s23 =	simm.s32 $0x1B8B  }
0xa2: {  	_ =	swait.ge [sflag:s23], $0x1  }
0xa3: {  	[sflag:s23] =	ssyncset.done $0x0  }
0xa4: {  	s25 =	simm.s32 $0x1B8E;
	s24 =	sld [smem:$0x3FFE];
	[sflag:s23] =	ssyncadd.s32 $0xFFFFFFFF  }
0xa5: {  	s26 =	simm.s32 $execute0_lowered;
	[smem:$0x3FD2] =	sst s25  }
0xa6: {  	s5 =	sshll.u32 s26, $0x1;
	_ =	strace $0x80000046;
	[dreg:$0x1] =	wrdreg $0xFFFFFFFF  }
0xa7: {  	s28 =	simm.s32 $_size_execute0_lowered;
	s3 =	sadd.s32 s3, s5;
	[dreg:$0x0] =	wrdreg $0x0  }
0xa8: {  	s5 =	sshll.u32 s28, $0x1;
	[dreg:$0x2] =	wrdreg s3  }
0xa9: {  	[dreg:$0x3] =	wrdreg s5  }
0xaa: {  	[dreg:$0x4] =	wrdreg $0xC0  }
0xab: {  	_ =	task [dreg:s7], $0x5FFFF  }
0xac: {  	[dreg:$0x1] =	wrdreg $0xFFFFFFFF  }
0xad: {  	[dreg:$0x0] =	wrdreg $0x60  }
0xae: {  	[dreg:$0x2] =	wrdreg s24  }
0xaf: {  	[dreg:$0x3] =	wrdreg s2  }
0xb0: {  	[dreg:$0x4] =	wrdreg $0x0  }
0xb1: {  	[dreg:$0x5] =	wrdreg $0x9C400  }
0xb2: {  	[dreg:$0x6] =	wrdreg $0xA  }
0xb3: {  	_ =	task.clear_ibuf [dreg:s7], $0x7FFFF;
	_ =	strace $0x90000046  }
0xb4: {  	s29 =	simm.s32 $0xA;
	_ =	strace $0x80000048  }
0xb5: {  	_ =	swait.ge [sflag:s29], $0x1  }
0xb6: {  	[sflag:s29] =	ssyncadd.s32 $0xFFFFFFFF  }
0xb7: {  	_ =	strace $0x90000048  }
0xb8: {  	_ =	sfence  }
0xb9: {  	s30 =	sld [smem:$0x0];
	_ =	sdelay $0x2  }
0xba: {  	s31 =	sshll.u32 s1, $0xD;
	s1 =	sshrl.u32 s1, $0x2  }
0xbb: {  	s3 =	sand.u32 $0x4000, s31;
	s1 =	sadd.s32 s1, s30  }
0xbc: {  	s0 =	sor.u32 s3, s0;
	s1 =	sshll.u32 s1, $0x11  }
0xbd: {  	s0 =	sor.u32 s1, s0  }
0xbe: {  	s0 =	sadd.s32 $0x8F2B, s0  }
0xbf: {  	[sflag:s0] =	ssyncadd.remote.s32 $0x1  }
0xc0: {  	_ =	sfence.sel $0xFFFF  }
0xc1: {  	[dreg:$0x0] =	wrdreg $0xFFFFFFFF;
	(pc) =	sbr.abs _section_cstart, $3  }
0xc2: {  	[dreg:$0x1] =	wrdreg $0xFFFFFFFF  }
0xc3: {  	_ =	task.clear_ibuf [dreg:s7], $0x2FFFF;
	_ =	strace $0x9FFFFFFF  }
0xc4: {  	(tm) =	ssettm $0x7FFFFFFF  }
0xc5: {  	_ =	shalt  }
tec
execute0_lowered:
.L_overlay_start_1:
0x0: {  	(tag) =	ssettag $0x1  }
0x1: {  	s0 =	rddreg [dreg:$0x0]  }
0x2: {  	s2 =	rddreg [dreg:$0x1]  }
0x3: {  	s1 =	rddreg [dreg:$0x2]  }
0x4: {  	s3 =	rddreg [dreg:$0x3]  }
0x5: {  	s5 =	srdreg.scid;
	s4 =	simm.s32 $0x0;
	s14 =	stileid.u32  }
0x6: {  	s23 =	simm.s32 $0x13940;
	s25 =	simm.s32 $0x139C0;
	s15 =	simm.s32 $0x13AC0  }
0x7: {  	s17 =	simm.s32 $0x14240;
	s28 =	simm.s32 $0x14440;
	s29 =	simm.s32 $0x13D40  }
0x8: {  	s30 =	simm.s32 $0x144C0;
	s31 =	simm.s32 $0x13DC0;
	s5 =	sand.u32 $0x1, s5  }
0x9: {  	[smem:$0x7FF] =	sst s4;
	s6 =	smul.u32 $0xA00, s14;
	s8 =	sadd.s32 $0xC800, s0  }
0xa: {  	s18 =	sshll.u32 s14, $0x7;
	s11 =	sshll.u32 s14, $0xE;
	s12 =	smul.u32 $0x13800, s14  }
0xb: {  	p0 =	sne.s32 s14, $0xF;
	_ =	strace $0x80000047;
	[dreg:$0x7] =	wrdreg s23  }
0xc: {  	s14 =	simm.s32 $0x147C0;
	s7 =	ssub.s32 $0x2, s5;
	[dreg:$0x8] =	wrdreg s25  }
0xd: {  	s11 =	sadd.s32 s11, s3;
	s5 =	smul.u32 $0x138800, s5;
	[dreg:$0xc] =	wrdreg s15  }
0xe: {  	[dreg:$0xd] =	wrdreg s17;
	s15 =	simm.s32 $0x148C0;
	s23 =	simm.s32 $0x13C40  }
0xf: {  	s25 =	simm.s32 $0x13CC0;
	s17 =	simm.s32 $0x14840;
	s9 =	sshrl.u32 s7, $0x1  }
0x10: {  	s10 =	sadd.s32 s6, s0;
	s0 =	sadd.s32 $0x5AA00, s0;
	[dreg:$0x15] =	wrdreg s11  }
0x11: {  	s13 =	sadd.s32 $0x40000, s11;
	s19 =	sadd.s32 $0x80000, s11;
	[dreg:$0x12] =	wrdreg s23  }
0x12: {  	s11 =	sadd.s32 $0xC0000, s11;
	s2 =	sadd.s32 s6, s2;
	[dreg:$0x14] =	wrdreg s25  }
0x13: {  	s23 =	simm.s32 $0x188C0;
	s6 =	simm.s32 $0x145C0;
	[dreg:$0x16] =	wrdreg s13  }
0x14: {  	s7 =	ssub.s32 s7, s9;
	s9 =	smin.u32 s18, $0x6A0;
	[dreg:$0x17] =	wrdreg s19  }
0x15: {  	[dreg:$0x18] =	wrdreg s11;
	s20 =	sadd.s32 s12, s5;
	s13 =	sadd.s32 $0x138000, s1  }
0x16: {  	s5 =	sshrl.u32 s5, $0x3;
	[dreg:$0x5] =	wrdreg s2;
	s22 =	sadd.s32 $0x2800, s10  }
0x17: {  	s10 =	sadd.s32 s12, s3;
	s18 =	simm.s32 $0x13B40;
	[dreg:$0x6] =	wrdreg s22  }
0x18: {  	s2 =	sadd.s32 $0x138000, s3;
	s19 =	simm.s32 $0x142C0;
	[dreg:$0xe] =	wrdreg s18  }
0x19: {  	s9 =	sshll.u32 s9, $0x7;
	s16 =	smax.u32 s7, $0x1;
	[dreg:$0xf] =	wrdreg s19  }
0x1a: {  	s11 =	sshrl.u32 s20, $0x3;
	s20 =	simm.s32 $0x13BC0;
	[dreg:$0x1e] =	wrdreg s16  }
0x1b: {  	s5 =	sadd.s32 $0x27000, s5;
	s22 =	simm.s32 $0x14340;
	[dreg:$0x10] =	wrdreg s20  }
0x1c: {  	s19 =	simm.s32 $0x138C0;
	s21 =	sadd.s32 s8, s11;
	[dreg:$0x11] =	wrdreg s22  }
0x1d: {  	s7 =	simm.s32 $0x13EC0;
	s24 =	sadd.s32 s8, s5;
	[dreg:$0x1a] =	wrdreg s21  }
0x1e: {  	s9 =	sadd.s32 s9, s3;
	s26 =	sadd.s32 s0, s11;
	[dreg:$0x1b] =	wrdreg s24  }
0x1f: {  	s8 =	simm.s32 $0x14140;
	s11 =	simm.s32 $0x13A40;
	[dreg:$0x1c] =	wrdreg s26  }
0x20: {  	s0 =	sadd.s32 s0, s5;
	s16 =	simm.s32 $0x3;
	[dreg:$0x9] =	wrdreg s8  }
0x21: {  	s5 =	sshrl.u32 @!p0 s13, $0x3;
	s20 =	simm.s32 $0x140C0;
	[dreg:$0x1d] =	wrdreg s0  }
0x22: {  	s22 =	simm.s32 $0x1;
	s13 =	simm.s32 $0x14040;
	[dreg:$0xa] =	wrdreg s11  }
0x23: {  	s9 =	sadd.s32 $0x100000, s9;
	[smem:$0x7FB] =	sst s5;
	s24 =	simm.s32 $0x143C0  }
0x24: {  	s26 =	sshrl.u32 s10, $0x3;
	s0 =	sshrl.u32 @!p0 s2, $0x3;
	[dreg:$0x19] =	wrdreg s9  }
0x25: {  	s2 =	simm.s32 $0x13E40;
	s8 =	simm.s32 $0x14640;
	[dreg:$0x13] =	wrdreg s24  }
0x26: {  	s10 =	simm.s32 $0x146C0;
	s11 =	simm.s32 $0x13FC0;
	[smem:$0x7FC] =	sst s26  }
0x27: {  	s9 =	sadd.s32 s12, s1;
	s12 =	simm.s32 $0x141C0;
	[smem:$0x7FD] =	sst s0  }
0x28: {  	s26 =	simm.s32 $0x2;
	s0 =	simm.s32 $0x14540;
	s24 =	simm.s32 $0x0  }
0x29: {  	[dreg:$0xb] =	wrdreg s12;
	s21 =	sshrl.u32 s9, $0x3;
	s9 =	simm.s32 $0x13F40  }
0x2a: {  	v0 =	vimm.f32 $0.0e+00;
	s12 =	simm.s32 $0x14740;
	[dreg:$0x1f] =	wrdreg s21;
	s21 =	simm.s32 $0x80  }
.LBB2_1:
0x2b: {  	[smem:$0x7FA] =	sst s24;
	s24 =	simm.s32 $0x200;
	s5 =	simm.s32 $0x0  }
.LBB2_2:
0x2c: {  	p1 =	sne.s32 s24, $0xFE00;
	[tilespmem:s5+$0x148F0] =	vst v0;
	s25 =	smov.u32 s24;
	s24 =	sadd.s32 $0x200, s24  }
.Ltmp0:
0x2d: {  	[tilespmem:s5+$0x148E0] =	vst v0;
	(pc) =	sbr.rel @p1 .LBB2_2-.Ltmp0, $3  }
0x2e: {  	[tilespmem:s5+$0x148C0] =	vst v0  }
0x2f: {  	[tilespmem:s5+$0x148D0] =	vst v0;
	_ =	sdelay $0x1  }
0x30: {  	s5 =	sshra.s32 s25, $0x2  }
0x31: {  	[tilespmem:s5+$0x148F0] =	vst v0  }
0x32: {  	[tilespmem:s5+$0x148E0] =	vst v0  }
0x33: {  	[tilespmem:s5+$0x148C0] =	vst v0  }
0x34: {  	[tilespmem:s5+$0x148D0] =	vst v0;
	s25 =	rddreg [dreg:$0x15]  }
0x35: {  	[spmem:s25] =	stream.linear.scatter [tilespmem:s15], [sflag:$0x3], $0x4000, $0x38;
	[tilespmem:$0x1C8C0] =	vst v63  }
0x36: {  	_ =	swait.ge [sflag:s16], $0x4000  }
0x37: {  	[sflag:s16] =	ssyncset.done $0x0  }
0x38: {  	s18 =	rddreg [dreg:$0x16];
	[sflag:s16] =	ssyncadd.s32 $0xFFFFC000  }
0x39: {  	[spmem:s18] =	stream.linear.scatter [tilespmem:s15], [sflag:$0x3], $0x4000, $0x38;
	[tilespmem:$0x1C8C0] =	vst v63  }
0x3a: {  	_ =	swait.ge [sflag:s16], $0x4000  }
0x3b: {  	[sflag:s16] =	ssyncset.done $0x0  }
0x3c: {  	s24 =	rddreg [dreg:$0x17];
	[sflag:s16] =	ssyncadd.s32 $0xFFFFC000  }
0x3d: {  	[spmem:s24] =	stream.linear.scatter [tilespmem:s15], [sflag:$0x3], $0x4000, $0x38;
	[tilespmem:$0x1C8C0] =	vst v63  }
0x3e: {  	_ =	swait.ge [sflag:s16], $0x4000  }
0x3f: {  	[sflag:s16] =	ssyncset.done $0x0  }
0x40: {  	s25 =	rddreg [dreg:$0x18];
	[sflag:s16] =	ssyncadd.s32 $0xFFFFC000  }
0x41: {  	[spmem:s25] =	stream.linear.scatter [tilespmem:s15], [sflag:$0x3], $0x4000, $0x38;
	[tilespmem:$0x1C8C0] =	vst v63  }
0x42: {  	_ =	swait.ge [sflag:s16], $0x4000  }
0x43: {  	[sflag:s16] =	ssyncset.done $0x0  }
0x44: {  	s18 =	rddreg [dreg:$0x19];
	[sflag:s16] =	ssyncadd.s32 $0xFFFFC000  }
0x45: {  	[spmem:s18] =	stream.linear.scatter [tilespmem:s15], [sflag:$0x3], $0x4000, $0x38;
	[tilespmem:$0x1C8C0] =	vst v63  }
0x46: {  	s24 =	stileid.u32;
	_ =	swait.ge [sflag:s16], $0x4000  }
0x47: {  	s5 =	sshll.u32 s24, $0x6;
	[sflag:s16] =	ssyncset.done $0x0;
	s25 =	rddreg [dreg:$0x1a]  }
0x48: {  	s24 =	sor.u32 $0x1C03, s5;
	s18 =	rddreg [dreg:$0x1f];
	[sflag:s16] =	ssyncadd.s32 $0xFFFFC000  }
0x49: {  	[spmem:s18], [sflag:s24] =	dma.local [hbm:s25], $0x2700  }
0x4a: {  	_ =	swait.ge [sflag:s16], $0x2700  }
0x4b: {  	s18 =	sld [smem:$0x7FB]  }
0x4c: {  	[sflag:s16] =	ssyncset.done $0x0;
	s5 =	rddreg [dreg:$0x1b]  }
0x4d: {  	[smem:$0x7F9] =	sst s24;
	[sflag:s16] =	ssyncadd.s32 $0xFFFFD900  }
0x4e: {  	[spmem:s18], [sflag:s24] =	dma.local @!p0 [hbm:s5], $0x100  }
0x4f: {  	s5 =	simm.s32 @!p0 $0x3  }
0x50: {  	_ =	swait.ge @!p0 [sflag:s5], $0x100  }
0x51: {  	[sflag:s5] =	ssyncset.done @!p0 $0x0  }
0x52: {  	[sflag:s5] =	ssyncadd.s32 @!p0 $0xFFFFFF00  }
0x53: {  	[bflag:$0x0] =	sbarrier.arrive $0xFFFF  }
0x54: {  	s25 =	rddreg [dreg:$0x6]  }
0x55: {  	s5 =	sadd.s32 $0x0, s25  }
0x56: {  	[tilespmem:s19], [sflag:$0x3] =	stream.linear.gather [hbm4b:s5+s4], $0x800, $0x38;
	[tilespmem:$0x1C8C0] =	vst v63  }
0x57: {  	_ =	swait.ge [sflag:s16], $0x800  }
0x58: {  	s18 =	rddreg [dreg:$0x5];
	[sflag:s16] =	ssyncset.done $0x0  }
0x59: {  	[sflag:s16] =	ssyncadd.s32 $0xFFFFF800;
	s5 =	sadd.s32 $0x0, s18  }
0x5a: {  	[tilespmem:s20], [sflag:$0x3] =	stream.linear.gather [hbm4b:s5+s4], $0x800, $0x38;
	[tilespmem:$0x1C8C0] =	vst v63  }
0x5b: {  	_ =	swait.ge [sflag:s16], $0x800  }
0x5c: {  	[sflag:s16] =	ssyncset.done $0x0  }
0x5d: {  	[sflag:s16] =	ssyncadd.s32 $0xFFFFF800  }
0x5e: {  	[tilespmem:s15], [sflag:$0x1] =	stream.indirect.gather [spmem:s1], $0x40, s19, s21, $0xb8;
	[tilespmem:$0x1C8C0] =	vst v63  }
0x5f: {  	_ =	swait.ge [sflag:s22], $0x2000  }
0x60: {  	[sflag:s22] =	ssyncset.done $0x0  }
0x61: {  	s24 =	rddreg [dreg:$0x7];
	[sflag:s22] =	ssyncadd.s32 $0xFFFFE000  }
0x62: {  	[tilespmem:s23], [sflag:$0x2] =	stream.indirect.gather [spmem:s1], $0x40, s24, s21, $0xb8;
	[tilespmem:$0x1C8C0] =	vst v63  }
0x63: {  	_ = 	snop  }
0x64: {  	[spmem:s3] =	stream.indirect.scatter.add.f32 [tilespmem:s15], [sflag:$0x3], $0x40, s20, s21, $0xb8;
	[tilespmem:$0x1C8C0] =	vst v63  }
0x65: {  	_ =	swait.ge [sflag:s16], $0x2000  }
0x66: {  	[sflag:s16] =	ssyncset.done $0x0  }
0x67: {  	[sflag:s16] =	ssyncadd.s32 $0xFFFFE000  }
0x68: {  	_ =	swait.ge [sflag:s26], $0x2000  }
0x69: {  	[sflag:s26] =	ssyncset.done $0x0  }
0x6a: {  	s25 =	rddreg [dreg:$0x8];
	[sflag:s26] =	ssyncadd.s32 $0xFFFFE000  }
0x6b: {  	[tilespmem:s15], [sflag:$0x1] =	stream.indirect.gather [spmem:s1], $0x40, s25, s21, $0xb8;
	[tilespmem:$0x1C8C0] =	vst v63  }
0x6c: {  	s18 =	rddreg [dreg:$0x9]  }
0x6d: {  	[spmem:s3] =	stream.indirect.scatter.add.f32 [tilespmem:s23], [sflag:$0x3], $0x40, s18, s21, $0xb8;
	[tilespmem:$0x1C8C0] =	vst v63  }
0x6e: {  	_ =	swait.ge [sflag:s16], $0x2000  }
0x6f: {  	[sflag:s16] =	ssyncset.done $0x0  }
0x70: {  	[sflag:s16] =	ssyncadd.s32 $0xFFFFE000  }
0x71: {  	_ =	swait.ge [sflag:s22], $0x2000  }
0x72: {  	[sflag:s22] =	ssyncset.done $0x0  }
0x73: {  	s25 =	rddreg [dreg:$0xa];
	[sflag:s22] =	ssyncadd.s32 $0xFFFFE000  }
0x74: {  	[tilespmem:s23], [sflag:$0x2] =	stream.indirect.gather [spmem:s1], $0x40, s25, s21, $0xb8;
	[tilespmem:$0x1C8C0] =	vst v63  }
0x75: {  	s18 =	rddreg [dreg:$0xb]  }
0x76: {  	[spmem:s3] =	stream.indirect.scatter.add.f32 [tilespmem:s15], [sflag:$0x3], $0x40, s18, s21, $0xb8;
	[tilespmem:$0x1C8C0] =	vst v63  }
0x77: {  	_ =	swait.ge [sflag:s16], $0x2000  }
0x78: {  	[sflag:s16] =	ssyncset.done $0x0  }
0x79: {  	[sflag:s16] =	ssyncadd.s32 $0xFFFFE000  }
0x7a: {  	_ =	swait.ge [sflag:s26], $0x2000  }
0x7b: {  	[sflag:s26] =	ssyncset.done $0x0  }
0x7c: {  	s25 =	rddreg [dreg:$0xc];
	[sflag:s26] =	ssyncadd.s32 $0xFFFFE000  }
0x7d: {  	[tilespmem:s15], [sflag:$0x1] =	stream.indirect.gather [spmem:s1], $0x40, s25, s21, $0xb8;
	[tilespmem:$0x1C8C0] =	vst v63  }
0x7e: {  	s18 =	rddreg [dreg:$0xd]  }
0x7f: {  	[spmem:s3] =	stream.indirect.scatter.add.f32 [tilespmem:s23], [sflag:$0x3], $0x40, s18, s21, $0xb8;
	[tilespmem:$0x1C8C0] =	vst v63  }
0x80: {  	_ =	swait.ge [sflag:s16], $0x2000  }
0x81: {  	[sflag:s16] =	ssyncset.done $0x0  }
0x82: {  	[sflag:s16] =	ssyncadd.s32 $0xFFFFE000  }
0x83: {  	_ =	swait.ge [sflag:s22], $0x2000  }
0x84: {  	[sflag:s22] =	ssyncset.done $0x0  }
0x85: {  	s25 =	rddreg [dreg:$0xe];
	[sflag:s22] =	ssyncadd.s32 $0xFFFFE000  }
0x86: {  	[tilespmem:s23], [sflag:$0x2] =	stream.indirect.gather [spmem:s1], $0x40, s25, s21, $0xb8;
	[tilespmem:$0x1C8C0] =	vst v63  }
0x87: {  	s18 =	rddreg [dreg:$0xf]  }
0x88: {  	[spmem:s3] =	stream.indirect.scatter.add.f32 [tilespmem:s15], [sflag:$0x3], $0x40, s18, s21, $0xb8;
	[tilespmem:$0x1C8C0] =	vst v63  }
0x89: {  	_ =	swait.ge [sflag:s16], $0x2000  }
0x8a: {  	[sflag:s16] =	ssyncset.done $0x0  }
0x8b: {  	[sflag:s16] =	ssyncadd.s32 $0xFFFFE000  }
0x8c: {  	_ =	swait.ge [sflag:s26], $0x2000  }
0x8d: {  	[sflag:s26] =	ssyncset.done $0x0  }
0x8e: {  	s25 =	rddreg [dreg:$0x10];
	[sflag:s26] =	ssyncadd.s32 $0xFFFFE000  }
0x8f: {  	[tilespmem:s15], [sflag:$0x1] =	stream.indirect.gather [spmem:s1], $0x40, s25, s21, $0xb8;
	[tilespmem:$0x1C8C0] =	vst v63  }
0x90: {  	s18 =	rddreg [dreg:$0x11]  }
0x91: {  	[spmem:s3] =	stream.indirect.scatter.add.f32 [tilespmem:s23], [sflag:$0x3], $0x40, s18, s21, $0xb8;
	[tilespmem:$0x1C8C0] =	vst v63  }
0x92: {  	_ =	swait.ge [sflag:s16], $0x2000  }
0x93: {  	[sflag:s16] =	ssyncset.done $0x0  }
0x94: {  	[sflag:s16] =	ssyncadd.s32 $0xFFFFE000  }
0x95: {  	_ =	swait.ge [sflag:s22], $0x2000  }
0x96: {  	[sflag:s22] =	ssyncset.done $0x0  }
0x97: {  	s25 =	rddreg [dreg:$0x12];
	[sflag:s22] =	ssyncadd.s32 $0xFFFFE000  }
0x98: {  	[tilespmem:s23], [sflag:$0x2] =	stream.indirect.gather [spmem:s1], $0x40, s25, s21, $0xb8;
	[tilespmem:$0x1C8C0] =	vst v63  }
0x99: {  	s18 =	rddreg [dreg:$0x13]  }
0x9a: {  	[spmem:s3] =	stream.indirect.scatter.add.f32 [tilespmem:s15], [sflag:$0x3], $0x40, s18, s21, $0xb8;
	[tilespmem:$0x1C8C0] =	vst v63  }
0x9b: {  	_ =	swait.ge [sflag:s16], $0x2000  }
0x9c: {  	[sflag:s16] =	ssyncset.done $0x0  }
0x9d: {  	[sflag:s16] =	ssyncadd.s32 $0xFFFFE000  }
0x9e: {  	_ =	swait.ge [sflag:s26], $0x2000  }
0x9f: {  	[sflag:s26] =	ssyncset.done $0x0  }
0xa0: {  	s25 =	rddreg [dreg:$0x14];
	[sflag:s26] =	ssyncadd.s32 $0xFFFFE000  }
0xa1: {  	[tilespmem:s15], [sflag:$0x1] =	stream.indirect.gather [spmem:s1], $0x40, s25, s21, $0xb8;
	[tilespmem:$0x1C8C0] =	vst v63  }
0xa2: {  	_ = 	snop  }
0xa3: {  	[spmem:s3] =	stream.indirect.scatter.add.f32 [tilespmem:s23], [sflag:$0x3], $0x40, s28, s21, $0xb8;
	[tilespmem:$0x1C8C0] =	vst v63  }
0xa4: {  	_ =	swait.ge [sflag:s16], $0x2000  }
0xa5: {  	[sflag:s16] =	ssyncset.done $0x0  }
0xa6: {  	[sflag:s16] =	ssyncadd.s32 $0xFFFFE000  }
0xa7: {  	_ =	swait.ge [sflag:s22], $0x2000  }
0xa8: {  	[sflag:s22] =	ssyncset.done $0x0  }
0xa9: {  	[sflag:s22] =	ssyncadd.s32 $0xFFFFE000  }
0xaa: {  	[tilespmem:s23], [sflag:$0x2] =	stream.indirect.gather [spmem:s1], $0x40, s29, s21, $0xb8;
	[tilespmem:$0x1C8C0] =	vst v63  }
0xab: {  	_ = 	snop  }
0xac: {  	[spmem:s3] =	stream.indirect.scatter.add.f32 [tilespmem:s15], [sflag:$0x3], $0x40, s30, s21, $0xb8;
	[tilespmem:$0x1C8C0] =	vst v63  }
0xad: {  	_ =	swait.ge [sflag:s16], $0x2000  }
0xae: {  	[sflag:s16] =	ssyncset.done $0x0  }
0xaf: {  	[sflag:s16] =	ssyncadd.s32 $0xFFFFE000  }
0xb0: {  	_ =	swait.ge [sflag:s26], $0x2000  }
0xb1: {  	[sflag:s26] =	ssyncset.done $0x0  }
0xb2: {  	[sflag:s26] =	ssyncadd.s32 $0xFFFFE000  }
0xb3: {  	[tilespmem:s15], [sflag:$0x1] =	stream.indirect.gather [spmem:s1], $0x40, s31, s21, $0xb8;
	[tilespmem:$0x1C8C0] =	vst v63  }
0xb4: {  	_ = 	snop  }
0xb5: {  	[spmem:s3] =	stream.indirect.scatter.add.f32 [tilespmem:s23], [sflag:$0x3], $0x40, s0, s21, $0xb8;
	[tilespmem:$0x1C8C0] =	vst v63  }
0xb6: {  	_ =	swait.ge [sflag:s16], $0x2000  }
0xb7: {  	[sflag:s16] =	ssyncset.done $0x0  }
0xb8: {  	[sflag:s16] =	ssyncadd.s32 $0xFFFFE000  }
0xb9: {  	_ =	swait.ge [sflag:s22], $0x2000  }
0xba: {  	[sflag:s22] =	ssyncset.done $0x0  }
0xbb: {  	[sflag:s22] =	ssyncadd.s32 $0xFFFFE000  }
0xbc: {  	[tilespmem:s23], [sflag:$0x2] =	stream.indirect.gather [spmem:s1], $0x40, s2, s21, $0xb8;
	[tilespmem:$0x1C8C0] =	vst v63  }
0xbd: {  	_ = 	snop  }
0xbe: {  	[spmem:s3] =	stream.indirect.scatter.add.f32 [tilespmem:s15], [sflag:$0x3], $0x40, s6, s21, $0xb8;
	[tilespmem:$0x1C8C0] =	vst v63  }
0xbf: {  	_ =	swait.ge [sflag:s16], $0x2000  }
0xc0: {  	[sflag:s16] =	ssyncset.done $0x0  }
0xc1: {  	[sflag:s16] =	ssyncadd.s32 $0xFFFFE000  }
0xc2: {  	_ =	swait.ge [sflag:s26], $0x2000  }
0xc3: {  	[sflag:s26] =	ssyncset.done $0x0  }
0xc4: {  	[sflag:s26] =	ssyncadd.s32 $0xFFFFE000  }
0xc5: {  	[tilespmem:s15], [sflag:$0x1] =	stream.indirect.gather [spmem:s1], $0x40, s7, s21, $0xb8;
	[tilespmem:$0x1C8C0] =	vst v63  }
0xc6: {  	_ = 	snop  }
0xc7: {  	[spmem:s3] =	stream.indirect.scatter.add.f32 [tilespmem:s23], [sflag:$0x3], $0x40, s8, s21, $0xb8;
	[tilespmem:$0x1C8C0] =	vst v63  }
0xc8: {  	_ =	swait.ge [sflag:s16], $0x2000  }
0xc9: {  	[sflag:s16] =	ssyncset.done $0x0  }
0xca: {  	[sflag:s16] =	ssyncadd.s32 $0xFFFFE000  }
0xcb: {  	_ =	swait.ge [sflag:s22], $0x2000  }
0xcc: {  	[sflag:s22] =	ssyncset.done $0x0  }
0xcd: {  	[sflag:s22] =	ssyncadd.s32 $0xFFFFE000  }
0xce: {  	[tilespmem:s23], [sflag:$0x2] =	stream.indirect.gather [spmem:s1], $0x40, s9, s21, $0xb8;
	[tilespmem:$0x1C8C0] =	vst v63  }
0xcf: {  	_ = 	snop  }
0xd0: {  	[spmem:s3] =	stream.indirect.scatter.add.f32 [tilespmem:s15], [sflag:$0x3], $0x40, s10, s21, $0xb8;
	[tilespmem:$0x1C8C0] =	vst v63  }
0xd1: {  	_ =	swait.ge [sflag:s16], $0x2000  }
0xd2: {  	[sflag:s16] =	ssyncset.done $0x0  }
0xd3: {  	[sflag:s16] =	ssyncadd.s32 $0xFFFFE000  }
0xd4: {  	_ =	swait.ge [sflag:s26], $0x2000  }
0xd5: {  	[sflag:s26] =	ssyncset.done $0x0  }
0xd6: {  	[sflag:s26] =	ssyncadd.s32 $0xFFFFE000  }
0xd7: {  	[tilespmem:s15], [sflag:$0x1] =	stream.indirect.gather [spmem:s1], $0x40, s11, s21, $0xb8;
	[tilespmem:$0x1C8C0] =	vst v63  }
0xd8: {  	_ = 	snop  }
0xd9: {  	[spmem:s3] =	stream.indirect.scatter.add.f32 [tilespmem:s23], [sflag:$0x3], $0x40, s12, s21, $0xb8;
	[tilespmem:$0x1C8C0] =	vst v63  }
0xda: {  	_ =	swait.ge [sflag:s16], $0x2000  }
0xdb: {  	[sflag:s16] =	ssyncset.done $0x0  }
0xdc: {  	[sflag:s16] =	ssyncadd.s32 $0xFFFFE000  }
0xdd: {  	_ =	swait.ge [sflag:s22], $0x2000  }
0xde: {  	[sflag:s22] =	ssyncset.done $0x0  }
0xdf: {  	[sflag:s22] =	ssyncadd.s32 $0xFFFFE000  }
0xe0: {  	[tilespmem:s23], [sflag:$0x2] =	stream.indirect.gather [spmem:s1], $0x40, s13, s21, $0xb8;
	[tilespmem:$0x1C8C0] =	vst v63  }
0xe1: {  	_ = 	snop  }
0xe2: {  	[spmem:s3] =	stream.indirect.scatter.add.f32 [tilespmem:s15], [sflag:$0x3], $0x40, s14, s21, $0xb8;
	[tilespmem:$0x1C8C0] =	vst v63  }
0xe3: {  	_ =	swait.ge [sflag:s16], $0x2000  }
0xe4: {  	[sflag:s16] =	ssyncset.done $0x0  }
0xe5: {  	[sflag:s16] =	ssyncadd.s32 $0xFFFFE000  }
0xe6: {  	_ =	swait.ge [sflag:s26], $0x2000  }
0xe7: {  	[sflag:s26] =	ssyncset.done $0x0  }
0xe8: {  	[sflag:s26] =	ssyncadd.s32 $0xFFFFE000  }
0xe9: {  	[spmem:s3] =	stream.indirect.scatter.add.f32 [tilespmem:s23], [sflag:$0x3], $0x40, s17, s21, $0xb8;
	[tilespmem:$0x1C8C0] =	vst v63  }
0xea: {  	s5 =	simm.s32 $0x200;
	_ =	swait.ge [sflag:s16], $0x2000  }
0xeb: {  	s25 =	simm.s32 $0x100;
	s24 =	rddreg [dreg:$0x6];
	[sflag:s16] =	ssyncset.done $0x0  }
.LBB2_4:
0xec: {  	[sflag:s16] =	ssyncadd.s32 $0xFFFFE000;
	s24 =	sadd.s32 s25, s24  }
0xed: {  	[tilespmem:s19], [sflag:$0x3] =	stream.linear.gather [hbm4b:s24+s4], $0x800, $0x38;
	[tilespmem:$0x1C8C0] =	vst v63  }
0xee: {  	_ =	swait.ge [sflag:s16], $0x800  }
0xef: {  	s24 =	rddreg [dreg:$0x5];
	[sflag:s16] =	ssyncset.done $0x0  }
0xf0: {  	[sflag:s16] =	ssyncadd.s32 $0xFFFFF800;
	s24 =	sadd.s32 s25, s24  }
0xf1: {  	[tilespmem:s20], [sflag:$0x3] =	stream.linear.gather [hbm4b:s24+s4], $0x800, $0x38;
	[tilespmem:$0x1C8C0] =	vst v63  }
0xf2: {  	_ =	swait.ge [sflag:s16], $0x800  }
0xf3: {  	[sflag:s16] =	ssyncset.done $0x0  }
0xf4: {  	[sflag:s16] =	ssyncadd.s32 $0xFFFFF800  }
0xf5: {  	[tilespmem:s15], [sflag:$0x1] =	stream.indirect.gather [spmem:s1], $0x40, s19, s21, $0xb8;
	[tilespmem:$0x1C8C0] =	vst v63  }
0xf6: {  	_ =	swait.ge [sflag:s22], $0x2000  }
0xf7: {  	[sflag:s22] =	ssyncset.done $0x0  }
0xf8: {  	s24 =	rddreg [dreg:$0x7];
	[sflag:s22] =	ssyncadd.s32 $0xFFFFE000  }
0xf9: {  	[tilespmem:s23], [sflag:$0x2] =	stream.indirect.gather [spmem:s1], $0x40, s24, s21, $0xb8;
	[tilespmem:$0x1C8C0] =	vst v63  }
0xfa: {  	_ = 	snop  }
0xfb: {  	[spmem:s3] =	stream.indirect.scatter.add.f32 [tilespmem:s15], [sflag:$0x3], $0x40, s20, s21, $0xb8;
	[tilespmem:$0x1C8C0] =	vst v63  }
0xfc: {  	_ =	swait.ge [sflag:s16], $0x2000  }
0xfd: {  	[sflag:s16] =	ssyncset.done $0x0  }
0xfe: {  	[sflag:s16] =	ssyncadd.s32 $0xFFFFE000  }
0xff: {  	_ =	swait.ge [sflag:s26], $0x2000  }
0x100: {  	s18 =	smov.u32 s5;
	[sflag:s26] =	ssyncset.done $0x0  }
0x101: {  	s25 =	smov.u32 s18;
	s18 =	rddreg [dreg:$0x8];
	[sflag:s26] =	ssyncadd.s32 $0xFFFFE000  }
0x102: {  	[tilespmem:s15], [sflag:$0x1] =	stream.indirect.gather [spmem:s1], $0x40, s18, s21, $0xb8;
	[tilespmem:$0x1C8C0] =	vst v63  }
0x103: {  	s24 =	rddreg [dreg:$0x9]  }
0x104: {  	[spmem:s3] =	stream.indirect.scatter.add.f32 [tilespmem:s23], [sflag:$0x3], $0x40, s24, s21, $0xb8;
	[tilespmem:$0x1C8C0] =	vst v63  }
0x105: {  	_ =	swait.ge [sflag:s16], $0x2000  }
0x106: {  	[sflag:s16] =	ssyncset.done $0x0  }
0x107: {  	[sflag:s16] =	ssyncadd.s32 $0xFFFFE000  }
0x108: {  	_ =	swait.ge [sflag:s22], $0x2000  }
0x109: {  	[sflag:s22] =	ssyncset.done $0x0  }
0x10a: {  	s18 =	rddreg [dreg:$0xa];
	[sflag:s22] =	ssyncadd.s32 $0xFFFFE000  }
0x10b: {  	[tilespmem:s23], [sflag:$0x2] =	stream.indirect.gather [spmem:s1], $0x40, s18, s21, $0xb8;
	[tilespmem:$0x1C8C0] =	vst v63  }
0x10c: {  	s24 =	rddreg [dreg:$0xb]  }
0x10d: {  	[spmem:s3] =	stream.indirect.scatter.add.f32 [tilespmem:s15], [sflag:$0x3], $0x40, s24, s21, $0xb8;
	[tilespmem:$0x1C8C0] =	vst v63  }
0x10e: {  	_ =	swait.ge [sflag:s16], $0x2000  }
0x10f: {  	[sflag:s16] =	ssyncset.done $0x0  }
0x110: {  	[sflag:s16] =	ssyncadd.s32 $0xFFFFE000  }
0x111: {  	_ =	swait.ge [sflag:s26], $0x2000  }
0x112: {  	[sflag:s26] =	ssyncset.done $0x0  }
0x113: {  	s18 =	rddreg [dreg:$0xc];
	[sflag:s26] =	ssyncadd.s32 $0xFFFFE000  }
0x114: {  	[tilespmem:s15], [sflag:$0x1] =	stream.indirect.gather [spmem:s1], $0x40, s18, s21, $0xb8;
	[tilespmem:$0x1C8C0] =	vst v63  }
0x115: {  	s24 =	rddreg [dreg:$0xd]  }
0x116: {  	[spmem:s3] =	stream.indirect.scatter.add.f32 [tilespmem:s23], [sflag:$0x3], $0x40, s24, s21, $0xb8;
	[tilespmem:$0x1C8C0] =	vst v63  }
0x117: {  	_ =	swait.ge [sflag:s16], $0x2000  }
0x118: {  	[sflag:s16] =	ssyncset.done $0x0  }
0x119: {  	[sflag:s16] =	ssyncadd.s32 $0xFFFFE000  }
0x11a: {  	_ =	swait.ge [sflag:s22], $0x2000  }
0x11b: {  	[sflag:s22] =	ssyncset.done $0x0  }
0x11c: {  	s18 =	rddreg [dreg:$0xe];
	[sflag:s22] =	ssyncadd.s32 $0xFFFFE000  }
0x11d: {  	[tilespmem:s23], [sflag:$0x2] =	stream.indirect.gather [spmem:s1], $0x40, s18, s21, $0xb8;
	[tilespmem:$0x1C8C0] =	vst v63  }
0x11e: {  	s24 =	rddreg [dreg:$0xf]  }
0x11f: {  	[spmem:s3] =	stream.indirect.scatter.add.f32 [tilespmem:s15], [sflag:$0x3], $0x40, s24, s21, $0xb8;
	[tilespmem:$0x1C8C0] =	vst v63  }
0x120: {  	_ =	swait.ge [sflag:s16], $0x2000  }
0x121: {  	[sflag:s16] =	ssyncset.done $0x0  }
0x122: {  	[sflag:s16] =	ssyncadd.s32 $0xFFFFE000  }
0x123: {  	_ =	swait.ge [sflag:s26], $0x2000  }
0x124: {  	[sflag:s26] =	ssyncset.done $0x0  }
0x125: {  	s18 =	rddreg [dreg:$0x10];
	[sflag:s26] =	ssyncadd.s32 $0xFFFFE000  }
0x126: {  	[tilespmem:s15], [sflag:$0x1] =	stream.indirect.gather [spmem:s1], $0x40, s18, s21, $0xb8;
	[tilespmem:$0x1C8C0] =	vst v63  }
0x127: {  	s24 =	rddreg [dreg:$0x11]  }
0x128: {  	[spmem:s3] =	stream.indirect.scatter.add.f32 [tilespmem:s23], [sflag:$0x3], $0x40, s24, s21, $0xb8;
	[tilespmem:$0x1C8C0] =	vst v63  }
0x129: {  	_ =	swait.ge [sflag:s16], $0x2000  }
0x12a: {  	[sflag:s16] =	ssyncset.done $0x0  }
0x12b: {  	[sflag:s16] =	ssyncadd.s32 $0xFFFFE000  }
0x12c: {  	_ =	swait.ge [sflag:s22], $0x2000  }
0x12d: {  	[sflag:s22] =	ssyncset.done $0x0  }
0x12e: {  	s18 =	rddreg [dreg:$0x12];
	[sflag:s22] =	ssyncadd.s32 $0xFFFFE000  }
0x12f: {  	[tilespmem:s23], [sflag:$0x2] =	stream.indirect.gather [spmem:s1], $0x40, s18, s21, $0xb8;
	[tilespmem:$0x1C8C0] =	vst v63  }
0x130: {  	s24 =	rddreg [dreg:$0x13]  }
0x131: {  	[spmem:s3] =	stream.indirect.scatter.add.f32 [tilespmem:s15], [sflag:$0x3], $0x40, s24, s21, $0xb8;
	[tilespmem:$0x1C8C0] =	vst v63  }
0x132: {  	_ =	swait.ge [sflag:s16], $0x2000  }
0x133: {  	[sflag:s16] =	ssyncset.done $0x0  }
0x134: {  	[sflag:s16] =	ssyncadd.s32 $0xFFFFE000  }
0x135: {  	_ =	swait.ge [sflag:s26], $0x2000  }
0x136: {  	[sflag:s26] =	ssyncset.done $0x0  }
0x137: {  	s24 =	rddreg [dreg:$0x14];
	[sflag:s26] =	ssyncadd.s32 $0xFFFFE000  }
0x138: {  	[tilespmem:s15], [sflag:$0x1] =	stream.indirect.gather [spmem:s1], $0x40, s24, s21, $0xb8;
	[tilespmem:$0x1C8C0] =	vst v63  }
0x139: {  	_ = 	snop  }
0x13a: {  	[spmem:s3] =	stream.indirect.scatter.add.f32 [tilespmem:s23], [sflag:$0x3], $0x40, s28, s21, $0xb8;
	[tilespmem:$0x1C8C0] =	vst v63  }
0x13b: {  	_ =	swait.ge [sflag:s16], $0x2000  }
0x13c: {  	[sflag:s16] =	ssyncset.done $0x0  }
0x13d: {  	[sflag:s16] =	ssyncadd.s32 $0xFFFFE000  }
0x13e: {  	_ =	swait.ge [sflag:s22], $0x2000  }
0x13f: {  	[sflag:s22] =	ssyncset.done $0x0  }
0x140: {  	[sflag:s22] =	ssyncadd.s32 $0xFFFFE000  }
0x141: {  	[tilespmem:s23], [sflag:$0x2] =	stream.indirect.gather [spmem:s1], $0x40, s29, s21, $0xb8;
	[tilespmem:$0x1C8C0] =	vst v63  }
0x142: {  	_ = 	snop  }
0x143: {  	[spmem:s3] =	stream.indirect.scatter.add.f32 [tilespmem:s15], [sflag:$0x3], $0x40, s30, s21, $0xb8;
	[tilespmem:$0x1C8C0] =	vst v63  }
0x144: {  	_ =	swait.ge [sflag:s16], $0x2000  }
0x145: {  	[sflag:s16] =	ssyncset.done $0x0  }
0x146: {  	[sflag:s16] =	ssyncadd.s32 $0xFFFFE000  }
0x147: {  	_ =	swait.ge [sflag:s26], $0x2000  }
0x148: {  	[sflag:s26] =	ssyncset.done $0x0  }
0x149: {  	[sflag:s26] =	ssyncadd.s32 $0xFFFFE000  }
0x14a: {  	[tilespmem:s15], [sflag:$0x1] =	stream.indirect.gather [spmem:s1], $0x40, s31, s21, $0xb8;
	[tilespmem:$0x1C8C0] =	vst v63  }
0x14b: {  	_ = 	snop  }
0x14c: {  	[spmem:s3] =	stream.indirect.scatter.add.f32 [tilespmem:s23], [sflag:$0x3], $0x40, s0, s21, $0xb8;
	[tilespmem:$0x1C8C0] =	vst v63  }
0x14d: {  	_ =	swait.ge [sflag:s16], $0x2000  }
0x14e: {  	[sflag:s16] =	ssyncset.done $0x0  }
0x14f: {  	[sflag:s16] =	ssyncadd.s32 $0xFFFFE000  }
0x150: {  	_ =	swait.ge [sflag:s22], $0x2000  }
0x151: {  	[sflag:s22] =	ssyncset.done $0x0  }
0x152: {  	[sflag:s22] =	ssyncadd.s32 $0xFFFFE000  }
0x153: {  	[tilespmem:s23], [sflag:$0x2] =	stream.indirect.gather [spmem:s1], $0x40, s2, s21, $0xb8;
	[tilespmem:$0x1C8C0] =	vst v63  }
0x154: {  	_ = 	snop  }
0x155: {  	[spmem:s3] =	stream.indirect.scatter.add.f32 [tilespmem:s15], [sflag:$0x3], $0x40, s6, s21, $0xb8;
	[tilespmem:$0x1C8C0] =	vst v63  }
0x156: {  	_ =	swait.ge [sflag:s16], $0x2000  }
0x157: {  	[sflag:s16] =	ssyncset.done $0x0  }
0x158: {  	[sflag:s16] =	ssyncadd.s32 $0xFFFFE000  }
0x159: {  	_ =	swait.ge [sflag:s26], $0x2000  }
0x15a: {  	[sflag:s26] =	ssyncset.done $0x0  }
0x15b: {  	[sflag:s26] =	ssyncadd.s32 $0xFFFFE000  }
0x15c: {  	[tilespmem:s15], [sflag:$0x1] =	stream.indirect.gather [spmem:s1], $0x40, s7, s21, $0xb8;
	[tilespmem:$0x1C8C0] =	vst v63  }
0x15d: {  	_ = 	snop  }
0x15e: {  	[spmem:s3] =	stream.indirect.scatter.add.f32 [tilespmem:s23], [sflag:$0x3], $0x40, s8, s21, $0xb8;
	[tilespmem:$0x1C8C0] =	vst v63  }
0x15f: {  	_ =	swait.ge [sflag:s16], $0x2000  }
0x160: {  	[sflag:s16] =	ssyncset.done $0x0  }
0x161: {  	[sflag:s16] =	ssyncadd.s32 $0xFFFFE000  }
0x162: {  	_ =	swait.ge [sflag:s22], $0x2000  }
0x163: {  	[sflag:s22] =	ssyncset.done $0x0  }
0x164: {  	[sflag:s22] =	ssyncadd.s32 $0xFFFFE000  }
0x165: {  	[tilespmem:s23], [sflag:$0x2] =	stream.indirect.gather [spmem:s1], $0x40, s9, s21, $0xb8;
	[tilespmem:$0x1C8C0] =	vst v63  }
0x166: {  	_ = 	snop  }
0x167: {  	[spmem:s3] =	stream.indirect.scatter.add.f32 [tilespmem:s15], [sflag:$0x3], $0x40, s10, s21, $0xb8;
	[tilespmem:$0x1C8C0] =	vst v63  }
0x168: {  	_ =	swait.ge [sflag:s16], $0x2000  }
0x169: {  	[sflag:s16] =	ssyncset.done $0x0  }
0x16a: {  	[sflag:s16] =	ssyncadd.s32 $0xFFFFE000  }
0x16b: {  	_ =	swait.ge [sflag:s26], $0x2000  }
0x16c: {  	[sflag:s26] =	ssyncset.done $0x0  }
0x16d: {  	[sflag:s26] =	ssyncadd.s32 $0xFFFFE000  }
0x16e: {  	[tilespmem:s15], [sflag:$0x1] =	stream.indirect.gather [spmem:s1], $0x40, s11, s21, $0xb8;
	[tilespmem:$0x1C8C0] =	vst v63  }
0x16f: {  	_ = 	snop  }
0x170: {  	[spmem:s3] =	stream.indirect.scatter.add.f32 [tilespmem:s23], [sflag:$0x3], $0x40, s12, s21, $0xb8;
	[tilespmem:$0x1C8C0] =	vst v63  }
0x171: {  	_ =	swait.ge [sflag:s16], $0x2000  }
0x172: {  	[sflag:s16] =	ssyncset.done $0x0  }
0x173: {  	[sflag:s16] =	ssyncadd.s32 $0xFFFFE000  }
0x174: {  	_ =	swait.ge [sflag:s22], $0x2000  }
0x175: {  	[sflag:s22] =	ssyncset.done $0x0  }
0x176: {  	[sflag:s22] =	ssyncadd.s32 $0xFFFFE000  }
0x177: {  	[tilespmem:s23], [sflag:$0x2] =	stream.indirect.gather [spmem:s1], $0x40, s13, s21, $0xb8;
	[tilespmem:$0x1C8C0] =	vst v63  }
0x178: {  	_ = 	snop  }
0x179: {  	[spmem:s3] =	stream.indirect.scatter.add.f32 [tilespmem:s15], [sflag:$0x3], $0x40, s14, s21, $0xb8;
	[tilespmem:$0x1C8C0] =	vst v63  }
0x17a: {  	_ =	swait.ge [sflag:s16], $0x2000  }
0x17b: {  	[sflag:s16] =	ssyncset.done $0x0  }
0x17c: {  	[sflag:s16] =	ssyncadd.s32 $0xFFFFE000  }
0x17d: {  	p1 =	sne.s32 s5, $0x900;
	_ =	swait.ge [sflag:s26], $0x2000  }
.Ltmp1:
0x17e: {  	[sflag:s26] =	ssyncset.done $0x0;
	(pc) =	sbr.rel @p1 .LBB2_4-.Ltmp1, $4  }
0x17f: {  	[sflag:s26] =	ssyncadd.s32 $0xFFFFE000  }
0x180: {  	[spmem:s3] =	stream.indirect.scatter.add.f32 [tilespmem:s23], [sflag:$0x3], $0x40, s17, s21, $0xb8;
	[tilespmem:$0x1C8C0] =	vst v63  }
0x181: {  	_ =	swait.ge [sflag:s16], $0x2000  }
0x182: {  	s5 =	sadd.s32 $0x100, s5;
	s24 =	rddreg [dreg:$0x6];
	[sflag:s16] =	ssyncset.done $0x0  }
0x183: {  	[sflag:s16] =	ssyncadd.s32 $0xFFFFE000;
	s5 =	sadd.s32 s25, s24  }
0x184: {  	[tilespmem:s19], [sflag:$0x3] =	stream.linear.gather [hbm4b:s5+s4], $0x800, $0x38;
	[tilespmem:$0x1C8C0] =	vst v63  }
0x185: {  	_ =	swait.ge [sflag:s16], $0x800  }
0x186: {  	s18 =	rddreg [dreg:$0x5];
	[sflag:s16] =	ssyncset.done $0x0  }
0x187: {  	[sflag:s16] =	ssyncadd.s32 $0xFFFFF800;
	s5 =	sadd.s32 s25, s18  }
0x188: {  	[tilespmem:s20], [sflag:$0x3] =	stream.linear.gather [hbm4b:s5+s4], $0x800, $0x38;
	[tilespmem:$0x1C8C0] =	vst v63  }
0x189: {  	_ =	swait.ge [sflag:s16], $0x800  }
0x18a: {  	[sflag:s16] =	ssyncset.done $0x0  }
0x18b: {  	[sflag:s16] =	ssyncadd.s32 $0xFFFFF800  }
0x18c: {  	[tilespmem:s15], [sflag:$0x1] =	stream.indirect.gather [spmem:s1], $0x40, s19, s21, $0xb8;
	[tilespmem:$0x1C8C0] =	vst v63  }
0x18d: {  	_ =	swait.ge [sflag:s22], $0x2000  }
0x18e: {  	[sflag:s22] =	ssyncset.done $0x0  }
0x18f: {  	s24 =	rddreg [dreg:$0x7];
	[sflag:s22] =	ssyncadd.s32 $0xFFFFE000  }
0x190: {  	[tilespmem:s23], [sflag:$0x2] =	stream.indirect.gather [spmem:s1], $0x40, s24, s21, $0xb8;
	[tilespmem:$0x1C8C0] =	vst v63  }
0x191: {  	_ = 	snop  }
0x192: {  	[spmem:s3] =	stream.indirect.scatter.add.f32 [tilespmem:s15], [sflag:$0x3], $0x40, s20, s21, $0xb8;
	[tilespmem:$0x1C8C0] =	vst v63  }
0x193: {  	_ =	swait.ge [sflag:s16], $0x2000  }
0x194: {  	[sflag:s16] =	ssyncset.done $0x0  }
0x195: {  	[sflag:s16] =	ssyncadd.s32 $0xFFFFE000  }
0x196: {  	_ =	swait.ge [sflag:s26], $0x2000  }
0x197: {  	[sflag:s26] =	ssyncset.done $0x0  }
0x198: {  	s25 =	rddreg [dreg:$0x8];
	[sflag:s26] =	ssyncadd.s32 $0xFFFFE000  }
0x199: {  	[tilespmem:s15], [sflag:$0x1] =	stream.indirect.gather [spmem:s1], $0x40, s25, s21, $0xb8;
	[tilespmem:$0x1C8C0] =	vst v63  }
0x19a: {  	s18 =	rddreg [dreg:$0x9]  }
0x19b: {  	[spmem:s3] =	stream.indirect.scatter.add.f32 [tilespmem:s23], [sflag:$0x3], $0x40, s18, s21, $0xb8;
	[tilespmem:$0x1C8C0] =	vst v63  }
0x19c: {  	_ =	swait.ge [sflag:s16], $0x2000  }
0x19d: {  	[sflag:s16] =	ssyncset.done $0x0  }
0x19e: {  	[sflag:s16] =	ssyncadd.s32 $0xFFFFE000  }
0x19f: {  	_ =	swait.ge [sflag:s22], $0x2000  }
0x1a0: {  	[sflag:s22] =	ssyncset.done $0x0  }
0x1a1: {  	s24 =	rddreg [dreg:$0xa];
	[sflag:s22] =	ssyncadd.s32 $0xFFFFE000  }
0x1a2: {  	[tilespmem:s23], [sflag:$0x2] =	stream.indirect.gather [spmem:s1], $0x40, s24, s21, $0xb8;
	[tilespmem:$0x1C8C0] =	vst v63  }
0x1a3: {  	s25 =	rddreg [dreg:$0xb]  }
0x1a4: {  	[spmem:s3] =	stream.indirect.scatter.add.f32 [tilespmem:s15], [sflag:$0x3], $0x40, s25, s21, $0xb8;
	[tilespmem:$0x1C8C0] =	vst v63  }
0x1a5: {  	_ =	swait.ge [sflag:s16], $0x2000  }
0x1a6: {  	[sflag:s16] =	ssyncset.done $0x0  }
0x1a7: {  	[sflag:s16] =	ssyncadd.s32 $0xFFFFE000  }
0x1a8: {  	_ =	swait.ge [sflag:s26], $0x2000  }
0x1a9: {  	[sflag:s26] =	ssyncset.done $0x0  }
0x1aa: {  	s24 =	rddreg [dreg:$0xc];
	[sflag:s26] =	ssyncadd.s32 $0xFFFFE000  }
0x1ab: {  	[tilespmem:s15], [sflag:$0x1] =	stream.indirect.gather [spmem:s1], $0x40, s24, s21, $0xb8;
	[tilespmem:$0x1C8C0] =	vst v63  }
0x1ac: {  	s25 =	rddreg [dreg:$0xd]  }
0x1ad: {  	[spmem:s3] =	stream.indirect.scatter.add.f32 [tilespmem:s23], [sflag:$0x3], $0x40, s25, s21, $0xb8;
	[tilespmem:$0x1C8C0] =	vst v63  }
0x1ae: {  	_ =	swait.ge [sflag:s16], $0x2000  }
0x1af: {  	[sflag:s16] =	ssyncset.done $0x0  }
0x1b0: {  	[sflag:s16] =	ssyncadd.s32 $0xFFFFE000  }
0x1b1: {  	_ =	swait.ge [sflag:s22], $0x2000  }
0x1b2: {  	[sflag:s22] =	ssyncset.done $0x0  }
0x1b3: {  	s24 =	rddreg [dreg:$0xe];
	[sflag:s22] =	ssyncadd.s32 $0xFFFFE000  }
0x1b4: {  	[tilespmem:s23], [sflag:$0x2] =	stream.indirect.gather [spmem:s1], $0x40, s24, s21, $0xb8;
	[tilespmem:$0x1C8C0] =	vst v63  }
0x1b5: {  	s25 =	rddreg [dreg:$0xf]  }
0x1b6: {  	[spmem:s3] =	stream.indirect.scatter.add.f32 [tilespmem:s15], [sflag:$0x3], $0x40, s25, s21, $0xb8;
	[tilespmem:$0x1C8C0] =	vst v63  }
0x1b7: {  	_ =	swait.ge [sflag:s16], $0x2000  }
0x1b8: {  	[sflag:s16] =	ssyncset.done $0x0  }
0x1b9: {  	[sflag:s16] =	ssyncadd.s32 $0xFFFFE000  }
0x1ba: {  	_ =	swait.ge [sflag:s26], $0x2000  }
0x1bb: {  	[sflag:s26] =	ssyncset.done $0x0  }
0x1bc: {  	s24 =	rddreg [dreg:$0x10];
	[sflag:s26] =	ssyncadd.s32 $0xFFFFE000  }
0x1bd: {  	[tilespmem:s15], [sflag:$0x1] =	stream.indirect.gather [spmem:s1], $0x40, s24, s21, $0xb8;
	[tilespmem:$0x1C8C0] =	vst v63  }
0x1be: {  	s25 =	rddreg [dreg:$0x11]  }
0x1bf: {  	[spmem:s3] =	stream.indirect.scatter.add.f32 [tilespmem:s23], [sflag:$0x3], $0x40, s25, s21, $0xb8;
	[tilespmem:$0x1C8C0] =	vst v63  }
0x1c0: {  	_ =	swait.ge [sflag:s16], $0x2000  }
0x1c1: {  	[sflag:s16] =	ssyncset.done $0x0  }
0x1c2: {  	[sflag:s16] =	ssyncadd.s32 $0xFFFFE000  }
0x1c3: {  	_ =	swait.ge [sflag:s22], $0x2000  }
0x1c4: {  	[sflag:s22] =	ssyncset.done $0x0  }
0x1c5: {  	s18 =	rddreg [dreg:$0x12];
	[sflag:s22] =	ssyncadd.s32 $0xFFFFE000  }
0x1c6: {  	[tilespmem:s23], [sflag:$0x2] =	stream.indirect.gather [spmem:s1], $0x40, s18, s21, $0xb8;
	[tilespmem:$0x1C8C0] =	vst v63  }
0x1c7: {  	s24 =	rddreg [dreg:$0x13]  }
0x1c8: {  	[spmem:s3] =	stream.indirect.scatter.add.f32 [tilespmem:s15], [sflag:$0x3], $0x40, s24, s21, $0xb8;
	[tilespmem:$0x1C8C0] =	vst v63  }
0x1c9: {  	_ =	swait.ge [sflag:s16], $0x2000  }
0x1ca: {  	[sflag:s16] =	ssyncset.done $0x0  }
0x1cb: {  	[sflag:s16] =	ssyncadd.s32 $0xFFFFE000  }
0x1cc: {  	_ =	swait.ge [sflag:s26], $0x2000  }
0x1cd: {  	[sflag:s26] =	ssyncset.done $0x0  }
0x1ce: {  	s25 =	rddreg [dreg:$0x14];
	[sflag:s26] =	ssyncadd.s32 $0xFFFFE000  }
0x1cf: {  	[tilespmem:s15], [sflag:$0x1] =	stream.indirect.gather [spmem:s1], $0x40, s25, s21, $0xb8;
	[tilespmem:$0x1C8C0] =	vst v63  }
0x1d0: {  	_ = 	snop  }
0x1d1: {  	[spmem:s3] =	stream.indirect.scatter.add.f32 [tilespmem:s23], [sflag:$0x3], $0x40, s28, s21, $0xb8;
	[tilespmem:$0x1C8C0] =	vst v63  }
0x1d2: {  	_ =	swait.ge [sflag:s16], $0x2000  }
0x1d3: {  	[sflag:s16] =	ssyncset.done $0x0  }
0x1d4: {  	[sflag:s16] =	ssyncadd.s32 $0xFFFFE000  }
0x1d5: {  	_ =	swait.ge [sflag:s22], $0x2000  }
0x1d6: {  	[sflag:s22] =	ssyncset.done $0x0  }
0x1d7: {  	[sflag:s22] =	ssyncadd.s32 $0xFFFFE000  }
0x1d8: {  	[tilespmem:s23], [sflag:$0x2] =	stream.indirect.gather [spmem:s1], $0x40, s29, s21, $0xb8;
	[tilespmem:$0x1C8C0] =	vst v63  }
0x1d9: {  	_ = 	snop  }
0x1da: {  	[spmem:s3] =	stream.indirect.scatter.add.f32 [tilespmem:s15], [sflag:$0x3], $0x40, s30, s21, $0xb8;
	[tilespmem:$0x1C8C0] =	vst v63  }
0x1db: {  	_ =	swait.ge [sflag:s16], $0x2000  }
0x1dc: {  	[sflag:s16] =	ssyncset.done $0x0  }
0x1dd: {  	[sflag:s16] =	ssyncadd.s32 $0xFFFFE000  }
0x1de: {  	_ =	swait.ge [sflag:s26], $0x2000  }
0x1df: {  	[sflag:s26] =	ssyncset.done $0x0  }
0x1e0: {  	[sflag:s26] =	ssyncadd.s32 $0xFFFFE000  }
0x1e1: {  	[tilespmem:s15], [sflag:$0x1] =	stream.indirect.gather [spmem:s1], $0x40, s31, s21, $0xb8;
	[tilespmem:$0x1C8C0] =	vst v63  }
0x1e2: {  	_ = 	snop  }
0x1e3: {  	[spmem:s3] =	stream.indirect.scatter.add.f32 [tilespmem:s23], [sflag:$0x3], $0x40, s0, s21, $0xb8;
	[tilespmem:$0x1C8C0] =	vst v63  }
0x1e4: {  	_ =	swait.ge [sflag:s16], $0x2000  }
0x1e5: {  	[sflag:s16] =	ssyncset.done $0x0  }
0x1e6: {  	[sflag:s16] =	ssyncadd.s32 $0xFFFFE000  }
0x1e7: {  	_ =	swait.ge [sflag:s22], $0x2000  }
0x1e8: {  	[sflag:s22] =	ssyncset.done $0x0  }
0x1e9: {  	[sflag:s22] =	ssyncadd.s32 $0xFFFFE000  }
0x1ea: {  	[tilespmem:s23], [sflag:$0x2] =	stream.indirect.gather [spmem:s1], $0x40, s2, s21, $0xb8;
	[tilespmem:$0x1C8C0] =	vst v63  }
0x1eb: {  	_ = 	snop  }
0x1ec: {  	[spmem:s3] =	stream.indirect.scatter.add.f32 [tilespmem:s15], [sflag:$0x3], $0x40, s6, s21, $0xb8;
	[tilespmem:$0x1C8C0] =	vst v63  }
0x1ed: {  	_ =	swait.ge [sflag:s16], $0x2000  }
0x1ee: {  	[sflag:s16] =	ssyncset.done $0x0  }
0x1ef: {  	[sflag:s16] =	ssyncadd.s32 $0xFFFFE000  }
0x1f0: {  	_ =	swait.ge [sflag:s26], $0x2000  }
0x1f1: {  	[sflag:s26] =	ssyncset.done $0x0  }
0x1f2: {  	[sflag:s26] =	ssyncadd.s32 $0xFFFFE000  }
0x1f3: {  	[tilespmem:s15], [sflag:$0x1] =	stream.indirect.gather [spmem:s1], $0x40, s7, s21, $0xb8;
	[tilespmem:$0x1C8C0] =	vst v63  }
0x1f4: {  	_ = 	snop  }
0x1f5: {  	[spmem:s3] =	stream.indirect.scatter.add.f32 [tilespmem:s23], [sflag:$0x3], $0x40, s8, s21, $0xb8;
	[tilespmem:$0x1C8C0] =	vst v63  }
0x1f6: {  	_ =	swait.ge [sflag:s16], $0x2000  }
0x1f7: {  	[sflag:s16] =	ssyncset.done $0x0  }
0x1f8: {  	[sflag:s16] =	ssyncadd.s32 $0xFFFFE000  }
0x1f9: {  	_ =	swait.ge [sflag:s22], $0x2000  }
0x1fa: {  	[sflag:s22] =	ssyncset.done $0x0  }
0x1fb: {  	[sflag:s22] =	ssyncadd.s32 $0xFFFFE000  }
0x1fc: {  	[tilespmem:s23], [sflag:$0x2] =	stream.indirect.gather [spmem:s1], $0x40, s9, s21, $0xb8;
	[tilespmem:$0x1C8C0] =	vst v63  }
0x1fd: {  	_ = 	snop  }
0x1fe: {  	[spmem:s3] =	stream.indirect.scatter.add.f32 [tilespmem:s15], [sflag:$0x3], $0x40, s10, s21, $0xb8;
	[tilespmem:$0x1C8C0] =	vst v63  }
0x1ff: {  	_ =	swait.ge [sflag:s16], $0x2000  }
0x200: {  	[sflag:s16] =	ssyncset.done $0x0  }
0x201: {  	[sflag:s16] =	ssyncadd.s32 $0xFFFFE000  }
0x202: {  	_ =	swait.ge [sflag:s26], $0x2000  }
0x203: {  	[sflag:s26] =	ssyncset.done $0x0  }
0x204: {  	[sflag:s26] =	ssyncadd.s32 $0xFFFFE000  }
0x205: {  	[tilespmem:s15], [sflag:$0x1] =	stream.indirect.gather [spmem:s1], $0x40, s11, s21, $0xb8;
	[tilespmem:$0x1C8C0] =	vst v63  }
0x206: {  	_ = 	snop  }
0x207: {  	[spmem:s3] =	stream.indirect.scatter.add.f32 [tilespmem:s23], [sflag:$0x3], $0x40, s12, s21, $0xb8;
	[tilespmem:$0x1C8C0] =	vst v63  }
0x208: {  	_ =	swait.ge [sflag:s16], $0x2000  }
0x209: {  	[sflag:s16] =	ssyncset.done $0x0  }
0x20a: {  	[sflag:s16] =	ssyncadd.s32 $0xFFFFE000  }
0x20b: {  	_ =	swait.ge [sflag:s22], $0x2000  }
0x20c: {  	[sflag:s22] =	ssyncset.done $0x0  }
0x20d: {  	[sflag:s22] =	ssyncadd.s32 $0xFFFFE000  }
0x20e: {  	[tilespmem:s23], [sflag:$0x2] =	stream.indirect.gather [spmem:s1], $0x40, s13, s21, $0xb8;
	[tilespmem:$0x1C8C0] =	vst v63  }
0x20f: {  	_ = 	snop  }
0x210: {  	[spmem:s3] =	stream.indirect.scatter.add.f32 [tilespmem:s15], [sflag:$0x3], $0x40, s14, s21, $0xb8;
	[tilespmem:$0x1C8C0] =	vst v63  }
0x211: {  	_ =	swait.ge [sflag:s16], $0x2000  }
0x212: {  	[sflag:s16] =	ssyncset.done $0x0  }
0x213: {  	[sflag:s16] =	ssyncadd.s32 $0xFFFFE000  }
0x214: {  	_ =	swait.ge [sflag:s26], $0x2000  }
0x215: {  	[sflag:s26] =	ssyncset.done $0x0  }
0x216: {  	[sflag:s26] =	ssyncadd.s32 $0xFFFFE000  }
0x217: {  	[spmem:s3] =	stream.indirect.scatter.add.f32 [tilespmem:s23], [sflag:$0x3], $0x40, s17, s21, $0xb8;
	[tilespmem:$0x1C8C0] =	vst v63  }
0x218: {  	_ =	swait.ge [sflag:s16], $0x2000  }
0x219: {  	[sflag:s16] =	ssyncset.done $0x0  }
0x21a: {  	[sflag:s16] =	ssyncadd.s32 $0xFFFFE000  }
0x21b: {  	[bflag:$0x0] =	sbarrier.arrive $0xFFFF  }
0x21c: {  	s25 =	sld [smem:$0x7FC]  }
0x21d: {  	s24 =	sld [smem:$0x7F9];
	_ =	sdelay $0x1  }
0x21e: {  	s18 =	rddreg [dreg:$0x1c]  }
0x21f: {  	[hbm:s18], [sflag:s24] =	dma.local [spmem:s25], $0x2700  }
0x220: {  	_ =	swait.ge [sflag:s16], $0x2700  }
0x221: {  	s18 =	sld [smem:$0x7FD]  }
0x222: {  	[sflag:s16] =	ssyncset.done $0x0  }
0x223: {  	s5 =	rddreg [dreg:$0x1d];
	[sflag:s16] =	ssyncadd.s32 $0xFFFFD900  }
0x224: {  	[hbm:s5], [sflag:s24] =	dma.local @!p0 [spmem:s18], $0x100  }
0x225: {  	s5 =	simm.s32 @!p0 $0x3  }
0x226: {  	_ =	swait.ge @!p0 [sflag:s5], $0x100  }
0x227: {  	s18 =	sld [smem:$0x7FA];
	_ =	sdelay $0x2  }
0x228: {  	s25 =	rddreg [dreg:$0x1e];
	s24 =	sadd.s32 $0x1, s18  }
0x229: {  	p1 =	sne.s32 s24, s25  }
.Ltmp2:
0x22a: {  	_ = 	snop;
	(pc) =	sbr.rel @p1 .LBB2_1-.Ltmp2, $3  }
0x22b: {  	_ =	sdelay $0x1  }
0x22c: {  	[sflag:s5] =	ssyncset.done @!p0 $0x0  }
0x22d: {  	[sflag:s5] =	ssyncadd.s32 @!p0 $0xFFFFFF00  }
0x22e: {  	_ =	sfence.sel $0x180000  }
0x22f: {  	[bflag:$0x0] =	sbarrier.arrive $0xFFFF  }
0x230: {  	_ =	strace $0x90000047  }
0x231: {  	s0 =	stileid.u32;
	[bflag:$0x2] =	sbarrier.arrive $0xFFFF  }
0x232: {  	p0 =	sne.s32 s0, $0x0;
	s0 =	rddreg [dreg:$0x4]  }
0x233: {  	s0 =	sadd.s32 @!p0 $0x100000, s0  }
0x234: {  	[sflag:s0] =	ssyncadd.tile.s32 @!p0 $0x1;
	_ =	shalt  }
.Lfunc_end2:
_tile_overlayer_lowered:
.L_overlay_start_2:
0x235: {  	(tag) =	ssettag $0x2  }
0x236: {  	s0 =	rddreg [dreg:$0x0];
	s2 =	stileid.u32  }
0x237: {  	s1 =	rddreg [dreg:$0x1];
	p0 =	sne.s32 s2, $0x0  }
0x238: {  	s3 =	rddreg [dreg:$0x2];
	[bflag:$0x3] =	sbarrier.arrive $0xFFFF;
	s2 =	simm.s32 @!p0 $0x1C03  }
0x239: {  	[timem:s3], [sflag:s2] =	dma.local @!p0 [hbm:s0], s1  }
0x23a: {  	s0 =	simm.s32 @!p0 $0x3  }
0x23b: {  	_ =	swait.ge @!p0 [sflag:s0], s1  }
0x23c: {  	s1 =	ssub.s32 @!p0 $0x0, s1;
	[sflag:s0] =	ssyncset.done @!p0 $0x0  }
0x23d: {  	[sflag:s0] =	ssyncadd.s32 @!p0 s1  }
0x23e: {  	[bflag:$0x3] =	sbarrier.arrive $0xFFFF  }
0x23f: {  	_ =	shalt  }

// kernel: kernel.13.cloned.1.call-start
scs
__scs_entry_jumppad:
0x0: {  	(pc) =	sbr.rel $0x88, $3  }
0x1: {  	(tag) =	ssettag $0x0;
	lr =	simm.s32 $0x1  }
0x2: {  	[smem:$0x3F99] =	sst lr;
	_ =	strace $0xD0000000  }
0x3: {  	_ = 	snop  }
0x4: {  	_ = 	snop  }
0x5: {  	_ = 	snop  }
0x6: {  	_ = 	snop  }
0x7: {  	_ = 	snop  }
__scs_overlays_trampoline_lowered:
0x8: {  	[smem:$0x3FA8] =	sst s0  }
0x9: {  	[smem:$0x3FA9] =	sst s1  }
0xa: {  	[smem:$0x3FAA] =	sst s2  }
0xb: {  	[smem:$0x3FAB] =	sst s3  }
0xc: {  	[smem:$0x3FAC] =	sst s4  }
0xd: {  	[smem:$0x3FAD] =	sst s5  }
0xe: {  	[smem:$0x3FAE] =	sst s6  }
0xf: {  	[smem:$0x3FAF] =	sst s7  }
0x10: {  	[smem:$0x3FB0] =	sst s8  }
0x11: {  	[smem:$0x3FB1] =	sst s9;
	s0 =	simm.s32 @!p0 $0x0  }
0x12: {  	s1 =	sld [smem:$0x3F97];
	s0 =	simm.s32 @p0 $0x1  }
0x13: {  	[smem:$0x3FB2] =	sst s0;
	s0 =	simm.s32 @!p1 $0x0  }
0x14: {  	s2 =	sld [smem:$0x3F96];
	s0 =	simm.s32 @p1 $0x1  }
0x15: {  	[smem:$0x3FB3] =	sst s0;
	s0 =	simm.s32 @!p2 $0x0  }
0x16: {  	s3 =	sld [smem:$0x3FDB];
	s0 =	simm.s32 @p2 $0x1  }
0x17: {  	s4 =	simm.s32 $0x1BF5;
	[smem:$0x3FB5] =	sst s0  }
0x18: {  	s0 =	sld [smem:$0x3F98];
	_ =	swait.ge [sflag:s4], $0x0  }
0x19: {  	s7 =	sld [smem:$0x3F99]  }
0x1a: {  	s8 =	sadd.s32 $0xFFFFE003, lr  }
0x1b: {  	s9 =	sadd.s32 $0xFFFFFEF7, lr;
	s5 =	simm.s32 $0xFFFFFFFF;
	p2 =	slt.u32 s8, $0xFFFFF086  }
0x1c: {  	p1 =	slt.u32 s9, $0xF7A;
	s5 =	simm.s32 @!p2 $0x0  }
0x1d: {  	s5 =	simm.s32 @p1 $0x1;
	p0 =	seq.s32 s7, s2  }
0x1e: {  	s7 =	smul.u32 @!p0 $0xF7A, s2;
	p2 =	seq.s32 @!p0 s5, $0x0  }
0x1f: {  	s9 =	smul.u32 $0xF7A, s1;
	s8 =	simm.s32 @!p0 $0x1BF5;
	p2 =	por !p2, p0  }
0x20: {  	[sflag:s8] =	ssyncset.s32 @!p0 $0xFFFFF086;
	s6 =	sadd.s32 @!p0 s3, s7;
	s7 =	simm.s32 @!p0 $0x108  }
0x21: {  	s3 =	sadd.s32 s3, s9;
	s6 =	sadd.s32 @!p0 $0x88, s6;
	s7 =	simm.s32 @p2 $0x1082  }
0x22: {  	[simem:s7], [sflag:s8] =	dma.local @!p0 [hbm:s6], $0xF7A  }
0x23: {  	s9 =	sor.u32 $0xD0000000, s2;
	s6 =	simm.s32 $0x108;
	_ =	swait.ge @!p0 [sflag:s8], $0x0  }
0x24: {  	s3 =	sadd.s32 $0x88, s3;
	s6 =	simm.s32 @!p1 $0x1082;
	[sflag:s4] =	ssyncset.s32 $0xFFFFF086  }
0x25: {  	[simem:s6], [sflag:s4] =	dma.local [hbm:s3], $0xF7A  }
0x26: {  	[smem:$0x3F99] =	sst s1;
	(tag) =	ssettag s2;
	_ =	strace s9  }
0x27: {  	s1 =	sld [smem:$0x3FA9]  }
0x28: {  	s2 =	sld [smem:$0x3FAA]  }
0x29: {  	s4 =	sld [smem:$0x3FAC]  }
0x2a: {  	p0 =	seq.s32 s5, $0x0;
	s5 =	sld [smem:$0x3FAD]  }
0x2b: {  	s6 =	sld [smem:$0x3FAE]  }
0x2c: {  	s7 =	sld [smem:$0x3FAF]  }
0x2d: {  	s3 =	simm.s32 $0x108;
	s8 =	sld [smem:$0x3FB0]  }
0x2e: {  	s3 =	simm.s32 @!p0 $0x1082;
	s9 =	sld [smem:$0x3FB1]  }
0x2f: {  	lr =	sadd.s32 s0, s3;
	s0 =	sld [smem:$0x3FA8]  }
0x30: {  	s3 =	sld [smem:$0x3FAB]  }
0x31: {  	[smem:$0x3FB4] =	sst s10  }
0x32: {  	s10 =	sld [smem:$0x3FB2];
	_ =	sdelay $0x3  }
0x33: {  	p0 =	seq.s32 s10, $0x1;
	s10 =	sld [smem:$0x3FB4];
	_ =	sdelay $0x3  }
0x34: {  	[smem:$0x3FB4] =	sst s10  }
0x35: {  	s10 =	sld [smem:$0x3FB3];
	_ =	sdelay $0x3  }
0x36: {  	p1 =	seq.s32 s10, $0x1;
	s10 =	sld [smem:$0x3FB4];
	_ =	sdelay $0x3  }
0x37: {  	[smem:$0x3FB4] =	sst s10  }
0x38: {  	s10 =	sld [smem:$0x3FB5]  }
0x39: {  	_ = 	snop;
	(pc) =	sbr.ind lr, $3  }
0x3a: {  	_ = 	snop  }
0x3b: {  	_ = 	snop  }
0x3c: {  	p2 =	seq.s32 s10, $0x1;
	s10 =	sld [smem:$0x3FB4]  }
0x3d: {  	_ =	shalt  }
0x3e: {  	_ =	shalt  }
0x3f: {  	_ =	shalt  }
0x40: {  	_ =	shalt  }
0x41: {  	_ =	shalt  }
0x42: {  	_ =	shalt  }
0x43: {  	_ =	shalt  }
0x44: {  	_ =	shalt  }
0x45: {  	_ =	shalt  }
0x46: {  	_ =	shalt  }
0x47: {  	_ =	shalt  }
0x48: {  	_ =	shalt  }
0x49: {  	_ =	shalt  }
0x4a: {  	_ =	shalt  }
0x4b: {  	_ =	shalt  }
0x4c: {  	_ =	shalt  }
0x4d: {  	_ =	shalt  }
0x4e: {  	_ =	shalt  }
0x4f: {  	_ =	shalt  }
0x50: {  	_ =	shalt  }
0x51: {  	_ =	shalt  }
0x52: {  	_ =	shalt  }
0x53: {  	_ =	shalt  }
0x54: {  	_ =	shalt  }
0x55: {  	_ =	shalt  }
0x56: {  	_ =	shalt  }
0x57: {  	_ =	shalt  }
0x58: {  	_ =	shalt  }
0x59: {  	_ =	shalt  }
0x5a: {  	_ =	shalt  }
0x5b: {  	_ =	shalt  }
0x5c: {  	_ =	shalt  }
0x5d: {  	_ =	shalt  }
0x5e: {  	_ =	shalt  }
0x5f: {  	_ =	shalt  }
0x60: {  	_ =	shalt  }
0x61: {  	_ =	shalt  }
0x62: {  	_ =	shalt  }
0x63: {  	_ =	shalt  }
0x64: {  	_ =	shalt  }
0x65: {  	_ =	shalt  }
0x66: {  	_ =	shalt  }
0x67: {  	_ =	shalt  }
0x68: {  	_ =	shalt  }
0x69: {  	_ =	shalt  }
0x6a: {  	_ =	shalt  }
0x6b: {  	_ =	shalt  }
0x6c: {  	_ =	shalt  }
0x6d: {  	_ =	shalt  }
0x6e: {  	_ =	shalt  }
0x6f: {  	_ =	shalt  }
0x70: {  	_ =	shalt  }
0x71: {  	_ =	shalt  }
0x72: {  	_ =	shalt  }
0x73: {  	_ =	shalt  }
0x74: {  	_ =	shalt  }
0x75: {  	_ =	shalt  }
0x76: {  	_ =	shalt  }
0x77: {  	_ =	shalt  }
0x78: {  	_ =	shalt  }
0x79: {  	_ =	shalt  }
0x7a: {  	_ =	shalt  }
0x7b: {  	_ =	shalt  }
0x7c: {  	_ =	shalt  }
0x7d: {  	_ =	shalt  }
0x7e: {  	_ =	shalt  }
0x7f: {  	_ =	shalt  }
0x80: {  	_ =	shalt  }
0x81: {  	_ =	shalt  }
0x82: {  	_ =	shalt  }
0x83: {  	_ =	shalt  }
0x84: {  	_ =	shalt  }
0x85: {  	_ =	shalt  }
0x86: {  	_ =	shalt  }
0x87: {  	_ =	shalt  }
.Lfunc_end0:
.L_simem_size_0:
called_computation.2_lowered:
.L_overlay_start_0:
0x88: {  	s2 =	sld [smem:$0x3FD9]  }
0x89: {  	s3 =	sld [smem:$0x3FFE];
	_ =	sdelay $0x1  }
0x8a: {  	s1 =	srdreg.scid  }
0x8b: {  	s0 =	sand.u32 $0x1, s1  }
0x8c: {  	s17 =	sshll.u32 s0, $0xA;
	s2 =	sadd.s32 s3, s2  }
0x8d: {  	s2 =	sadd.s32 s2, s17  }
0x8e: {  	[smem:$0x3FC0] =	sst s2  }
0x8f: {  	_ = 	snop  }
0x90: {  	s2 =	sld [smem:$0x3FD0];
	(tm) =	ssettm $0x1  }
0x91: {  	s18 =	sld [smem:$0x3FFB];
	_ =	sdelay $0x3  }
0x92: {  	_ =	strace s18  }
0x93: {  	s3 =	sld [smem:$0x3FFC];
	_ =	sdelay $0x3  }
0x94: {  	_ =	strace s3  }
0x95: {  	s3 =	sld [smem:$0x3FFD];
	_ =	sdelay $0x3  }
0x96: {  	_ =	strace s3  }
0x97: {  	_ =	strace $0x8FFFFFFF  }
0x98: {  	s19 =	sld [smem:$0x3FDB];
	_ =	sdelay $0x1  }
0x99: {  	s4 =	simm.s32 $_scs_section_size  }
0x9a: {  	s5 =	simm.s32 $_size__tile_overlayer_lowered;
	s6 =	simm.s32 $_tile_overlayer_lowered  }
0x9b: {  	s22 =	simm.s32 $0x1BFF;
	s21 =	sshll.u32 s6, $0x1;
	s3 =	sadd.s32 s4, s19  }
0x9c: {  	s7 =	simm.s32 $0x0;
	s20 =	sshll.u32 s5, $0x1;
	s5 =	sadd.s32 s21, s3  }
0x9d: {  	[timem:s7], [sflag:s22] =	dma.local [hbm:s5], s20  }
0x9e: {  	_ =	swait.ge [sflag:s22], s20  }
0x9f: {  	s4 =	ssub.s32 $0x0, s20;
	[sflag:s22] =	ssyncset.done $0x0  }
0xa0: {  	[sflag:s22] =	ssyncadd.s32 s4;
	_ =	sdelay $0x1  }
0xa1: {  	s23 =	simm.s32 $0x1B8B  }
0xa2: {  	_ =	swait.ge [sflag:s23], $0x1  }
0xa3: {  	[sflag:s23] =	ssyncset.done $0x0  }
0xa4: {  	s25 =	simm.s32 $0x1B8E;
	s24 =	sld [smem:$0x3FFE];
	[sflag:s23] =	ssyncadd.s32 $0xFFFFFFFF  }
0xa5: {  	s26 =	simm.s32 $execute0_lowered;
	[smem:$0x3FD2] =	sst s25  }
0xa6: {  	s5 =	sshll.u32 s26, $0x1;
	_ =	strace $0x8000004C;
	[dreg:$0x1] =	wrdreg $0xFFFFFFFF  }
0xa7: {  	s28 =	simm.s32 $_size_execute0_lowered;
	s3 =	sadd.s32 s3, s5;
	[dreg:$0x0] =	wrdreg $0x0  }
0xa8: {  	s5 =	sshll.u32 s28, $0x1;
	[dreg:$0x2] =	wrdreg s3  }
0xa9: {  	[dreg:$0x3] =	wrdreg s5  }
0xaa: {  	[dreg:$0x4] =	wrdreg $0xC0  }
0xab: {  	_ =	task [dreg:s7], $0x5FFFF  }
0xac: {  	[dreg:$0x1] =	wrdreg $0xFFFFFFFF  }
0xad: {  	[dreg:$0x0] =	wrdreg $0x60  }
0xae: {  	[dreg:$0x2] =	wrdreg s24  }
0xaf: {  	[dreg:$0x3] =	wrdreg s2  }
0xb0: {  	[dreg:$0x4] =	wrdreg $0x0  }
0xb1: {  	[dreg:$0x5] =	wrdreg $0x9C400  }
0xb2: {  	[dreg:$0x6] =	wrdreg $0x9  }
0xb3: {  	_ =	task.clear_ibuf [dreg:s7], $0x7FFFF;
	_ =	strace $0x9000004C  }
0xb4: {  	s29 =	simm.s32 $0x9;
	_ =	strace $0x8000004E  }
0xb5: {  	_ =	swait.ge [sflag:s29], $0x1  }
0xb6: {  	[sflag:s29] =	ssyncadd.s32 $0xFFFFFFFF  }
0xb7: {  	_ =	strace $0x9000004E  }
0xb8: {  	_ =	sfence  }
0xb9: {  	s30 =	sld [smem:$0x0];
	_ =	sdelay $0x2  }
0xba: {  	s31 =	sshll.u32 s1, $0xD;
	s1 =	sshrl.u32 s1, $0x2  }
0xbb: {  	s3 =	sand.u32 $0x4000, s31;
	s1 =	sadd.s32 s1, s30  }
0xbc: {  	s0 =	sor.u32 s3, s0;
	s1 =	sshll.u32 s1, $0x11  }
0xbd: {  	s0 =	sor.u32 s1, s0  }
0xbe: {  	s0 =	sadd.s32 $0x8F2B, s0  }
0xbf: {  	[sflag:s0] =	ssyncadd.remote.s32 $0x1  }
0xc0: {  	_ =	sfence.sel $0xFFFF  }
0xc1: {  	[dreg:$0x0] =	wrdreg $0xFFFFFFFF;
	(pc) =	sbr.abs _section_cstart, $3  }
0xc2: {  	[dreg:$0x1] =	wrdreg $0xFFFFFFFF  }
0xc3: {  	_ =	task.clear_ibuf [dreg:s7], $0x2FFFF;
	_ =	strace $0x9FFFFFFF  }
0xc4: {  	(tm) =	ssettm $0x7FFFFFFF  }
0xc5: {  	_ =	shalt  }
tec
execute0_lowered:
.L_overlay_start_1:
0x0: {  	(tag) =	ssettag $0x1  }
0x1: {  	s0 =	rddreg [dreg:$0x0]  }
0x2: {  	s2 =	rddreg [dreg:$0x1]  }
0x3: {  	s1 =	rddreg [dreg:$0x2]  }
0x4: {  	s3 =	rddreg [dreg:$0x3]  }
0x5: {  	s5 =	srdreg.scid;
	s4 =	simm.s32 $0x0;
	s14 =	stileid.u32  }
0x6: {  	s23 =	simm.s32 $0x13940;
	s25 =	simm.s32 $0x139C0;
	s15 =	simm.s32 $0x13AC0  }
0x7: {  	s17 =	simm.s32 $0x14240;
	s28 =	simm.s32 $0x14440;
	s29 =	simm.s32 $0x13D40  }
0x8: {  	s30 =	simm.s32 $0x144C0;
	s31 =	simm.s32 $0x13DC0;
	s5 =	sand.u32 $0x1, s5  }
0x9: {  	[smem:$0x7FF] =	sst s4;
	s6 =	smul.u32 $0xA00, s14;
	s8 =	sadd.s32 $0xC800, s0  }
0xa: {  	s18 =	sshll.u32 s14, $0x7;
	s11 =	sshll.u32 s14, $0xE;
	s12 =	smul.u32 $0x13800, s14  }
0xb: {  	p0 =	sne.s32 s14, $0xF;
	_ =	strace $0x8000004D;
	[dreg:$0x7] =	wrdreg s23  }
0xc: {  	s14 =	simm.s32 $0x147C0;
	s7 =	ssub.s32 $0x2, s5;
	[dreg:$0x8] =	wrdreg s25  }
0xd: {  	s11 =	sadd.s32 s11, s3;
	s5 =	smul.u32 $0x138800, s5;
	[dreg:$0xc] =	wrdreg s15  }
0xe: {  	[dreg:$0xd] =	wrdreg s17;
	s15 =	simm.s32 $0x148C0;
	s23 =	simm.s32 $0x13C40  }
0xf: {  	s25 =	simm.s32 $0x13CC0;
	s17 =	simm.s32 $0x14840;
	s9 =	sshrl.u32 s7, $0x1  }
0x10: {  	s10 =	sadd.s32 s6, s0;
	s0 =	sadd.s32 $0x5AA00, s0;
	[dreg:$0x15] =	wrdreg s11  }
0x11: {  	s13 =	sadd.s32 $0x40000, s11;
	s19 =	sadd.s32 $0x80000, s11;
	[dreg:$0x12] =	wrdreg s23  }
0x12: {  	s11 =	sadd.s32 $0xC0000, s11;
	s2 =	sadd.s32 s6, s2;
	[dreg:$0x14] =	wrdreg s25  }
0x13: {  	s23 =	simm.s32 $0x188C0;
	s6 =	simm.s32 $0x145C0;
	[dreg:$0x16] =	wrdreg s13  }
0x14: {  	s7 =	ssub.s32 s7, s9;
	s9 =	smin.u32 s18, $0x6A0;
	[dreg:$0x17] =	wrdreg s19  }
0x15: {  	[dreg:$0x18] =	wrdreg s11;
	s20 =	sadd.s32 s12, s5;
	s13 =	sadd.s32 $0x138000, s1  }
0x16: {  	s5 =	sshrl.u32 s5, $0x3;
	[dreg:$0x5] =	wrdreg s2;
	s22 =	sadd.s32 $0x2800, s10  }
0x17: {  	s10 =	sadd.s32 s12, s3;
	s18 =	simm.s32 $0x13B40;
	[dreg:$0x6] =	wrdreg s22  }
0x18: {  	s2 =	sadd.s32 $0x138000, s3;
	s19 =	simm.s32 $0x142C0;
	[dreg:$0xe] =	wrdreg s18  }
0x19: {  	s9 =	sshll.u32 s9, $0x7;
	s16 =	smax.u32 s7, $0x1;
	[dreg:$0xf] =	wrdreg s19  }
0x1a: {  	s11 =	sshrl.u32 s20, $0x3;
	s20 =	simm.s32 $0x13BC0;
	[dreg:$0x1e] =	wrdreg s16  }
0x1b: {  	s5 =	sadd.s32 $0x27000, s5;
	s22 =	simm.s32 $0x14340;
	[dreg:$0x10] =	wrdreg s20  }
0x1c: {  	s19 =	simm.s32 $0x138C0;
	s21 =	sadd.s32 s8, s11;
	[dreg:$0x11] =	wrdreg s22  }
0x1d: {  	s7 =	simm.s32 $0x13EC0;
	s24 =	sadd.s32 s8, s5;
	[dreg:$0x1a] =	wrdreg s21  }
0x1e: {  	s9 =	sadd.s32 s9, s3;
	s26 =	sadd.s32 s0, s11;
	[dreg:$0x1b] =	wrdreg s24  }
0x1f: {  	s8 =	simm.s32 $0x14140;
	s11 =	simm.s32 $0x13A40;
	[dreg:$0x1c] =	wrdreg s26  }
0x20: {  	s0 =	sadd.s32 s0, s5;
	s16 =	simm.s32 $0x3;
	[dreg:$0x9] =	wrdreg s8  }
0x21: {  	s5 =	sshrl.u32 @!p0 s13, $0x3;
	s20 =	simm.s32 $0x140C0;
	[dreg:$0x1d] =	wrdreg s0  }
0x22: {  	s22 =	simm.s32 $0x1;
	s13 =	simm.s32 $0x14040;
	[dreg:$0xa] =	wrdreg s11  }
0x23: {  	s9 =	sadd.s32 $0x100000, s9;
	[smem:$0x7FB] =	sst s5;
	s24 =	simm.s32 $0x143C0  }
0x24: {  	s26 =	sshrl.u32 s10, $0x3;
	s0 =	sshrl.u32 @!p0 s2, $0x3;
	[dreg:$0x19] =	wrdreg s9  }
0x25: {  	s2 =	simm.s32 $0x13E40;
	s8 =	simm.s32 $0x14640;
	[dreg:$0x13] =	wrdreg s24  }
0x26: {  	s10 =	simm.s32 $0x146C0;
	s11 =	simm.s32 $0x13FC0;
	[smem:$0x7FC] =	sst s26  }
0x27: {  	s9 =	sadd.s32 s12, s1;
	s12 =	simm.s32 $0x141C0;
	[smem:$0x7FD] =	sst s0  }
0x28: {  	s26 =	simm.s32 $0x2;
	s0 =	simm.s32 $0x14540;
	s24 =	simm.s32 $0x0  }
0x29: {  	[dreg:$0xb] =	wrdreg s12;
	s21 =	sshrl.u32 s9, $0x3;
	s9 =	simm.s32 $0x13F40  }
0x2a: {  	v0 =	vimm.f32 $0.0e+00;
	s12 =	simm.s32 $0x14740;
	[dreg:$0x1f] =	wrdreg s21;
	s21 =	simm.s32 $0x80  }
.LBB2_1:
0x2b: {  	[smem:$0x7FA] =	sst s24;
	s24 =	simm.s32 $0x200;
	s5 =	simm.s32 $0x0  }
.LBB2_2:
0x2c: {  	p1 =	sne.s32 s24, $0xFE00;
	[tilespmem:s5+$0x148F0] =	vst v0;
	s25 =	smov.u32 s24;
	s24 =	sadd.s32 $0x200, s24  }
.Ltmp0:
0x2d: {  	[tilespmem:s5+$0x148E0] =	vst v0;
	(pc) =	sbr.rel @p1 .LBB2_2-.Ltmp0, $3  }
0x2e: {  	[tilespmem:s5+$0x148C0] =	vst v0  }
0x2f: {  	[tilespmem:s5+$0x148D0] =	vst v0;
	_ =	sdelay $0x1  }
0x30: {  	s5 =	sshra.s32 s25, $0x2  }
0x31: {  	[tilespmem:s5+$0x148F0] =	vst v0  }
0x32: {  	[tilespmem:s5+$0x148E0] =	vst v0  }
0x33: {  	[tilespmem:s5+$0x148C0] =	vst v0  }
0x34: {  	[tilespmem:s5+$0x148D0] =	vst v0;
	s25 =	rddreg [dreg:$0x15]  }
0x35: {  	[spmem:s25] =	stream.linear.scatter [tilespmem:s15], [sflag:$0x3], $0x4000, $0x38;
	[tilespmem:$0x1C8C0] =	vst v63  }
0x36: {  	_ =	swait.ge [sflag:s16], $0x4000  }
0x37: {  	[sflag:s16] =	ssyncset.done $0x0  }
0x38: {  	s18 =	rddreg [dreg:$0x16];
	[sflag:s16] =	ssyncadd.s32 $0xFFFFC000  }
0x39: {  	[spmem:s18] =	stream.linear.scatter [tilespmem:s15], [sflag:$0x3], $0x4000, $0x38;
	[tilespmem:$0x1C8C0] =	vst v63  }
0x3a: {  	_ =	swait.ge [sflag:s16], $0x4000  }
0x3b: {  	[sflag:s16] =	ssyncset.done $0x0  }
0x3c: {  	s24 =	rddreg [dreg:$0x17];
	[sflag:s16] =	ssyncadd.s32 $0xFFFFC000  }
0x3d: {  	[spmem:s24] =	stream.linear.scatter [tilespmem:s15], [sflag:$0x3], $0x4000, $0x38;
	[tilespmem:$0x1C8C0] =	vst v63  }
0x3e: {  	_ =	swait.ge [sflag:s16], $0x4000  }
0x3f: {  	[sflag:s16] =	ssyncset.done $0x0  }
0x40: {  	s25 =	rddreg [dreg:$0x18];
	[sflag:s16] =	ssyncadd.s32 $0xFFFFC000  }
0x41: {  	[spmem:s25] =	stream.linear.scatter [tilespmem:s15], [sflag:$0x3], $0x4000, $0x38;
	[tilespmem:$0x1C8C0] =	vst v63  }
0x42: {  	_ =	swait.ge [sflag:s16], $0x4000  }
0x43: {  	[sflag:s16] =	ssyncset.done $0x0  }
0x44: {  	s18 =	rddreg [dreg:$0x19];
	[sflag:s16] =	ssyncadd.s32 $0xFFFFC000  }
0x45: {  	[spmem:s18] =	stream.linear.scatter [tilespmem:s15], [sflag:$0x3], $0x4000, $0x38;
	[tilespmem:$0x1C8C0] =	vst v63  }
0x46: {  	s24 =	stileid.u32;
	_ =	swait.ge [sflag:s16], $0x4000  }
0x47: {  	s5 =	sshll.u32 s24, $0x6;
	[sflag:s16] =	ssyncset.done $0x0;
	s25 =	rddreg [dreg:$0x1a]  }
0x48: {  	s24 =	sor.u32 $0x1C03, s5;
	s18 =	rddreg [dreg:$0x1f];
	[sflag:s16] =	ssyncadd.s32 $0xFFFFC000  }
0x49: {  	[spmem:s18], [sflag:s24] =	dma.local [hbm:s25], $0x2700  }
0x4a: {  	_ =	swait.ge [sflag:s16], $0x2700  }
0x4b: {  	s18 =	sld [smem:$0x7FB]  }
0x4c: {  	[sflag:s16] =	ssyncset.done $0x0;
	s5 =	rddreg [dreg:$0x1b]  }
0x4d: {  	[smem:$0x7F9] =	sst s24;
	[sflag:s16] =	ssyncadd.s32 $0xFFFFD900  }
0x4e: {  	[spmem:s18], [sflag:s24] =	dma.local @!p0 [hbm:s5], $0x100  }
0x4f: {  	s5 =	simm.s32 @!p0 $0x3  }
0x50: {  	_ =	swait.ge @!p0 [sflag:s5], $0x100  }
0x51: {  	[sflag:s5] =	ssyncset.done @!p0 $0x0  }
0x52: {  	[sflag:s5] =	ssyncadd.s32 @!p0 $0xFFFFFF00  }
0x53: {  	[bflag:$0x0] =	sbarrier.arrive $0xFFFF  }
0x54: {  	s25 =	rddreg [dreg:$0x6]  }
0x55: {  	s5 =	sadd.s32 $0x0, s25  }
0x56: {  	[tilespmem:s19], [sflag:$0x3] =	stream.linear.gather [hbm4b:s5+s4], $0x800, $0x38;
	[tilespmem:$0x1C8C0] =	vst v63  }
0x57: {  	_ =	swait.ge [sflag:s16], $0x800  }
0x58: {  	s18 =	rddreg [dreg:$0x5];
	[sflag:s16] =	ssyncset.done $0x0  }
0x59: {  	[sflag:s16] =	ssyncadd.s32 $0xFFFFF800;
	s5 =	sadd.s32 $0x0, s18  }
0x5a: {  	[tilespmem:s20], [sflag:$0x3] =	stream.linear.gather [hbm4b:s5+s4], $0x800, $0x38;
	[tilespmem:$0x1C8C0] =	vst v63  }
0x5b: {  	_ =	swait.ge [sflag:s16], $0x800  }
0x5c: {  	[sflag:s16] =	ssyncset.done $0x0  }
0x5d: {  	[sflag:s16] =	ssyncadd.s32 $0xFFFFF800  }
0x5e: {  	[tilespmem:s15], [sflag:$0x1] =	stream.indirect.gather [spmem:s1], $0x40, s19, s21, $0xb8;
	[tilespmem:$0x1C8C0] =	vst v63  }
0x5f: {  	_ =	swait.ge [sflag:s22], $0x2000  }
0x60: {  	[sflag:s22] =	ssyncset.done $0x0  }
0x61: {  	s24 =	rddreg [dreg:$0x7];
	[sflag:s22] =	ssyncadd.s32 $0xFFFFE000  }
0x62: {  	[tilespmem:s23], [sflag:$0x2] =	stream.indirect.gather [spmem:s1], $0x40, s24, s21, $0xb8;
	[tilespmem:$0x1C8C0] =	vst v63  }
0x63: {  	_ = 	snop  }
0x64: {  	[spmem:s3] =	stream.indirect.scatter.add.f32 [tilespmem:s15], [sflag:$0x3], $0x40, s20, s21, $0xb8;
	[tilespmem:$0x1C8C0] =	vst v63  }
0x65: {  	_ =	swait.ge [sflag:s16], $0x2000  }
0x66: {  	[sflag:s16] =	ssyncset.done $0x0  }
0x67: {  	[sflag:s16] =	ssyncadd.s32 $0xFFFFE000  }
0x68: {  	_ =	swait.ge [sflag:s26], $0x2000  }
0x69: {  	[sflag:s26] =	ssyncset.done $0x0  }
0x6a: {  	s25 =	rddreg [dreg:$0x8];
	[sflag:s26] =	ssyncadd.s32 $0xFFFFE000  }
0x6b: {  	[tilespmem:s15], [sflag:$0x1] =	stream.indirect.gather [spmem:s1], $0x40, s25, s21, $0xb8;
	[tilespmem:$0x1C8C0] =	vst v63  }
0x6c: {  	s18 =	rddreg [dreg:$0x9]  }
0x6d: {  	[spmem:s3] =	stream.indirect.scatter.add.f32 [tilespmem:s23], [sflag:$0x3], $0x40, s18, s21, $0xb8;
	[tilespmem:$0x1C8C0] =	vst v63  }
0x6e: {  	_ =	swait.ge [sflag:s16], $0x2000  }
0x6f: {  	[sflag:s16] =	ssyncset.done $0x0  }
0x70: {  	[sflag:s16] =	ssyncadd.s32 $0xFFFFE000  }
0x71: {  	_ =	swait.ge [sflag:s22], $0x2000  }
0x72: {  	[sflag:s22] =	ssyncset.done $0x0  }
0x73: {  	s25 =	rddreg [dreg:$0xa];
	[sflag:s22] =	ssyncadd.s32 $0xFFFFE000  }
0x74: {  	[tilespmem:s23], [sflag:$0x2] =	stream.indirect.gather [spmem:s1], $0x40, s25, s21, $0xb8;
	[tilespmem:$0x1C8C0] =	vst v63  }
0x75: {  	s18 =	rddreg [dreg:$0xb]  }
0x76: {  	[spmem:s3] =	stream.indirect.scatter.add.f32 [tilespmem:s15], [sflag:$0x3], $0x40, s18, s21, $0xb8;
	[tilespmem:$0x1C8C0] =	vst v63  }
0x77: {  	_ =	swait.ge [sflag:s16], $0x2000  }
0x78: {  	[sflag:s16] =	ssyncset.done $0x0  }
0x79: {  	[sflag:s16] =	ssyncadd.s32 $0xFFFFE000  }
0x7a: {  	_ =	swait.ge [sflag:s26], $0x2000  }
0x7b: {  	[sflag:s26] =	ssyncset.done $0x0  }
0x7c: {  	s25 =	rddreg [dreg:$0xc];
	[sflag:s26] =	ssyncadd.s32 $0xFFFFE000  }
0x7d: {  	[tilespmem:s15], [sflag:$0x1] =	stream.indirect.gather [spmem:s1], $0x40, s25, s21, $0xb8;
	[tilespmem:$0x1C8C0] =	vst v63  }
0x7e: {  	s18 =	rddreg [dreg:$0xd]  }
0x7f: {  	[spmem:s3] =	stream.indirect.scatter.add.f32 [tilespmem:s23], [sflag:$0x3], $0x40, s18, s21, $0xb8;
	[tilespmem:$0x1C8C0] =	vst v63  }
0x80: {  	_ =	swait.ge [sflag:s16], $0x2000  }
0x81: {  	[sflag:s16] =	ssyncset.done $0x0  }
0x82: {  	[sflag:s16] =	ssyncadd.s32 $0xFFFFE000  }
0x83: {  	_ =	swait.ge [sflag:s22], $0x2000  }
0x84: {  	[sflag:s22] =	ssyncset.done $0x0  }
0x85: {  	s25 =	rddreg [dreg:$0xe];
	[sflag:s22] =	ssyncadd.s32 $0xFFFFE000  }
0x86: {  	[tilespmem:s23], [sflag:$0x2] =	stream.indirect.gather [spmem:s1], $0x40, s25, s21, $0xb8;
	[tilespmem:$0x1C8C0] =	vst v63  }
0x87: {  	s18 =	rddreg [dreg:$0xf]  }
0x88: {  	[spmem:s3] =	stream.indirect.scatter.add.f32 [tilespmem:s15], [sflag:$0x3], $0x40, s18, s21, $0xb8;
	[tilespmem:$0x1C8C0] =	vst v63  }
0x89: {  	_ =	swait.ge [sflag:s16], $0x2000  }
0x8a: {  	[sflag:s16] =	ssyncset.done $0x0  }
0x8b: {  	[sflag:s16] =	ssyncadd.s32 $0xFFFFE000  }
0x8c: {  	_ =	swait.ge [sflag:s26], $0x2000  }
0x8d: {  	[sflag:s26] =	ssyncset.done $0x0  }
0x8e: {  	s25 =	rddreg [dreg:$0x10];
	[sflag:s26] =	ssyncadd.s32 $0xFFFFE000  }
0x8f: {  	[tilespmem:s15], [sflag:$0x1] =	stream.indirect.gather [spmem:s1], $0x40, s25, s21, $0xb8;
	[tilespmem:$0x1C8C0] =	vst v63  }
0x90: {  	s18 =	rddreg [dreg:$0x11]  }
0x91: {  	[spmem:s3] =	stream.indirect.scatter.add.f32 [tilespmem:s23], [sflag:$0x3], $0x40, s18, s21, $0xb8;
	[tilespmem:$0x1C8C0] =	vst v63  }
0x92: {  	_ =	swait.ge [sflag:s16], $0x2000  }
0x93: {  	[sflag:s16] =	ssyncset.done $0x0  }
0x94: {  	[sflag:s16] =	ssyncadd.s32 $0xFFFFE000  }
0x95: {  	_ =	swait.ge [sflag:s22], $0x2000  }
0x96: {  	[sflag:s22] =	ssyncset.done $0x0  }
0x97: {  	s25 =	rddreg [dreg:$0x12];
	[sflag:s22] =	ssyncadd.s32 $0xFFFFE000  }
0x98: {  	[tilespmem:s23], [sflag:$0x2] =	stream.indirect.gather [spmem:s1], $0x40, s25, s21, $0xb8;
	[tilespmem:$0x1C8C0] =	vst v63  }
0x99: {  	s18 =	rddreg [dreg:$0x13]  }
0x9a: {  	[spmem:s3] =	stream.indirect.scatter.add.f32 [tilespmem:s15], [sflag:$0x3], $0x40, s18, s21, $0xb8;
	[tilespmem:$0x1C8C0] =	vst v63  }
0x9b: {  	_ =	swait.ge [sflag:s16], $0x2000  }
0x9c: {  	[sflag:s16] =	ssyncset.done $0x0  }
0x9d: {  	[sflag:s16] =	ssyncadd.s32 $0xFFFFE000  }
0x9e: {  	_ =	swait.ge [sflag:s26], $0x2000  }
0x9f: {  	[sflag:s26] =	ssyncset.done $0x0  }
0xa0: {  	s25 =	rddreg [dreg:$0x14];
	[sflag:s26] =	ssyncadd.s32 $0xFFFFE000  }
0xa1: {  	[tilespmem:s15], [sflag:$0x1] =	stream.indirect.gather [spmem:s1], $0x40, s25, s21, $0xb8;
	[tilespmem:$0x1C8C0] =	vst v63  }
0xa2: {  	_ = 	snop  }
0xa3: {  	[spmem:s3] =	stream.indirect.scatter.add.f32 [tilespmem:s23], [sflag:$0x3], $0x40, s28, s21, $0xb8;
	[tilespmem:$0x1C8C0] =	vst v63  }
0xa4: {  	_ =	swait.ge [sflag:s16], $0x2000  }
0xa5: {  	[sflag:s16] =	ssyncset.done $0x0  }
0xa6: {  	[sflag:s16] =	ssyncadd.s32 $0xFFFFE000  }
0xa7: {  	_ =	swait.ge [sflag:s22], $0x2000  }
0xa8: {  	[sflag:s22] =	ssyncset.done $0x0  }
0xa9: {  	[sflag:s22] =	ssyncadd.s32 $0xFFFFE000  }
0xaa: {  	[tilespmem:s23], [sflag:$0x2] =	stream.indirect.gather [spmem:s1], $0x40, s29, s21, $0xb8;
	[tilespmem:$0x1C8C0] =	vst v63  }
0xab: {  	_ = 	snop  }
0xac: {  	[spmem:s3] =	stream.indirect.scatter.add.f32 [tilespmem:s15], [sflag:$0x3], $0x40, s30, s21, $0xb8;
	[tilespmem:$0x1C8C0] =	vst v63  }
0xad: {  	_ =	swait.ge [sflag:s16], $0x2000  }
0xae: {  	[sflag:s16] =	ssyncset.done $0x0  }
0xaf: {  	[sflag:s16] =	ssyncadd.s32 $0xFFFFE000  }
0xb0: {  	_ =	swait.ge [sflag:s26], $0x2000  }
0xb1: {  	[sflag:s26] =	ssyncset.done $0x0  }
0xb2: {  	[sflag:s26] =	ssyncadd.s32 $0xFFFFE000  }
0xb3: {  	[tilespmem:s15], [sflag:$0x1] =	stream.indirect.gather [spmem:s1], $0x40, s31, s21, $0xb8;
	[tilespmem:$0x1C8C0] =	vst v63  }
0xb4: {  	_ = 	snop  }
0xb5: {  	[spmem:s3] =	stream.indirect.scatter.add.f32 [tilespmem:s23], [sflag:$0x3], $0x40, s0, s21, $0xb8;
	[tilespmem:$0x1C8C0] =	vst v63  }
0xb6: {  	_ =	swait.ge [sflag:s16], $0x2000  }
0xb7: {  	[sflag:s16] =	ssyncset.done $0x0  }
0xb8: {  	[sflag:s16] =	ssyncadd.s32 $0xFFFFE000  }
0xb9: {  	_ =	swait.ge [sflag:s22], $0x2000  }
0xba: {  	[sflag:s22] =	ssyncset.done $0x0  }
0xbb: {  	[sflag:s22] =	ssyncadd.s32 $0xFFFFE000  }
0xbc: {  	[tilespmem:s23], [sflag:$0x2] =	stream.indirect.gather [spmem:s1], $0x40, s2, s21, $0xb8;
	[tilespmem:$0x1C8C0] =	vst v63  }
0xbd: {  	_ = 	snop  }
0xbe: {  	[spmem:s3] =	stream.indirect.scatter.add.f32 [tilespmem:s15], [sflag:$0x3], $0x40, s6, s21, $0xb8;
	[tilespmem:$0x1C8C0] =	vst v63  }
0xbf: {  	_ =	swait.ge [sflag:s16], $0x2000  }
0xc0: {  	[sflag:s16] =	ssyncset.done $0x0  }
0xc1: {  	[sflag:s16] =	ssyncadd.s32 $0xFFFFE000  }
0xc2: {  	_ =	swait.ge [sflag:s26], $0x2000  }
0xc3: {  	[sflag:s26] =	ssyncset.done $0x0  }
0xc4: {  	[sflag:s26] =	ssyncadd.s32 $0xFFFFE000  }
0xc5: {  	[tilespmem:s15], [sflag:$0x1] =	stream.indirect.gather [spmem:s1], $0x40, s7, s21, $0xb8;
	[tilespmem:$0x1C8C0] =	vst v63  }
0xc6: {  	_ = 	snop  }
0xc7: {  	[spmem:s3] =	stream.indirect.scatter.add.f32 [tilespmem:s23], [sflag:$0x3], $0x40, s8, s21, $0xb8;
	[tilespmem:$0x1C8C0] =	vst v63  }
0xc8: {  	_ =	swait.ge [sflag:s16], $0x2000  }
0xc9: {  	[sflag:s16] =	ssyncset.done $0x0  }
0xca: {  	[sflag:s16] =	ssyncadd.s32 $0xFFFFE000  }
0xcb: {  	_ =	swait.ge [sflag:s22], $0x2000  }
0xcc: {  	[sflag:s22] =	ssyncset.done $0x0  }
0xcd: {  	[sflag:s22] =	ssyncadd.s32 $0xFFFFE000  }
0xce: {  	[tilespmem:s23], [sflag:$0x2] =	stream.indirect.gather [spmem:s1], $0x40, s9, s21, $0xb8;
	[tilespmem:$0x1C8C0] =	vst v63  }
0xcf: {  	_ = 	snop  }
0xd0: {  	[spmem:s3] =	stream.indirect.scatter.add.f32 [tilespmem:s15], [sflag:$0x3], $0x40, s10, s21, $0xb8;
	[tilespmem:$0x1C8C0] =	vst v63  }
0xd1: {  	_ =	swait.ge [sflag:s16], $0x2000  }
0xd2: {  	[sflag:s16] =	ssyncset.done $0x0  }
0xd3: {  	[sflag:s16] =	ssyncadd.s32 $0xFFFFE000  }
0xd4: {  	_ =	swait.ge [sflag:s26], $0x2000  }
0xd5: {  	[sflag:s26] =	ssyncset.done $0x0  }
0xd6: {  	[sflag:s26] =	ssyncadd.s32 $0xFFFFE000  }
0xd7: {  	[tilespmem:s15], [sflag:$0x1] =	stream.indirect.gather [spmem:s1], $0x40, s11, s21, $0xb8;
	[tilespmem:$0x1C8C0] =	vst v63  }
0xd8: {  	_ = 	snop  }
0xd9: {  	[spmem:s3] =	stream.indirect.scatter.add.f32 [tilespmem:s23], [sflag:$0x3], $0x40, s12, s21, $0xb8;
	[tilespmem:$0x1C8C0] =	vst v63  }
0xda: {  	_ =	swait.ge [sflag:s16], $0x2000  }
0xdb: {  	[sflag:s16] =	ssyncset.done $0x0  }
0xdc: {  	[sflag:s16] =	ssyncadd.s32 $0xFFFFE000  }
0xdd: {  	_ =	swait.ge [sflag:s22], $0x2000  }
0xde: {  	[sflag:s22] =	ssyncset.done $0x0  }
0xdf: {  	[sflag:s22] =	ssyncadd.s32 $0xFFFFE000  }
0xe0: {  	[tilespmem:s23], [sflag:$0x2] =	stream.indirect.gather [spmem:s1], $0x40, s13, s21, $0xb8;
	[tilespmem:$0x1C8C0] =	vst v63  }
0xe1: {  	_ = 	snop  }
0xe2: {  	[spmem:s3] =	stream.indirect.scatter.add.f32 [tilespmem:s15], [sflag:$0x3], $0x40, s14, s21, $0xb8;
	[tilespmem:$0x1C8C0] =	vst v63  }
0xe3: {  	_ =	swait.ge [sflag:s16], $0x2000  }
0xe4: {  	[sflag:s16] =	ssyncset.done $0x0  }
0xe5: {  	[sflag:s16] =	ssyncadd.s32 $0xFFFFE000  }
0xe6: {  	_ =	swait.ge [sflag:s26], $0x2000  }
0xe7: {  	[sflag:s26] =	ssyncset.done $0x0  }
0xe8: {  	[sflag:s26] =	ssyncadd.s32 $0xFFFFE000  }
0xe9: {  	[spmem:s3] =	stream.indirect.scatter.add.f32 [tilespmem:s23], [sflag:$0x3], $0x40, s17, s21, $0xb8;
	[tilespmem:$0x1C8C0] =	vst v63  }
0xea: {  	s5 =	simm.s32 $0x200;
	_ =	swait.ge [sflag:s16], $0x2000  }
0xeb: {  	s25 =	simm.s32 $0x100;
	s24 =	rddreg [dreg:$0x6];
	[sflag:s16] =	ssyncset.done $0x0  }
.LBB2_4:
0xec: {  	[sflag:s16] =	ssyncadd.s32 $0xFFFFE000;
	s24 =	sadd.s32 s25, s24  }
0xed: {  	[tilespmem:s19], [sflag:$0x3] =	stream.linear.gather [hbm4b:s24+s4], $0x800, $0x38;
	[tilespmem:$0x1C8C0] =	vst v63  }
0xee: {  	_ =	swait.ge [sflag:s16], $0x800  }
0xef: {  	s24 =	rddreg [dreg:$0x5];
	[sflag:s16] =	ssyncset.done $0x0  }
0xf0: {  	[sflag:s16] =	ssyncadd.s32 $0xFFFFF800;
	s24 =	sadd.s32 s25, s24  }
0xf1: {  	[tilespmem:s20], [sflag:$0x3] =	stream.linear.gather [hbm4b:s24+s4], $0x800, $0x38;
	[tilespmem:$0x1C8C0] =	vst v63  }
0xf2: {  	_ =	swait.ge [sflag:s16], $0x800  }
0xf3: {  	[sflag:s16] =	ssyncset.done $0x0  }
0xf4: {  	[sflag:s16] =	ssyncadd.s32 $0xFFFFF800  }
0xf5: {  	[tilespmem:s15], [sflag:$0x1] =	stream.indirect.gather [spmem:s1], $0x40, s19, s21, $0xb8;
	[tilespmem:$0x1C8C0] =	vst v63  }
0xf6: {  	_ =	swait.ge [sflag:s22], $0x2000  }
0xf7: {  	[sflag:s22] =	ssyncset.done $0x0  }
0xf8: {  	s24 =	rddreg [dreg:$0x7];
	[sflag:s22] =	ssyncadd.s32 $0xFFFFE000  }
0xf9: {  	[tilespmem:s23], [sflag:$0x2] =	stream.indirect.gather [spmem:s1], $0x40, s24, s21, $0xb8;
	[tilespmem:$0x1C8C0] =	vst v63  }
0xfa: {  	_ = 	snop  }
0xfb: {  	[spmem:s3] =	stream.indirect.scatter.add.f32 [tilespmem:s15], [sflag:$0x3], $0x40, s20, s21, $0xb8;
	[tilespmem:$0x1C8C0] =	vst v63  }
0xfc: {  	_ =	swait.ge [sflag:s16], $0x2000  }
0xfd: {  	[sflag:s16] =	ssyncset.done $0x0  }
0xfe: {  	[sflag:s16] =	ssyncadd.s32 $0xFFFFE000  }
0xff: {  	_ =	swait.ge [sflag:s26], $0x2000  }
0x100: {  	s18 =	smov.u32 s5;
	[sflag:s26] =	ssyncset.done $0x0  }
0x101: {  	s25 =	smov.u32 s18;
	s18 =	rddreg [dreg:$0x8];
	[sflag:s26] =	ssyncadd.s32 $0xFFFFE000  }
0x102: {  	[tilespmem:s15], [sflag:$0x1] =	stream.indirect.gather [spmem:s1], $0x40, s18, s21, $0xb8;
	[tilespmem:$0x1C8C0] =	vst v63  }
0x103: {  	s24 =	rddreg [dreg:$0x9]  }
0x104: {  	[spmem:s3] =	stream.indirect.scatter.add.f32 [tilespmem:s23], [sflag:$0x3], $0x40, s24, s21, $0xb8;
	[tilespmem:$0x1C8C0] =	vst v63  }
0x105: {  	_ =	swait.ge [sflag:s16], $0x2000  }
0x106: {  	[sflag:s16] =	ssyncset.done $0x0  }
0x107: {  	[sflag:s16] =	ssyncadd.s32 $0xFFFFE000  }
0x108: {  	_ =	swait.ge [sflag:s22], $0x2000  }
0x109: {  	[sflag:s22] =	ssyncset.done $0x0  }
0x10a: {  	s18 =	rddreg [dreg:$0xa];
	[sflag:s22] =	ssyncadd.s32 $0xFFFFE000  }
0x10b: {  	[tilespmem:s23], [sflag:$0x2] =	stream.indirect.gather [spmem:s1], $0x40, s18, s21, $0xb8;
	[tilespmem:$0x1C8C0] =	vst v63  }
0x10c: {  	s24 =	rddreg [dreg:$0xb]  }
0x10d: {  	[spmem:s3] =	stream.indirect.scatter.add.f32 [tilespmem:s15], [sflag:$0x3], $0x40, s24, s21, $0xb8;
	[tilespmem:$0x1C8C0] =	vst v63  }
0x10e: {  	_ =	swait.ge [sflag:s16], $0x2000  }
0x10f: {  	[sflag:s16] =	ssyncset.done $0x0  }
0x110: {  	[sflag:s16] =	ssyncadd.s32 $0xFFFFE000  }
0x111: {  	_ =	swait.ge [sflag:s26], $0x2000  }
0x112: {  	[sflag:s26] =	ssyncset.done $0x0  }
0x113: {  	s18 =	rddreg [dreg:$0xc];
	[sflag:s26] =	ssyncadd.s32 $0xFFFFE000  }
0x114: {  	[tilespmem:s15], [sflag:$0x1] =	stream.indirect.gather [spmem:s1], $0x40, s18, s21, $0xb8;
	[tilespmem:$0x1C8C0] =	vst v63  }
0x115: {  	s24 =	rddreg [dreg:$0xd]  }
0x116: {  	[spmem:s3] =	stream.indirect.scatter.add.f32 [tilespmem:s23], [sflag:$0x3], $0x40, s24, s21, $0xb8;
	[tilespmem:$0x1C8C0] =	vst v63  }
0x117: {  	_ =	swait.ge [sflag:s16], $0x2000  }
0x118: {  	[sflag:s16] =	ssyncset.done $0x0  }
0x119: {  	[sflag:s16] =	ssyncadd.s32 $0xFFFFE000  }
0x11a: {  	_ =	swait.ge [sflag:s22], $0x2000  }
0x11b: {  	[sflag:s22] =	ssyncset.done $0x0  }
0x11c: {  	s18 =	rddreg [dreg:$0xe];
	[sflag:s22] =	ssyncadd.s32 $0xFFFFE000  }
0x11d: {  	[tilespmem:s23], [sflag:$0x2] =	stream.indirect.gather [spmem:s1], $0x40, s18, s21, $0xb8;
	[tilespmem:$0x1C8C0] =	vst v63  }
0x11e: {  	s24 =	rddreg [dreg:$0xf]  }
0x11f: {  	[spmem:s3] =	stream.indirect.scatter.add.f32 [tilespmem:s15], [sflag:$0x3], $0x40, s24, s21, $0xb8;
	[tilespmem:$0x1C8C0] =	vst v63  }
0x120: {  	_ =	swait.ge [sflag:s16], $0x2000  }
0x121: {  	[sflag:s16] =	ssyncset.done $0x0  }
0x122: {  	[sflag:s16] =	ssyncadd.s32 $0xFFFFE000  }
0x123: {  	_ =	swait.ge [sflag:s26], $0x2000  }
0x124: {  	[sflag:s26] =	ssyncset.done $0x0  }
0x125: {  	s18 =	rddreg [dreg:$0x10];
	[sflag:s26] =	ssyncadd.s32 $0xFFFFE000  }
0x126: {  	[tilespmem:s15], [sflag:$0x1] =	stream.indirect.gather [spmem:s1], $0x40, s18, s21, $0xb8;
	[tilespmem:$0x1C8C0] =	vst v63  }
0x127: {  	s24 =	rddreg [dreg:$0x11]  }
0x128: {  	[spmem:s3] =	stream.indirect.scatter.add.f32 [tilespmem:s23], [sflag:$0x3], $0x40, s24, s21, $0xb8;
	[tilespmem:$0x1C8C0] =	vst v63  }
0x129: {  	_ =	swait.ge [sflag:s16], $0x2000  }
0x12a: {  	[sflag:s16] =	ssyncset.done $0x0  }
0x12b: {  	[sflag:s16] =	ssyncadd.s32 $0xFFFFE000  }
0x12c: {  	_ =	swait.ge [sflag:s22], $0x2000  }
0x12d: {  	[sflag:s22] =	ssyncset.done $0x0  }
0x12e: {  	s18 =	rddreg [dreg:$0x12];
	[sflag:s22] =	ssyncadd.s32 $0xFFFFE000  }
0x12f: {  	[tilespmem:s23], [sflag:$0x2] =	stream.indirect.gather [spmem:s1], $0x40, s18, s21, $0xb8;
	[tilespmem:$0x1C8C0] =	vst v63  }
0x130: {  	s24 =	rddreg [dreg:$0x13]  }
0x131: {  	[spmem:s3] =	stream.indirect.scatter.add.f32 [tilespmem:s15], [sflag:$0x3], $0x40, s24, s21, $0xb8;
	[tilespmem:$0x1C8C0] =	vst v63  }
0x132: {  	_ =	swait.ge [sflag:s16], $0x2000  }
0x133: {  	[sflag:s16] =	ssyncset.done $0x0  }
0x134: {  	[sflag:s16] =	ssyncadd.s32 $0xFFFFE000  }
0x135: {  	_ =	swait.ge [sflag:s26], $0x2000  }
0x136: {  	[sflag:s26] =	ssyncset.done $0x0  }
0x137: {  	s24 =	rddreg [dreg:$0x14];
	[sflag:s26] =	ssyncadd.s32 $0xFFFFE000  }
0x138: {  	[tilespmem:s15], [sflag:$0x1] =	stream.indirect.gather [spmem:s1], $0x40, s24, s21, $0xb8;
	[tilespmem:$0x1C8C0] =	vst v63  }
0x139: {  	_ = 	snop  }
0x13a: {  	[spmem:s3] =	stream.indirect.scatter.add.f32 [tilespmem:s23], [sflag:$0x3], $0x40, s28, s21, $0xb8;
	[tilespmem:$0x1C8C0] =	vst v63  }
0x13b: {  	_ =	swait.ge [sflag:s16], $0x2000  }
0x13c: {  	[sflag:s16] =	ssyncset.done $0x0  }
0x13d: {  	[sflag:s16] =	ssyncadd.s32 $0xFFFFE000  }
0x13e: {  	_ =	swait.ge [sflag:s22], $0x2000  }
0x13f: {  	[sflag:s22] =	ssyncset.done $0x0  }
0x140: {  	[sflag:s22] =	ssyncadd.s32 $0xFFFFE000  }
0x141: {  	[tilespmem:s23], [sflag:$0x2] =	stream.indirect.gather [spmem:s1], $0x40, s29, s21, $0xb8;
	[tilespmem:$0x1C8C0] =	vst v63  }
0x142: {  	_ = 	snop  }
0x143: {  	[spmem:s3] =	stream.indirect.scatter.add.f32 [tilespmem:s15], [sflag:$0x3], $0x40, s30, s21, $0xb8;
	[tilespmem:$0x1C8C0] =	vst v63  }
0x144: {  	_ =	swait.ge [sflag:s16], $0x2000  }
0x145: {  	[sflag:s16] =	ssyncset.done $0x0  }
0x146: {  	[sflag:s16] =	ssyncadd.s32 $0xFFFFE000  }
0x147: {  	_ =	swait.ge [sflag:s26], $0x2000  }
0x148: {  	[sflag:s26] =	ssyncset.done $0x0  }
0x149: {  	[sflag:s26] =	ssyncadd.s32 $0xFFFFE000  }
0x14a: {  	[tilespmem:s15], [sflag:$0x1] =	stream.indirect.gather [spmem:s1], $0x40, s31, s21, $0xb8;
	[tilespmem:$0x1C8C0] =	vst v63  }
0x14b: {  	_ = 	snop  }
0x14c: {  	[spmem:s3] =	stream.indirect.scatter.add.f32 [tilespmem:s23], [sflag:$0x3], $0x40, s0, s21, $0xb8;
	[tilespmem:$0x1C8C0] =	vst v63  }
0x14d: {  	_ =	swait.ge [sflag:s16], $0x2000  }
0x14e: {  	[sflag:s16] =	ssyncset.done $0x0  }
0x14f: {  	[sflag:s16] =	ssyncadd.s32 $0xFFFFE000  }
0x150: {  	_ =	swait.ge [sflag:s22], $0x2000  }
0x151: {  	[sflag:s22] =	ssyncset.done $0x0  }
0x152: {  	[sflag:s22] =	ssyncadd.s32 $0xFFFFE000  }
0x153: {  	[tilespmem:s23], [sflag:$0x2] =	stream.indirect.gather [spmem:s1], $0x40, s2, s21, $0xb8;
	[tilespmem:$0x1C8C0] =	vst v63  }
0x154: {  	_ = 	snop  }
0x155: {  	[spmem:s3] =	stream.indirect.scatter.add.f32 [tilespmem:s15], [sflag:$0x3], $0x40, s6, s21, $0xb8;
	[tilespmem:$0x1C8C0] =	vst v63  }
0x156: {  	_ =	swait.ge [sflag:s16], $0x2000  }
0x157: {  	[sflag:s16] =	ssyncset.done $0x0  }
0x158: {  	[sflag:s16] =	ssyncadd.s32 $0xFFFFE000  }
0x159: {  	_ =	swait.ge [sflag:s26], $0x2000  }
0x15a: {  	[sflag:s26] =	ssyncset.done $0x0  }
0x15b: {  	[sflag:s26] =	ssyncadd.s32 $0xFFFFE000  }
0x15c: {  	[tilespmem:s15], [sflag:$0x1] =	stream.indirect.gather [spmem:s1], $0x40, s7, s21, $0xb8;
	[tilespmem:$0x1C8C0] =	vst v63  }
0x15d: {  	_ = 	snop  }
0x15e: {  	[spmem:s3] =	stream.indirect.scatter.add.f32 [tilespmem:s23], [sflag:$0x3], $0x40, s8, s21, $0xb8;
	[tilespmem:$0x1C8C0] =	vst v63  }
0x15f: {  	_ =	swait.ge [sflag:s16], $0x2000  }
0x160: {  	[sflag:s16] =	ssyncset.done $0x0  }
0x161: {  	[sflag:s16] =	ssyncadd.s32 $0xFFFFE000  }
0x162: {  	_ =	swait.ge [sflag:s22], $0x2000  }
0x163: {  	[sflag:s22] =	ssyncset.done $0x0  }
0x164: {  	[sflag:s22] =	ssyncadd.s32 $0xFFFFE000  }
0x165: {  	[tilespmem:s23], [sflag:$0x2] =	stream.indirect.gather [spmem:s1], $0x40, s9, s21, $0xb8;
	[tilespmem:$0x1C8C0] =	vst v63  }
0x166: {  	_ = 	snop  }
0x167: {  	[spmem:s3] =	stream.indirect.scatter.add.f32 [tilespmem:s15], [sflag:$0x3], $0x40, s10, s21, $0xb8;
	[tilespmem:$0x1C8C0] =	vst v63  }
0x168: {  	_ =	swait.ge [sflag:s16], $0x2000  }
0x169: {  	[sflag:s16] =	ssyncset.done $0x0  }
0x16a: {  	[sflag:s16] =	ssyncadd.s32 $0xFFFFE000  }
0x16b: {  	_ =	swait.ge [sflag:s26], $0x2000  }
0x16c: {  	[sflag:s26] =	ssyncset.done $0x0  }
0x16d: {  	[sflag:s26] =	ssyncadd.s32 $0xFFFFE000  }
0x16e: {  	[tilespmem:s15], [sflag:$0x1] =	stream.indirect.gather [spmem:s1], $0x40, s11, s21, $0xb8;
	[tilespmem:$0x1C8C0] =	vst v63  }
0x16f: {  	_ = 	snop  }
0x170: {  	[spmem:s3] =	stream.indirect.scatter.add.f32 [tilespmem:s23], [sflag:$0x3], $0x40, s12, s21, $0xb8;
	[tilespmem:$0x1C8C0] =	vst v63  }
0x171: {  	_ =	swait.ge [sflag:s16], $0x2000  }
0x172: {  	[sflag:s16] =	ssyncset.done $0x0  }
0x173: {  	[sflag:s16] =	ssyncadd.s32 $0xFFFFE000  }
0x174: {  	_ =	swait.ge [sflag:s22], $0x2000  }
0x175: {  	[sflag:s22] =	ssyncset.done $0x0  }
0x176: {  	[sflag:s22] =	ssyncadd.s32 $0xFFFFE000  }
0x177: {  	[tilespmem:s23], [sflag:$0x2] =	stream.indirect.gather [spmem:s1], $0x40, s13, s21, $0xb8;
	[tilespmem:$0x1C8C0] =	vst v63  }
0x178: {  	_ = 	snop  }
0x179: {  	[spmem:s3] =	stream.indirect.scatter.add.f32 [tilespmem:s15], [sflag:$0x3], $0x40, s14, s21, $0xb8;
	[tilespmem:$0x1C8C0] =	vst v63  }
0x17a: {  	_ =	swait.ge [sflag:s16], $0x2000  }
0x17b: {  	[sflag:s16] =	ssyncset.done $0x0  }
0x17c: {  	[sflag:s16] =	ssyncadd.s32 $0xFFFFE000  }
0x17d: {  	p1 =	sne.s32 s5, $0x900;
	_ =	swait.ge [sflag:s26], $0x2000  }
.Ltmp1:
0x17e: {  	[sflag:s26] =	ssyncset.done $0x0;
	(pc) =	sbr.rel @p1 .LBB2_4-.Ltmp1, $4  }
0x17f: {  	[sflag:s26] =	ssyncadd.s32 $0xFFFFE000  }
0x180: {  	[spmem:s3] =	stream.indirect.scatter.add.f32 [tilespmem:s23], [sflag:$0x3], $0x40, s17, s21, $0xb8;
	[tilespmem:$0x1C8C0] =	vst v63  }
0x181: {  	_ =	swait.ge [sflag:s16], $0x2000  }
0x182: {  	s5 =	sadd.s32 $0x100, s5;
	s24 =	rddreg [dreg:$0x6];
	[sflag:s16] =	ssyncset.done $0x0  }
0x183: {  	[sflag:s16] =	ssyncadd.s32 $0xFFFFE000;
	s5 =	sadd.s32 s25, s24  }
0x184: {  	[tilespmem:s19], [sflag:$0x3] =	stream.linear.gather [hbm4b:s5+s4], $0x800, $0x38;
	[tilespmem:$0x1C8C0] =	vst v63  }
0x185: {  	_ =	swait.ge [sflag:s16], $0x800  }
0x186: {  	s18 =	rddreg [dreg:$0x5];
	[sflag:s16] =	ssyncset.done $0x0  }
0x187: {  	[sflag:s16] =	ssyncadd.s32 $0xFFFFF800;
	s5 =	sadd.s32 s25, s18  }
0x188: {  	[tilespmem:s20], [sflag:$0x3] =	stream.linear.gather [hbm4b:s5+s4], $0x800, $0x38;
	[tilespmem:$0x1C8C0] =	vst v63  }
0x189: {  	_ =	swait.ge [sflag:s16], $0x800  }
0x18a: {  	[sflag:s16] =	ssyncset.done $0x0  }
0x18b: {  	[sflag:s16] =	ssyncadd.s32 $0xFFFFF800  }
0x18c: {  	[tilespmem:s15], [sflag:$0x1] =	stream.indirect.gather [spmem:s1], $0x40, s19, s21, $0xb8;
	[tilespmem:$0x1C8C0] =	vst v63  }
0x18d: {  	_ =	swait.ge [sflag:s22], $0x2000  }
0x18e: {  	[sflag:s22] =	ssyncset.done $0x0  }
0x18f: {  	s24 =	rddreg [dreg:$0x7];
	[sflag:s22] =	ssyncadd.s32 $0xFFFFE000  }
0x190: {  	[tilespmem:s23], [sflag:$0x2] =	stream.indirect.gather [spmem:s1], $0x40, s24, s21, $0xb8;
	[tilespmem:$0x1C8C0] =	vst v63  }
0x191: {  	_ = 	snop  }
0x192: {  	[spmem:s3] =	stream.indirect.scatter.add.f32 [tilespmem:s15], [sflag:$0x3], $0x40, s20, s21, $0xb8;
	[tilespmem:$0x1C8C0] =	vst v63  }
0x193: {  	_ =	swait.ge [sflag:s16], $0x2000  }
0x194: {  	[sflag:s16] =	ssyncset.done $0x0  }
0x195: {  	[sflag:s16] =	ssyncadd.s32 $0xFFFFE000  }
0x196: {  	_ =	swait.ge [sflag:s26], $0x2000  }
0x197: {  	[sflag:s26] =	ssyncset.done $0x0  }
0x198: {  	s25 =	rddreg [dreg:$0x8];
	[sflag:s26] =	ssyncadd.s32 $0xFFFFE000  }
0x199: {  	[tilespmem:s15], [sflag:$0x1] =	stream.indirect.gather [spmem:s1], $0x40, s25, s21, $0xb8;
	[tilespmem:$0x1C8C0] =	vst v63  }
0x19a: {  	s18 =	rddreg [dreg:$0x9]  }
0x19b: {  	[spmem:s3] =	stream.indirect.scatter.add.f32 [tilespmem:s23], [sflag:$0x3], $0x40, s18, s21, $0xb8;
	[tilespmem:$0x1C8C0] =	vst v63  }
0x19c: {  	_ =	swait.ge [sflag:s16], $0x2000  }
0x19d: {  	[sflag:s16] =	ssyncset.done $0x0  }
0x19e: {  	[sflag:s16] =	ssyncadd.s32 $0xFFFFE000  }
0x19f: {  	_ =	swait.ge [sflag:s22], $0x2000  }
0x1a0: {  	[sflag:s22] =	ssyncset.done $0x0  }
0x1a1: {  	s24 =	rddreg [dreg:$0xa];
	[sflag:s22] =	ssyncadd.s32 $0xFFFFE000  }
0x1a2: {  	[tilespmem:s23], [sflag:$0x2] =	stream.indirect.gather [spmem:s1], $0x40, s24, s21, $0xb8;
	[tilespmem:$0x1C8C0] =	vst v63  }
0x1a3: {  	s25 =	rddreg [dreg:$0xb]  }
0x1a4: {  	[spmem:s3] =	stream.indirect.scatter.add.f32 [tilespmem:s15], [sflag:$0x3], $0x40, s25, s21, $0xb8;
	[tilespmem:$0x1C8C0] =	vst v63  }
0x1a5: {  	_ =	swait.ge [sflag:s16], $0x2000  }
0x1a6: {  	[sflag:s16] =	ssyncset.done $0x0  }
0x1a7: {  	[sflag:s16] =	ssyncadd.s32 $0xFFFFE000  }
0x1a8: {  	_ =	swait.ge [sflag:s26], $0x2000  }
0x1a9: {  	[sflag:s26] =	ssyncset.done $0x0  }
0x1aa: {  	s24 =	rddreg [dreg:$0xc];
	[sflag:s26] =	ssyncadd.s32 $0xFFFFE000  }
0x1ab: {  	[tilespmem:s15], [sflag:$0x1] =	stream.indirect.gather [spmem:s1], $0x40, s24, s21, $0xb8;
	[tilespmem:$0x1C8C0] =	vst v63  }
0x1ac: {  	s25 =	rddreg [dreg:$0xd]  }
0x1ad: {  	[spmem:s3] =	stream.indirect.scatter.add.f32 [tilespmem:s23], [sflag:$0x3], $0x40, s25, s21, $0xb8;
	[tilespmem:$0x1C8C0] =	vst v63  }
0x1ae: {  	_ =	swait.ge [sflag:s16], $0x2000  }
0x1af: {  	[sflag:s16] =	ssyncset.done $0x0  }
0x1b0: {  	[sflag:s16] =	ssyncadd.s32 $0xFFFFE000  }
0x1b1: {  	_ =	swait.ge [sflag:s22], $0x2000  }
0x1b2: {  	[sflag:s22] =	ssyncset.done $0x0  }
0x1b3: {  	s24 =	rddreg [dreg:$0xe];
	[sflag:s22] =	ssyncadd.s32 $0xFFFFE000  }
0x1b4: {  	[tilespmem:s23], [sflag:$0x2] =	stream.indirect.gather [spmem:s1], $0x40, s24, s21, $0xb8;
	[tilespmem:$0x1C8C0] =	vst v63  }
0x1b5: {  	s25 =	rddreg [dreg:$0xf]  }
0x1b6: {  	[spmem:s3] =	stream.indirect.scatter.add.f32 [tilespmem:s15], [sflag:$0x3], $0x40, s25, s21, $0xb8;
	[tilespmem:$0x1C8C0] =	vst v63  }
0x1b7: {  	_ =	swait.ge [sflag:s16], $0x2000  }
0x1b8: {  	[sflag:s16] =	ssyncset.done $0x0  }
0x1b9: {  	[sflag:s16] =	ssyncadd.s32 $0xFFFFE000  }
0x1ba: {  	_ =	swait.ge [sflag:s26], $0x2000  }
0x1bb: {  	[sflag:s26] =	ssyncset.done $0x0  }
0x1bc: {  	s24 =	rddreg [dreg:$0x10];
	[sflag:s26] =	ssyncadd.s32 $0xFFFFE000  }
0x1bd: {  	[tilespmem:s15], [sflag:$0x1] =	stream.indirect.gather [spmem:s1], $0x40, s24, s21, $0xb8;
	[tilespmem:$0x1C8C0] =	vst v63  }
0x1be: {  	s25 =	rddreg [dreg:$0x11]  }
0x1bf: {  	[spmem:s3] =	stream.indirect.scatter.add.f32 [tilespmem:s23], [sflag:$0x3], $0x40, s25, s21, $0xb8;
	[tilespmem:$0x1C8C0] =	vst v63  }
0x1c0: {  	_ =	swait.ge [sflag:s16], $0x2000  }
0x1c1: {  	[sflag:s16] =	ssyncset.done $0x0  }
0x1c2: {  	[sflag:s16] =	ssyncadd.s32 $0xFFFFE000  }
0x1c3: {  	_ =	swait.ge [sflag:s22], $0x2000  }
0x1c4: {  	[sflag:s22] =	ssyncset.done $0x0  }
0x1c5: {  	s18 =	rddreg [dreg:$0x12];
	[sflag:s22] =	ssyncadd.s32 $0xFFFFE000  }
0x1c6: {  	[tilespmem:s23], [sflag:$0x2] =	stream.indirect.gather [spmem:s1], $0x40, s18, s21, $0xb8;
	[tilespmem:$0x1C8C0] =	vst v63  }
0x1c7: {  	s24 =	rddreg [dreg:$0x13]  }
0x1c8: {  	[spmem:s3] =	stream.indirect.scatter.add.f32 [tilespmem:s15], [sflag:$0x3], $0x40, s24, s21, $0xb8;
	[tilespmem:$0x1C8C0] =	vst v63  }
0x1c9: {  	_ =	swait.ge [sflag:s16], $0x2000  }
0x1ca: {  	[sflag:s16] =	ssyncset.done $0x0  }
0x1cb: {  	[sflag:s16] =	ssyncadd.s32 $0xFFFFE000  }
0x1cc: {  	_ =	swait.ge [sflag:s26], $0x2000  }
0x1cd: {  	[sflag:s26] =	ssyncset.done $0x0  }
0x1ce: {  	s25 =	rddreg [dreg:$0x14];
	[sflag:s26] =	ssyncadd.s32 $0xFFFFE000  }
0x1cf: {  	[tilespmem:s15], [sflag:$0x1] =	stream.indirect.gather [spmem:s1], $0x40, s25, s21, $0xb8;
	[tilespmem:$0x1C8C0] =	vst v63  }
0x1d0: {  	_ = 	snop  }
0x1d1: {  	[spmem:s3] =	stream.indirect.scatter.add.f32 [tilespmem:s23], [sflag:$0x3], $0x40, s28, s21, $0xb8;
	[tilespmem:$0x1C8C0] =	vst v63  }
0x1d2: {  	_ =	swait.ge [sflag:s16], $0x2000  }
0x1d3: {  	[sflag:s16] =	ssyncset.done $0x0  }
0x1d4: {  	[sflag:s16] =	ssyncadd.s32 $0xFFFFE000  }
0x1d5: {  	_ =	swait.ge [sflag:s22], $0x2000  }
0x1d6: {  	[sflag:s22] =	ssyncset.done $0x0  }
0x1d7: {  	[sflag:s22] =	ssyncadd.s32 $0xFFFFE000  }
0x1d8: {  	[tilespmem:s23], [sflag:$0x2] =	stream.indirect.gather [spmem:s1], $0x40, s29, s21, $0xb8;
	[tilespmem:$0x1C8C0] =	vst v63  }
0x1d9: {  	_ = 	snop  }
0x1da: {  	[spmem:s3] =	stream.indirect.scatter.add.f32 [tilespmem:s15], [sflag:$0x3], $0x40, s30, s21, $0xb8;
	[tilespmem:$0x1C8C0] =	vst v63  }
0x1db: {  	_ =	swait.ge [sflag:s16], $0x2000  }
0x1dc: {  	[sflag:s16] =	ssyncset.done $0x0  }
0x1dd: {  	[sflag:s16] =	ssyncadd.s32 $0xFFFFE000  }
0x1de: {  	_ =	swait.ge [sflag:s26], $0x2000  }
0x1df: {  	[sflag:s26] =	ssyncset.done $0x0  }
0x1e0: {  	[sflag:s26] =	ssyncadd.s32 $0xFFFFE000  }
0x1e1: {  	[tilespmem:s15], [sflag:$0x1] =	stream.indirect.gather [spmem:s1], $0x40, s31, s21, $0xb8;
	[tilespmem:$0x1C8C0] =	vst v63  }
0x1e2: {  	_ = 	snop  }
0x1e3: {  	[spmem:s3] =	stream.indirect.scatter.add.f32 [tilespmem:s23], [sflag:$0x3], $0x40, s0, s21, $0xb8;
	[tilespmem:$0x1C8C0] =	vst v63  }
0x1e4: {  	_ =	swait.ge [sflag:s16], $0x2000  }
0x1e5: {  	[sflag:s16] =	ssyncset.done $0x0  }
0x1e6: {  	[sflag:s16] =	ssyncadd.s32 $0xFFFFE000  }
0x1e7: {  	_ =	swait.ge [sflag:s22], $0x2000  }
0x1e8: {  	[sflag:s22] =	ssyncset.done $0x0  }
0x1e9: {  	[sflag:s22] =	ssyncadd.s32 $0xFFFFE000  }
0x1ea: {  	[tilespmem:s23], [sflag:$0x2] =	stream.indirect.gather [spmem:s1], $0x40, s2, s21, $0xb8;
	[tilespmem:$0x1C8C0] =	vst v63  }
0x1eb: {  	_ = 	snop  }
0x1ec: {  	[spmem:s3] =	stream.indirect.scatter.add.f32 [tilespmem:s15], [sflag:$0x3], $0x40, s6, s21, $0xb8;
	[tilespmem:$0x1C8C0] =	vst v63  }
0x1ed: {  	_ =	swait.ge [sflag:s16], $0x2000  }
0x1ee: {  	[sflag:s16] =	ssyncset.done $0x0  }
0x1ef: {  	[sflag:s16] =	ssyncadd.s32 $0xFFFFE000  }
0x1f0: {  	_ =	swait.ge [sflag:s26], $0x2000  }
0x1f1: {  	[sflag:s26] =	ssyncset.done $0x0  }
0x1f2: {  	[sflag:s26] =	ssyncadd.s32 $0xFFFFE000  }
0x1f3: {  	[tilespmem:s15], [sflag:$0x1] =	stream.indirect.gather [spmem:s1], $0x40, s7, s21, $0xb8;
	[tilespmem:$0x1C8C0] =	vst v63  }
0x1f4: {  	_ = 	snop  }
0x1f5: {  	[spmem:s3] =	stream.indirect.scatter.add.f32 [tilespmem:s23], [sflag:$0x3], $0x40, s8, s21, $0xb8;
	[tilespmem:$0x1C8C0] =	vst v63  }
0x1f6: {  	_ =	swait.ge [sflag:s16], $0x2000  }
0x1f7: {  	[sflag:s16] =	ssyncset.done $0x0  }
0x1f8: {  	[sflag:s16] =	ssyncadd.s32 $0xFFFFE000  }
0x1f9: {  	_ =	swait.ge [sflag:s22], $0x2000  }
0x1fa: {  	[sflag:s22] =	ssyncset.done $0x0  }
0x1fb: {  	[sflag:s22] =	ssyncadd.s32 $0xFFFFE000  }
0x1fc: {  	[tilespmem:s23], [sflag:$0x2] =	stream.indirect.gather [spmem:s1], $0x40, s9, s21, $0xb8;
	[tilespmem:$0x1C8C0] =	vst v63  }
0x1fd: {  	_ = 	snop  }
0x1fe: {  	[spmem:s3] =	stream.indirect.scatter.add.f32 [tilespmem:s15], [sflag:$0x3], $0x40, s10, s21, $0xb8;
	[tilespmem:$0x1C8C0] =	vst v63  }
0x1ff: {  	_ =	swait.ge [sflag:s16], $0x2000  }
0x200: {  	[sflag:s16] =	ssyncset.done $0x0  }
0x201: {  	[sflag:s16] =	ssyncadd.s32 $0xFFFFE000  }
0x202: {  	_ =	swait.ge [sflag:s26], $0x2000  }
0x203: {  	[sflag:s26] =	ssyncset.done $0x0  }
0x204: {  	[sflag:s26] =	ssyncadd.s32 $0xFFFFE000  }
0x205: {  	[tilespmem:s15], [sflag:$0x1] =	stream.indirect.gather [spmem:s1], $0x40, s11, s21, $0xb8;
	[tilespmem:$0x1C8C0] =	vst v63  }
0x206: {  	_ = 	snop  }
0x207: {  	[spmem:s3] =	stream.indirect.scatter.add.f32 [tilespmem:s23], [sflag:$0x3], $0x40, s12, s21, $0xb8;
	[tilespmem:$0x1C8C0] =	vst v63  }
0x208: {  	_ =	swait.ge [sflag:s16], $0x2000  }
0x209: {  	[sflag:s16] =	ssyncset.done $0x0  }
0x20a: {  	[sflag:s16] =	ssyncadd.s32 $0xFFFFE000  }
0x20b: {  	_ =	swait.ge [sflag:s22], $0x2000  }
0x20c: {  	[sflag:s22] =	ssyncset.done $0x0  }
0x20d: {  	[sflag:s22] =	ssyncadd.s32 $0xFFFFE000  }
0x20e: {  	[tilespmem:s23], [sflag:$0x2] =	stream.indirect.gather [spmem:s1], $0x40, s13, s21, $0xb8;
	[tilespmem:$0x1C8C0] =	vst v63  }
0x20f: {  	_ = 	snop  }
0x210: {  	[spmem:s3] =	stream.indirect.scatter.add.f32 [tilespmem:s15], [sflag:$0x3], $0x40, s14, s21, $0xb8;
	[tilespmem:$0x1C8C0] =	vst v63  }
0x211: {  	_ =	swait.ge [sflag:s16], $0x2000  }
0x212: {  	[sflag:s16] =	ssyncset.done $0x0  }
0x213: {  	[sflag:s16] =	ssyncadd.s32 $0xFFFFE000  }
0x214: {  	_ =	swait.ge [sflag:s26], $0x2000  }
0x215: {  	[sflag:s26] =	ssyncset.done $0x0  }
0x216: {  	[sflag:s26] =	ssyncadd.s32 $0xFFFFE000  }
0x217: {  	[spmem:s3] =	stream.indirect.scatter.add.f32 [tilespmem:s23], [sflag:$0x3], $0x40, s17, s21, $0xb8;
	[tilespmem:$0x1C8C0] =	vst v63  }
0x218: {  	_ =	swait.ge [sflag:s16], $0x2000  }
0x219: {  	[sflag:s16] =	ssyncset.done $0x0  }
0x21a: {  	[sflag:s16] =	ssyncadd.s32 $0xFFFFE000  }
0x21b: {  	[bflag:$0x0] =	sbarrier.arrive $0xFFFF  }
0x21c: {  	s25 =	sld [smem:$0x7FC]  }
0x21d: {  	s24 =	sld [smem:$0x7F9];
	_ =	sdelay $0x1  }
0x21e: {  	s18 =	rddreg [dreg:$0x1c]  }
0x21f: {  	[hbm:s18], [sflag:s24] =	dma.local [spmem:s25], $0x2700  }
0x220: {  	_ =	swait.ge [sflag:s16], $0x2700  }
0x221: {  	s18 =	sld [smem:$0x7FD]  }
0x222: {  	[sflag:s16] =	ssyncset.done $0x0  }
0x223: {  	s5 =	rddreg [dreg:$0x1d];
	[sflag:s16] =	ssyncadd.s32 $0xFFFFD900  }
0x224: {  	[hbm:s5], [sflag:s24] =	dma.local @!p0 [spmem:s18], $0x100  }
0x225: {  	s5 =	simm.s32 @!p0 $0x3  }
0x226: {  	_ =	swait.ge @!p0 [sflag:s5], $0x100  }
0x227: {  	s18 =	sld [smem:$0x7FA];
	_ =	sdelay $0x2  }
0x228: {  	s25 =	rddreg [dreg:$0x1e];
	s24 =	sadd.s32 $0x1, s18  }
0x229: {  	p1 =	sne.s32 s24, s25  }
.Ltmp2:
0x22a: {  	_ = 	snop;
	(pc) =	sbr.rel @p1 .LBB2_1-.Ltmp2, $3  }
0x22b: {  	_ =	sdelay $0x1  }
0x22c: {  	[sflag:s5] =	ssyncset.done @!p0 $0x0  }
0x22d: {  	[sflag:s5] =	ssyncadd.s32 @!p0 $0xFFFFFF00  }
0x22e: {  	_ =	sfence.sel $0x180000  }
0x22f: {  	[bflag:$0x0] =	sbarrier.arrive $0xFFFF  }
0x230: {  	_ =	strace $0x9000004D  }
0x231: {  	s0 =	stileid.u32;
	[bflag:$0x2] =	sbarrier.arrive $0xFFFF  }
0x232: {  	p0 =	sne.s32 s0, $0x0;
	s0 =	rddreg [dreg:$0x4]  }
0x233: {  	s0 =	sadd.s32 @!p0 $0x100000, s0  }
0x234: {  	[sflag:s0] =	ssyncadd.tile.s32 @!p0 $0x1;
	_ =	shalt  }
.Lfunc_end2:
_tile_overlayer_lowered:
.L_overlay_start_2:
0x235: {  	(tag) =	ssettag $0x2  }
0x236: {  	s0 =	rddreg [dreg:$0x0];
	s2 =	stileid.u32  }
0x237: {  	s1 =	rddreg [dreg:$0x1];
	p0 =	sne.s32 s2, $0x0  }
0x238: {  	s3 =	rddreg [dreg:$0x2];
	[bflag:$0x3] =	sbarrier.arrive $0xFFFF;
	s2 =	simm.s32 @!p0 $0x1C03  }
0x239: {  	[timem:s3], [sflag:s2] =	dma.local @!p0 [hbm:s0], s1  }
0x23a: {  	s0 =	simm.s32 @!p0 $0x3  }
0x23b: {  	_ =	swait.ge @!p0 [sflag:s0], s1  }
0x23c: {  	s1 =	ssub.s32 @!p0 $0x0, s1;
	[sflag:s0] =	ssyncset.done @!p0 $0x0  }
0x23d: {  	[sflag:s0] =	ssyncadd.s32 @!p0 s1  }
0x23e: {  	[bflag:$0x3] =	sbarrier.arrive $0xFFFF  }
0x23f: {  	_ =	shalt  }

// kernel: kernel.7.cloned.1.call-start
scs
__scs_entry_jumppad:
0x0: {  	(pc) =	sbr.rel $0x88, $3  }
0x1: {  	(tag) =	ssettag $0x0;
	lr =	simm.s32 $0x1  }
0x2: {  	[smem:$0x3F99] =	sst lr;
	_ =	strace $0xD0000000  }
0x3: {  	_ = 	snop  }
0x4: {  	_ = 	snop  }
0x5: {  	_ = 	snop  }
0x6: {  	_ = 	snop  }
0x7: {  	_ = 	snop  }
__scs_overlays_trampoline_lowered:
0x8: {  	[smem:$0x3FA8] =	sst s0  }
0x9: {  	[smem:$0x3FA9] =	sst s1  }
0xa: {  	[smem:$0x3FAA] =	sst s2  }
0xb: {  	[smem:$0x3FAB] =	sst s3  }
0xc: {  	[smem:$0x3FAC] =	sst s4  }
0xd: {  	[smem:$0x3FAD] =	sst s5  }
0xe: {  	[smem:$0x3FAE] =	sst s6  }
0xf: {  	[smem:$0x3FAF] =	sst s7  }
0x10: {  	[smem:$0x3FB0] =	sst s8  }
0x11: {  	[smem:$0x3FB1] =	sst s9;
	s0 =	simm.s32 @!p0 $0x0  }
0x12: {  	s1 =	sld [smem:$0x3F97];
	s0 =	simm.s32 @p0 $0x1  }
0x13: {  	[smem:$0x3FB2] =	sst s0;
	s0 =	simm.s32 @!p1 $0x0  }
0x14: {  	s2 =	sld [smem:$0x3F96];
	s0 =	simm.s32 @p1 $0x1  }
0x15: {  	[smem:$0x3FB3] =	sst s0;
	s0 =	simm.s32 @!p2 $0x0  }
0x16: {  	s3 =	sld [smem:$0x3FDB];
	s0 =	simm.s32 @p2 $0x1  }
0x17: {  	s4 =	simm.s32 $0x1BF5;
	[smem:$0x3FB5] =	sst s0  }
0x18: {  	s0 =	sld [smem:$0x3F98];
	_ =	swait.ge [sflag:s4], $0x0  }
0x19: {  	s7 =	sld [smem:$0x3F99]  }
0x1a: {  	s8 =	sadd.s32 $0xFFFFE003, lr  }
0x1b: {  	s9 =	sadd.s32 $0xFFFFFEF7, lr;
	s5 =	simm.s32 $0xFFFFFFFF;
	p2 =	slt.u32 s8, $0xFFFFF086  }
0x1c: {  	p1 =	slt.u32 s9, $0xF7A;
	s5 =	simm.s32 @!p2 $0x0  }
0x1d: {  	s5 =	simm.s32 @p1 $0x1;
	p0 =	seq.s32 s7, s2  }
0x1e: {  	s7 =	smul.u32 @!p0 $0xF7A, s2;
	p2 =	seq.s32 @!p0 s5, $0x0  }
0x1f: {  	s9 =	smul.u32 $0xF7A, s1;
	s8 =	simm.s32 @!p0 $0x1BF5;
	p2 =	por !p2, p0  }
0x20: {  	[sflag:s8] =	ssyncset.s32 @!p0 $0xFFFFF086;
	s6 =	sadd.s32 @!p0 s3, s7;
	s7 =	simm.s32 @!p0 $0x108  }
0x21: {  	s3 =	sadd.s32 s3, s9;
	s6 =	sadd.s32 @!p0 $0x88, s6;
	s7 =	simm.s32 @p2 $0x1082  }
0x22: {  	[simem:s7], [sflag:s8] =	dma.local @!p0 [hbm:s6], $0xF7A  }
0x23: {  	s9 =	sor.u32 $0xD0000000, s2;
	s6 =	simm.s32 $0x108;
	_ =	swait.ge @!p0 [sflag:s8], $0x0  }
0x24: {  	s3 =	sadd.s32 $0x88, s3;
	s6 =	simm.s32 @!p1 $0x1082;
	[sflag:s4] =	ssyncset.s32 $0xFFFFF086  }
0x25: {  	[simem:s6], [sflag:s4] =	dma.local [hbm:s3], $0xF7A  }
0x26: {  	[smem:$0x3F99] =	sst s1;
	(tag) =	ssettag s2;
	_ =	strace s9  }
0x27: {  	s1 =	sld [smem:$0x3FA9]  }
0x28: {  	s2 =	sld [smem:$0x3FAA]  }
0x29: {  	s4 =	sld [smem:$0x3FAC]  }
0x2a: {  	p0 =	seq.s32 s5, $0x0;
	s5 =	sld [smem:$0x3FAD]  }
0x2b: {  	s6 =	sld [smem:$0x3FAE]  }
0x2c: {  	s7 =	sld [smem:$0x3FAF]  }
0x2d: {  	s3 =	simm.s32 $0x108;
	s8 =	sld [smem:$0x3FB0]  }
0x2e: {  	s3 =	simm.s32 @!p0 $0x1082;
	s9 =	sld [smem:$0x3FB1]  }
0x2f: {  	lr =	sadd.s32 s0, s3;
	s0 =	sld [smem:$0x3FA8]  }
0x30: {  	s3 =	sld [smem:$0x3FAB]  }
0x31: {  	[smem:$0x3FB4] =	sst s10  }
0x32: {  	s10 =	sld [smem:$0x3FB2];
	_ =	sdelay $0x3  }
0x33: {  	p0 =	seq.s32 s10, $0x1;
	s10 =	sld [smem:$0x3FB4];
	_ =	sdelay $0x3  }
0x34: {  	[smem:$0x3FB4] =	sst s10  }
0x35: {  	s10 =	sld [smem:$0x3FB3];
	_ =	sdelay $0x3  }
0x36: {  	p1 =	seq.s32 s10, $0x1;
	s10 =	sld [smem:$0x3FB4];
	_ =	sdelay $0x3  }
0x37: {  	[smem:$0x3FB4] =	sst s10  }
0x38: {  	s10 =	sld [smem:$0x3FB5]  }
0x39: {  	_ = 	snop;
	(pc) =	sbr.ind lr, $3  }
0x3a: {  	_ = 	snop  }
0x3b: {  	_ = 	snop  }
0x3c: {  	p2 =	seq.s32 s10, $0x1;
	s10 =	sld [smem:$0x3FB4]  }
0x3d: {  	_ =	shalt  }
0x3e: {  	_ =	shalt  }
0x3f: {  	_ =	shalt  }
0x40: {  	_ =	shalt  }
0x41: {  	_ =	shalt  }
0x42: {  	_ =	shalt  }
0x43: {  	_ =	shalt  }
0x44: {  	_ =	shalt  }
0x45: {  	_ =	shalt  }
0x46: {  	_ =	shalt  }
0x47: {  	_ =	shalt  }
0x48: {  	_ =	shalt  }
0x49: {  	_ =	shalt  }
0x4a: {  	_ =	shalt  }
0x4b: {  	_ =	shalt  }
0x4c: {  	_ =	shalt  }
0x4d: {  	_ =	shalt  }
0x4e: {  	_ =	shalt  }
0x4f: {  	_ =	shalt  }
0x50: {  	_ =	shalt  }
0x51: {  	_ =	shalt  }
0x52: {  	_ =	shalt  }
0x53: {  	_ =	shalt  }
0x54: {  	_ =	shalt  }
0x55: {  	_ =	shalt  }
0x56: {  	_ =	shalt  }
0x57: {  	_ =	shalt  }
0x58: {  	_ =	shalt  }
0x59: {  	_ =	shalt  }
0x5a: {  	_ =	shalt  }
0x5b: {  	_ =	shalt  }
0x5c: {  	_ =	shalt  }
0x5d: {  	_ =	shalt  }
0x5e: {  	_ =	shalt  }
0x5f: {  	_ =	shalt  }
0x60: {  	_ =	shalt  }
0x61: {  	_ =	shalt  }
0x62: {  	_ =	shalt  }
0x63: {  	_ =	shalt  }
0x64: {  	_ =	shalt  }
0x65: {  	_ =	shalt  }
0x66: {  	_ =	shalt  }
0x67: {  	_ =	shalt  }
0x68: {  	_ =	shalt  }
0x69: {  	_ =	shalt  }
0x6a: {  	_ =	shalt  }
0x6b: {  	_ =	shalt  }
0x6c: {  	_ =	shalt  }
0x6d: {  	_ =	shalt  }
0x6e: {  	_ =	shalt  }
0x6f: {  	_ =	shalt  }
0x70: {  	_ =	shalt  }
0x71: {  	_ =	shalt  }
0x72: {  	_ =	shalt  }
0x73: {  	_ =	shalt  }
0x74: {  	_ =	shalt  }
0x75: {  	_ =	shalt  }
0x76: {  	_ =	shalt  }
0x77: {  	_ =	shalt  }
0x78: {  	_ =	shalt  }
0x79: {  	_ =	shalt  }
0x7a: {  	_ =	shalt  }
0x7b: {  	_ =	shalt  }
0x7c: {  	_ =	shalt  }
0x7d: {  	_ =	shalt  }
0x7e: {  	_ =	shalt  }
0x7f: {  	_ =	shalt  }
0x80: {  	_ =	shalt  }
0x81: {  	_ =	shalt  }
0x82: {  	_ =	shalt  }
0x83: {  	_ =	shalt  }
0x84: {  	_ =	shalt  }
0x85: {  	_ =	shalt  }
0x86: {  	_ =	shalt  }
0x87: {  	_ =	shalt  }
.Lfunc_end0:
.L_simem_size_0:
called_computation_lowered:
.L_overlay_start_0:
0x88: {  	s2 =	sld [smem:$0x3FD9]  }
0x89: {  	s3 =	sld [smem:$0x3FFE];
	_ =	sdelay $0x1  }
0x8a: {  	s1 =	srdreg.scid  }
0x8b: {  	s0 =	sand.u32 $0x1, s1  }
0x8c: {  	s17 =	sshll.u32 s0, $0xA;
	s2 =	sadd.s32 s3, s2  }
0x8d: {  	s2 =	sadd.s32 s2, s17  }
0x8e: {  	[smem:$0x3FC0] =	sst s2  }
0x8f: {  	_ = 	snop  }
0x90: {  	s18 =	sld [smem:$0x3FD0];
	(tm) =	ssettm $0x1  }
0x91: {  	s19 =	sld [smem:$0x3FFB];
	_ =	sdelay $0x3  }
0x92: {  	_ =	strace s19  }
0x93: {  	s2 =	sld [smem:$0x3FFC];
	_ =	sdelay $0x3  }
0x94: {  	_ =	strace s2  }
0x95: {  	s2 =	sld [smem:$0x3FFD];
	_ =	sdelay $0x3  }
0x96: {  	_ =	strace s2  }
0x97: {  	_ =	strace $0x8FFFFFFF  }
0x98: {  	s20 =	sld [smem:$0x3FDB];
	_ =	sdelay $0x1  }
0x99: {  	s4 =	simm.s32 $_scs_section_size  }
0x9a: {  	s5 =	simm.s32 $_size__tile_overlayer_lowered;
	s6 =	simm.s32 $_tile_overlayer_lowered  }
0x9b: {  	s7 =	simm.s32 $0x1BFF;
	s21 =	sshll.u32 s6, $0x1;
	s4 =	sadd.s32 s4, s20  }
0x9c: {  	s22 =	simm.s32 $0x0;
	s5 =	sshll.u32 s5, $0x1;
	s6 =	sadd.s32 s21, s4  }
0x9d: {  	[timem:s22], [sflag:s7] =	dma.local [hbm:s6], s5  }
0x9e: {  	_ =	swait.ge [sflag:s7], s5  }
0x9f: {  	s5 =	ssub.s32 $0x0, s5;
	[sflag:s7] =	ssyncset.done $0x0  }
0xa0: {  	[sflag:s7] =	ssyncadd.s32 s5;
	_ =	sdelay $0x1  }
0xa1: {  	s23 =	simm.s32 $0x1B8B  }
0xa2: {  	_ =	swait.ge [sflag:s23], $0x1  }
0xa3: {  	[sflag:s23] =	ssyncset.done $0x0  }
0xa4: {  	[sflag:s23] =	ssyncadd.s32 $0xFFFFFFFF  }
0xa5: {  	s5 =	sld [smem:$0x0]  }
0xa6: {  	s6 =	sand.u32 $0xFFFFFFFE, s1  }
0xa7: {  	p0 =	sne.s32 s1, s6  }
0xa8: {  	s6 =	sshll.u32 @p0 s6, $0xE  }
0xa9: {  	s6 =	sadd.s32 @p0 $0x11B8D, s6;
	s7 =	sshll.u32 @p0 s5, $0x11  }
0xaa: {  	s6 =	sor.u32 @p0 s7, s6  }
0xab: {  	[sflag:s6] =	ssyncadd.remote.s32 @p0 $0x1;
	_ =	sdelay $0x1  }
0xac: {  	s6 =	simm.s32 @p0 $0x1B8D  }
0xad: {  	_ =	swait.eq @p0 [sflag:s6], $0x1  }
0xae: {  	[sflag:s6] =	ssyncadd.s32 @p0 $0xFFFFFFFF  }
0xaf: {  	s7 =	sshll.u32 @!p0 s1, $0xE  }
0xb0: {  	s7 =	sor.u32 @!p0 $0x4000, s7;
	s6 =	simm.s32 @!p0 $0x1B8D  }
0xb1: {  	s5 =	sshll.u32 @!p0 s5, $0x11;
	s7 =	sadd.s32 @!p0 $0x11B8D, s7;
	_ =	swait.eq @!p0 [sflag:s6], $0x1  }
0xb2: {  	s5 =	sor.u32 @!p0 s5, s7;
	[sflag:s6] =	ssyncadd.s32 @!p0 $0xFFFFFFFF  }
0xb3: {  	s25 =	simm.s32 $0x1B8E;
	s24 =	sld [smem:$0x3FFE];
	[sflag:s5] =	ssyncadd.remote.s32 @!p0 $0x1  }
0xb4: {  	s26 =	simm.s32 $execute0_lowered;
	[smem:$0x3FD2] =	sst s25  }
0xb5: {  	s6 =	sshll.u32 s26, $0x1;
	_ =	strace $0x80000049;
	[dreg:$0x1] =	wrdreg $0xFFFFFFFF  }
0xb6: {  	s28 =	simm.s32 $_size_execute0_lowered;
	s4 =	sadd.s32 s4, s6;
	[dreg:$0x0] =	wrdreg $0x0  }
0xb7: {  	s6 =	sshll.u32 s28, $0x1;
	[dreg:$0x2] =	wrdreg s4  }
0xb8: {  	[dreg:$0x3] =	wrdreg s6  }
0xb9: {  	[dreg:$0x4] =	wrdreg $0xC0  }
0xba: {  	_ =	task [dreg:s22], $0x5FFFF  }
0xbb: {  	[dreg:$0x1] =	wrdreg $0xFFFFFFFF  }
0xbc: {  	[dreg:$0x0] =	wrdreg $0x60  }
0xbd: {  	[dreg:$0x2] =	wrdreg s18  }
0xbe: {  	[dreg:$0x3] =	wrdreg s24  }
0xbf: {  	[dreg:$0x4] =	wrdreg $0x0  }
0xc0: {  	[dreg:$0x5] =	wrdreg $0x9  }
0xc1: {  	_ =	task.clear_ibuf [dreg:s22], $0x6FFFF;
	_ =	strace $0x90000049  }
0xc2: {  	s29 =	simm.s32 $0x9;
	_ =	strace $0x8000004B  }
0xc3: {  	_ =	swait.ge [sflag:s29], $0x1  }
0xc4: {  	[sflag:s29] =	ssyncadd.s32 $0xFFFFFFFF  }
0xc5: {  	_ =	strace $0x9000004B  }
0xc6: {  	_ =	sfence  }
0xc7: {  	s30 =	sld [smem:$0x0];
	_ =	sdelay $0x2  }
0xc8: {  	s31 =	sshll.u32 s1, $0xD;
	s1 =	sshrl.u32 s1, $0x2  }
0xc9: {  	s4 =	sand.u32 $0x4000, s31;
	s1 =	sadd.s32 s1, s30  }
0xca: {  	s0 =	sor.u32 s4, s0;
	s1 =	sshll.u32 s1, $0x11  }
0xcb: {  	s0 =	sor.u32 s1, s0  }
0xcc: {  	s0 =	sadd.s32 $0x8F2B, s0  }
0xcd: {  	[sflag:s0] =	ssyncadd.remote.s32 $0x1  }
0xce: {  	_ =	sfence.sel $0xFFFF  }
0xcf: {  	[dreg:$0x0] =	wrdreg $0xFFFFFFFF;
	(pc) =	sbr.abs _section_cstart, $3  }
0xd0: {  	[dreg:$0x1] =	wrdreg $0xFFFFFFFF  }
0xd1: {  	_ =	task.clear_ibuf [dreg:s22], $0x2FFFF;
	_ =	strace $0x9FFFFFFF  }
0xd2: {  	(tm) =	ssettm $0x7FFFFFFF  }
0xd3: {  	_ =	shalt  }
tec
execute0_lowered:
.L_overlay_start_1:
0x0: {  	(tag) =	ssettag $0x1  }
0x1: {  	s0 =	rddreg [dreg:$0x0]  }
0x2: {  	s3 =	rddreg [dreg:$0x1]  }
0x3: {  	s1 =	rddreg [dreg:$0x2];
	s2 =	simm.s32 $0x0  }
0x4: {  	s4 =	srdreg.scid;
	s23 =	stileid.u32;
	s13 =	simm.s32 $0x5640  }
0x5: {  	s14 =	simm.s32 $0x1;
	s15 =	simm.s32 $0x4E40;
	s16 =	simm.s32 $0x80  }
0x6: {  	s17 =	simm.s32 $0x4EC0;
	s28 =	simm.s32 $0x52C0;
	s29 =	simm.s32 $0x5340  }
0x7: {  	s30 =	simm.s32 $0x53C0;
	s31 =	simm.s32 $0x5440;
	[smem:$0x7FF] =	sst s2  }
0x8: {  	s5 =	sand.u32 $0x1, s4;
	s3 =	sadd.s32 $0xA8C00, s3;
	s20 =	smul.u32 $0x13800, s23  }
0x9: {  	s7 =	sshll.u32 s23, $0xE;
	s8 =	sshll.u32 s23, $0x7;
	s21 =	smul.u32 $0x4E000, s23  }
0xa: {  	s24 =	smul.u32 $0x2800, s23;
	p0 =	sne.s32 s23, $0xF;
	s23 =	simm.s32 $0x51C0  }
0xb: {  	_ =	strace $0x8000004A;
	s4 =	ssub.s32 $0x2, s5;
	s19 =	smul.u32 $0x138800, s5  }
0xc: {  	s18 =	smin.u32 s8, $0x6A0;
	s5 =	smul.u32 $0x28000, s5;
	s6 =	sshrl.u32 s4, $0x1  }
0xd: {  	s25 =	sshrl.u32 s21, $0x2;
	s21 =	simm.s32 $0x50C0;
	s6 =	ssub.s32 s4, s6  }
0xe: {  	s4 =	sadd.s32 s7, s1;
	s22 =	sadd.s32 s20, s19;
	s8 =	sshrl.u32 s19, $0x3  }
0xf: {  	s26 =	sadd.s32 s24, s5;
	s5 =	sadd.s32 $0x138000, s1;
	s19 =	simm.s32 $0x4FC0  }
0x10: {  	s20 =	simm.s32 $0x5040;
	s7 =	sadd.s32 $0x40000, s4;
	s9 =	sadd.s32 $0x80000, s4  }
0x11: {  	s10 =	sadd.s32 $0xC0000, s4;
	[dreg:$0x4] =	wrdreg s7;
	s7 =	sshll.u32 s18, $0x7  }
0x12: {  	s11 =	smax.u32 s6, $0x1;
	[dreg:$0x5] =	wrdreg s9;
	s7 =	sadd.s32 s7, s1  }
0x13: {  	s6 =	simm.s32 $0x0;
	[dreg:$0x6] =	wrdreg s10;
	s7 =	sadd.s32 $0x100000, s7  }
0x14: {  	s18 =	simm.s32 $0x4F40;
	[dreg:$0x7] =	wrdreg s7;
	s7 =	sshrl.u32 s22, $0x3  }
0x15: {  	s22 =	simm.s32 $0x5140;
	s7 =	sadd.s32 s3, s7;
	s3 =	sadd.s32 s3, s8  }
0x16: {  	[dreg:$0x8] =	wrdreg s7;
	s7 =	sadd.s32 s25, s1;
	s3 =	sadd.s32 $0x27000, s3  }
0x17: {  	s25 =	sshrl.u32 @!p0 s5, $0x3;
	s5 =	simm.s32 $0x55C0;
	[dreg:$0x9] =	wrdreg s3  }
0x18: {  	s3 =	sshrl.u32 s26, $0x3;
	s24 =	sshrl.u32 s7, $0x3;
	s26 =	simm.s32 $0x5240  }
0x19: {  	v0 =	vimm.f32 $0.0e+00;
	v1 =	vimm.f32 $1.000000000e+00;
	s12 =	sadd.s32 s3, s0;
	s0 =	simm.s32 $0x54C0;
	s3 =	simm.s32 $0x5540  }
.LBB2_1:
0x1a: {  	s7 =	simm.s32 $0x200;
	s8 =	simm.s32 $0x0  }
.LBB2_2:
0x1b: {  	p1 =	sne.s32 s7, $0xFE00;
	[tilespmem:s8+$0x5640] =	vst v0;
	s9 =	smov.u32 s7;
	s7 =	sadd.s32 $0x200, s7  }
.Ltmp0:
0x1c: {  	[tilespmem:s8+$0x5650] =	vst v0;
	(pc) =	sbr.rel @p1 .LBB2_2-.Ltmp0, $2  }
0x1d: {  	_ =	sdelay $0x2  }
0x1e: {  	s8 =	sshra.s32 s9, $0x2  }
0x1f: {  	[tilespmem:s8+$0x5640] =	vst v0  }
0x20: {  	[tilespmem:s8+$0x5650] =	vst v0  }
0x21: {  	[spmem:s4] =	stream.linear.scatter [tilespmem:s13], [sflag:$0x1], $0x4000, $0x38;
	[tilespmem:$0x9640] =	vst v63  }
0x22: {  	_ =	swait.ge [sflag:s14], $0x4000  }
0x23: {  	[sflag:s14] =	ssyncset.done $0x0  }
0x24: {  	s7 =	rddreg [dreg:$0x4];
	[sflag:s14] =	ssyncadd.s32 $0xFFFFC000  }
0x25: {  	[spmem:s7] =	stream.linear.scatter [tilespmem:s13], [sflag:$0x1], $0x4000, $0x38;
	[tilespmem:$0x9640] =	vst v63  }
0x26: {  	_ =	swait.ge [sflag:s14], $0x4000  }
0x27: {  	[sflag:s14] =	ssyncset.done $0x0  }
0x28: {  	s8 =	rddreg [dreg:$0x5];
	[sflag:s14] =	ssyncadd.s32 $0xFFFFC000  }
0x29: {  	[spmem:s8] =	stream.linear.scatter [tilespmem:s13], [sflag:$0x1], $0x4000, $0x38;
	[tilespmem:$0x9640] =	vst v63  }
0x2a: {  	_ =	swait.ge [sflag:s14], $0x4000  }
0x2b: {  	[sflag:s14] =	ssyncset.done $0x0  }
0x2c: {  	s9 =	rddreg [dreg:$0x6];
	[sflag:s14] =	ssyncadd.s32 $0xFFFFC000  }
0x2d: {  	[spmem:s9] =	stream.linear.scatter [tilespmem:s13], [sflag:$0x1], $0x4000, $0x38;
	[tilespmem:$0x9640] =	vst v63  }
0x2e: {  	_ =	swait.ge [sflag:s14], $0x4000  }
0x2f: {  	[sflag:s14] =	ssyncset.done $0x0  }
0x30: {  	s10 =	rddreg [dreg:$0x7];
	[sflag:s14] =	ssyncadd.s32 $0xFFFFC000  }
0x31: {  	[spmem:s10] =	stream.linear.scatter [tilespmem:s13], [sflag:$0x1], $0x4000, $0x38;
	[tilespmem:$0x9640] =	vst v63  }
0x32: {  	_ =	swait.ge [sflag:s14], $0x4000  }
0x33: {  	[sflag:s14] =	ssyncset.done $0x0  }
0x34: {  	s7 =	simm.s32 $0x200;
	s8 =	simm.s32 $0x0;
	[sflag:s14] =	ssyncadd.s32 $0xFFFFC000  }
.LBB2_4:
0x35: {  	p1 =	sne.s32 s7, $0xFE00;
	[tilespmem:s8+$0x5640] =	vst v1;
	s9 =	smov.u32 s7;
	s7 =	sadd.s32 $0x200, s7  }
.Ltmp1:
0x36: {  	[tilespmem:s8+$0x5650] =	vst v1;
	(pc) =	sbr.rel @p1 .LBB2_4-.Ltmp1, $2  }
0x37: {  	_ =	sdelay $0x2  }
0x38: {  	s8 =	sshra.s32 s9, $0x2  }
0x39: {  	[tilespmem:s8+$0x5640] =	vst v1  }
0x3a: {  	[tilespmem:s8+$0x5650] =	vst v1  }
0x3b: {  	s7 =	sadd.s32 $0x0, s12;
	[bflag:$0x0] =	sbarrier.arrive $0xFFFF  }
0x3c: {  	[tilespmem:s15], [sflag:$0x1] =	stream.linear.gather [hbm4b:s7+s2], $0x800, $0x38;
	[tilespmem:$0x9640] =	vst v63  }
0x3d: {  	_ =	swait.ge [sflag:s14], $0x800  }
0x3e: {  	[sflag:s14] =	ssyncset.done $0x0  }
0x3f: {  	[sflag:s14] =	ssyncadd.s32 $0xFFFFF800  }
0x40: {  	[spmem:s1] =	stream.indirect.scatter.add.f32 [tilespmem:s13], [sflag:$0x1], $0x20, s15, s16, $0xb8;
	[tilespmem:$0x9640] =	vst v63  }
0x41: {  	_ =	swait.ge [sflag:s14], $0x1000  }
0x42: {  	[sflag:s14] =	ssyncset.done $0x0  }
0x43: {  	[sflag:s14] =	ssyncadd.s32 $0xFFFFF000  }
0x44: {  	[spmem:s1] =	stream.indirect.scatter.add.f32 [tilespmem:s13], [sflag:$0x1], $0x20, s17, s16, $0xb8;
	[tilespmem:$0x9640] =	vst v63  }
0x45: {  	_ =	swait.ge [sflag:s14], $0x1000  }
0x46: {  	[sflag:s14] =	ssyncset.done $0x0  }
0x47: {  	[sflag:s14] =	ssyncadd.s32 $0xFFFFF000  }
0x48: {  	[spmem:s1] =	stream.indirect.scatter.add.f32 [tilespmem:s13], [sflag:$0x1], $0x20, s18, s16, $0xb8;
	[tilespmem:$0x9640] =	vst v63  }
0x49: {  	_ =	swait.ge [sflag:s14], $0x1000  }
0x4a: {  	[sflag:s14] =	ssyncset.done $0x0  }
0x4b: {  	[sflag:s14] =	ssyncadd.s32 $0xFFFFF000  }
0x4c: {  	[spmem:s1] =	stream.indirect.scatter.add.f32 [tilespmem:s13], [sflag:$0x1], $0x20, s19, s16, $0xb8;
	[tilespmem:$0x9640] =	vst v63  }
0x4d: {  	_ =	swait.ge [sflag:s14], $0x1000  }
0x4e: {  	[sflag:s14] =	ssyncset.done $0x0  }
0x4f: {  	[sflag:s14] =	ssyncadd.s32 $0xFFFFF000  }
0x50: {  	[spmem:s1] =	stream.indirect.scatter.add.f32 [tilespmem:s13], [sflag:$0x1], $0x20, s20, s16, $0xb8;
	[tilespmem:$0x9640] =	vst v63  }
0x51: {  	_ =	swait.ge [sflag:s14], $0x1000  }
0x52: {  	[sflag:s14] =	ssyncset.done $0x0  }
0x53: {  	[sflag:s14] =	ssyncadd.s32 $0xFFFFF000  }
0x54: {  	[spmem:s1] =	stream.indirect.scatter.add.f32 [tilespmem:s13], [sflag:$0x1], $0x20, s21, s16, $0xb8;
	[tilespmem:$0x9640] =	vst v63  }
0x55: {  	_ =	swait.ge [sflag:s14], $0x1000  }
0x56: {  	[sflag:s14] =	ssyncset.done $0x0  }
0x57: {  	[sflag:s14] =	ssyncadd.s32 $0xFFFFF000  }
0x58: {  	[spmem:s1] =	stream.indirect.scatter.add.f32 [tilespmem:s13], [sflag:$0x1], $0x20, s22, s16, $0xb8;
	[tilespmem:$0x9640] =	vst v63  }
0x59: {  	_ =	swait.ge [sflag:s14], $0x1000  }
0x5a: {  	[sflag:s14] =	ssyncset.done $0x0  }
0x5b: {  	[sflag:s14] =	ssyncadd.s32 $0xFFFFF000  }
0x5c: {  	[spmem:s1] =	stream.indirect.scatter.add.f32 [tilespmem:s13], [sflag:$0x1], $0x20, s23, s16, $0xb8;
	[tilespmem:$0x9640] =	vst v63  }
0x5d: {  	_ =	swait.ge [sflag:s14], $0x1000  }
0x5e: {  	[sflag:s14] =	ssyncset.done $0x0  }
0x5f: {  	[sflag:s14] =	ssyncadd.s32 $0xFFFFF000  }
0x60: {  	[spmem:s1] =	stream.indirect.scatter.add.f32 [tilespmem:s13], [sflag:$0x1], $0x20, s26, s16, $0xb8;
	[tilespmem:$0x9640] =	vst v63  }
0x61: {  	_ =	swait.ge [sflag:s14], $0x1000  }
0x62: {  	[sflag:s14] =	ssyncset.done $0x0  }
0x63: {  	[sflag:s14] =	ssyncadd.s32 $0xFFFFF000  }
0x64: {  	[spmem:s1] =	stream.indirect.scatter.add.f32 [tilespmem:s13], [sflag:$0x1], $0x20, s28, s16, $0xb8;
	[tilespmem:$0x9640] =	vst v63  }
0x65: {  	_ =	swait.ge [sflag:s14], $0x1000  }
0x66: {  	[sflag:s14] =	ssyncset.done $0x0  }
0x67: {  	[sflag:s14] =	ssyncadd.s32 $0xFFFFF000  }
0x68: {  	[spmem:s1] =	stream.indirect.scatter.add.f32 [tilespmem:s13], [sflag:$0x1], $0x20, s29, s16, $0xb8;
	[tilespmem:$0x9640] =	vst v63  }
0x69: {  	_ =	swait.ge [sflag:s14], $0x1000  }
0x6a: {  	[sflag:s14] =	ssyncset.done $0x0  }
0x6b: {  	[sflag:s14] =	ssyncadd.s32 $0xFFFFF000  }
0x6c: {  	[spmem:s1] =	stream.indirect.scatter.add.f32 [tilespmem:s13], [sflag:$0x1], $0x20, s30, s16, $0xb8;
	[tilespmem:$0x9640] =	vst v63  }
0x6d: {  	_ =	swait.ge [sflag:s14], $0x1000  }
0x6e: {  	[sflag:s14] =	ssyncset.done $0x0  }
0x6f: {  	[sflag:s14] =	ssyncadd.s32 $0xFFFFF000  }
0x70: {  	[spmem:s1] =	stream.indirect.scatter.add.f32 [tilespmem:s13], [sflag:$0x1], $0x20, s31, s16, $0xb8;
	[tilespmem:$0x9640] =	vst v63  }
0x71: {  	_ =	swait.ge [sflag:s14], $0x1000  }
0x72: {  	[sflag:s14] =	ssyncset.done $0x0  }
0x73: {  	[sflag:s14] =	ssyncadd.s32 $0xFFFFF000  }
0x74: {  	[spmem:s1] =	stream.indirect.scatter.add.f32 [tilespmem:s13], [sflag:$0x1], $0x20, s0, s16, $0xb8;
	[tilespmem:$0x9640] =	vst v63  }
0x75: {  	_ =	swait.ge [sflag:s14], $0x1000  }
0x76: {  	[sflag:s14] =	ssyncset.done $0x0  }
0x77: {  	[sflag:s14] =	ssyncadd.s32 $0xFFFFF000  }
0x78: {  	[spmem:s1] =	stream.indirect.scatter.add.f32 [tilespmem:s13], [sflag:$0x1], $0x20, s3, s16, $0xb8;
	[tilespmem:$0x9640] =	vst v63  }
0x79: {  	_ =	swait.ge [sflag:s14], $0x1000  }
0x7a: {  	[sflag:s14] =	ssyncset.done $0x0  }
0x7b: {  	[sflag:s14] =	ssyncadd.s32 $0xFFFFF000  }
0x7c: {  	[spmem:s1] =	stream.indirect.scatter.add.f32 [tilespmem:s13], [sflag:$0x1], $0x20, s5, s16, $0xb8;
	[tilespmem:$0x9640] =	vst v63  }
0x7d: {  	_ =	swait.ge [sflag:s14], $0x1000  }
0x7e: {  	s8 =	simm.s32 $0x200;
	s7 =	simm.s32 $0x100;
	[sflag:s14] =	ssyncset.done $0x0  }
.LBB2_6:
0x7f: {  	s10 =	sadd.s32 s7, s12  }
0x80: {  	[sflag:s14] =	ssyncadd.s32 $0xFFFFF000;
	s7 =	smov.u32 s8;
	s9 =	sadd.s32 $0x100, s8  }
0x81: {  	[tilespmem:s15], [sflag:$0x1] =	stream.linear.gather [hbm4b:s10+s2], $0x800, $0x38;
	[tilespmem:$0x9640] =	vst v63  }
0x82: {  	p1 =	sne.s32 s8, $0x400;
	_ =	swait.ge [sflag:s14], $0x800  }
0x83: {  	[sflag:s14] =	ssyncset.done $0x0  }
0x84: {  	[sflag:s14] =	ssyncadd.s32 $0xFFFFF800  }
0x85: {  	[spmem:s1] =	stream.indirect.scatter.add.f32 [tilespmem:s13], [sflag:$0x1], $0x20, s15, s16, $0xb8;
	[tilespmem:$0x9640] =	vst v63  }
0x86: {  	_ =	swait.ge [sflag:s14], $0x1000  }
0x87: {  	[sflag:s14] =	ssyncset.done $0x0  }
0x88: {  	[sflag:s14] =	ssyncadd.s32 $0xFFFFF000  }
0x89: {  	[spmem:s1] =	stream.indirect.scatter.add.f32 [tilespmem:s13], [sflag:$0x1], $0x20, s17, s16, $0xb8;
	[tilespmem:$0x9640] =	vst v63  }
0x8a: {  	_ =	swait.ge [sflag:s14], $0x1000  }
0x8b: {  	[sflag:s14] =	ssyncset.done $0x0  }
0x8c: {  	[sflag:s14] =	ssyncadd.s32 $0xFFFFF000  }
0x8d: {  	[spmem:s1] =	stream.indirect.scatter.add.f32 [tilespmem:s13], [sflag:$0x1], $0x20, s18, s16, $0xb8;
	[tilespmem:$0x9640] =	vst v63  }
0x8e: {  	_ =	swait.ge [sflag:s14], $0x1000  }
0x8f: {  	[sflag:s14] =	ssyncset.done $0x0  }
0x90: {  	[sflag:s14] =	ssyncadd.s32 $0xFFFFF000  }
0x91: {  	[spmem:s1] =	stream.indirect.scatter.add.f32 [tilespmem:s13], [sflag:$0x1], $0x20, s19, s16, $0xb8;
	[tilespmem:$0x9640] =	vst v63  }
0x92: {  	_ =	swait.ge [sflag:s14], $0x1000  }
0x93: {  	[sflag:s14] =	ssyncset.done $0x0  }
0x94: {  	[sflag:s14] =	ssyncadd.s32 $0xFFFFF000  }
0x95: {  	[spmem:s1] =	stream.indirect.scatter.add.f32 [tilespmem:s13], [sflag:$0x1], $0x20, s20, s16, $0xb8;
	[tilespmem:$0x9640] =	vst v63  }
0x96: {  	_ =	swait.ge [sflag:s14], $0x1000  }
0x97: {  	[sflag:s14] =	ssyncset.done $0x0  }
0x98: {  	[sflag:s14] =	ssyncadd.s32 $0xFFFFF000  }
0x99: {  	[spmem:s1] =	stream.indirect.scatter.add.f32 [tilespmem:s13], [sflag:$0x1], $0x20, s21, s16, $0xb8;
	[tilespmem:$0x9640] =	vst v63  }
0x9a: {  	_ =	swait.ge [sflag:s14], $0x1000  }
0x9b: {  	[sflag:s14] =	ssyncset.done $0x0  }
0x9c: {  	[sflag:s14] =	ssyncadd.s32 $0xFFFFF000  }
0x9d: {  	[spmem:s1] =	stream.indirect.scatter.add.f32 [tilespmem:s13], [sflag:$0x1], $0x20, s22, s16, $0xb8;
	[tilespmem:$0x9640] =	vst v63  }
0x9e: {  	_ =	swait.ge [sflag:s14], $0x1000  }
0x9f: {  	[sflag:s14] =	ssyncset.done $0x0  }
0xa0: {  	[sflag:s14] =	ssyncadd.s32 $0xFFFFF000  }
0xa1: {  	[spmem:s1] =	stream.indirect.scatter.add.f32 [tilespmem:s13], [sflag:$0x1], $0x20, s23, s16, $0xb8;
	[tilespmem:$0x9640] =	vst v63  }
0xa2: {  	_ =	swait.ge [sflag:s14], $0x1000  }
0xa3: {  	[sflag:s14] =	ssyncset.done $0x0  }
0xa4: {  	[sflag:s14] =	ssyncadd.s32 $0xFFFFF000  }
0xa5: {  	[spmem:s1] =	stream.indirect.scatter.add.f32 [tilespmem:s13], [sflag:$0x1], $0x20, s26, s16, $0xb8;
	[tilespmem:$0x9640] =	vst v63  }
0xa6: {  	_ =	swait.ge [sflag:s14], $0x1000  }
0xa7: {  	[sflag:s14] =	ssyncset.done $0x0  }
0xa8: {  	[sflag:s14] =	ssyncadd.s32 $0xFFFFF000  }
0xa9: {  	[spmem:s1] =	stream.indirect.scatter.add.f32 [tilespmem:s13], [sflag:$0x1], $0x20, s28, s16, $0xb8;
	[tilespmem:$0x9640] =	vst v63  }
0xaa: {  	_ =	swait.ge [sflag:s14], $0x1000  }
0xab: {  	[sflag:s14] =	ssyncset.done $0x0  }
0xac: {  	[sflag:s14] =	ssyncadd.s32 $0xFFFFF000  }
0xad: {  	[spmem:s1] =	stream.indirect.scatter.add.f32 [tilespmem:s13], [sflag:$0x1], $0x20, s29, s16, $0xb8;
	[tilespmem:$0x9640] =	vst v63  }
0xae: {  	_ =	swait.ge [sflag:s14], $0x1000  }
0xaf: {  	[sflag:s14] =	ssyncset.done $0x0  }
0xb0: {  	[sflag:s14] =	ssyncadd.s32 $0xFFFFF000  }
0xb1: {  	[spmem:s1] =	stream.indirect.scatter.add.f32 [tilespmem:s13], [sflag:$0x1], $0x20, s30, s16, $0xb8;
	[tilespmem:$0x9640] =	vst v63  }
0xb2: {  	_ =	swait.ge [sflag:s14], $0x1000  }
0xb3: {  	[sflag:s14] =	ssyncset.done $0x0  }
0xb4: {  	[sflag:s14] =	ssyncadd.s32 $0xFFFFF000  }
0xb5: {  	[spmem:s1] =	stream.indirect.scatter.add.f32 [tilespmem:s13], [sflag:$0x1], $0x20, s31, s16, $0xb8;
	[tilespmem:$0x9640] =	vst v63  }
0xb6: {  	_ =	swait.ge [sflag:s14], $0x1000  }
0xb7: {  	[sflag:s14] =	ssyncset.done $0x0  }
0xb8: {  	[sflag:s14] =	ssyncadd.s32 $0xFFFFF000  }
0xb9: {  	[spmem:s1] =	stream.indirect.scatter.add.f32 [tilespmem:s13], [sflag:$0x1], $0x20, s0, s16, $0xb8;
	[tilespmem:$0x9640] =	vst v63  }
0xba: {  	_ =	swait.ge [sflag:s14], $0x1000  }
0xbb: {  	[sflag:s14] =	ssyncset.done $0x0  }
0xbc: {  	[sflag:s14] =	ssyncadd.s32 $0xFFFFF000  }
0xbd: {  	[spmem:s1] =	stream.indirect.scatter.add.f32 [tilespmem:s13], [sflag:$0x1], $0x20, s3, s16, $0xb8;
	[tilespmem:$0x9640] =	vst v63  }
0xbe: {  	_ =	swait.ge [sflag:s14], $0x1000  }
.Ltmp2:
0xbf: {  	[sflag:s14] =	ssyncset.done $0x0;
	(pc) =	sbr.rel @p1 .LBB2_6-.Ltmp2, $4  }
0xc0: {  	[sflag:s14] =	ssyncadd.s32 $0xFFFFF000  }
0xc1: {  	[spmem:s1] =	stream.indirect.scatter.add.f32 [tilespmem:s13], [sflag:$0x1], $0x20, s5, s16, $0xb8;
	[tilespmem:$0x9640] =	vst v63  }
0xc2: {  	_ =	swait.ge [sflag:s14], $0x1000  }
0xc3: {  	s8 =	smov.u32 s9;
	[sflag:s14] =	ssyncset.done $0x0  }
0xc4: {  	s7 =	sadd.s32 s7, s12;
	[sflag:s14] =	ssyncadd.s32 $0xFFFFF000  }
0xc5: {  	[tilespmem:s15], [sflag:$0x1] =	stream.linear.gather [hbm4b:s7+s2], $0x800, $0x38;
	[tilespmem:$0x9640] =	vst v63  }
0xc6: {  	_ =	swait.ge [sflag:s14], $0x800  }
0xc7: {  	[sflag:s14] =	ssyncset.done $0x0  }
0xc8: {  	[sflag:s14] =	ssyncadd.s32 $0xFFFFF800  }
0xc9: {  	[spmem:s1] =	stream.indirect.scatter.add.f32 [tilespmem:s13], [sflag:$0x1], $0x20, s15, s16, $0xb8;
	[tilespmem:$0x9640] =	vst v63  }
0xca: {  	_ =	swait.ge [sflag:s14], $0x1000  }
0xcb: {  	[sflag:s14] =	ssyncset.done $0x0  }
0xcc: {  	[sflag:s14] =	ssyncadd.s32 $0xFFFFF000  }
0xcd: {  	[spmem:s1] =	stream.indirect.scatter.add.f32 [tilespmem:s13], [sflag:$0x1], $0x20, s17, s16, $0xb8;
	[tilespmem:$0x9640] =	vst v63  }
0xce: {  	_ =	swait.ge [sflag:s14], $0x1000  }
0xcf: {  	[sflag:s14] =	ssyncset.done $0x0  }
0xd0: {  	[sflag:s14] =	ssyncadd.s32 $0xFFFFF000  }
0xd1: {  	[spmem:s1] =	stream.indirect.scatter.add.f32 [tilespmem:s13], [sflag:$0x1], $0x20, s18, s16, $0xb8;
	[tilespmem:$0x9640] =	vst v63  }
0xd2: {  	_ =	swait.ge [sflag:s14], $0x1000  }
0xd3: {  	[sflag:s14] =	ssyncset.done $0x0  }
0xd4: {  	[sflag:s14] =	ssyncadd.s32 $0xFFFFF000  }
0xd5: {  	[spmem:s1] =	stream.indirect.scatter.add.f32 [tilespmem:s13], [sflag:$0x1], $0x20, s19, s16, $0xb8;
	[tilespmem:$0x9640] =	vst v63  }
0xd6: {  	_ =	swait.ge [sflag:s14], $0x1000  }
0xd7: {  	[sflag:s14] =	ssyncset.done $0x0  }
0xd8: {  	[sflag:s14] =	ssyncadd.s32 $0xFFFFF000  }
0xd9: {  	[spmem:s1] =	stream.indirect.scatter.add.f32 [tilespmem:s13], [sflag:$0x1], $0x20, s20, s16, $0xb8;
	[tilespmem:$0x9640] =	vst v63  }
0xda: {  	_ =	swait.ge [sflag:s14], $0x1000  }
0xdb: {  	[sflag:s14] =	ssyncset.done $0x0  }
0xdc: {  	[sflag:s14] =	ssyncadd.s32 $0xFFFFF000  }
0xdd: {  	[spmem:s1] =	stream.indirect.scatter.add.f32 [tilespmem:s13], [sflag:$0x1], $0x20, s21, s16, $0xb8;
	[tilespmem:$0x9640] =	vst v63  }
0xde: {  	_ =	swait.ge [sflag:s14], $0x1000  }
0xdf: {  	[sflag:s14] =	ssyncset.done $0x0  }
0xe0: {  	[sflag:s14] =	ssyncadd.s32 $0xFFFFF000  }
0xe1: {  	[spmem:s1] =	stream.indirect.scatter.add.f32 [tilespmem:s13], [sflag:$0x1], $0x20, s22, s16, $0xb8;
	[tilespmem:$0x9640] =	vst v63  }
0xe2: {  	_ =	swait.ge [sflag:s14], $0x1000  }
0xe3: {  	[sflag:s14] =	ssyncset.done $0x0  }
0xe4: {  	[sflag:s14] =	ssyncadd.s32 $0xFFFFF000  }
0xe5: {  	[spmem:s1] =	stream.indirect.scatter.add.f32 [tilespmem:s13], [sflag:$0x1], $0x20, s23, s16, $0xb8;
	[tilespmem:$0x9640] =	vst v63  }
0xe6: {  	_ =	swait.ge [sflag:s14], $0x1000  }
0xe7: {  	[sflag:s14] =	ssyncset.done $0x0  }
0xe8: {  	[sflag:s14] =	ssyncadd.s32 $0xFFFFF000  }
0xe9: {  	[spmem:s1] =	stream.indirect.scatter.add.f32 [tilespmem:s13], [sflag:$0x1], $0x20, s26, s16, $0xb8;
	[tilespmem:$0x9640] =	vst v63  }
0xea: {  	_ =	swait.ge [sflag:s14], $0x1000  }
0xeb: {  	[sflag:s14] =	ssyncset.done $0x0  }
0xec: {  	[sflag:s14] =	ssyncadd.s32 $0xFFFFF000  }
0xed: {  	[spmem:s1] =	stream.indirect.scatter.add.f32 [tilespmem:s13], [sflag:$0x1], $0x20, s28, s16, $0xb8;
	[tilespmem:$0x9640] =	vst v63  }
0xee: {  	_ =	swait.ge [sflag:s14], $0x1000  }
0xef: {  	[sflag:s14] =	ssyncset.done $0x0  }
0xf0: {  	[sflag:s14] =	ssyncadd.s32 $0xFFFFF000  }
0xf1: {  	[spmem:s1] =	stream.indirect.scatter.add.f32 [tilespmem:s13], [sflag:$0x1], $0x20, s29, s16, $0xb8;
	[tilespmem:$0x9640] =	vst v63  }
0xf2: {  	_ =	swait.ge [sflag:s14], $0x1000  }
0xf3: {  	[sflag:s14] =	ssyncset.done $0x0  }
0xf4: {  	[sflag:s14] =	ssyncadd.s32 $0xFFFFF000  }
0xf5: {  	[spmem:s1] =	stream.indirect.scatter.add.f32 [tilespmem:s13], [sflag:$0x1], $0x20, s30, s16, $0xb8;
	[tilespmem:$0x9640] =	vst v63  }
0xf6: {  	_ =	swait.ge [sflag:s14], $0x1000  }
0xf7: {  	[sflag:s14] =	ssyncset.done $0x0  }
0xf8: {  	[sflag:s14] =	ssyncadd.s32 $0xFFFFF000  }
0xf9: {  	[spmem:s1] =	stream.indirect.scatter.add.f32 [tilespmem:s13], [sflag:$0x1], $0x20, s31, s16, $0xb8;
	[tilespmem:$0x9640] =	vst v63  }
0xfa: {  	_ =	swait.ge [sflag:s14], $0x1000  }
0xfb: {  	[sflag:s14] =	ssyncset.done $0x0  }
0xfc: {  	[sflag:s14] =	ssyncadd.s32 $0xFFFFF000  }
0xfd: {  	[spmem:s1] =	stream.indirect.scatter.add.f32 [tilespmem:s13], [sflag:$0x1], $0x20, s0, s16, $0xb8;
	[tilespmem:$0x9640] =	vst v63  }
0xfe: {  	_ =	swait.ge [sflag:s14], $0x1000  }
0xff: {  	[sflag:s14] =	ssyncset.done $0x0  }
0x100: {  	[sflag:s14] =	ssyncadd.s32 $0xFFFFF000  }
0x101: {  	[spmem:s1] =	stream.indirect.scatter.add.f32 [tilespmem:s13], [sflag:$0x1], $0x20, s3, s16, $0xb8;
	[tilespmem:$0x9640] =	vst v63  }
0x102: {  	_ =	swait.ge [sflag:s14], $0x1000  }
0x103: {  	[sflag:s14] =	ssyncset.done $0x0  }
0x104: {  	[sflag:s14] =	ssyncadd.s32 $0xFFFFF000  }
0x105: {  	[spmem:s1] =	stream.indirect.scatter.add.f32 [tilespmem:s13], [sflag:$0x1], $0x20, s5, s16, $0xb8;
	[tilespmem:$0x9640] =	vst v63  }
0x106: {  	_ =	swait.ge [sflag:s14], $0x1000  }
0x107: {  	[sflag:s14] =	ssyncset.done $0x0  }
0x108: {  	s10 =	stileid.u32;
	[sflag:s14] =	ssyncadd.s32 $0xFFFFF000  }
0x109: {  	s7 =	sshll.u32 s10, $0x6;
	[bflag:$0x0] =	sbarrier.arrive $0xFFFF  }
0x10a: {  	s7 =	sor.u32 $0x1C01, s7;
	s8 =	rddreg [dreg:$0x8]  }
0x10b: {  	[hbm:s8], [sflag:s7] =	dma.local [spmem:s24], $0x2700  }
0x10c: {  	_ =	swait.ge [sflag:s14], $0x2700  }
0x10d: {  	s6 =	sadd.s32 $0x1, s6;
	[sflag:s14] =	ssyncset.done $0x0  }
0x10e: {  	p1 =	sne.s32 s6, s11;
	s8 =	rddreg [dreg:$0x9];
	[sflag:s14] =	ssyncadd.s32 $0xFFFFD900  }
0x10f: {  	[hbm:s8], [sflag:s7] =	dma.local @!p0 [spmem:s25], $0x100  }
.Ltmp3:
0x110: {  	_ = 	snop;
	(pc) =	sbr.rel @p1 .LBB2_1-.Ltmp3, $4  }
0x111: {  	s7 =	simm.s32 @!p0 $0x1  }
0x112: {  	_ =	swait.ge @!p0 [sflag:s7], $0x100  }
0x113: {  	[sflag:s7] =	ssyncset.done @!p0 $0x0  }
0x114: {  	[sflag:s7] =	ssyncadd.s32 @!p0 $0xFFFFFF00  }
0x115: {  	_ =	sfence.sel $0x180000  }
0x116: {  	[bflag:$0x0] =	sbarrier.arrive $0xFFFF  }
0x117: {  	_ =	strace $0x9000004A  }
0x118: {  	s0 =	stileid.u32;
	[bflag:$0x2] =	sbarrier.arrive $0xFFFF  }
0x119: {  	p0 =	sne.s32 s0, $0x0;
	s0 =	rddreg [dreg:$0x3]  }
0x11a: {  	s0 =	sadd.s32 @!p0 $0x100000, s0  }
0x11b: {  	[sflag:s0] =	ssyncadd.tile.s32 @!p0 $0x1;
	_ =	shalt  }
.Lfunc_end2:
_tile_overlayer_lowered:
.L_overlay_start_2:
0x11c: {  	(tag) =	ssettag $0x2  }
0x11d: {  	s0 =	rddreg [dreg:$0x0];
	s2 =	stileid.u32  }
0x11e: {  	s1 =	rddreg [dreg:$0x1];
	p0 =	sne.s32 s2, $0x0  }
0x11f: {  	s3 =	rddreg [dreg:$0x2];
	[bflag:$0x3] =	sbarrier.arrive $0xFFFF;
	s2 =	simm.s32 @!p0 $0x1C01  }
0x120: {  	[timem:s3], [sflag:s2] =	dma.local @!p0 [hbm:s0], s1  }
0x121: {  	s0 =	simm.s32 @!p0 $0x1  }
0x122: {  	_ =	swait.ge @!p0 [sflag:s0], s1  }
0x123: {  	s1 =	ssub.s32 @!p0 $0x0, s1;
	[sflag:s0] =	ssyncset.done @!p0 $0x0  }
0x124: {  	[sflag:s0] =	ssyncadd.s32 @!p0 s1  }
0x125: {  	[bflag:$0x3] =	sbarrier.arrive $0xFFFF  }
0x126: {  	_ =	shalt  }

</sc_bundles>
